<compile_context>
chip_gen: v7x
topology: tpu7x:2x2x1
jax: 0.10.2.dev20260603
libtpu: 0.0.44.dev20260713+nightly
codegen_flags: <defaults>
</compile_context>

<pallas_src>
import functools

import jax
import jax.numpy as jnp
from jax import lax
from jax.experimental import pallas as pl
from jax.experimental.pallas import tpu as pltpu
from jax.experimental.pallas import tpu_sc as plsc


_SORT_R, _SORT_L = 256, 128


def _bitonic_body(v_ref, oidx_ref):
    v = v_ref[...]
    idx = (
        lax.broadcasted_iota(jnp.int32, (_SORT_R, _SORT_L), 0) * _SORT_L
        + lax.broadcasted_iota(jnp.int32, (_SORT_R, _SORT_L), 1)
    )
    lane = lax.broadcasted_iota(jnp.int32, (_SORT_R, _SORT_L), 1)
    row = lax.broadcasted_iota(jnp.int32, (_SORT_R, _SORT_L), 0)

    def bitmask(b):
        if b < _SORT_L:
            return (lane & b) != 0
        return (row & (b // _SORT_L)) != 0

    for kb in range(1, 16):
        k = 1 << kb
        for jb in reversed(range(kb)):
            j = 1 << jb
            mj = bitmask(j)
            dir_desc = jnp.logical_not(bitmask(k))
            if j < _SORT_L:
                ax, sh, size = 1, j, _SORT_L
            else:
                ax, sh, size = 0, j // _SORT_L, _SORT_R
            pv = jnp.where(
                mj, pltpu.roll(v, sh, ax), pltpu.roll(v, size - sh, ax)
            )
            pi = jnp.where(
                mj, pltpu.roll(idx, sh, ax), pltpu.roll(idx, size - sh, ax)
            )
            mine_wins = (v > pv) | ((v == pv) & (idx < pi))
            take_mine = mine_wins ^ mj ^ jnp.logical_not(dir_desc)
            v = jnp.where(take_mine, v, pv)
            idx = jnp.where(take_mine, idx, pi)
    oidx_ref[...] = idx


def _bitonic_argsort(vpad):
    return pl.pallas_call(
        _bitonic_body,
        out_shape=jax.ShapeDtypeStruct((_SORT_R, _SORT_L), jnp.int32),
    )(vpad)


def _sc_scatter_add(topk_idx, pvec_t, x2d):
    C, HW = x2d.shape
    K = topk_idx.shape[0]
    info = plsc.get_sparse_core_info()
    nw = info.num_cores * info.num_subcores
    cpw = C // nw

    mesh = plsc.VectorSubcoreMesh(core_axis_name="c", subcore_axis_name="s")

    @functools.partial(
        pl.kernel,
        mesh=mesh,
        out_type=jax.ShapeDtypeStruct((C, HW), jnp.float32),
        compiler_params=pltpu.CompilerParams(needs_layout_passes=False),
        scratch_types=[
            pltpu.VMEM((K,), jnp.int32),
            pltpu.VMEM((HW,), jnp.float32),
            pltpu.VMEM((HW,), jnp.float32),
            pltpu.VMEM((K,), jnp.float32),
            pltpu.VMEM((K,), jnp.float32),
            pltpu.SemaphoreType.DMA,
            pltpu.SemaphoreType.DMA,
            pltpu.SemaphoreType.DMA,
            pltpu.SemaphoreType.DMA,
            pltpu.SemaphoreType.DMA,
            pltpu.SemaphoreType.DMA,
            pltpu.SemaphoreType.DMA,
        ],
    )
    def k(idx_hbm, pv_hbm, x_hbm, out_hbm, idx_v,
          xbuf0, xbuf1, pbuf0, pbuf1, xs0, xs1, ps0, ps1, ss0, ss1, isem):
        wid = lax.axis_index("s") * info.num_cores + lax.axis_index("c")
        xb, pb = [xbuf0, xbuf1], [pbuf0, pbuf1]
        xsem, psem, ssem = [xs0, xs1], [ps0, ps1], [ss0, ss1]

        ld_i = pltpu.async_copy(idx_hbm, idx_v, isem)
        ld_x = [pltpu.async_copy(x_hbm.at[wid], xb[0], xsem[0]), None]
        ld_p = [pltpu.async_copy(pv_hbm.at[wid], pb[0], psem[0]), None]
        st = [None, None]

        for kk in range(cpw):
            b = kk & 1
            nb = 1 - b
            c = wid + nw * kk
            if kk + 1 < cpw:
                if st[nb] is not None:
                    st[nb].wait()
                ld_x[nb] = pltpu.async_copy(
                    x_hbm.at[c + nw], xb[nb], xsem[nb]
                )
                ld_p[nb] = pltpu.async_copy(
                    pv_hbm.at[c + nw], pb[nb], psem[nb]
                )
            if kk == 0:
                ld_i.wait()
            ld_x[b].wait()
            ld_p[b].wait()

            xbr, pbr = xb[b], pb[b]

            @plsc.parallel_loop(0, K // 16, unroll=8)
            def _(j):
                sl = pl.ds(j * 16, 16)
                plsc.addupdate_scatter(xbr, [idx_v[sl]], pbr[sl])

            st[b] = pltpu.async_copy(xb[b], out_hbm.at[c], ssem[b])

        st[0].wait()
        if st[1] is not None:
            st[1].wait()

    return k(topk_idx, pvec_t, x2d)


def kernel(x, unc, feature_prompt):
    pnum = feature_prompt.shape[0]
    _, C, H, W = x.shape
    flat = unc.reshape(-1)
    npad = _SORT_R * _SORT_L
    vpad = jnp.full((npad,), -1.0, jnp.float32).at[: flat.shape[0]].set(flat)
    sorted_idx = _bitonic_argsort(vpad.reshape(_SORT_R, _SORT_L))
    topk_idx = sorted_idx.reshape(-1)[:pnum]
    pvec_t = jnp.transpose(feature_prompt[:, :, 0, 0])
    x2d = x.reshape(C, H * W)
    out2d = _sc_scatter_add(topk_idx.astype(jnp.int32), pvec_t, x2d)
    return out2d.reshape(x.shape)

# --- scband reference (transcript-rebuilt; emitter-appended) ---
"""Pipeline reference for scband-sparse-prompter-uncertainty-360777253059 (READ-ONLY COPY).

The authoritative reference and input builder live on the scoring server;
editing this copy changes nothing except your own understanding.
"""

import jax, jax.numpy as jnp
import numpy as np

SHAPE_H, SHAPE_W = 540, 960
SPARSE_RATE = 0.025
PNUM = int(SHAPE_H * SHAPE_W * SPARSE_RATE)  # 12960
C = 320
H, W = 135, 240


def setup_inputs(seed: int = 0) -> dict:
    key = jax.random.key(seed)
    k1, k2, k3 = jax.random.split(key, 3)
    x = jax.random.normal(k1, (1, C, H, W), dtype=jnp.float32)
    unc = jax.random.uniform(k2, (H, W), dtype=jnp.float32)
    feature_prompt = jax.random.normal(k3, (PNUM, C, 1, 1), dtype=jnp.float32)
    return {"x": x, "unc": unc, "feature_prompt": feature_prompt}


def reference(x, unc, feature_prompt):
    # Faithful translation of SparsePrompter_uncertainty.forward_feature_prompt
    # for a single 320-channel bottleneck feature map.
    # uncertainty map is detached in the original (.detach())
    flat = jax.lax.stop_gradient(unc).reshape(-1)
    # unc_map.flatten().argsort()[::-1][:pnum]  ->  top_k indices (values are
    # i.i.d. uniform floats so ties are measure-zero and ordering matches)
    _, topk_idx = jax.lax.top_k(flat, PNUM)
    h = topk_idx // W
    w = topk_idx % W
    # F.interpolate of a (PNUM, C, 1, 1) tensor to (H, W) with bilinear mode
    # simply broadcasts the single value; indexing [j % PNUM, :, 0, 0] therefore
    # equals feature_prompt[j, :, 0, 0] (j runs 0..PNUM-1 so j % PNUM == j).
    pvec = feature_prompt[:, :, 0, 0]  # (PNUM, C)
    # feat[:, :, h, w] += resized_prompt[j, :, 0, 0] for each topk coord.
    # top_k indices are unique, so per-coordinate adds do not collide; scatter-add
    # is exactly equivalent to the python loop.
    feat = x.at[:, :, h, w].add(jnp.transpose(pvec)[None, :, :])
    return feat

if __name__ == "__main__":
    import jax
    _d = setup_inputs()
    print(jax.jit(kernel)(*tuple(_d.values())))

</pallas_src>

<mosaic_0001>
#map = affine_map<(d0, d1) -> (0)>
#map1 = affine_map<(d0, d1) -> (0, 0)>
module attributes {stable_mosaic.version = 14 : i64} {
  func.func @k(%arg0: i32, %arg1: i32, %arg2: memref<12960xi32, #tpu.memory_space<hbm>>, %arg3: memref<320x12960xf32, #tpu.memory_space<hbm>>, %arg4: memref<320x32400xf32, #tpu.memory_space<hbm>>, %arg5: memref<320x32400xf32, #tpu.memory_space<hbm>>, %arg6: memref<12960xi32, #tpu.memory_space<vmem>>, %arg7: memref<32400xf32, #tpu.memory_space<vmem>>, %arg8: memref<32400xf32, #tpu.memory_space<vmem>>, %arg9: memref<12960xf32, #tpu.memory_space<vmem>>, %arg10: memref<12960xf32, #tpu.memory_space<vmem>>, %arg11: memref<!tpu.dma_semaphore, #tpu.memory_space<semaphore_mem>>, %arg12: memref<!tpu.dma_semaphore, #tpu.memory_space<semaphore_mem>>, %arg13: memref<!tpu.dma_semaphore, #tpu.memory_space<semaphore_mem>>, %arg14: memref<!tpu.dma_semaphore, #tpu.memory_space<semaphore_mem>>, %arg15: memref<!tpu.dma_semaphore, #tpu.memory_space<semaphore_mem>>, %arg16: memref<!tpu.dma_semaphore, #tpu.memory_space<semaphore_mem>>, %arg17: memref<!tpu.dma_semaphore, #tpu.memory_space<semaphore_mem>>) attributes {dimension_semantics = [#tpu.dimension_semantics<core_parallel>, #tpu.dimension_semantics<subcore_parallel>], iteration_bounds = array<i64: 2, 16>, scalar_prefetch = 0 : i64, scratch_operands = 12 : i64, tpu.core_type = #tpu.core_type<sc_vector_subcore>, window_params = [{transform_indices = #map}, {transform_indices = #map1}, {transform_indices = #map1}, {transform_indices = #map1}]} {
    %mul3A = arith.constant 2 : i32
    %mul3A_0 = arith.muli %arg1, %mul3A : i32
    %add3A = arith.addi %mul3A_0, %arg0 : i32
    tpu.enqueue_dma source(%arg2 : memref<12960xi32, #tpu.memory_space<hbm>>) target(%arg6 : memref<12960xi32, #tpu.memory_space<vmem>>) target_semaphore(%arg17 : memref<!tpu.dma_semaphore, #tpu.memory_space<semaphore_mem>>)
    %dma_start3A = arith.constant 0 : i32
    %dma_start3A_1 = tpu.memref_slice %arg4[%add3A, %dma_start3A] : memref<320x32400xf32, #tpu.memory_space<hbm>> -> memref<1x32400xf32, #tpu.memory_space<hbm>>
    %dma_start3A_2 = tpu.memref_squeeze %dma_start3A_1 : memref<1x32400xf32, #tpu.memory_space<hbm>> -> memref<32400xf32, #tpu.memory_space<hbm>>
    %dma_start3A_3 = arith.constant 0 : i32
    %dma_start3A_4 = tpu.memref_slice %arg4[%add3A, %dma_start3A_3] : memref<320x32400xf32, #tpu.memory_space<hbm>> -> memref<1x32400xf32, #tpu.memory_space<hbm>>
    %dma_start3A_5 = tpu.memref_squeeze %dma_start3A_4 : memref<1x32400xf32, #tpu.memory_space<hbm>> -> memref<32400xf32, #tpu.memory_space<hbm>>
    tpu.enqueue_dma source(%dma_start3A_5 : memref<32400xf32, #tpu.memory_space<hbm>>) target(%arg7 : memref<32400xf32, #tpu.memory_space<vmem>>) target_semaphore(%arg11 : memref<!tpu.dma_semaphore, #tpu.memory_space<semaphore_mem>>)
    %dma_start3A_6 = arith.constant 0 : i32
    %dma_start3A_7 = tpu.memref_slice %arg3[%add3A, %dma_start3A_6] : memref<320x12960xf32, #tpu.memory_space<hbm>> -> memref<1x12960xf32, #tpu.memory_space<hbm>>
    %dma_start3A_8 = tpu.memref_squeeze %dma_start3A_7 : memref<1x12960xf32, #tpu.memory_space<hbm>> -> memref<12960xf32, #tpu.memory_space<hbm>>
    %dma_start3A_9 = arith.constant 0 : i32
    %dma_start3A_10 = tpu.memref_slice %arg3[%add3A, %dma_start3A_9] : memref<320x12960xf32, #tpu.memory_space<hbm>> -> memref<1x12960xf32, #tpu.memory_space<hbm>>
    %dma_start3A_11 = tpu.memref_squeeze %dma_start3A_10 : memref<1x12960xf32, #tpu.memory_space<hbm>> -> memref<12960xf32, #tpu.memory_space<hbm>>
    tpu.enqueue_dma source(%dma_start3A_11 : memref<12960xf32, #tpu.memory_space<hbm>>) target(%arg9 : memref<12960xf32, #tpu.memory_space<vmem>>) target_semaphore(%arg13 : memref<!tpu.dma_semaphore, #tpu.memory_space<semaphore_mem>>)
    %add3A_12 = arith.constant 0 : i32
    %add3A_13 = arith.addi %add3A, %add3A_12 : i32
    %add3A_14 = arith.constant 32 : i32
    %add3A_15 = arith.addi %add3A_13, %add3A_14 : i32
    %dma_start3A_16 = arith.constant 0 : i32
    %dma_start3A_17 = tpu.memref_slice %arg4[%add3A_15, %dma_start3A_16] : memref<320x32400xf32, #tpu.memory_space<hbm>> -> memref<1x32400xf32, #tpu.memory_space<hbm>>
    %dma_start3A_18 = tpu.memref_squeeze %dma_start3A_17 : memref<1x32400xf32, #tpu.memory_space<hbm>> -> memref<32400xf32, #tpu.memory_space<hbm>>
    %dma_start3A_19 = arith.constant 0 : i32
    %dma_start3A_20 = tpu.memref_slice %arg4[%add3A_15, %dma_start3A_19] : memref<320x32400xf32, #tpu.memory_space<hbm>> -> memref<1x32400xf32, #tpu.memory_space<hbm>>
    %dma_start3A_21 = tpu.memref_squeeze %dma_start3A_20 : memref<1x32400xf32, #tpu.memory_space<hbm>> -> memref<32400xf32, #tpu.memory_space<hbm>>
    tpu.enqueue_dma source(%dma_start3A_21 : memref<32400xf32, #tpu.memory_space<hbm>>) target(%arg8 : memref<32400xf32, #tpu.memory_space<vmem>>) target_semaphore(%arg12 : memref<!tpu.dma_semaphore, #tpu.memory_space<semaphore_mem>>)
    %add3A_22 = arith.constant 32 : i32
    %add3A_23 = arith.addi %add3A_13, %add3A_22 : i32
    %dma_start3A_24 = arith.constant 0 : i32
    %dma_start3A_25 = tpu.memref_slice %arg3[%add3A_23, %dma_start3A_24] : memref<320x12960xf32, #tpu.memory_space<hbm>> -> memref<1x12960xf32, #tpu.memory_space<hbm>>
    %dma_start3A_26 = tpu.memref_squeeze %dma_start3A_25 : memref<1x12960xf32, #tpu.memory_space<hbm>> -> memref<12960xf32, #tpu.memory_space<hbm>>
    %dma_start3A_27 = arith.constant 0 : i32
    %dma_start3A_28 = tpu.memref_slice %arg3[%add3A_23, %dma_start3A_27] : memref<320x12960xf32, #tpu.memory_space<hbm>> -> memref<1x12960xf32, #tpu.memory_space<hbm>>
    %dma_start3A_29 = tpu.memref_squeeze %dma_start3A_28 : memref<1x12960xf32, #tpu.memory_space<hbm>> -> memref<12960xf32, #tpu.memory_space<hbm>>
    tpu.enqueue_dma source(%dma_start3A_29 : memref<12960xf32, #tpu.memory_space<hbm>>) target(%arg10 : memref<12960xf32, #tpu.memory_space<vmem>>) target_semaphore(%arg14 : memref<!tpu.dma_semaphore, #tpu.memory_space<semaphore_mem>>)
    tpu.wait_dma2 semaphore(%arg17 : memref<!tpu.dma_semaphore, #tpu.memory_space<semaphore_mem>>) src(%arg2 : memref<12960xi32, #tpu.memory_space<hbm>>) dst(%arg6 : memref<12960xi32, #tpu.memory_space<vmem>>)
    %dma_wait3A = arith.constant 0 : i32
    %dma_wait3A_30 = tpu.memref_slice %arg4[%add3A, %dma_wait3A] : memref<320x32400xf32, #tpu.memory_space<hbm>> -> memref<1x32400xf32, #tpu.memory_space<hbm>>
    %dma_wait3A_31 = tpu.memref_squeeze %dma_wait3A_30 : memref<1x32400xf32, #tpu.memory_space<hbm>> -> memref<32400xf32, #tpu.memory_space<hbm>>
    %dma_wait3A_32 = arith.constant 0 : i32
    %dma_wait3A_33 = tpu.memref_slice %arg4[%add3A, %dma_wait3A_32] : memref<320x32400xf32, #tpu.memory_space<hbm>> -> memref<1x32400xf32, #tpu.memory_space<hbm>>
    %dma_wait3A_34 = tpu.memref_squeeze %dma_wait3A_33 : memref<1x32400xf32, #tpu.memory_space<hbm>> -> memref<32400xf32, #tpu.memory_space<hbm>>
    tpu.wait_dma2 semaphore(%arg11 : memref<!tpu.dma_semaphore, #tpu.memory_space<semaphore_mem>>) src(%dma_wait3A_34 : memref<32400xf32, #tpu.memory_space<hbm>>) dst(%arg7 : memref<32400xf32, #tpu.memory_space<vmem>>)
    %dma_wait3A_35 = arith.constant 0 : i32
    %dma_wait3A_36 = tpu.memref_slice %arg3[%add3A, %dma_wait3A_35] : memref<320x12960xf32, #tpu.memory_space<hbm>> -> memref<1x12960xf32, #tpu.memory_space<hbm>>
    %dma_wait3A_37 = tpu.memref_squeeze %dma_wait3A_36 : memref<1x12960xf32, #tpu.memory_space<hbm>> -> memref<12960xf32, #tpu.memory_space<hbm>>
    %dma_wait3A_38 = arith.constant 0 : i32
    %dma_wait3A_39 = tpu.memref_slice %arg3[%add3A, %dma_wait3A_38] : memref<320x12960xf32, #tpu.memory_space<hbm>> -> memref<1x12960xf32, #tpu.memory_space<hbm>>
    %dma_wait3A_40 = tpu.memref_squeeze %dma_wait3A_39 : memref<1x12960xf32, #tpu.memory_space<hbm>> -> memref<12960xf32, #tpu.memory_space<hbm>>
    tpu.wait_dma2 semaphore(%arg13 : memref<!tpu.dma_semaphore, #tpu.memory_space<semaphore_mem>>) src(%dma_wait3A_40 : memref<12960xf32, #tpu.memory_space<hbm>>) dst(%arg9 : memref<12960xf32, #tpu.memory_space<vmem>>)
    %parallel_loop3A = arith.constant 0 : i32
    %parallel_loop3A_41 = arith.constant 810 : i32
    %parallel_loop3A_42 = arith.constant 1 : i32
    scf.for %parallel_loop3A_444 = %parallel_loop3A to %parallel_loop3A_41 step %parallel_loop3A_42  : i32 {
      %parallel_loop3A_445 = arith.constant 16 : i32
      %parallel_loop3A_446 = arith.muli %parallel_loop3A_444, %parallel_loop3A_445 : i32
      %parallel_loop3A_447 = arith.index_cast %parallel_loop3A_446 : i32 to index
      %parallel_loop3A_448 = tpu.vector_load %arg6[%parallel_loop3A_447] {strides = array<i32>} : memref<12960xi32, #tpu.memory_space<vmem>>, vector<16xi32>,
      %parallel_loop3A_449 = arith.index_cast %parallel_loop3A_446 : i32 to index
      %parallel_loop3A_450 = tpu.vector_load %arg9[%parallel_loop3A_449] {strides = array<i32>} : memref<12960xf32, #tpu.memory_space<vmem>>, vector<16xf32>,
      tpu.vector_store_idx %arg7[%parallel_loop3A_448], %parallel_loop3A_450 {add = true} : memref<32400xf32, #tpu.memory_space<vmem>>[vector<16xi32>], vector<16xf32>,
    } {sc.loop_unroll_factor = 8 : i64, sc.parallel_access}
    %dma_start3A_43 = arith.constant 0 : i32
    %dma_start3A_44 = tpu.memref_slice %arg5[%add3A_13, %dma_start3A_43] : memref<320x32400xf32, #tpu.memory_space<hbm>> -> memref<1x32400xf32, #tpu.memory_space<hbm>>
    %dma_start3A_45 = tpu.memref_squeeze %dma_start3A_44 : memref<1x32400xf32, #tpu.memory_space<hbm>> -> memref<32400xf32, #tpu.memory_space<hbm>>
    %dma_start3A_46 = arith.constant 0 : i32
    %dma_start3A_47 = tpu.memref_slice %arg5[%add3A_13, %dma_start3A_46] : memref<320x32400xf32, #tpu.memory_space<hbm>> -> memref<1x32400xf32, #tpu.memory_space<hbm>>
    %dma_start3A_48 = tpu.memref_squeeze %dma_start3A_47 : memref<1x32400xf32, #tpu.memory_space<hbm>> -> memref<32400xf32, #tpu.memory_space<hbm>>
    tpu.enqueue_dma source(%arg7 : memref<32400xf32, #tpu.memory_space<vmem>>) target(%dma_start3A_48 : memref<32400xf32, #tpu.memory_space<hbm>>) target_semaphore(%arg15 : memref<!tpu.dma_semaphore, #tpu.memory_space<semaphore_mem>>)
    %add3A_49 = arith.constant 32 : i32
    %add3A_50 = arith.addi %add3A, %add3A_49 : i32
    %dma_wait3A_51 = arith.constant 0 : i32
    %dma_wait3A_52 = tpu.memref_slice %arg5[%add3A_13, %dma_wait3A_51] : memref<320x32400xf32, #tpu.memory_space<hbm>> -> memref<1x32400xf32, #tpu.memory_space<hbm>>
    %dma_wait3A_53 = tpu.memref_squeeze %dma_wait3A_52 : memref<1x32400xf32, #tpu.memory_space<hbm>> -> memref<32400xf32, #tpu.memory_space<hbm>>
    %dma_wait3A_54 = arith.constant 0 : i32
    %dma_wait3A_55 = tpu.memref_slice %arg5[%add3A_13, %dma_wait3A_54] : memref<320x32400xf32, #tpu.memory_space<hbm>> -> memref<1x32400xf32, #tpu.memory_space<hbm>>
    %dma_wait3A_56 = tpu.memref_squeeze %dma_wait3A_55 : memref<1x32400xf32, #tpu.memory_space<hbm>> -> memref<32400xf32, #tpu.memory_space<hbm>>
    tpu.wait_dma2 semaphore(%arg15 : memref<!tpu.dma_semaphore, #tpu.memory_space<semaphore_mem>>) src(%arg7 : memref<32400xf32, #tpu.memory_space<vmem>>) dst(%dma_wait3A_56 : memref<32400xf32, #tpu.memory_space<hbm>>)
    %add3A_57 = arith.constant 32 : i32
    %add3A_58 = arith.addi %add3A_50, %add3A_57 : i32
    %dma_start3A_59 = arith.constant 0 : i32
    %dma_start3A_60 = tpu.memref_slice %arg4[%add3A_58, %dma_start3A_59] : memref<320x32400xf32, #tpu.memory_space<hbm>> -> memref<1x32400xf32, #tpu.memory_space<hbm>>
    %dma_start3A_61 = tpu.memref_squeeze %dma_start3A_60 : memref<1x32400xf32, #tpu.memory_space<hbm>> -> memref<32400xf32, #tpu.memory_space<hbm>>
    %dma_start3A_62 = arith.constant 0 : i32
    %dma_start3A_63 = tpu.memref_slice %arg4[%add3A_58, %dma_start3A_62] : memref<320x32400xf32, #tpu.memory_space<hbm>> -> memref<1x32400xf32, #tpu.memory_space<hbm>>
    %dma_start3A_64 = tpu.memref_squeeze %dma_start3A_63 : memref<1x32400xf32, #tpu.memory_space<hbm>> -> memref<32400xf32, #tpu.memory_space<hbm>>
    tpu.enqueue_dma source(%dma_start3A_64 : memref<32400xf32, #tpu.memory_space<hbm>>) target(%arg7 : memref<32400xf32, #tpu.memory_space<vmem>>) target_semaphore(%arg11 : memref<!tpu.dma_semaphore, #tpu.memory_space<semaphore_mem>>)
    %add3A_65 = arith.constant 32 : i32
    %add3A_66 = arith.addi %add3A_50, %add3A_65 : i32
    %dma_start3A_67 = arith.constant 0 : i32
    %dma_start3A_68 = tpu.memref_slice %arg3[%add3A_66, %dma_start3A_67] : memref<320x12960xf32, #tpu.memory_space<hbm>> -> memref<1x12960xf32, #tpu.memory_space<hbm>>
    %dma_start3A_69 = tpu.memref_squeeze %dma_start3A_68 : memref<1x12960xf32, #tpu.memory_space<hbm>> -> memref<12960xf32, #tpu.memory_space<hbm>>
    %dma_start3A_70 = arith.constant 0 : i32
    %dma_start3A_71 = tpu.memref_slice %arg3[%add3A_66, %dma_start3A_70] : memref<320x12960xf32, #tpu.memory_space<hbm>> -> memref<1x12960xf32, #tpu.memory_space<hbm>>
    %dma_start3A_72 = tpu.memref_squeeze %dma_start3A_71 : memref<1x12960xf32, #tpu.memory_space<hbm>> -> memref<12960xf32, #tpu.memory_space<hbm>>
    tpu.enqueue_dma source(%dma_start3A_72 : memref<12960xf32, #tpu.memory_space<hbm>>) target(%arg9 : memref<12960xf32, #tpu.memory_space<vmem>>) target_semaphore(%arg13 : memref<!tpu.dma_semaphore, #tpu.memory_space<semaphore_mem>>)
    %dma_wait3A_73 = arith.constant 0 : i32
    %dma_wait3A_74 = tpu.memref_slice %arg4[%add3A_15, %dma_wait3A_73] : memref<320x32400xf32, #tpu.memory_space<hbm>> -> memref<1x32400xf32, #tpu.memory_space<hbm>>
    %dma_wait3A_75 = tpu.memref_squeeze %dma_wait3A_74 : memref<1x32400xf32, #tpu.memory_space<hbm>> -> memref<32400xf32, #tpu.memory_space<hbm>>
    %dma_wait3A_76 = arith.constant 0 : i32
    %dma_wait3A_77 = tpu.memref_slice %arg4[%add3A_15, %dma_wait3A_76] : memref<320x32400xf32, #tpu.memory_space<hbm>> -> memref<1x32400xf32, #tpu.memory_space<hbm>>
    %dma_wait3A_78 = tpu.memref_squeeze %dma_wait3A_77 : memref<1x32400xf32, #tpu.memory_space<hbm>> -> memref<32400xf32, #tpu.memory_space<hbm>>
    tpu.wait_dma2 semaphore(%arg12 : memref<!tpu.dma_semaphore, #tpu.memory_space<semaphore_mem>>) src(%dma_wait3A_78 : memref<32400xf32, #tpu.memory_space<hbm>>) dst(%arg8 : memref<32400xf32, #tpu.memory_space<vmem>>)
    %dma_wait3A_79 = arith.constant 0 : i32
    %dma_wait3A_80 = tpu.memref_slice %arg3[%add3A_23, %dma_wait3A_79] : memref<320x12960xf32, #tpu.memory_space<hbm>> -> memref<1x12960xf32, #tpu.memory_space<hbm>>
    %dma_wait3A_81 = tpu.memref_squeeze %dma_wait3A_80 : memref<1x12960xf32, #tpu.memory_space<hbm>> -> memref<12960xf32, #tpu.memory_space<hbm>>
    %dma_wait3A_82 = arith.constant 0 : i32
    %dma_wait3A_83 = tpu.memref_slice %arg3[%add3A_23, %dma_wait3A_82] : memref<320x12960xf32, #tpu.memory_space<hbm>> -> memref<1x12960xf32, #tpu.memory_space<hbm>>
    %dma_wait3A_84 = tpu.memref_squeeze %dma_wait3A_83 : memref<1x12960xf32, #tpu.memory_space<hbm>> -> memref<12960xf32, #tpu.memory_space<hbm>>
    tpu.wait_dma2 semaphore(%arg14 : memref<!tpu.dma_semaphore, #tpu.memory_space<semaphore_mem>>) src(%dma_wait3A_84 : memref<12960xf32, #tpu.memory_space<hbm>>) dst(%arg10 : memref<12960xf32, #tpu.memory_space<vmem>>)
    %parallel_loop3A_85 = arith.constant 0 : i32
    %parallel_loop3A_86 = arith.constant 810 : i32
    %parallel_loop3A_87 = arith.constant 1 : i32
    scf.for %parallel_loop3A_444 = %parallel_loop3A_85 to %parallel_loop3A_86 step %parallel_loop3A_87  : i32 {
      %parallel_loop3A_445 = arith.constant 16 : i32
      %parallel_loop3A_446 = arith.muli %parallel_loop3A_444, %parallel_loop3A_445 : i32
      %parallel_loop3A_447 = arith.index_cast %parallel_loop3A_446 : i32 to index
      %parallel_loop3A_448 = tpu.vector_load %arg6[%parallel_loop3A_447] {strides = array<i32>} : memref<12960xi32, #tpu.memory_space<vmem>>, vector<16xi32>,
      %parallel_loop3A_449 = arith.index_cast %parallel_loop3A_446 : i32 to index
      %parallel_loop3A_450 = tpu.vector_load %arg10[%parallel_loop3A_449] {strides = array<i32>} : memref<12960xf32, #tpu.memory_space<vmem>>, vector<16xf32>,
      tpu.vector_store_idx %arg8[%parallel_loop3A_448], %parallel_loop3A_450 {add = true} : memref<32400xf32, #tpu.memory_space<vmem>>[vector<16xi32>], vector<16xf32>,
    } {sc.loop_unroll_factor = 8 : i64, sc.parallel_access}
    %dma_start3A_88 = arith.constant 0 : i32
    %dma_start3A_89 = tpu.memref_slice %arg5[%add3A_50, %dma_start3A_88] : memref<320x32400xf32, #tpu.memory_space<hbm>> -> memref<1x32400xf32, #tpu.memory_space<hbm>>
    %dma_start3A_90 = tpu.memref_squeeze %dma_start3A_89 : memref<1x32400xf32, #tpu.memory_space<hbm>> -> memref<32400xf32, #tpu.memory_space<hbm>>
    %dma_start3A_91 = arith.constant 0 : i32
    %dma_start3A_92 = tpu.memref_slice %arg5[%add3A_50, %dma_start3A_91] : memref<320x32400xf32, #tpu.memory_space<hbm>> -> memref<1x32400xf32, #tpu.memory_space<hbm>>
    %dma_start3A_93 = tpu.memref_squeeze %dma_start3A_92 : memref<1x32400xf32, #tpu.memory_space<hbm>> -> memref<32400xf32, #tpu.memory_space<hbm>>
    tpu.enqueue_dma source(%arg8 : memref<32400xf32, #tpu.memory_space<vmem>>) target(%dma_start3A_93 : memref<32400xf32, #tpu.memory_space<hbm>>) target_semaphore(%arg16 : memref<!tpu.dma_semaphore, #tpu.memory_space<semaphore_mem>>)
    %add3A_94 = arith.constant 64 : i32
    %add3A_95 = arith.addi %add3A, %add3A_94 : i32
    %dma_wait3A_96 = arith.constant 0 : i32
    %dma_wait3A_97 = tpu.memref_slice %arg5[%add3A_50, %dma_wait3A_96] : memref<320x32400xf32, #tpu.memory_space<hbm>> -> memref<1x32400xf32, #tpu.memory_space<hbm>>
    %dma_wait3A_98 = tpu.memref_squeeze %dma_wait3A_97 : memref<1x32400xf32, #tpu.memory_space<hbm>> -> memref<32400xf32, #tpu.memory_space<hbm>>
    %dma_wait3A_99 = arith.constant 0 : i32
    %dma_wait3A_100 = tpu.memref_slice %arg5[%add3A_50, %dma_wait3A_99] : memref<320x32400xf32, #tpu.memory_space<hbm>> -> memref<1x32400xf32, #tpu.memory_space<hbm>>
    %dma_wait3A_101 = tpu.memref_squeeze %dma_wait3A_100 : memref<1x32400xf32, #tpu.memory_space<hbm>> -> memref<32400xf32, #tpu.memory_space<hbm>>
    tpu.wait_dma2 semaphore(%arg16 : memref<!tpu.dma_semaphore, #tpu.memory_space<semaphore_mem>>) src(%arg8 : memref<32400xf32, #tpu.memory_space<vmem>>) dst(%dma_wait3A_101 : memref<32400xf32, #tpu.memory_space<hbm>>)
    %add3A_102 = arith.constant 32 : i32
    %add3A_103 = arith.addi %add3A_95, %add3A_102 : i32
    %dma_start3A_104 = arith.constant 0 : i32
    %dma_start3A_105 = tpu.memref_slice %arg4[%add3A_103, %dma_start3A_104] : memref<320x32400xf32, #tpu.memory_space<hbm>> -> memref<1x32400xf32, #tpu.memory_space<hbm>>
    %dma_start3A_106 = tpu.memref_squeeze %dma_start3A_105 : memref<1x32400xf32, #tpu.memory_space<hbm>> -> memref<32400xf32, #tpu.memory_space<hbm>>
    %dma_start3A_107 = arith.constant 0 : i32
    %dma_start3A_108 = tpu.memref_slice %arg4[%add3A_103, %dma_start3A_107] : memref<320x32400xf32, #tpu.memory_space<hbm>> -> memref<1x32400xf32, #tpu.memory_space<hbm>>
    %dma_start3A_109 = tpu.memref_squeeze %dma_start3A_108 : memref<1x32400xf32, #tpu.memory_space<hbm>> -> memref<32400xf32, #tpu.memory_space<hbm>>
    tpu.enqueue_dma source(%dma_start3A_109 : memref<32400xf32, #tpu.memory_space<hbm>>) target(%arg8 : memref<32400xf32, #tpu.memory_space<vmem>>) target_semaphore(%arg12 : memref<!tpu.dma_semaphore, #tpu.memory_space<semaphore_mem>>)
    %add3A_110 = arith.constant 32 : i32
    %add3A_111 = arith.addi %add3A_95, %add3A_110 : i32
    %dma_start3A_112 = arith.constant 0 : i32
    %dma_start3A_113 = tpu.memref_slice %arg3[%add3A_111, %dma_start3A_112] : memref<320x12960xf32, #tpu.memory_space<hbm>> -> memref<1x12960xf32, #tpu.memory_space<hbm>>
    %dma_start3A_114 = tpu.memref_squeeze %dma_start3A_113 : memref<1x12960xf32, #tpu.memory_space<hbm>> -> memref<12960xf32, #tpu.memory_space<hbm>>
    %dma_start3A_115 = arith.constant 0 : i32
    %dma_start3A_116 = tpu.memref_slice %arg3[%add3A_111, %dma_start3A_115] : memref<320x12960xf32, #tpu.memory_space<hbm>> -> memref<1x12960xf32, #tpu.memory_space<hbm>>
    %dma_start3A_117 = tpu.memref_squeeze %dma_start3A_116 : memref<1x12960xf32, #tpu.memory_space<hbm>> -> memref<12960xf32, #tpu.memory_space<hbm>>
    tpu.enqueue_dma source(%dma_start3A_117 : memref<12960xf32, #tpu.memory_space<hbm>>) target(%arg10 : memref<12960xf32, #tpu.memory_space<vmem>>) target_semaphore(%arg14 : memref<!tpu.dma_semaphore, #tpu.memory_space<semaphore_mem>>)
    %dma_wait3A_118 = arith.constant 0 : i32
    %dma_wait3A_119 = tpu.memref_slice %arg4[%add3A_58, %dma_wait3A_118] : memref<320x32400xf32, #tpu.memory_space<hbm>> -> memref<1x32400xf32, #tpu.memory_space<hbm>>
    %dma_wait3A_120 = tpu.memref_squeeze %dma_wait3A_119 : memref<1x32400xf32, #tpu.memory_space<hbm>> -> memref<32400xf32, #tpu.memory_space<hbm>>
    %dma_wait3A_121 = arith.constant 0 : i32
    %dma_wait3A_122 = tpu.memref_slice %arg4[%add3A_58, %dma_wait3A_121] : memref<320x32400xf32, #tpu.memory_space<hbm>> -> memref<1x32400xf32, #tpu.memory_space<hbm>>
    %dma_wait3A_123 = tpu.memref_squeeze %dma_wait3A_122 : memref<1x32400xf32, #tpu.memory_space<hbm>> -> memref<32400xf32, #tpu.memory_space<hbm>>
    tpu.wait_dma2 semaphore(%arg11 : memref<!tpu.dma_semaphore, #tpu.memory_space<semaphore_mem>>) src(%dma_wait3A_123 : memref<32400xf32, #tpu.memory_space<hbm>>) dst(%arg7 : memref<32400xf32, #tpu.memory_space<vmem>>)
    %dma_wait3A_124 = arith.constant 0 : i32
    %dma_wait3A_125 = tpu.memref_slice %arg3[%add3A_66, %dma_wait3A_124] : memref<320x12960xf32, #tpu.memory_space<hbm>> -> memref<1x12960xf32, #tpu.memory_space<hbm>>
    %dma_wait3A_126 = tpu.memref_squeeze %dma_wait3A_125 : memref<1x12960xf32, #tpu.memory_space<hbm>> -> memref<12960xf32, #tpu.memory_space<hbm>>
    %dma_wait3A_127 = arith.constant 0 : i32
    %dma_wait3A_128 = tpu.memref_slice %arg3[%add3A_66, %dma_wait3A_127] : memref<320x12960xf32, #tpu.memory_space<hbm>> -> memref<1x12960xf32, #tpu.memory_space<hbm>>
    %dma_wait3A_129 = tpu.memref_squeeze %dma_wait3A_128 : memref<1x12960xf32, #tpu.memory_space<hbm>> -> memref<12960xf32, #tpu.memory_space<hbm>>
    tpu.wait_dma2 semaphore(%arg13 : memref<!tpu.dma_semaphore, #tpu.memory_space<semaphore_mem>>) src(%dma_wait3A_129 : memref<12960xf32, #tpu.memory_space<hbm>>) dst(%arg9 : memref<12960xf32, #tpu.memory_space<vmem>>)
    %parallel_loop3A_130 = arith.constant 0 : i32
    %parallel_loop3A_131 = arith.constant 810 : i32
    %parallel_loop3A_132 = arith.constant 1 : i32
    scf.for %parallel_loop3A_444 = %parallel_loop3A_130 to %parallel_loop3A_131 step %parallel_loop3A_132  : i32 {
      %parallel_loop3A_445 = arith.constant 16 : i32
      %parallel_loop3A_446 = arith.muli %parallel_loop3A_444, %parallel_loop3A_445 : i32
      %parallel_loop3A_447 = arith.index_cast %parallel_loop3A_446 : i32 to index
      %parallel_loop3A_448 = tpu.vector_load %arg6[%parallel_loop3A_447] {strides = array<i32>} : memref<12960xi32, #tpu.memory_space<vmem>>, vector<16xi32>,
      %parallel_loop3A_449 = arith.index_cast %parallel_loop3A_446 : i32 to index
      %parallel_loop3A_450 = tpu.vector_load %arg9[%parallel_loop3A_449] {strides = array<i32>} : memref<12960xf32, #tpu.memory_space<vmem>>, vector<16xf32>,
      tpu.vector_store_idx %arg7[%parallel_loop3A_448], %parallel_loop3A_450 {add = true} : memref<32400xf32, #tpu.memory_space<vmem>>[vector<16xi32>], vector<16xf32>,
    } {sc.loop_unroll_factor = 8 : i64, sc.parallel_access}
    %dma_start3A_133 = arith.constant 0 : i32
    %dma_start3A_134 = tpu.memref_slice %arg5[%add3A_95, %dma_start3A_133] : memref<320x32400xf32, #tpu.memory_space<hbm>> -> memref<1x32400xf32, #tpu.memory_space<hbm>>
    %dma_start3A_135 = tpu.memref_squeeze %dma_start3A_134 : memref<1x32400xf32, #tpu.memory_space<hbm>> -> memref<32400xf32, #tpu.memory_space<hbm>>
    %dma_start3A_136 = arith.constant 0 : i32
    %dma_start3A_137 = tpu.memref_slice %arg5[%add3A_95, %dma_start3A_136] : memref<320x32400xf32, #tpu.memory_space<hbm>> -> memref<1x32400xf32, #tpu.memory_space<hbm>>
    %dma_start3A_138 = tpu.memref_squeeze %dma_start3A_137 : memref<1x32400xf32, #tpu.memory_space<hbm>> -> memref<32400xf32, #tpu.memory_space<hbm>>
    tpu.enqueue_dma source(%arg7 : memref<32400xf32, #tpu.memory_space<vmem>>) target(%dma_start3A_138 : memref<32400xf32, #tpu.memory_space<hbm>>) target_semaphore(%arg15 : memref<!tpu.dma_semaphore, #tpu.memory_space<semaphore_mem>>)
    %add3A_139 = arith.constant 96 : i32
    %add3A_140 = arith.addi %add3A, %add3A_139 : i32
    %dma_wait3A_141 = arith.constant 0 : i32
    %dma_wait3A_142 = tpu.memref_slice %arg5[%add3A_95, %dma_wait3A_141] : memref<320x32400xf32, #tpu.memory_space<hbm>> -> memref<1x32400xf32, #tpu.memory_space<hbm>>
    %dma_wait3A_143 = tpu.memref_squeeze %dma_wait3A_142 : memref<1x32400xf32, #tpu.memory_space<hbm>> -> memref<32400xf32, #tpu.memory_space<hbm>>
    %dma_wait3A_144 = arith.constant 0 : i32
    %dma_wait3A_145 = tpu.memref_slice %arg5[%add3A_95, %dma_wait3A_144] : memref<320x32400xf32, #tpu.memory_space<hbm>> -> memref<1x32400xf32, #tpu.memory_space<hbm>>
    %dma_wait3A_146 = tpu.memref_squeeze %dma_wait3A_145 : memref<1x32400xf32, #tpu.memory_space<hbm>> -> memref<32400xf32, #tpu.memory_space<hbm>>
    tpu.wait_dma2 semaphore(%arg15 : memref<!tpu.dma_semaphore, #tpu.memory_space<semaphore_mem>>) src(%arg7 : memref<32400xf32, #tpu.memory_space<vmem>>) dst(%dma_wait3A_146 : memref<32400xf32, #tpu.memory_space<hbm>>)
    %add3A_147 = arith.constant 32 : i32
    %add3A_148 = arith.addi %add3A_140, %add3A_147 : i32
    %dma_start3A_149 = arith.constant 0 : i32
    %dma_start3A_150 = tpu.memref_slice %arg4[%add3A_148, %dma_start3A_149] : memref<320x32400xf32, #tpu.memory_space<hbm>> -> memref<1x32400xf32, #tpu.memory_space<hbm>>
    %dma_start3A_151 = tpu.memref_squeeze %dma_start3A_150 : memref<1x32400xf32, #tpu.memory_space<hbm>> -> memref<32400xf32, #tpu.memory_space<hbm>>
    %dma_start3A_152 = arith.constant 0 : i32
    %dma_start3A_153 = tpu.memref_slice %arg4[%add3A_148, %dma_start3A_152] : memref<320x32400xf32, #tpu.memory_space<hbm>> -> memref<1x32400xf32, #tpu.memory_space<hbm>>
    %dma_start3A_154 = tpu.memref_squeeze %dma_start3A_153 : memref<1x32400xf32, #tpu.memory_space<hbm>> -> memref<32400xf32, #tpu.memory_space<hbm>>
    tpu.enqueue_dma source(%dma_start3A_154 : memref<32400xf32, #tpu.memory_space<hbm>>) target(%arg7 : memref<32400xf32, #tpu.memory_space<vmem>>) target_semaphore(%arg11 : memref<!tpu.dma_semaphore, #tpu.memory_space<semaphore_mem>>)
    %add3A_155 = arith.constant 32 : i32
    %add3A_156 = arith.addi %add3A_140, %add3A_155 : i32
    %dma_start3A_157 = arith.constant 0 : i32
    %dma_start3A_158 = tpu.memref_slice %arg3[%add3A_156, %dma_start3A_157] : memref<320x12960xf32, #tpu.memory_space<hbm>> -> memref<1x12960xf32, #tpu.memory_space<hbm>>
    %dma_start3A_159 = tpu.memref_squeeze %dma_start3A_158 : memref<1x12960xf32, #tpu.memory_space<hbm>> -> memref<12960xf32, #tpu.memory_space<hbm>>
    %dma_start3A_160 = arith.constant 0 : i32
    %dma_start3A_161 = tpu.memref_slice %arg3[%add3A_156, %dma_start3A_160] : memref<320x12960xf32, #tpu.memory_space<hbm>> -> memref<1x12960xf32, #tpu.memory_space<hbm>>
    %dma_start3A_162 = tpu.memref_squeeze %dma_start3A_161 : memref<1x12960xf32, #tpu.memory_space<hbm>> -> memref<12960xf32, #tpu.memory_space<hbm>>
    tpu.enqueue_dma source(%dma_start3A_162 : memref<12960xf32, #tpu.memory_space<hbm>>) target(%arg9 : memref<12960xf32, #tpu.memory_space<vmem>>) target_semaphore(%arg13 : memref<!tpu.dma_semaphore, #tpu.memory_space<semaphore_mem>>)
    %dma_wait3A_163 = arith.constant 0 : i32
    %dma_wait3A_164 = tpu.memref_slice %arg4[%add3A_103, %dma_wait3A_163] : memref<320x32400xf32, #tpu.memory_space<hbm>> -> memref<1x32400xf32, #tpu.memory_space<hbm>>
    %dma_wait3A_165 = tpu.memref_squeeze %dma_wait3A_164 : memref<1x32400xf32, #tpu.memory_space<hbm>> -> memref<32400xf32, #tpu.memory_space<hbm>>
    %dma_wait3A_166 = arith.constant 0 : i32
    %dma_wait3A_167 = tpu.memref_slice %arg4[%add3A_103, %dma_wait3A_166] : memref<320x32400xf32, #tpu.memory_space<hbm>> -> memref<1x32400xf32, #tpu.memory_space<hbm>>
    %dma_wait3A_168 = tpu.memref_squeeze %dma_wait3A_167 : memref<1x32400xf32, #tpu.memory_space<hbm>> -> memref<32400xf32, #tpu.memory_space<hbm>>
    tpu.wait_dma2 semaphore(%arg12 : memref<!tpu.dma_semaphore, #tpu.memory_space<semaphore_mem>>) src(%dma_wait3A_168 : memref<32400xf32, #tpu.memory_space<hbm>>) dst(%arg8 : memref<32400xf32, #tpu.memory_space<vmem>>)
    %dma_wait3A_169 = arith.constant 0 : i32
    %dma_wait3A_170 = tpu.memref_slice %arg3[%add3A_111, %dma_wait3A_169] : memref<320x12960xf32, #tpu.memory_space<hbm>> -> memref<1x12960xf32, #tpu.memory_space<hbm>>
    %dma_wait3A_171 = tpu.memref_squeeze %dma_wait3A_170 : memref<1x12960xf32, #tpu.memory_space<hbm>> -> memref<12960xf32, #tpu.memory_space<hbm>>
    %dma_wait3A_172 = arith.constant 0 : i32
    %dma_wait3A_173 = tpu.memref_slice %arg3[%add3A_111, %dma_wait3A_172] : memref<320x12960xf32, #tpu.memory_space<hbm>> -> memref<1x12960xf32, #tpu.memory_space<hbm>>
    %dma_wait3A_174 = tpu.memref_squeeze %dma_wait3A_173 : memref<1x12960xf32, #tpu.memory_space<hbm>> -> memref<12960xf32, #tpu.memory_space<hbm>>
    tpu.wait_dma2 semaphore(%arg14 : memref<!tpu.dma_semaphore, #tpu.memory_space<semaphore_mem>>) src(%dma_wait3A_174 : memref<12960xf32, #tpu.memory_space<hbm>>) dst(%arg10 : memref<12960xf32, #tpu.memory_space<vmem>>)
    %parallel_loop3A_175 = arith.constant 0 : i32
    %parallel_loop3A_176 = arith.constant 810 : i32
    %parallel_loop3A_177 = arith.constant 1 : i32
    scf.for %parallel_loop3A_444 = %parallel_loop3A_175 to %parallel_loop3A_176 step %parallel_loop3A_177  : i32 {
      %parallel_loop3A_445 = arith.constant 16 : i32
      %parallel_loop3A_446 = arith.muli %parallel_loop3A_444, %parallel_loop3A_445 : i32
      %parallel_loop3A_447 = arith.index_cast %parallel_loop3A_446 : i32 to index
      %parallel_loop3A_448 = tpu.vector_load %arg6[%parallel_loop3A_447] {strides = array<i32>} : memref<12960xi32, #tpu.memory_space<vmem>>, vector<16xi32>,
      %parallel_loop3A_449 = arith.index_cast %parallel_loop3A_446 : i32 to index
      %parallel_loop3A_450 = tpu.vector_load %arg10[%parallel_loop3A_449] {strides = array<i32>} : memref<12960xf32, #tpu.memory_space<vmem>>, vector<16xf32>,
      tpu.vector_store_idx %arg8[%parallel_loop3A_448], %parallel_loop3A_450 {add = true} : memref<32400xf32, #tpu.memory_space<vmem>>[vector<16xi32>], vector<16xf32>,
    } {sc.loop_unroll_factor = 8 : i64, sc.parallel_access}
    %dma_start3A_178 = arith.constant 0 : i32
    %dma_start3A_179 = tpu.memref_slice %arg5[%add3A_140, %dma_start3A_178] : memref<320x32400xf32, #tpu.memory_space<hbm>> -> memref<1x32400xf32, #tpu.memory_space<hbm>>
    %dma_start3A_180 = tpu.memref_squeeze %dma_start3A_179 : memref<1x32400xf32, #tpu.memory_space<hbm>> -> memref<32400xf32, #tpu.memory_space<hbm>>
    %dma_start3A_181 = arith.constant 0 : i32
    %dma_start3A_182 = tpu.memref_slice %arg5[%add3A_140, %dma_start3A_181] : memref<320x32400xf32, #tpu.memory_space<hbm>> -> memref<1x32400xf32, #tpu.memory_space<hbm>>
    %dma_start3A_183 = tpu.memref_squeeze %dma_start3A_182 : memref<1x32400xf32, #tpu.memory_space<hbm>> -> memref<32400xf32, #tpu.memory_space<hbm>>
    tpu.enqueue_dma source(%arg8 : memref<32400xf32, #tpu.memory_space<vmem>>) target(%dma_start3A_183 : memref<32400xf32, #tpu.memory_space<hbm>>) target_semaphore(%arg16 : memref<!tpu.dma_semaphore, #tpu.memory_space<semaphore_mem>>)
    %add3A_184 = arith.constant 128 : i32
    %add3A_185 = arith.addi %add3A, %add3A_184 : i32
    %dma_wait3A_186 = arith.constant 0 : i32
    %dma_wait3A_187 = tpu.memref_slice %arg5[%add3A_140, %dma_wait3A_186] : memref<320x32400xf32, #tpu.memory_space<hbm>> -> memref<1x32400xf32, #tpu.memory_space<hbm>>
    %dma_wait3A_188 = tpu.memref_squeeze %dma_wait3A_187 : memref<1x32400xf32, #tpu.memory_space<hbm>> -> memref<32400xf32, #tpu.memory_space<hbm>>
    %dma_wait3A_189 = arith.constant 0 : i32
    %dma_wait3A_190 = tpu.memref_slice %arg5[%add3A_140, %dma_wait3A_189] : memref<320x32400xf32, #tpu.memory_space<hbm>> -> memref<1x32400xf32, #tpu.memory_space<hbm>>
    %dma_wait3A_191 = tpu.memref_squeeze %dma_wait3A_190 : memref<1x32400xf32, #tpu.memory_space<hbm>> -> memref<32400xf32, #tpu.memory_space<hbm>>
    tpu.wait_dma2 semaphore(%arg16 : memref<!tpu.dma_semaphore, #tpu.memory_space<semaphore_mem>>) src(%arg8 : memref<32400xf32, #tpu.memory_space<vmem>>) dst(%dma_wait3A_191 : memref<32400xf32, #tpu.memory_space<hbm>>)
    %add3A_192 = arith.constant 32 : i32
    %add3A_193 = arith.addi %add3A_185, %add3A_192 : i32
    %dma_start3A_194 = arith.constant 0 : i32
    %dma_start3A_195 = tpu.memref_slice %arg4[%add3A_193, %dma_start3A_194] : memref<320x32400xf32, #tpu.memory_space<hbm>> -> memref<1x32400xf32, #tpu.memory_space<hbm>>
    %dma_start3A_196 = tpu.memref_squeeze %dma_start3A_195 : memref<1x32400xf32, #tpu.memory_space<hbm>> -> memref<32400xf32, #tpu.memory_space<hbm>>
    %dma_start3A_197 = arith.constant 0 : i32
    %dma_start3A_198 = tpu.memref_slice %arg4[%add3A_193, %dma_start3A_197] : memref<320x32400xf32, #tpu.memory_space<hbm>> -> memref<1x32400xf32, #tpu.memory_space<hbm>>
    %dma_start3A_199 = tpu.memref_squeeze %dma_start3A_198 : memref<1x32400xf32, #tpu.memory_space<hbm>> -> memref<32400xf32, #tpu.memory_space<hbm>>
    tpu.enqueue_dma source(%dma_start3A_199 : memref<32400xf32, #tpu.memory_space<hbm>>) target(%arg8 : memref<32400xf32, #tpu.memory_space<vmem>>) target_semaphore(%arg12 : memref<!tpu.dma_semaphore, #tpu.memory_space<semaphore_mem>>)
    %add3A_200 = arith.constant 32 : i32
    %add3A_201 = arith.addi %add3A_185, %add3A_200 : i32
    %dma_start3A_202 = arith.constant 0 : i32
    %dma_start3A_203 = tpu.memref_slice %arg3[%add3A_201, %dma_start3A_202] : memref<320x12960xf32, #tpu.memory_space<hbm>> -> memref<1x12960xf32, #tpu.memory_space<hbm>>
    %dma_start3A_204 = tpu.memref_squeeze %dma_start3A_203 : memref<1x12960xf32, #tpu.memory_space<hbm>> -> memref<12960xf32, #tpu.memory_space<hbm>>
    %dma_start3A_205 = arith.constant 0 : i32
    %dma_start3A_206 = tpu.memref_slice %arg3[%add3A_201, %dma_start3A_205] : memref<320x12960xf32, #tpu.memory_space<hbm>> -> memref<1x12960xf32, #tpu.memory_space<hbm>>
    %dma_start3A_207 = tpu.memref_squeeze %dma_start3A_206 : memref<1x12960xf32, #tpu.memory_space<hbm>> -> memref<12960xf32, #tpu.memory_space<hbm>>
    tpu.enqueue_dma source(%dma_start3A_207 : memref<12960xf32, #tpu.memory_space<hbm>>) target(%arg10 : memref<12960xf32, #tpu.memory_space<vmem>>) target_semaphore(%arg14 : memref<!tpu.dma_semaphore, #tpu.memory_space<semaphore_mem>>)
    %dma_wait3A_208 = arith.constant 0 : i32
    %dma_wait3A_209 = tpu.memref_slice %arg4[%add3A_148, %dma_wait3A_208] : memref<320x32400xf32, #tpu.memory_space<hbm>> -> memref<1x32400xf32, #tpu.memory_space<hbm>>
    %dma_wait3A_210 = tpu.memref_squeeze %dma_wait3A_209 : memref<1x32400xf32, #tpu.memory_space<hbm>> -> memref<32400xf32, #tpu.memory_space<hbm>>
    %dma_wait3A_211 = arith.constant 0 : i32
    %dma_wait3A_212 = tpu.memref_slice %arg4[%add3A_148, %dma_wait3A_211] : memref<320x32400xf32, #tpu.memory_space<hbm>> -> memref<1x32400xf32, #tpu.memory_space<hbm>>
    %dma_wait3A_213 = tpu.memref_squeeze %dma_wait3A_212 : memref<1x32400xf32, #tpu.memory_space<hbm>> -> memref<32400xf32, #tpu.memory_space<hbm>>
    tpu.wait_dma2 semaphore(%arg11 : memref<!tpu.dma_semaphore, #tpu.memory_space<semaphore_mem>>) src(%dma_wait3A_213 : memref<32400xf32, #tpu.memory_space<hbm>>) dst(%arg7 : memref<32400xf32, #tpu.memory_space<vmem>>)
    %dma_wait3A_214 = arith.constant 0 : i32
    %dma_wait3A_215 = tpu.memref_slice %arg3[%add3A_156, %dma_wait3A_214] : memref<320x12960xf32, #tpu.memory_space<hbm>> -> memref<1x12960xf32, #tpu.memory_space<hbm>>
    %dma_wait3A_216 = tpu.memref_squeeze %dma_wait3A_215 : memref<1x12960xf32, #tpu.memory_space<hbm>> -> memref<12960xf32, #tpu.memory_space<hbm>>
    %dma_wait3A_217 = arith.constant 0 : i32
    %dma_wait3A_218 = tpu.memref_slice %arg3[%add3A_156, %dma_wait3A_217] : memref<320x12960xf32, #tpu.memory_space<hbm>> -> memref<1x12960xf32, #tpu.memory_space<hbm>>
    %dma_wait3A_219 = tpu.memref_squeeze %dma_wait3A_218 : memref<1x12960xf32, #tpu.memory_space<hbm>> -> memref<12960xf32, #tpu.memory_space<hbm>>
    tpu.wait_dma2 semaphore(%arg13 : memref<!tpu.dma_semaphore, #tpu.memory_space<semaphore_mem>>) src(%dma_wait3A_219 : memref<12960xf32, #tpu.memory_space<hbm>>) dst(%arg9 : memref<12960xf32, #tpu.memory_space<vmem>>)
    %parallel_loop3A_220 = arith.constant 0 : i32
    %parallel_loop3A_221 = arith.constant 810 : i32
    %parallel_loop3A_222 = arith.constant 1 : i32
    scf.for %parallel_loop3A_444 = %parallel_loop3A_220 to %parallel_loop3A_221 step %parallel_loop3A_222  : i32 {
      %parallel_loop3A_445 = arith.constant 16 : i32
      %parallel_loop3A_446 = arith.muli %parallel_loop3A_444, %parallel_loop3A_445 : i32
      %parallel_loop3A_447 = arith.index_cast %parallel_loop3A_446 : i32 to index
      %parallel_loop3A_448 = tpu.vector_load %arg6[%parallel_loop3A_447] {strides = array<i32>} : memref<12960xi32, #tpu.memory_space<vmem>>, vector<16xi32>,
      %parallel_loop3A_449 = arith.index_cast %parallel_loop3A_446 : i32 to index
      %parallel_loop3A_450 = tpu.vector_load %arg9[%parallel_loop3A_449] {strides = array<i32>} : memref<12960xf32, #tpu.memory_space<vmem>>, vector<16xf32>,
      tpu.vector_store_idx %arg7[%parallel_loop3A_448], %parallel_loop3A_450 {add = true} : memref<32400xf32, #tpu.memory_space<vmem>>[vector<16xi32>], vector<16xf32>,
    } {sc.loop_unroll_factor = 8 : i64, sc.parallel_access}
    %dma_start3A_223 = arith.constant 0 : i32
    %dma_start3A_224 = tpu.memref_slice %arg5[%add3A_185, %dma_start3A_223] : memref<320x32400xf32, #tpu.memory_space<hbm>> -> memref<1x32400xf32, #tpu.memory_space<hbm>>
    %dma_start3A_225 = tpu.memref_squeeze %dma_start3A_224 : memref<1x32400xf32, #tpu.memory_space<hbm>> -> memref<32400xf32, #tpu.memory_space<hbm>>
    %dma_start3A_226 = arith.constant 0 : i32
    %dma_start3A_227 = tpu.memref_slice %arg5[%add3A_185, %dma_start3A_226] : memref<320x32400xf32, #tpu.memory_space<hbm>> -> memref<1x32400xf32, #tpu.memory_space<hbm>>
    %dma_start3A_228 = tpu.memref_squeeze %dma_start3A_227 : memref<1x32400xf32, #tpu.memory_space<hbm>> -> memref<32400xf32, #tpu.memory_space<hbm>>
    tpu.enqueue_dma source(%arg7 : memref<32400xf32, #tpu.memory_space<vmem>>) target(%dma_start3A_228 : memref<32400xf32, #tpu.memory_space<hbm>>) target_semaphore(%arg15 : memref<!tpu.dma_semaphore, #tpu.memory_space<semaphore_mem>>)
    %add3A_229 = arith.constant 160 : i32
    %add3A_230 = arith.addi %add3A, %add3A_229 : i32
    %dma_wait3A_231 = arith.constant 0 : i32
    %dma_wait3A_232 = tpu.memref_slice %arg5[%add3A_185, %dma_wait3A_231] : memref<320x32400xf32, #tpu.memory_space<hbm>> -> memref<1x32400xf32, #tpu.memory_space<hbm>>
    %dma_wait3A_233 = tpu.memref_squeeze %dma_wait3A_232 : memref<1x32400xf32, #tpu.memory_space<hbm>> -> memref<32400xf32, #tpu.memory_space<hbm>>
    %dma_wait3A_234 = arith.constant 0 : i32
    %dma_wait3A_235 = tpu.memref_slice %arg5[%add3A_185, %dma_wait3A_234] : memref<320x32400xf32, #tpu.memory_space<hbm>> -> memref<1x32400xf32, #tpu.memory_space<hbm>>
    %dma_wait3A_236 = tpu.memref_squeeze %dma_wait3A_235 : memref<1x32400xf32, #tpu.memory_space<hbm>> -> memref<32400xf32, #tpu.memory_space<hbm>>
    tpu.wait_dma2 semaphore(%arg15 : memref<!tpu.dma_semaphore, #tpu.memory_space<semaphore_mem>>) src(%arg7 : memref<32400xf32, #tpu.memory_space<vmem>>) dst(%dma_wait3A_236 : memref<32400xf32, #tpu.memory_space<hbm>>)
    %add3A_237 = arith.constant 32 : i32
    %add3A_238 = arith.addi %add3A_230, %add3A_237 : i32
    %dma_start3A_239 = arith.constant 0 : i32
    %dma_start3A_240 = tpu.memref_slice %arg4[%add3A_238, %dma_start3A_239] : memref<320x32400xf32, #tpu.memory_space<hbm>> -> memref<1x32400xf32, #tpu.memory_space<hbm>>
    %dma_start3A_241 = tpu.memref_squeeze %dma_start3A_240 : memref<1x32400xf32, #tpu.memory_space<hbm>> -> memref<32400xf32, #tpu.memory_space<hbm>>
    %dma_start3A_242 = arith.constant 0 : i32
    %dma_start3A_243 = tpu.memref_slice %arg4[%add3A_238, %dma_start3A_242] : memref<320x32400xf32, #tpu.memory_space<hbm>> -> memref<1x32400xf32, #tpu.memory_space<hbm>>
    %dma_start3A_244 = tpu.memref_squeeze %dma_start3A_243 : memref<1x32400xf32, #tpu.memory_space<hbm>> -> memref<32400xf32, #tpu.memory_space<hbm>>
    tpu.enqueue_dma source(%dma_start3A_244 : memref<32400xf32, #tpu.memory_space<hbm>>) target(%arg7 : memref<32400xf32, #tpu.memory_space<vmem>>) target_semaphore(%arg11 : memref<!tpu.dma_semaphore, #tpu.memory_space<semaphore_mem>>)
    %add3A_245 = arith.constant 32 : i32
    %add3A_246 = arith.addi %add3A_230, %add3A_245 : i32
    %dma_start3A_247 = arith.constant 0 : i32
    %dma_start3A_248 = tpu.memref_slice %arg3[%add3A_246, %dma_start3A_247] : memref<320x12960xf32, #tpu.memory_space<hbm>> -> memref<1x12960xf32, #tpu.memory_space<hbm>>
    %dma_start3A_249 = tpu.memref_squeeze %dma_start3A_248 : memref<1x12960xf32, #tpu.memory_space<hbm>> -> memref<12960xf32, #tpu.memory_space<hbm>>
    %dma_start3A_250 = arith.constant 0 : i32
    %dma_start3A_251 = tpu.memref_slice %arg3[%add3A_246, %dma_start3A_250] : memref<320x12960xf32, #tpu.memory_space<hbm>> -> memref<1x12960xf32, #tpu.memory_space<hbm>>
    %dma_start3A_252 = tpu.memref_squeeze %dma_start3A_251 : memref<1x12960xf32, #tpu.memory_space<hbm>> -> memref<12960xf32, #tpu.memory_space<hbm>>
    tpu.enqueue_dma source(%dma_start3A_252 : memref<12960xf32, #tpu.memory_space<hbm>>) target(%arg9 : memref<12960xf32, #tpu.memory_space<vmem>>) target_semaphore(%arg13 : memref<!tpu.dma_semaphore, #tpu.memory_space<semaphore_mem>>)
    %dma_wait3A_253 = arith.constant 0 : i32
    %dma_wait3A_254 = tpu.memref_slice %arg4[%add3A_193, %dma_wait3A_253] : memref<320x32400xf32, #tpu.memory_space<hbm>> -> memref<1x32400xf32, #tpu.memory_space<hbm>>
    %dma_wait3A_255 = tpu.memref_squeeze %dma_wait3A_254 : memref<1x32400xf32, #tpu.memory_space<hbm>> -> memref<32400xf32, #tpu.memory_space<hbm>>
    %dma_wait3A_256 = arith.constant 0 : i32
    %dma_wait3A_257 = tpu.memref_slice %arg4[%add3A_193, %dma_wait3A_256] : memref<320x32400xf32, #tpu.memory_space<hbm>> -> memref<1x32400xf32, #tpu.memory_space<hbm>>
    %dma_wait3A_258 = tpu.memref_squeeze %dma_wait3A_257 : memref<1x32400xf32, #tpu.memory_space<hbm>> -> memref<32400xf32, #tpu.memory_space<hbm>>
    tpu.wait_dma2 semaphore(%arg12 : memref<!tpu.dma_semaphore, #tpu.memory_space<semaphore_mem>>) src(%dma_wait3A_258 : memref<32400xf32, #tpu.memory_space<hbm>>) dst(%arg8 : memref<32400xf32, #tpu.memory_space<vmem>>)
    %dma_wait3A_259 = arith.constant 0 : i32
    %dma_wait3A_260 = tpu.memref_slice %arg3[%add3A_201, %dma_wait3A_259] : memref<320x12960xf32, #tpu.memory_space<hbm>> -> memref<1x12960xf32, #tpu.memory_space<hbm>>
    %dma_wait3A_261 = tpu.memref_squeeze %dma_wait3A_260 : memref<1x12960xf32, #tpu.memory_space<hbm>> -> memref<12960xf32, #tpu.memory_space<hbm>>
    %dma_wait3A_262 = arith.constant 0 : i32
    %dma_wait3A_263 = tpu.memref_slice %arg3[%add3A_201, %dma_wait3A_262] : memref<320x12960xf32, #tpu.memory_space<hbm>> -> memref<1x12960xf32, #tpu.memory_space<hbm>>
    %dma_wait3A_264 = tpu.memref_squeeze %dma_wait3A_263 : memref<1x12960xf32, #tpu.memory_space<hbm>> -> memref<12960xf32, #tpu.memory_space<hbm>>
    tpu.wait_dma2 semaphore(%arg14 : memref<!tpu.dma_semaphore, #tpu.memory_space<semaphore_mem>>) src(%dma_wait3A_264 : memref<12960xf32, #tpu.memory_space<hbm>>) dst(%arg10 : memref<12960xf32, #tpu.memory_space<vmem>>)
    %parallel_loop3A_265 = arith.constant 0 : i32
    %parallel_loop3A_266 = arith.constant 810 : i32
    %parallel_loop3A_267 = arith.constant 1 : i32
    scf.for %parallel_loop3A_444 = %parallel_loop3A_265 to %parallel_loop3A_266 step %parallel_loop3A_267  : i32 {
      %parallel_loop3A_445 = arith.constant 16 : i32
      %parallel_loop3A_446 = arith.muli %parallel_loop3A_444, %parallel_loop3A_445 : i32
      %parallel_loop3A_447 = arith.index_cast %parallel_loop3A_446 : i32 to index
      %parallel_loop3A_448 = tpu.vector_load %arg6[%parallel_loop3A_447] {strides = array<i32>} : memref<12960xi32, #tpu.memory_space<vmem>>, vector<16xi32>,
      %parallel_loop3A_449 = arith.index_cast %parallel_loop3A_446 : i32 to index
      %parallel_loop3A_450 = tpu.vector_load %arg10[%parallel_loop3A_449] {strides = array<i32>} : memref<12960xf32, #tpu.memory_space<vmem>>, vector<16xf32>,
      tpu.vector_store_idx %arg8[%parallel_loop3A_448], %parallel_loop3A_450 {add = true} : memref<32400xf32, #tpu.memory_space<vmem>>[vector<16xi32>], vector<16xf32>,
    } {sc.loop_unroll_factor = 8 : i64, sc.parallel_access}
    %dma_start3A_268 = arith.constant 0 : i32
    %dma_start3A_269 = tpu.memref_slice %arg5[%add3A_230, %dma_start3A_268] : memref<320x32400xf32, #tpu.memory_space<hbm>> -> memref<1x32400xf32, #tpu.memory_space<hbm>>
    %dma_start3A_270 = tpu.memref_squeeze %dma_start3A_269 : memref<1x32400xf32, #tpu.memory_space<hbm>> -> memref<32400xf32, #tpu.memory_space<hbm>>
    %dma_start3A_271 = arith.constant 0 : i32
    %dma_start3A_272 = tpu.memref_slice %arg5[%add3A_230, %dma_start3A_271] : memref<320x32400xf32, #tpu.memory_space<hbm>> -> memref<1x32400xf32, #tpu.memory_space<hbm>>
    %dma_start3A_273 = tpu.memref_squeeze %dma_start3A_272 : memref<1x32400xf32, #tpu.memory_space<hbm>> -> memref<32400xf32, #tpu.memory_space<hbm>>
    tpu.enqueue_dma source(%arg8 : memref<32400xf32, #tpu.memory_space<vmem>>) target(%dma_start3A_273 : memref<32400xf32, #tpu.memory_space<hbm>>) target_semaphore(%arg16 : memref<!tpu.dma_semaphore, #tpu.memory_space<semaphore_mem>>)
    %add3A_274 = arith.constant 192 : i32
    %add3A_275 = arith.addi %add3A, %add3A_274 : i32
    %dma_wait3A_276 = arith.constant 0 : i32
    %dma_wait3A_277 = tpu.memref_slice %arg5[%add3A_230, %dma_wait3A_276] : memref<320x32400xf32, #tpu.memory_space<hbm>> -> memref<1x32400xf32, #tpu.memory_space<hbm>>
    %dma_wait3A_278 = tpu.memref_squeeze %dma_wait3A_277 : memref<1x32400xf32, #tpu.memory_space<hbm>> -> memref<32400xf32, #tpu.memory_space<hbm>>
    %dma_wait3A_279 = arith.constant 0 : i32
    %dma_wait3A_280 = tpu.memref_slice %arg5[%add3A_230, %dma_wait3A_279] : memref<320x32400xf32, #tpu.memory_space<hbm>> -> memref<1x32400xf32, #tpu.memory_space<hbm>>
    %dma_wait3A_281 = tpu.memref_squeeze %dma_wait3A_280 : memref<1x32400xf32, #tpu.memory_space<hbm>> -> memref<32400xf32, #tpu.memory_space<hbm>>
    tpu.wait_dma2 semaphore(%arg16 : memref<!tpu.dma_semaphore, #tpu.memory_space<semaphore_mem>>) src(%arg8 : memref<32400xf32, #tpu.memory_space<vmem>>) dst(%dma_wait3A_281 : memref<32400xf32, #tpu.memory_space<hbm>>)
    %add3A_282 = arith.constant 32 : i32
    %add3A_283 = arith.addi %add3A_275, %add3A_282 : i32
    %dma_start3A_284 = arith.constant 0 : i32
    %dma_start3A_285 = tpu.memref_slice %arg4[%add3A_283, %dma_start3A_284] : memref<320x32400xf32, #tpu.memory_space<hbm>> -> memref<1x32400xf32, #tpu.memory_space<hbm>>
    %dma_start3A_286 = tpu.memref_squeeze %dma_start3A_285 : memref<1x32400xf32, #tpu.memory_space<hbm>> -> memref<32400xf32, #tpu.memory_space<hbm>>
    %dma_start3A_287 = arith.constant 0 : i32
    %dma_start3A_288 = tpu.memref_slice %arg4[%add3A_283, %dma_start3A_287] : memref<320x32400xf32, #tpu.memory_space<hbm>> -> memref<1x32400xf32, #tpu.memory_space<hbm>>
    %dma_start3A_289 = tpu.memref_squeeze %dma_start3A_288 : memref<1x32400xf32, #tpu.memory_space<hbm>> -> memref<32400xf32, #tpu.memory_space<hbm>>
    tpu.enqueue_dma source(%dma_start3A_289 : memref<32400xf32, #tpu.memory_space<hbm>>) target(%arg8 : memref<32400xf32, #tpu.memory_space<vmem>>) target_semaphore(%arg12 : memref<!tpu.dma_semaphore, #tpu.memory_space<semaphore_mem>>)
    %add3A_290 = arith.constant 32 : i32
    %add3A_291 = arith.addi %add3A_275, %add3A_290 : i32
    %dma_start3A_292 = arith.constant 0 : i32
    %dma_start3A_293 = tpu.memref_slice %arg3[%add3A_291, %dma_start3A_292] : memref<320x12960xf32, #tpu.memory_space<hbm>> -> memref<1x12960xf32, #tpu.memory_space<hbm>>
    %dma_start3A_294 = tpu.memref_squeeze %dma_start3A_293 : memref<1x12960xf32, #tpu.memory_space<hbm>> -> memref<12960xf32, #tpu.memory_space<hbm>>
    %dma_start3A_295 = arith.constant 0 : i32
    %dma_start3A_296 = tpu.memref_slice %arg3[%add3A_291, %dma_start3A_295] : memref<320x12960xf32, #tpu.memory_space<hbm>> -> memref<1x12960xf32, #tpu.memory_space<hbm>>
    %dma_start3A_297 = tpu.memref_squeeze %dma_start3A_296 : memref<1x12960xf32, #tpu.memory_space<hbm>> -> memref<12960xf32, #tpu.memory_space<hbm>>
    tpu.enqueue_dma source(%dma_start3A_297 : memref<12960xf32, #tpu.memory_space<hbm>>) target(%arg10 : memref<12960xf32, #tpu.memory_space<vmem>>) target_semaphore(%arg14 : memref<!tpu.dma_semaphore, #tpu.memory_space<semaphore_mem>>)
    %dma_wait3A_298 = arith.constant 0 : i32
    %dma_wait3A_299 = tpu.memref_slice %arg4[%add3A_238, %dma_wait3A_298] : memref<320x32400xf32, #tpu.memory_space<hbm>> -> memref<1x32400xf32, #tpu.memory_space<hbm>>
    %dma_wait3A_300 = tpu.memref_squeeze %dma_wait3A_299 : memref<1x32400xf32, #tpu.memory_space<hbm>> -> memref<32400xf32, #tpu.memory_space<hbm>>
    %dma_wait3A_301 = arith.constant 0 : i32
    %dma_wait3A_302 = tpu.memref_slice %arg4[%add3A_238, %dma_wait3A_301] : memref<320x32400xf32, #tpu.memory_space<hbm>> -> memref<1x32400xf32, #tpu.memory_space<hbm>>
    %dma_wait3A_303 = tpu.memref_squeeze %dma_wait3A_302 : memref<1x32400xf32, #tpu.memory_space<hbm>> -> memref<32400xf32, #tpu.memory_space<hbm>>
    tpu.wait_dma2 semaphore(%arg11 : memref<!tpu.dma_semaphore, #tpu.memory_space<semaphore_mem>>) src(%dma_wait3A_303 : memref<32400xf32, #tpu.memory_space<hbm>>) dst(%arg7 : memref<32400xf32, #tpu.memory_space<vmem>>)
    %dma_wait3A_304 = arith.constant 0 : i32
    %dma_wait3A_305 = tpu.memref_slice %arg3[%add3A_246, %dma_wait3A_304] : memref<320x12960xf32, #tpu.memory_space<hbm>> -> memref<1x12960xf32, #tpu.memory_space<hbm>>
    %dma_wait3A_306 = tpu.memref_squeeze %dma_wait3A_305 : memref<1x12960xf32, #tpu.memory_space<hbm>> -> memref<12960xf32, #tpu.memory_space<hbm>>
    %dma_wait3A_307 = arith.constant 0 : i32
    %dma_wait3A_308 = tpu.memref_slice %arg3[%add3A_246, %dma_wait3A_307] : memref<320x12960xf32, #tpu.memory_space<hbm>> -> memref<1x12960xf32, #tpu.memory_space<hbm>>
    %dma_wait3A_309 = tpu.memref_squeeze %dma_wait3A_308 : memref<1x12960xf32, #tpu.memory_space<hbm>> -> memref<12960xf32, #tpu.memory_space<hbm>>
    tpu.wait_dma2 semaphore(%arg13 : memref<!tpu.dma_semaphore, #tpu.memory_space<semaphore_mem>>) src(%dma_wait3A_309 : memref<12960xf32, #tpu.memory_space<hbm>>) dst(%arg9 : memref<12960xf32, #tpu.memory_space<vmem>>)
    %parallel_loop3A_310 = arith.constant 0 : i32
    %parallel_loop3A_311 = arith.constant 810 : i32
    %parallel_loop3A_312 = arith.constant 1 : i32
    scf.for %parallel_loop3A_444 = %parallel_loop3A_310 to %parallel_loop3A_311 step %parallel_loop3A_312  : i32 {
      %parallel_loop3A_445 = arith.constant 16 : i32
      %parallel_loop3A_446 = arith.muli %parallel_loop3A_444, %parallel_loop3A_445 : i32
      %parallel_loop3A_447 = arith.index_cast %parallel_loop3A_446 : i32 to index
      %parallel_loop3A_448 = tpu.vector_load %arg6[%parallel_loop3A_447] {strides = array<i32>} : memref<12960xi32, #tpu.memory_space<vmem>>, vector<16xi32>,
      %parallel_loop3A_449 = arith.index_cast %parallel_loop3A_446 : i32 to index
      %parallel_loop3A_450 = tpu.vector_load %arg9[%parallel_loop3A_449] {strides = array<i32>} : memref<12960xf32, #tpu.memory_space<vmem>>, vector<16xf32>,
      tpu.vector_store_idx %arg7[%parallel_loop3A_448], %parallel_loop3A_450 {add = true} : memref<32400xf32, #tpu.memory_space<vmem>>[vector<16xi32>], vector<16xf32>,
    } {sc.loop_unroll_factor = 8 : i64, sc.parallel_access}
    %dma_start3A_313 = arith.constant 0 : i32
    %dma_start3A_314 = tpu.memref_slice %arg5[%add3A_275, %dma_start3A_313] : memref<320x32400xf32, #tpu.memory_space<hbm>> -> memref<1x32400xf32, #tpu.memory_space<hbm>>
    %dma_start3A_315 = tpu.memref_squeeze %dma_start3A_314 : memref<1x32400xf32, #tpu.memory_space<hbm>> -> memref<32400xf32, #tpu.memory_space<hbm>>
    %dma_start3A_316 = arith.constant 0 : i32
    %dma_start3A_317 = tpu.memref_slice %arg5[%add3A_275, %dma_start3A_316] : memref<320x32400xf32, #tpu.memory_space<hbm>> -> memref<1x32400xf32, #tpu.memory_space<hbm>>
    %dma_start3A_318 = tpu.memref_squeeze %dma_start3A_317 : memref<1x32400xf32, #tpu.memory_space<hbm>> -> memref<32400xf32, #tpu.memory_space<hbm>>
    tpu.enqueue_dma source(%arg7 : memref<32400xf32, #tpu.memory_space<vmem>>) target(%dma_start3A_318 : memref<32400xf32, #tpu.memory_space<hbm>>) target_semaphore(%arg15 : memref<!tpu.dma_semaphore, #tpu.memory_space<semaphore_mem>>)
    %add3A_319 = arith.constant 224 : i32
    %add3A_320 = arith.addi %add3A, %add3A_319 : i32
    %dma_wait3A_321 = arith.constant 0 : i32
    %dma_wait3A_322 = tpu.memref_slice %arg5[%add3A_275, %dma_wait3A_321] : memref<320x32400xf32, #tpu.memory_space<hbm>> -> memref<1x32400xf32, #tpu.memory_space<hbm>>
    %dma_wait3A_323 = tpu.memref_squeeze %dma_wait3A_322 : memref<1x32400xf32, #tpu.memory_space<hbm>> -> memref<32400xf32, #tpu.memory_space<hbm>>
    %dma_wait3A_324 = arith.constant 0 : i32
    %dma_wait3A_325 = tpu.memref_slice %arg5[%add3A_275, %dma_wait3A_324] : memref<320x32400xf32, #tpu.memory_space<hbm>> -> memref<1x32400xf32, #tpu.memory_space<hbm>>
    %dma_wait3A_326 = tpu.memref_squeeze %dma_wait3A_325 : memref<1x32400xf32, #tpu.memory_space<hbm>> -> memref<32400xf32, #tpu.memory_space<hbm>>
    tpu.wait_dma2 semaphore(%arg15 : memref<!tpu.dma_semaphore, #tpu.memory_space<semaphore_mem>>) src(%arg7 : memref<32400xf32, #tpu.memory_space<vmem>>) dst(%dma_wait3A_326 : memref<32400xf32, #tpu.memory_space<hbm>>)
    %add3A_327 = arith.constant 32 : i32
    %add3A_328 = arith.addi %add3A_320, %add3A_327 : i32
    %dma_start3A_329 = arith.constant 0 : i32
    %dma_start3A_330 = tpu.memref_slice %arg4[%add3A_328, %dma_start3A_329] : memref<320x32400xf32, #tpu.memory_space<hbm>> -> memref<1x32400xf32, #tpu.memory_space<hbm>>
    %dma_start3A_331 = tpu.memref_squeeze %dma_start3A_330 : memref<1x32400xf32, #tpu.memory_space<hbm>> -> memref<32400xf32, #tpu.memory_space<hbm>>
    %dma_start3A_332 = arith.constant 0 : i32
    %dma_start3A_333 = tpu.memref_slice %arg4[%add3A_328, %dma_start3A_332] : memref<320x32400xf32, #tpu.memory_space<hbm>> -> memref<1x32400xf32, #tpu.memory_space<hbm>>
    %dma_start3A_334 = tpu.memref_squeeze %dma_start3A_333 : memref<1x32400xf32, #tpu.memory_space<hbm>> -> memref<32400xf32, #tpu.memory_space<hbm>>
    tpu.enqueue_dma source(%dma_start3A_334 : memref<32400xf32, #tpu.memory_space<hbm>>) target(%arg7 : memref<32400xf32, #tpu.memory_space<vmem>>) target_semaphore(%arg11 : memref<!tpu.dma_semaphore, #tpu.memory_space<semaphore_mem>>)
    %add3A_335 = arith.constant 32 : i32
    %add3A_336 = arith.addi %add3A_320, %add3A_335 : i32
    %dma_start3A_337 = arith.constant 0 : i32
    %dma_start3A_338 = tpu.memref_slice %arg3[%add3A_336, %dma_start3A_337] : memref<320x12960xf32, #tpu.memory_space<hbm>> -> memref<1x12960xf32, #tpu.memory_space<hbm>>
    %dma_start3A_339 = tpu.memref_squeeze %dma_start3A_338 : memref<1x12960xf32, #tpu.memory_space<hbm>> -> memref<12960xf32, #tpu.memory_space<hbm>>
    %dma_start3A_340 = arith.constant 0 : i32
    %dma_start3A_341 = tpu.memref_slice %arg3[%add3A_336, %dma_start3A_340] : memref<320x12960xf32, #tpu.memory_space<hbm>> -> memref<1x12960xf32, #tpu.memory_space<hbm>>
    %dma_start3A_342 = tpu.memref_squeeze %dma_start3A_341 : memref<1x12960xf32, #tpu.memory_space<hbm>> -> memref<12960xf32, #tpu.memory_space<hbm>>
    tpu.enqueue_dma source(%dma_start3A_342 : memref<12960xf32, #tpu.memory_space<hbm>>) target(%arg9 : memref<12960xf32, #tpu.memory_space<vmem>>) target_semaphore(%arg13 : memref<!tpu.dma_semaphore, #tpu.memory_space<semaphore_mem>>)
    %dma_wait3A_343 = arith.constant 0 : i32
    %dma_wait3A_344 = tpu.memref_slice %arg4[%add3A_283, %dma_wait3A_343] : memref<320x32400xf32, #tpu.memory_space<hbm>> -> memref<1x32400xf32, #tpu.memory_space<hbm>>
    %dma_wait3A_345 = tpu.memref_squeeze %dma_wait3A_344 : memref<1x32400xf32, #tpu.memory_space<hbm>> -> memref<32400xf32, #tpu.memory_space<hbm>>
    %dma_wait3A_346 = arith.constant 0 : i32
    %dma_wait3A_347 = tpu.memref_slice %arg4[%add3A_283, %dma_wait3A_346] : memref<320x32400xf32, #tpu.memory_space<hbm>> -> memref<1x32400xf32, #tpu.memory_space<hbm>>
    %dma_wait3A_348 = tpu.memref_squeeze %dma_wait3A_347 : memref<1x32400xf32, #tpu.memory_space<hbm>> -> memref<32400xf32, #tpu.memory_space<hbm>>
    tpu.wait_dma2 semaphore(%arg12 : memref<!tpu.dma_semaphore, #tpu.memory_space<semaphore_mem>>) src(%dma_wait3A_348 : memref<32400xf32, #tpu.memory_space<hbm>>) dst(%arg8 : memref<32400xf32, #tpu.memory_space<vmem>>)
    %dma_wait3A_349 = arith.constant 0 : i32
    %dma_wait3A_350 = tpu.memref_slice %arg3[%add3A_291, %dma_wait3A_349] : memref<320x12960xf32, #tpu.memory_space<hbm>> -> memref<1x12960xf32, #tpu.memory_space<hbm>>
    %dma_wait3A_351 = tpu.memref_squeeze %dma_wait3A_350 : memref<1x12960xf32, #tpu.memory_space<hbm>> -> memref<12960xf32, #tpu.memory_space<hbm>>
    %dma_wait3A_352 = arith.constant 0 : i32
    %dma_wait3A_353 = tpu.memref_slice %arg3[%add3A_291, %dma_wait3A_352] : memref<320x12960xf32, #tpu.memory_space<hbm>> -> memref<1x12960xf32, #tpu.memory_space<hbm>>
    %dma_wait3A_354 = tpu.memref_squeeze %dma_wait3A_353 : memref<1x12960xf32, #tpu.memory_space<hbm>> -> memref<12960xf32, #tpu.memory_space<hbm>>
    tpu.wait_dma2 semaphore(%arg14 : memref<!tpu.dma_semaphore, #tpu.memory_space<semaphore_mem>>) src(%dma_wait3A_354 : memref<12960xf32, #tpu.memory_space<hbm>>) dst(%arg10 : memref<12960xf32, #tpu.memory_space<vmem>>)
    %parallel_loop3A_355 = arith.constant 0 : i32
    %parallel_loop3A_356 = arith.constant 810 : i32
    %parallel_loop3A_357 = arith.constant 1 : i32
    scf.for %parallel_loop3A_444 = %parallel_loop3A_355 to %parallel_loop3A_356 step %parallel_loop3A_357  : i32 {
      %parallel_loop3A_445 = arith.constant 16 : i32
      %parallel_loop3A_446 = arith.muli %parallel_loop3A_444, %parallel_loop3A_445 : i32
      %parallel_loop3A_447 = arith.index_cast %parallel_loop3A_446 : i32 to index
      %parallel_loop3A_448 = tpu.vector_load %arg6[%parallel_loop3A_447] {strides = array<i32>} : memref<12960xi32, #tpu.memory_space<vmem>>, vector<16xi32>,
      %parallel_loop3A_449 = arith.index_cast %parallel_loop3A_446 : i32 to index
      %parallel_loop3A_450 = tpu.vector_load %arg10[%parallel_loop3A_449] {strides = array<i32>} : memref<12960xf32, #tpu.memory_space<vmem>>, vector<16xf32>,
      tpu.vector_store_idx %arg8[%parallel_loop3A_448], %parallel_loop3A_450 {add = true} : memref<32400xf32, #tpu.memory_space<vmem>>[vector<16xi32>], vector<16xf32>,
    } {sc.loop_unroll_factor = 8 : i64, sc.parallel_access}
    %dma_start3A_358 = arith.constant 0 : i32
    %dma_start3A_359 = tpu.memref_slice %arg5[%add3A_320, %dma_start3A_358] : memref<320x32400xf32, #tpu.memory_space<hbm>> -> memref<1x32400xf32, #tpu.memory_space<hbm>>
    %dma_start3A_360 = tpu.memref_squeeze %dma_start3A_359 : memref<1x32400xf32, #tpu.memory_space<hbm>> -> memref<32400xf32, #tpu.memory_space<hbm>>
    %dma_start3A_361 = arith.constant 0 : i32
    %dma_start3A_362 = tpu.memref_slice %arg5[%add3A_320, %dma_start3A_361] : memref<320x32400xf32, #tpu.memory_space<hbm>> -> memref<1x32400xf32, #tpu.memory_space<hbm>>
    %dma_start3A_363 = tpu.memref_squeeze %dma_start3A_362 : memref<1x32400xf32, #tpu.memory_space<hbm>> -> memref<32400xf32, #tpu.memory_space<hbm>>
    tpu.enqueue_dma source(%arg8 : memref<32400xf32, #tpu.memory_space<vmem>>) target(%dma_start3A_363 : memref<32400xf32, #tpu.memory_space<hbm>>) target_semaphore(%arg16 : memref<!tpu.dma_semaphore, #tpu.memory_space<semaphore_mem>>)
    %add3A_364 = arith.constant 256 : i32
    %add3A_365 = arith.addi %add3A, %add3A_364 : i32
    %dma_wait3A_366 = arith.constant 0 : i32
    %dma_wait3A_367 = tpu.memref_slice %arg5[%add3A_320, %dma_wait3A_366] : memref<320x32400xf32, #tpu.memory_space<hbm>> -> memref<1x32400xf32, #tpu.memory_space<hbm>>
    %dma_wait3A_368 = tpu.memref_squeeze %dma_wait3A_367 : memref<1x32400xf32, #tpu.memory_space<hbm>> -> memref<32400xf32, #tpu.memory_space<hbm>>
    %dma_wait3A_369 = arith.constant 0 : i32
    %dma_wait3A_370 = tpu.memref_slice %arg5[%add3A_320, %dma_wait3A_369] : memref<320x32400xf32, #tpu.memory_space<hbm>> -> memref<1x32400xf32, #tpu.memory_space<hbm>>
    %dma_wait3A_371 = tpu.memref_squeeze %dma_wait3A_370 : memref<1x32400xf32, #tpu.memory_space<hbm>> -> memref<32400xf32, #tpu.memory_space<hbm>>
    tpu.wait_dma2 semaphore(%arg16 : memref<!tpu.dma_semaphore, #tpu.memory_space<semaphore_mem>>) src(%arg8 : memref<32400xf32, #tpu.memory_space<vmem>>) dst(%dma_wait3A_371 : memref<32400xf32, #tpu.memory_space<hbm>>)
    %add3A_372 = arith.constant 32 : i32
    %add3A_373 = arith.addi %add3A_365, %add3A_372 : i32
    %dma_start3A_374 = arith.constant 0 : i32
    %dma_start3A_375 = tpu.memref_slice %arg4[%add3A_373, %dma_start3A_374] : memref<320x32400xf32, #tpu.memory_space<hbm>> -> memref<1x32400xf32, #tpu.memory_space<hbm>>
    %dma_start3A_376 = tpu.memref_squeeze %dma_start3A_375 : memref<1x32400xf32, #tpu.memory_space<hbm>> -> memref<32400xf32, #tpu.memory_space<hbm>>
    %dma_start3A_377 = arith.constant 0 : i32
    %dma_start3A_378 = tpu.memref_slice %arg4[%add3A_373, %dma_start3A_377] : memref<320x32400xf32, #tpu.memory_space<hbm>> -> memref<1x32400xf32, #tpu.memory_space<hbm>>
    %dma_start3A_379 = tpu.memref_squeeze %dma_start3A_378 : memref<1x32400xf32, #tpu.memory_space<hbm>> -> memref<32400xf32, #tpu.memory_space<hbm>>
    tpu.enqueue_dma source(%dma_start3A_379 : memref<32400xf32, #tpu.memory_space<hbm>>) target(%arg8 : memref<32400xf32, #tpu.memory_space<vmem>>) target_semaphore(%arg12 : memref<!tpu.dma_semaphore, #tpu.memory_space<semaphore_mem>>)
    %add3A_380 = arith.constant 32 : i32
    %add3A_381 = arith.addi %add3A_365, %add3A_380 : i32
    %dma_start3A_382 = arith.constant 0 : i32
    %dma_start3A_383 = tpu.memref_slice %arg3[%add3A_381, %dma_start3A_382] : memref<320x12960xf32, #tpu.memory_space<hbm>> -> memref<1x12960xf32, #tpu.memory_space<hbm>>
    %dma_start3A_384 = tpu.memref_squeeze %dma_start3A_383 : memref<1x12960xf32, #tpu.memory_space<hbm>> -> memref<12960xf32, #tpu.memory_space<hbm>>
    %dma_start3A_385 = arith.constant 0 : i32
    %dma_start3A_386 = tpu.memref_slice %arg3[%add3A_381, %dma_start3A_385] : memref<320x12960xf32, #tpu.memory_space<hbm>> -> memref<1x12960xf32, #tpu.memory_space<hbm>>
    %dma_start3A_387 = tpu.memref_squeeze %dma_start3A_386 : memref<1x12960xf32, #tpu.memory_space<hbm>> -> memref<12960xf32, #tpu.memory_space<hbm>>
    tpu.enqueue_dma source(%dma_start3A_387 : memref<12960xf32, #tpu.memory_space<hbm>>) target(%arg10 : memref<12960xf32, #tpu.memory_space<vmem>>) target_semaphore(%arg14 : memref<!tpu.dma_semaphore, #tpu.memory_space<semaphore_mem>>)
    %dma_wait3A_388 = arith.constant 0 : i32
    %dma_wait3A_389 = tpu.memref_slice %arg4[%add3A_328, %dma_wait3A_388] : memref<320x32400xf32, #tpu.memory_space<hbm>> -> memref<1x32400xf32, #tpu.memory_space<hbm>>
    %dma_wait3A_390 = tpu.memref_squeeze %dma_wait3A_389 : memref<1x32400xf32, #tpu.memory_space<hbm>> -> memref<32400xf32, #tpu.memory_space<hbm>>
    %dma_wait3A_391 = arith.constant 0 : i32
    %dma_wait3A_392 = tpu.memref_slice %arg4[%add3A_328, %dma_wait3A_391] : memref<320x32400xf32, #tpu.memory_space<hbm>> -> memref<1x32400xf32, #tpu.memory_space<hbm>>
    %dma_wait3A_393 = tpu.memref_squeeze %dma_wait3A_392 : memref<1x32400xf32, #tpu.memory_space<hbm>> -> memref<32400xf32, #tpu.memory_space<hbm>>
    tpu.wait_dma2 semaphore(%arg11 : memref<!tpu.dma_semaphore, #tpu.memory_space<semaphore_mem>>) src(%dma_wait3A_393 : memref<32400xf32, #tpu.memory_space<hbm>>) dst(%arg7 : memref<32400xf32, #tpu.memory_space<vmem>>)
    %dma_wait3A_394 = arith.constant 0 : i32
    %dma_wait3A_395 = tpu.memref_slice %arg3[%add3A_336, %dma_wait3A_394] : memref<320x12960xf32, #tpu.memory_space<hbm>> -> memref<1x12960xf32, #tpu.memory_space<hbm>>
    %dma_wait3A_396 = tpu.memref_squeeze %dma_wait3A_395 : memref<1x12960xf32, #tpu.memory_space<hbm>> -> memref<12960xf32, #tpu.memory_space<hbm>>
    %dma_wait3A_397 = arith.constant 0 : i32
    %dma_wait3A_398 = tpu.memref_slice %arg3[%add3A_336, %dma_wait3A_397] : memref<320x12960xf32, #tpu.memory_space<hbm>> -> memref<1x12960xf32, #tpu.memory_space<hbm>>
    %dma_wait3A_399 = tpu.memref_squeeze %dma_wait3A_398 : memref<1x12960xf32, #tpu.memory_space<hbm>> -> memref<12960xf32, #tpu.memory_space<hbm>>
    tpu.wait_dma2 semaphore(%arg13 : memref<!tpu.dma_semaphore, #tpu.memory_space<semaphore_mem>>) src(%dma_wait3A_399 : memref<12960xf32, #tpu.memory_space<hbm>>) dst(%arg9 : memref<12960xf32, #tpu.memory_space<vmem>>)
    %parallel_loop3A_400 = arith.constant 0 : i32
    %parallel_loop3A_401 = arith.constant 810 : i32
    %parallel_loop3A_402 = arith.constant 1 : i32
    scf.for %parallel_loop3A_444 = %parallel_loop3A_400 to %parallel_loop3A_401 step %parallel_loop3A_402  : i32 {
      %parallel_loop3A_445 = arith.constant 16 : i32
      %parallel_loop3A_446 = arith.muli %parallel_loop3A_444, %parallel_loop3A_445 : i32
      %parallel_loop3A_447 = arith.index_cast %parallel_loop3A_446 : i32 to index
      %parallel_loop3A_448 = tpu.vector_load %arg6[%parallel_loop3A_447] {strides = array<i32>} : memref<12960xi32, #tpu.memory_space<vmem>>, vector<16xi32>,
      %parallel_loop3A_449 = arith.index_cast %parallel_loop3A_446 : i32 to index
      %parallel_loop3A_450 = tpu.vector_load %arg9[%parallel_loop3A_449] {strides = array<i32>} : memref<12960xf32, #tpu.memory_space<vmem>>, vector<16xf32>,
      tpu.vector_store_idx %arg7[%parallel_loop3A_448], %parallel_loop3A_450 {add = true} : memref<32400xf32, #tpu.memory_space<vmem>>[vector<16xi32>], vector<16xf32>,
    } {sc.loop_unroll_factor = 8 : i64, sc.parallel_access}
    %dma_start3A_403 = arith.constant 0 : i32
    %dma_start3A_404 = tpu.memref_slice %arg5[%add3A_365, %dma_start3A_403] : memref<320x32400xf32, #tpu.memory_space<hbm>> -> memref<1x32400xf32, #tpu.memory_space<hbm>>
    %dma_start3A_405 = tpu.memref_squeeze %dma_start3A_404 : memref<1x32400xf32, #tpu.memory_space<hbm>> -> memref<32400xf32, #tpu.memory_space<hbm>>
    %dma_start3A_406 = arith.constant 0 : i32
    %dma_start3A_407 = tpu.memref_slice %arg5[%add3A_365, %dma_start3A_406] : memref<320x32400xf32, #tpu.memory_space<hbm>> -> memref<1x32400xf32, #tpu.memory_space<hbm>>
    %dma_start3A_408 = tpu.memref_squeeze %dma_start3A_407 : memref<1x32400xf32, #tpu.memory_space<hbm>> -> memref<32400xf32, #tpu.memory_space<hbm>>
    tpu.enqueue_dma source(%arg7 : memref<32400xf32, #tpu.memory_space<vmem>>) target(%dma_start3A_408 : memref<32400xf32, #tpu.memory_space<hbm>>) target_semaphore(%arg15 : memref<!tpu.dma_semaphore, #tpu.memory_space<semaphore_mem>>)
    %add3A_409 = arith.constant 288 : i32
    %add3A_410 = arith.addi %add3A, %add3A_409 : i32
    %dma_wait3A_411 = arith.constant 0 : i32
    %dma_wait3A_412 = tpu.memref_slice %arg4[%add3A_373, %dma_wait3A_411] : memref<320x32400xf32, #tpu.memory_space<hbm>> -> memref<1x32400xf32, #tpu.memory_space<hbm>>
    %dma_wait3A_413 = tpu.memref_squeeze %dma_wait3A_412 : memref<1x32400xf32, #tpu.memory_space<hbm>> -> memref<32400xf32, #tpu.memory_space<hbm>>
    %dma_wait3A_414 = arith.constant 0 : i32
    %dma_wait3A_415 = tpu.memref_slice %arg4[%add3A_373, %dma_wait3A_414] : memref<320x32400xf32, #tpu.memory_space<hbm>> -> memref<1x32400xf32, #tpu.memory_space<hbm>>
    %dma_wait3A_416 = tpu.memref_squeeze %dma_wait3A_415 : memref<1x32400xf32, #tpu.memory_space<hbm>> -> memref<32400xf32, #tpu.memory_space<hbm>>
    tpu.wait_dma2 semaphore(%arg12 : memref<!tpu.dma_semaphore, #tpu.memory_space<semaphore_mem>>) src(%dma_wait3A_416 : memref<32400xf32, #tpu.memory_space<hbm>>) dst(%arg8 : memref<32400xf32, #tpu.memory_space<vmem>>)
    %dma_wait3A_417 = arith.constant 0 : i32
    %dma_wait3A_418 = tpu.memref_slice %arg3[%add3A_381, %dma_wait3A_417] : memref<320x12960xf32, #tpu.memory_space<hbm>> -> memref<1x12960xf32, #tpu.memory_space<hbm>>
    %dma_wait3A_419 = tpu.memref_squeeze %dma_wait3A_418 : memref<1x12960xf32, #tpu.memory_space<hbm>> -> memref<12960xf32, #tpu.memory_space<hbm>>
    %dma_wait3A_420 = arith.constant 0 : i32
    %dma_wait3A_421 = tpu.memref_slice %arg3[%add3A_381, %dma_wait3A_420] : memref<320x12960xf32, #tpu.memory_space<hbm>> -> memref<1x12960xf32, #tpu.memory_space<hbm>>
    %dma_wait3A_422 = tpu.memref_squeeze %dma_wait3A_421 : memref<1x12960xf32, #tpu.memory_space<hbm>> -> memref<12960xf32, #tpu.memory_space<hbm>>
    tpu.wait_dma2 semaphore(%arg14 : memref<!tpu.dma_semaphore, #tpu.memory_space<semaphore_mem>>) src(%dma_wait3A_422 : memref<12960xf32, #tpu.memory_space<hbm>>) dst(%arg10 : memref<12960xf32, #tpu.memory_space<vmem>>)
    %parallel_loop3A_423 = arith.constant 0 : i32
    %parallel_loop3A_424 = arith.constant 810 : i32
    %parallel_loop3A_425 = arith.constant 1 : i32
    scf.for %parallel_loop3A_444 = %parallel_loop3A_423 to %parallel_loop3A_424 step %parallel_loop3A_425  : i32 {
      %parallel_loop3A_445 = arith.constant 16 : i32
      %parallel_loop3A_446 = arith.muli %parallel_loop3A_444, %parallel_loop3A_445 : i32
      %parallel_loop3A_447 = arith.index_cast %parallel_loop3A_446 : i32 to index
      %parallel_loop3A_448 = tpu.vector_load %arg6[%parallel_loop3A_447] {strides = array<i32>} : memref<12960xi32, #tpu.memory_space<vmem>>, vector<16xi32>,
      %parallel_loop3A_449 = arith.index_cast %parallel_loop3A_446 : i32 to index
      %parallel_loop3A_450 = tpu.vector_load %arg10[%parallel_loop3A_449] {strides = array<i32>} : memref<12960xf32, #tpu.memory_space<vmem>>, vector<16xf32>,
      tpu.vector_store_idx %arg8[%parallel_loop3A_448], %parallel_loop3A_450 {add = true} : memref<32400xf32, #tpu.memory_space<vmem>>[vector<16xi32>], vector<16xf32>,
    } {sc.loop_unroll_factor = 8 : i64, sc.parallel_access}
    %dma_start3A_426 = arith.constant 0 : i32
    %dma_start3A_427 = tpu.memref_slice %arg5[%add3A_410, %dma_start3A_426] : memref<320x32400xf32, #tpu.memory_space<hbm>> -> memref<1x32400xf32, #tpu.memory_space<hbm>>
    %dma_start3A_428 = tpu.memref_squeeze %dma_start3A_427 : memref<1x32400xf32, #tpu.memory_space<hbm>> -> memref<32400xf32, #tpu.memory_space<hbm>>
    %dma_start3A_429 = arith.constant 0 : i32
    %dma_start3A_430 = tpu.memref_slice %arg5[%add3A_410, %dma_start3A_429] : memref<320x32400xf32, #tpu.memory_space<hbm>> -> memref<1x32400xf32, #tpu.memory_space<hbm>>
    %dma_start3A_431 = tpu.memref_squeeze %dma_start3A_430 : memref<1x32400xf32, #tpu.memory_space<hbm>> -> memref<32400xf32, #tpu.memory_space<hbm>>
    tpu.enqueue_dma source(%arg8 : memref<32400xf32, #tpu.memory_space<vmem>>) target(%dma_start3A_431 : memref<32400xf32, #tpu.memory_space<hbm>>) target_semaphore(%arg16 : memref<!tpu.dma_semaphore, #tpu.memory_space<semaphore_mem>>)
    %dma_wait3A_432 = arith.constant 0 : i32
    %dma_wait3A_433 = tpu.memref_slice %arg5[%add3A_365, %dma_wait3A_432] : memref<320x32400xf32, #tpu.memory_space<hbm>> -> memref<1x32400xf32, #tpu.memory_space<hbm>>
    %dma_wait3A_434 = tpu.memref_squeeze %dma_wait3A_433 : memref<1x32400xf32, #tpu.memory_space<hbm>> -> memref<32400xf32, #tpu.memory_space<hbm>>
    %dma_wait3A_435 = arith.constant 0 : i32
    %dma_wait3A_436 = tpu.memref_slice %arg5[%add3A_365, %dma_wait3A_435] : memref<320x32400xf32, #tpu.memory_space<hbm>> -> memref<1x32400xf32, #tpu.memory_space<hbm>>
    %dma_wait3A_437 = tpu.memref_squeeze %dma_wait3A_436 : memref<1x32400xf32, #tpu.memory_space<hbm>> -> memref<32400xf32, #tpu.memory_space<hbm>>
    tpu.wait_dma2 semaphore(%arg15 : memref<!tpu.dma_semaphore, #tpu.memory_space<semaphore_mem>>) src(%arg7 : memref<32400xf32, #tpu.memory_space<vmem>>) dst(%dma_wait3A_437 : memref<32400xf32, #tpu.memory_space<hbm>>)
    %dma_wait3A_438 = arith.constant 0 : i32
    %dma_wait3A_439 = tpu.memref_slice %arg5[%add3A_410, %dma_wait3A_438] : memref<320x32400xf32, #tpu.memory_space<hbm>> -> memref<1x32400xf32, #tpu.memory_space<hbm>>
    %dma_wait3A_440 = tpu.memref_squeeze %dma_wait3A_439 : memref<1x32400xf32, #tpu.memory_space<hbm>> -> memref<32400xf32, #tpu.memory_space<hbm>>
    %dma_wait3A_441 = arith.constant 0 : i32
    %dma_wait3A_442 = tpu.memref_slice %arg5[%add3A_410, %dma_wait3A_441] : memref<320x32400xf32, #tpu.memory_space<hbm>> -> memref<1x32400xf32, #tpu.memory_space<hbm>>
    %dma_wait3A_443 = tpu.memref_squeeze %dma_wait3A_442 : memref<1x32400xf32, #tpu.memory_space<hbm>> -> memref<32400xf32, #tpu.memory_space<hbm>>
    tpu.wait_dma2 semaphore(%arg16 : memref<!tpu.dma_semaphore, #tpu.memory_space<semaphore_mem>>) src(%arg8 : memref<32400xf32, #tpu.memory_space<vmem>>) dst(%dma_wait3A_443 : memref<32400xf32, #tpu.memory_space<hbm>>)
    return
  }
}

module attributes {stable_mosaic.version = 14 : i64} {
  func.func @_bitonic_body(%arg0: memref<256x128xf32, #tpu.memory_space<vmem>>, %arg1: memref<256x128xi32, #tpu.memory_space<vmem>>) attributes {dimension_semantics = [], scalar_prefetch = 0 : i64, scratch_operands = 0 : i64, tpu.core_type = #tpu.core_type<tc>} {
    %get3A = arith.constant 0 : index
    %get3A_0 = arith.constant 0 : index
    %get3A_1 = vector.load %arg0[%get3A, %get3A_0] : memref<256x128xf32, #tpu.memory_space<vmem>>, vector<256x128xf32>
    %iota3A = tpu.iota {dimensions = array<i32: 0>} : vector<256x128xi32>
    %mul3A = arith.constant 128 : i32
    %mul3A_2 = vector.broadcast %mul3A : i32 to vector<256x128xi32>
    %mul3A_3 = arith.muli %iota3A, %mul3A_2 : vector<256x128xi32>
    %iota3A_4 = tpu.iota {dimensions = array<i32: 1>} : vector<256x128xi32>
    %add3A = arith.addi %mul3A_3, %iota3A_4 : vector<256x128xi32>
    %iota3A_5 = tpu.iota {dimensions = array<i32: 1>} : vector<256x128xi32>
    %iota3A_6 = tpu.iota {dimensions = array<i32: 0>} : vector<256x128xi32>
    %and3A = arith.constant 1 : i32
    %and3A_7 = vector.broadcast %and3A : i32 to vector<256x128xi32>
    %and3A_8 = arith.andi %iota3A_5, %and3A_7 : vector<256x128xi32>
    %ne3A = arith.constant 0 : i32
    %ne3A_9 = vector.broadcast %ne3A : i32 to vector<256x128xi32>
    %ne3A_10 = arith.cmpi ne, %and3A_8, %ne3A_9 : vector<256x128xi32>
    %and3A_11 = arith.constant 2 : i32
    %and3A_12 = vector.broadcast %and3A_11 : i32 to vector<256x128xi32>
    %and3A_13 = arith.andi %iota3A_5, %and3A_12 : vector<256x128xi32>
    %ne3A_14 = arith.constant 0 : i32
    %ne3A_15 = vector.broadcast %ne3A_14 : i32 to vector<256x128xi32>
    %ne3A_16 = arith.cmpi ne, %and3A_13, %ne3A_15 : vector<256x128xi32>
    %not3A = arith.constant dense<true> : vector<256x128xi1>
    %not3A_17 = arith.xori %ne3A_16, %not3A : vector<256x128xi1>
    %roll3A = arith.constant 1 : i32
    %roll3A_18 = tpu.dynamic_rotate %get3A_1 by %roll3A dim 1 : vector<256x128xf32>, i32 -> vector<256x128xf32>
    %roll3A_19 = arith.constant 127 : i32
    %roll3A_20 = tpu.dynamic_rotate %get3A_1 by %roll3A_19 dim 1 : vector<256x128xf32>, i32 -> vector<256x128xf32>
    %select_n3A = arith.select %ne3A_10, %roll3A_18, %roll3A_20 : vector<256x128xi1>, vector<256x128xf32>
    %roll3A_21 = arith.constant 1 : i32
    %roll3A_22 = tpu.dynamic_rotate %add3A by %roll3A_21 dim 1 : vector<256x128xi32>, i32 -> vector<256x128xi32>
    %roll3A_23 = arith.constant 127 : i32
    %roll3A_24 = tpu.dynamic_rotate %add3A by %roll3A_23 dim 1 : vector<256x128xi32>, i32 -> vector<256x128xi32>
    %select_n3A_25 = arith.select %ne3A_10, %roll3A_22, %roll3A_24 : vector<256x128xi1>, vector<256x128xi32>
    %gt3A = arith.cmpf ogt, %get3A_1, %select_n3A : vector<256x128xf32>
    %eq3A = arith.cmpf oeq, %get3A_1, %select_n3A : vector<256x128xf32>
    %lt3A = arith.cmpi slt, %add3A, %select_n3A_25 : vector<256x128xi32>
    %and3A_26 = arith.andi %eq3A, %lt3A : vector<256x128xi1>
    %or3A = arith.ori %gt3A, %and3A_26 : vector<256x128xi1>
    %xor3A = arith.xori %or3A, %ne3A_10 : vector<256x128xi1>
    %not3A_27 = arith.constant dense<true> : vector<256x128xi1>
    %not3A_28 = arith.xori %not3A_17, %not3A_27 : vector<256x128xi1>
    %xor3A_29 = arith.xori %xor3A, %not3A_28 : vector<256x128xi1>
    %select_n3A_30 = arith.select %xor3A_29, %get3A_1, %select_n3A : vector<256x128xi1>, vector<256x128xf32>
    %select_n3A_31 = arith.select %xor3A_29, %add3A, %select_n3A_25 : vector<256x128xi1>, vector<256x128xi32>
    %and3A_32 = arith.constant 2 : i32
    %and3A_33 = vector.broadcast %and3A_32 : i32 to vector<256x128xi32>
    %and3A_34 = arith.andi %iota3A_5, %and3A_33 : vector<256x128xi32>
    %ne3A_35 = arith.constant 0 : i32
    %ne3A_36 = vector.broadcast %ne3A_35 : i32 to vector<256x128xi32>
    %ne3A_37 = arith.cmpi ne, %and3A_34, %ne3A_36 : vector<256x128xi32>
    %and3A_38 = arith.constant 4 : i32
    %and3A_39 = vector.broadcast %and3A_38 : i32 to vector<256x128xi32>
    %and3A_40 = arith.andi %iota3A_5, %and3A_39 : vector<256x128xi32>
    %ne3A_41 = arith.constant 0 : i32
    %ne3A_42 = vector.broadcast %ne3A_41 : i32 to vector<256x128xi32>
    %ne3A_43 = arith.cmpi ne, %and3A_40, %ne3A_42 : vector<256x128xi32>
    %not3A_44 = arith.constant dense<true> : vector<256x128xi1>
    %not3A_45 = arith.xori %ne3A_43, %not3A_44 : vector<256x128xi1>
    %roll3A_46 = arith.constant 2 : i32
    %roll3A_47 = tpu.dynamic_rotate %select_n3A_30 by %roll3A_46 dim 1 : vector<256x128xf32>, i32 -> vector<256x128xf32>
    %roll3A_48 = arith.constant 126 : i32
    %roll3A_49 = tpu.dynamic_rotate %select_n3A_30 by %roll3A_48 dim 1 : vector<256x128xf32>, i32 -> vector<256x128xf32>
    %select_n3A_50 = arith.select %ne3A_37, %roll3A_47, %roll3A_49 : vector<256x128xi1>, vector<256x128xf32>
    %roll3A_51 = arith.constant 2 : i32
    %roll3A_52 = tpu.dynamic_rotate %select_n3A_31 by %roll3A_51 dim 1 : vector<256x128xi32>, i32 -> vector<256x128xi32>
    %roll3A_53 = arith.constant 126 : i32
    %roll3A_54 = tpu.dynamic_rotate %select_n3A_31 by %roll3A_53 dim 1 : vector<256x128xi32>, i32 -> vector<256x128xi32>
    %select_n3A_55 = arith.select %ne3A_37, %roll3A_52, %roll3A_54 : vector<256x128xi1>, vector<256x128xi32>
    %gt3A_56 = arith.cmpf ogt, %select_n3A_30, %select_n3A_50 : vector<256x128xf32>
    %eq3A_57 = arith.cmpf oeq, %select_n3A_30, %select_n3A_50 : vector<256x128xf32>
    %lt3A_58 = arith.cmpi slt, %select_n3A_31, %select_n3A_55 : vector<256x128xi32>
    %and3A_59 = arith.andi %eq3A_57, %lt3A_58 : vector<256x128xi1>
    %or3A_60 = arith.ori %gt3A_56, %and3A_59 : vector<256x128xi1>
    %xor3A_61 = arith.xori %or3A_60, %ne3A_37 : vector<256x128xi1>
    %not3A_62 = arith.constant dense<true> : vector<256x128xi1>
    %not3A_63 = arith.xori %not3A_45, %not3A_62 : vector<256x128xi1>
    %xor3A_64 = arith.xori %xor3A_61, %not3A_63 : vector<256x128xi1>
    %select_n3A_65 = arith.select %xor3A_64, %select_n3A_30, %select_n3A_50 : vector<256x128xi1>, vector<256x128xf32>
    %select_n3A_66 = arith.select %xor3A_64, %select_n3A_31, %select_n3A_55 : vector<256x128xi1>, vector<256x128xi32>
    %and3A_67 = arith.constant 1 : i32
    %and3A_68 = vector.broadcast %and3A_67 : i32 to vector<256x128xi32>
    %and3A_69 = arith.andi %iota3A_5, %and3A_68 : vector<256x128xi32>
    %ne3A_70 = arith.constant 0 : i32
    %ne3A_71 = vector.broadcast %ne3A_70 : i32 to vector<256x128xi32>
    %ne3A_72 = arith.cmpi ne, %and3A_69, %ne3A_71 : vector<256x128xi32>
    %and3A_73 = arith.constant 4 : i32
    %and3A_74 = vector.broadcast %and3A_73 : i32 to vector<256x128xi32>
    %and3A_75 = arith.andi %iota3A_5, %and3A_74 : vector<256x128xi32>
    %ne3A_76 = arith.constant 0 : i32
    %ne3A_77 = vector.broadcast %ne3A_76 : i32 to vector<256x128xi32>
    %ne3A_78 = arith.cmpi ne, %and3A_75, %ne3A_77 : vector<256x128xi32>
    %not3A_79 = arith.constant dense<true> : vector<256x128xi1>
    %not3A_80 = arith.xori %ne3A_78, %not3A_79 : vector<256x128xi1>
    %roll3A_81 = arith.constant 1 : i32
    %roll3A_82 = tpu.dynamic_rotate %select_n3A_65 by %roll3A_81 dim 1 : vector<256x128xf32>, i32 -> vector<256x128xf32>
    %roll3A_83 = arith.constant 127 : i32
    %roll3A_84 = tpu.dynamic_rotate %select_n3A_65 by %roll3A_83 dim 1 : vector<256x128xf32>, i32 -> vector<256x128xf32>
    %select_n3A_85 = arith.select %ne3A_72, %roll3A_82, %roll3A_84 : vector<256x128xi1>, vector<256x128xf32>
    %roll3A_86 = arith.constant 1 : i32
    %roll3A_87 = tpu.dynamic_rotate %select_n3A_66 by %roll3A_86 dim 1 : vector<256x128xi32>, i32 -> vector<256x128xi32>
    %roll3A_88 = arith.constant 127 : i32
    %roll3A_89 = tpu.dynamic_rotate %select_n3A_66 by %roll3A_88 dim 1 : vector<256x128xi32>, i32 -> vector<256x128xi32>
    %select_n3A_90 = arith.select %ne3A_72, %roll3A_87, %roll3A_89 : vector<256x128xi1>, vector<256x128xi32>
    %gt3A_91 = arith.cmpf ogt, %select_n3A_65, %select_n3A_85 : vector<256x128xf32>
    %eq3A_92 = arith.cmpf oeq, %select_n3A_65, %select_n3A_85 : vector<256x128xf32>
    %lt3A_93 = arith.cmpi slt, %select_n3A_66, %select_n3A_90 : vector<256x128xi32>
    %and3A_94 = arith.andi %eq3A_92, %lt3A_93 : vector<256x128xi1>
    %or3A_95 = arith.ori %gt3A_91, %and3A_94 : vector<256x128xi1>
    %xor3A_96 = arith.xori %or3A_95, %ne3A_72 : vector<256x128xi1>
    %not3A_97 = arith.constant dense<true> : vector<256x128xi1>
    %not3A_98 = arith.xori %not3A_80, %not3A_97 : vector<256x128xi1>
    %xor3A_99 = arith.xori %xor3A_96, %not3A_98 : vector<256x128xi1>
    %select_n3A_100 = arith.select %xor3A_99, %select_n3A_65, %select_n3A_85 : vector<256x128xi1>, vector<256x128xf32>
    %select_n3A_101 = arith.select %xor3A_99, %select_n3A_66, %select_n3A_90 : vector<256x128xi1>, vector<256x128xi32>
    %and3A_102 = arith.constant 4 : i32
    %and3A_103 = vector.broadcast %and3A_102 : i32 to vector<256x128xi32>
    %and3A_104 = arith.andi %iota3A_5, %and3A_103 : vector<256x128xi32>
    %ne3A_105 = arith.constant 0 : i32
    %ne3A_106 = vector.broadcast %ne3A_105 : i32 to vector<256x128xi32>
    %ne3A_107 = arith.cmpi ne, %and3A_104, %ne3A_106 : vector<256x128xi32>
    %and3A_108 = arith.constant 8 : i32
    %and3A_109 = vector.broadcast %and3A_108 : i32 to vector<256x128xi32>
    %and3A_110 = arith.andi %iota3A_5, %and3A_109 : vector<256x128xi32>
    %ne3A_111 = arith.constant 0 : i32
    %ne3A_112 = vector.broadcast %ne3A_111 : i32 to vector<256x128xi32>
    %ne3A_113 = arith.cmpi ne, %and3A_110, %ne3A_112 : vector<256x128xi32>
    %not3A_114 = arith.constant dense<true> : vector<256x128xi1>
    %not3A_115 = arith.xori %ne3A_113, %not3A_114 : vector<256x128xi1>
    %roll3A_116 = arith.constant 4 : i32
    %roll3A_117 = tpu.dynamic_rotate %select_n3A_100 by %roll3A_116 dim 1 : vector<256x128xf32>, i32 -> vector<256x128xf32>
    %roll3A_118 = arith.constant 124 : i32
    %roll3A_119 = tpu.dynamic_rotate %select_n3A_100 by %roll3A_118 dim 1 : vector<256x128xf32>, i32 -> vector<256x128xf32>
    %select_n3A_120 = arith.select %ne3A_107, %roll3A_117, %roll3A_119 : vector<256x128xi1>, vector<256x128xf32>
    %roll3A_121 = arith.constant 4 : i32
    %roll3A_122 = tpu.dynamic_rotate %select_n3A_101 by %roll3A_121 dim 1 : vector<256x128xi32>, i32 -> vector<256x128xi32>
    %roll3A_123 = arith.constant 124 : i32
    %roll3A_124 = tpu.dynamic_rotate %select_n3A_101 by %roll3A_123 dim 1 : vector<256x128xi32>, i32 -> vector<256x128xi32>
    %select_n3A_125 = arith.select %ne3A_107, %roll3A_122, %roll3A_124 : vector<256x128xi1>, vector<256x128xi32>
    %gt3A_126 = arith.cmpf ogt, %select_n3A_100, %select_n3A_120 : vector<256x128xf32>
    %eq3A_127 = arith.cmpf oeq, %select_n3A_100, %select_n3A_120 : vector<256x128xf32>
    %lt3A_128 = arith.cmpi slt, %select_n3A_101, %select_n3A_125 : vector<256x128xi32>
    %and3A_129 = arith.andi %eq3A_127, %lt3A_128 : vector<256x128xi1>
    %or3A_130 = arith.ori %gt3A_126, %and3A_129 : vector<256x128xi1>
    %xor3A_131 = arith.xori %or3A_130, %ne3A_107 : vector<256x128xi1>
    %not3A_132 = arith.constant dense<true> : vector<256x128xi1>
    %not3A_133 = arith.xori %not3A_115, %not3A_132 : vector<256x128xi1>
    %xor3A_134 = arith.xori %xor3A_131, %not3A_133 : vector<256x128xi1>
    %select_n3A_135 = arith.select %xor3A_134, %select_n3A_100, %select_n3A_120 : vector<256x128xi1>, vector<256x128xf32>
    %select_n3A_136 = arith.select %xor3A_134, %select_n3A_101, %select_n3A_125 : vector<256x128xi1>, vector<256x128xi32>
    %and3A_137 = arith.constant 2 : i32
    %and3A_138 = vector.broadcast %and3A_137 : i32 to vector<256x128xi32>
    %and3A_139 = arith.andi %iota3A_5, %and3A_138 : vector<256x128xi32>
    %ne3A_140 = arith.constant 0 : i32
    %ne3A_141 = vector.broadcast %ne3A_140 : i32 to vector<256x128xi32>
    %ne3A_142 = arith.cmpi ne, %and3A_139, %ne3A_141 : vector<256x128xi32>
    %and3A_143 = arith.constant 8 : i32
    %and3A_144 = vector.broadcast %and3A_143 : i32 to vector<256x128xi32>
    %and3A_145 = arith.andi %iota3A_5, %and3A_144 : vector<256x128xi32>
    %ne3A_146 = arith.constant 0 : i32
    %ne3A_147 = vector.broadcast %ne3A_146 : i32 to vector<256x128xi32>
    %ne3A_148 = arith.cmpi ne, %and3A_145, %ne3A_147 : vector<256x128xi32>
    %not3A_149 = arith.constant dense<true> : vector<256x128xi1>
    %not3A_150 = arith.xori %ne3A_148, %not3A_149 : vector<256x128xi1>
    %roll3A_151 = arith.constant 2 : i32
    %roll3A_152 = tpu.dynamic_rotate %select_n3A_135 by %roll3A_151 dim 1 : vector<256x128xf32>, i32 -> vector<256x128xf32>
    %roll3A_153 = arith.constant 126 : i32
    %roll3A_154 = tpu.dynamic_rotate %select_n3A_135 by %roll3A_153 dim 1 : vector<256x128xf32>, i32 -> vector<256x128xf32>
    %select_n3A_155 = arith.select %ne3A_142, %roll3A_152, %roll3A_154 : vector<256x128xi1>, vector<256x128xf32>
    %roll3A_156 = arith.constant 2 : i32
    %roll3A_157 = tpu.dynamic_rotate %select_n3A_136 by %roll3A_156 dim 1 : vector<256x128xi32>, i32 -> vector<256x128xi32>
    %roll3A_158 = arith.constant 126 : i32
    %roll3A_159 = tpu.dynamic_rotate %select_n3A_136 by %roll3A_158 dim 1 : vector<256x128xi32>, i32 -> vector<256x128xi32>
    %select_n3A_160 = arith.select %ne3A_142, %roll3A_157, %roll3A_159 : vector<256x128xi1>, vector<256x128xi32>
    %gt3A_161 = arith.cmpf ogt, %select_n3A_135, %select_n3A_155 : vector<256x128xf32>
    %eq3A_162 = arith.cmpf oeq, %select_n3A_135, %select_n3A_155 : vector<256x128xf32>
    %lt3A_163 = arith.cmpi slt, %select_n3A_136, %select_n3A_160 : vector<256x128xi32>
    %and3A_164 = arith.andi %eq3A_162, %lt3A_163 : vector<256x128xi1>
    %or3A_165 = arith.ori %gt3A_161, %and3A_164 : vector<256x128xi1>
    %xor3A_166 = arith.xori %or3A_165, %ne3A_142 : vector<256x128xi1>
    %not3A_167 = arith.constant dense<true> : vector<256x128xi1>
    %not3A_168 = arith.xori %not3A_150, %not3A_167 : vector<256x128xi1>
    %xor3A_169 = arith.xori %xor3A_166, %not3A_168 : vector<256x128xi1>
    %select_n3A_170 = arith.select %xor3A_169, %select_n3A_135, %select_n3A_155 : vector<256x128xi1>, vector<256x128xf32>
    %select_n3A_171 = arith.select %xor3A_169, %select_n3A_136, %select_n3A_160 : vector<256x128xi1>, vector<256x128xi32>
    %and3A_172 = arith.constant 1 : i32
    %and3A_173 = vector.broadcast %and3A_172 : i32 to vector<256x128xi32>
    %and3A_174 = arith.andi %iota3A_5, %and3A_173 : vector<256x128xi32>
    %ne3A_175 = arith.constant 0 : i32
    %ne3A_176 = vector.broadcast %ne3A_175 : i32 to vector<256x128xi32>
    %ne3A_177 = arith.cmpi ne, %and3A_174, %ne3A_176 : vector<256x128xi32>
    %and3A_178 = arith.constant 8 : i32
    %and3A_179 = vector.broadcast %and3A_178 : i32 to vector<256x128xi32>
    %and3A_180 = arith.andi %iota3A_5, %and3A_179 : vector<256x128xi32>
    %ne3A_181 = arith.constant 0 : i32
    %ne3A_182 = vector.broadcast %ne3A_181 : i32 to vector<256x128xi32>
    %ne3A_183 = arith.cmpi ne, %and3A_180, %ne3A_182 : vector<256x128xi32>
    %not3A_184 = arith.constant dense<true> : vector<256x128xi1>
    %not3A_185 = arith.xori %ne3A_183, %not3A_184 : vector<256x128xi1>
    %roll3A_186 = arith.constant 1 : i32
    %roll3A_187 = tpu.dynamic_rotate %select_n3A_170 by %roll3A_186 dim 1 : vector<256x128xf32>, i32 -> vector<256x128xf32>
    %roll3A_188 = arith.constant 127 : i32
    %roll3A_189 = tpu.dynamic_rotate %select_n3A_170 by %roll3A_188 dim 1 : vector<256x128xf32>, i32 -> vector<256x128xf32>
    %select_n3A_190 = arith.select %ne3A_177, %roll3A_187, %roll3A_189 : vector<256x128xi1>, vector<256x128xf32>
    %roll3A_191 = arith.constant 1 : i32
    %roll3A_192 = tpu.dynamic_rotate %select_n3A_171 by %roll3A_191 dim 1 : vector<256x128xi32>, i32 -> vector<256x128xi32>
    %roll3A_193 = arith.constant 127 : i32
    %roll3A_194 = tpu.dynamic_rotate %select_n3A_171 by %roll3A_193 dim 1 : vector<256x128xi32>, i32 -> vector<256x128xi32>
    %select_n3A_195 = arith.select %ne3A_177, %roll3A_192, %roll3A_194 : vector<256x128xi1>, vector<256x128xi32>
    %gt3A_196 = arith.cmpf ogt, %select_n3A_170, %select_n3A_190 : vector<256x128xf32>
    %eq3A_197 = arith.cmpf oeq, %select_n3A_170, %select_n3A_190 : vector<256x128xf32>
    %lt3A_198 = arith.cmpi slt, %select_n3A_171, %select_n3A_195 : vector<256x128xi32>
    %and3A_199 = arith.andi %eq3A_197, %lt3A_198 : vector<256x128xi1>
    %or3A_200 = arith.ori %gt3A_196, %and3A_199 : vector<256x128xi1>
    %xor3A_201 = arith.xori %or3A_200, %ne3A_177 : vector<256x128xi1>
    %not3A_202 = arith.constant dense<true> : vector<256x128xi1>
    %not3A_203 = arith.xori %not3A_185, %not3A_202 : vector<256x128xi1>
    %xor3A_204 = arith.xori %xor3A_201, %not3A_203 : vector<256x128xi1>
    %select_n3A_205 = arith.select %xor3A_204, %select_n3A_170, %select_n3A_190 : vector<256x128xi1>, vector<256x128xf32>
    %select_n3A_206 = arith.select %xor3A_204, %select_n3A_171, %select_n3A_195 : vector<256x128xi1>, vector<256x128xi32>
    %and3A_207 = arith.constant 8 : i32
    %and3A_208 = vector.broadcast %and3A_207 : i32 to vector<256x128xi32>
    %and3A_209 = arith.andi %iota3A_5, %and3A_208 : vector<256x128xi32>
    %ne3A_210 = arith.constant 0 : i32
    %ne3A_211 = vector.broadcast %ne3A_210 : i32 to vector<256x128xi32>
    %ne3A_212 = arith.cmpi ne, %and3A_209, %ne3A_211 : vector<256x128xi32>
    %and3A_213 = arith.constant 16 : i32
    %and3A_214 = vector.broadcast %and3A_213 : i32 to vector<256x128xi32>
    %and3A_215 = arith.andi %iota3A_5, %and3A_214 : vector<256x128xi32>
    %ne3A_216 = arith.constant 0 : i32
    %ne3A_217 = vector.broadcast %ne3A_216 : i32 to vector<256x128xi32>
    %ne3A_218 = arith.cmpi ne, %and3A_215, %ne3A_217 : vector<256x128xi32>
    %not3A_219 = arith.constant dense<true> : vector<256x128xi1>
    %not3A_220 = arith.xori %ne3A_218, %not3A_219 : vector<256x128xi1>
    %roll3A_221 = arith.constant 8 : i32
    %roll3A_222 = tpu.dynamic_rotate %select_n3A_205 by %roll3A_221 dim 1 : vector<256x128xf32>, i32 -> vector<256x128xf32>
    %roll3A_223 = arith.constant 120 : i32
    %roll3A_224 = tpu.dynamic_rotate %select_n3A_205 by %roll3A_223 dim 1 : vector<256x128xf32>, i32 -> vector<256x128xf32>
    %select_n3A_225 = arith.select %ne3A_212, %roll3A_222, %roll3A_224 : vector<256x128xi1>, vector<256x128xf32>
    %roll3A_226 = arith.constant 8 : i32
    %roll3A_227 = tpu.dynamic_rotate %select_n3A_206 by %roll3A_226 dim 1 : vector<256x128xi32>, i32 -> vector<256x128xi32>
    %roll3A_228 = arith.constant 120 : i32
    %roll3A_229 = tpu.dynamic_rotate %select_n3A_206 by %roll3A_228 dim 1 : vector<256x128xi32>, i32 -> vector<256x128xi32>
    %select_n3A_230 = arith.select %ne3A_212, %roll3A_227, %roll3A_229 : vector<256x128xi1>, vector<256x128xi32>
    %gt3A_231 = arith.cmpf ogt, %select_n3A_205, %select_n3A_225 : vector<256x128xf32>
    %eq3A_232 = arith.cmpf oeq, %select_n3A_205, %select_n3A_225 : vector<256x128xf32>
    %lt3A_233 = arith.cmpi slt, %select_n3A_206, %select_n3A_230 : vector<256x128xi32>
    %and3A_234 = arith.andi %eq3A_232, %lt3A_233 : vector<256x128xi1>
    %or3A_235 = arith.ori %gt3A_231, %and3A_234 : vector<256x128xi1>
    %xor3A_236 = arith.xori %or3A_235, %ne3A_212 : vector<256x128xi1>
    %not3A_237 = arith.constant dense<true> : vector<256x128xi1>
    %not3A_238 = arith.xori %not3A_220, %not3A_237 : vector<256x128xi1>
    %xor3A_239 = arith.xori %xor3A_236, %not3A_238 : vector<256x128xi1>
    %select_n3A_240 = arith.select %xor3A_239, %select_n3A_205, %select_n3A_225 : vector<256x128xi1>, vector<256x128xf32>
    %select_n3A_241 = arith.select %xor3A_239, %select_n3A_206, %select_n3A_230 : vector<256x128xi1>, vector<256x128xi32>
    %and3A_242 = arith.constant 4 : i32
    %and3A_243 = vector.broadcast %and3A_242 : i32 to vector<256x128xi32>
    %and3A_244 = arith.andi %iota3A_5, %and3A_243 : vector<256x128xi32>
    %ne3A_245 = arith.constant 0 : i32
    %ne3A_246 = vector.broadcast %ne3A_245 : i32 to vector<256x128xi32>
    %ne3A_247 = arith.cmpi ne, %and3A_244, %ne3A_246 : vector<256x128xi32>
    %and3A_248 = arith.constant 16 : i32
    %and3A_249 = vector.broadcast %and3A_248 : i32 to vector<256x128xi32>
    %and3A_250 = arith.andi %iota3A_5, %and3A_249 : vector<256x128xi32>
    %ne3A_251 = arith.constant 0 : i32
    %ne3A_252 = vector.broadcast %ne3A_251 : i32 to vector<256x128xi32>
    %ne3A_253 = arith.cmpi ne, %and3A_250, %ne3A_252 : vector<256x128xi32>
    %not3A_254 = arith.constant dense<true> : vector<256x128xi1>
    %not3A_255 = arith.xori %ne3A_253, %not3A_254 : vector<256x128xi1>
    %roll3A_256 = arith.constant 4 : i32
    %roll3A_257 = tpu.dynamic_rotate %select_n3A_240 by %roll3A_256 dim 1 : vector<256x128xf32>, i32 -> vector<256x128xf32>
    %roll3A_258 = arith.constant 124 : i32
    %roll3A_259 = tpu.dynamic_rotate %select_n3A_240 by %roll3A_258 dim 1 : vector<256x128xf32>, i32 -> vector<256x128xf32>
    %select_n3A_260 = arith.select %ne3A_247, %roll3A_257, %roll3A_259 : vector<256x128xi1>, vector<256x128xf32>
    %roll3A_261 = arith.constant 4 : i32
    %roll3A_262 = tpu.dynamic_rotate %select_n3A_241 by %roll3A_261 dim 1 : vector<256x128xi32>, i32 -> vector<256x128xi32>
    %roll3A_263 = arith.constant 124 : i32
    %roll3A_264 = tpu.dynamic_rotate %select_n3A_241 by %roll3A_263 dim 1 : vector<256x128xi32>, i32 -> vector<256x128xi32>
    %select_n3A_265 = arith.select %ne3A_247, %roll3A_262, %roll3A_264 : vector<256x128xi1>, vector<256x128xi32>
    %gt3A_266 = arith.cmpf ogt, %select_n3A_240, %select_n3A_260 : vector<256x128xf32>
    %eq3A_267 = arith.cmpf oeq, %select_n3A_240, %select_n3A_260 : vector<256x128xf32>
    %lt3A_268 = arith.cmpi slt, %select_n3A_241, %select_n3A_265 : vector<256x128xi32>
    %and3A_269 = arith.andi %eq3A_267, %lt3A_268 : vector<256x128xi1>
    %or3A_270 = arith.ori %gt3A_266, %and3A_269 : vector<256x128xi1>
    %xor3A_271 = arith.xori %or3A_270, %ne3A_247 : vector<256x128xi1>
    %not3A_272 = arith.constant dense<true> : vector<256x128xi1>
    %not3A_273 = arith.xori %not3A_255, %not3A_272 : vector<256x128xi1>
    %xor3A_274 = arith.xori %xor3A_271, %not3A_273 : vector<256x128xi1>
    %select_n3A_275 = arith.select %xor3A_274, %select_n3A_240, %select_n3A_260 : vector<256x128xi1>, vector<256x128xf32>
    %select_n3A_276 = arith.select %xor3A_274, %select_n3A_241, %select_n3A_265 : vector<256x128xi1>, vector<256x128xi32>
    %and3A_277 = arith.constant 2 : i32
    %and3A_278 = vector.broadcast %and3A_277 : i32 to vector<256x128xi32>
    %and3A_279 = arith.andi %iota3A_5, %and3A_278 : vector<256x128xi32>
    %ne3A_280 = arith.constant 0 : i32
    %ne3A_281 = vector.broadcast %ne3A_280 : i32 to vector<256x128xi32>
    %ne3A_282 = arith.cmpi ne, %and3A_279, %ne3A_281 : vector<256x128xi32>
    %and3A_283 = arith.constant 16 : i32
    %and3A_284 = vector.broadcast %and3A_283 : i32 to vector<256x128xi32>
    %and3A_285 = arith.andi %iota3A_5, %and3A_284 : vector<256x128xi32>
    %ne3A_286 = arith.constant 0 : i32
    %ne3A_287 = vector.broadcast %ne3A_286 : i32 to vector<256x128xi32>
    %ne3A_288 = arith.cmpi ne, %and3A_285, %ne3A_287 : vector<256x128xi32>
    %not3A_289 = arith.constant dense<true> : vector<256x128xi1>
    %not3A_290 = arith.xori %ne3A_288, %not3A_289 : vector<256x128xi1>
    %roll3A_291 = arith.constant 2 : i32
    %roll3A_292 = tpu.dynamic_rotate %select_n3A_275 by %roll3A_291 dim 1 : vector<256x128xf32>, i32 -> vector<256x128xf32>
    %roll3A_293 = arith.constant 126 : i32
    %roll3A_294 = tpu.dynamic_rotate %select_n3A_275 by %roll3A_293 dim 1 : vector<256x128xf32>, i32 -> vector<256x128xf32>
    %select_n3A_295 = arith.select %ne3A_282, %roll3A_292, %roll3A_294 : vector<256x128xi1>, vector<256x128xf32>
    %roll3A_296 = arith.constant 2 : i32
    %roll3A_297 = tpu.dynamic_rotate %select_n3A_276 by %roll3A_296 dim 1 : vector<256x128xi32>, i32 -> vector<256x128xi32>
    %roll3A_298 = arith.constant 126 : i32
    %roll3A_299 = tpu.dynamic_rotate %select_n3A_276 by %roll3A_298 dim 1 : vector<256x128xi32>, i32 -> vector<256x128xi32>
    %select_n3A_300 = arith.select %ne3A_282, %roll3A_297, %roll3A_299 : vector<256x128xi1>, vector<256x128xi32>
    %gt3A_301 = arith.cmpf ogt, %select_n3A_275, %select_n3A_295 : vector<256x128xf32>
    %eq3A_302 = arith.cmpf oeq, %select_n3A_275, %select_n3A_295 : vector<256x128xf32>
    %lt3A_303 = arith.cmpi slt, %select_n3A_276, %select_n3A_300 : vector<256x128xi32>
    %and3A_304 = arith.andi %eq3A_302, %lt3A_303 : vector<256x128xi1>
    %or3A_305 = arith.ori %gt3A_301, %and3A_304 : vector<256x128xi1>
    %xor3A_306 = arith.xori %or3A_305, %ne3A_282 : vector<256x128xi1>
    %not3A_307 = arith.constant dense<true> : vector<256x128xi1>
    %not3A_308 = arith.xori %not3A_290, %not3A_307 : vector<256x128xi1>
    %xor3A_309 = arith.xori %xor3A_306, %not3A_308 : vector<256x128xi1>
    %select_n3A_310 = arith.select %xor3A_309, %select_n3A_275, %select_n3A_295 : vector<256x128xi1>, vector<256x128xf32>
    %select_n3A_311 = arith.select %xor3A_309, %select_n3A_276, %select_n3A_300 : vector<256x128xi1>, vector<256x128xi32>
    %and3A_312 = arith.constant 1 : i32
    %and3A_313 = vector.broadcast %and3A_312 : i32 to vector<256x128xi32>
    %and3A_314 = arith.andi %iota3A_5, %and3A_313 : vector<256x128xi32>
    %ne3A_315 = arith.constant 0 : i32
    %ne3A_316 = vector.broadcast %ne3A_315 : i32 to vector<256x128xi32>
    %ne3A_317 = arith.cmpi ne, %and3A_314, %ne3A_316 : vector<256x128xi32>
    %and3A_318 = arith.constant 16 : i32
    %and3A_319 = vector.broadcast %and3A_318 : i32 to vector<256x128xi32>
    %and3A_320 = arith.andi %iota3A_5, %and3A_319 : vector<256x128xi32>
    %ne3A_321 = arith.constant 0 : i32
    %ne3A_322 = vector.broadcast %ne3A_321 : i32 to vector<256x128xi32>
    %ne3A_323 = arith.cmpi ne, %and3A_320, %ne3A_322 : vector<256x128xi32>
    %not3A_324 = arith.constant dense<true> : vector<256x128xi1>
    %not3A_325 = arith.xori %ne3A_323, %not3A_324 : vector<256x128xi1>
    %roll3A_326 = arith.constant 1 : i32
    %roll3A_327 = tpu.dynamic_rotate %select_n3A_310 by %roll3A_326 dim 1 : vector<256x128xf32>, i32 -> vector<256x128xf32>
    %roll3A_328 = arith.constant 127 : i32
    %roll3A_329 = tpu.dynamic_rotate %select_n3A_310 by %roll3A_328 dim 1 : vector<256x128xf32>, i32 -> vector<256x128xf32>
    %select_n3A_330 = arith.select %ne3A_317, %roll3A_327, %roll3A_329 : vector<256x128xi1>, vector<256x128xf32>
    %roll3A_331 = arith.constant 1 : i32
    %roll3A_332 = tpu.dynamic_rotate %select_n3A_311 by %roll3A_331 dim 1 : vector<256x128xi32>, i32 -> vector<256x128xi32>
    %roll3A_333 = arith.constant 127 : i32
    %roll3A_334 = tpu.dynamic_rotate %select_n3A_311 by %roll3A_333 dim 1 : vector<256x128xi32>, i32 -> vector<256x128xi32>
    %select_n3A_335 = arith.select %ne3A_317, %roll3A_332, %roll3A_334 : vector<256x128xi1>, vector<256x128xi32>
    %gt3A_336 = arith.cmpf ogt, %select_n3A_310, %select_n3A_330 : vector<256x128xf32>
    %eq3A_337 = arith.cmpf oeq, %select_n3A_310, %select_n3A_330 : vector<256x128xf32>
    %lt3A_338 = arith.cmpi slt, %select_n3A_311, %select_n3A_335 : vector<256x128xi32>
    %and3A_339 = arith.andi %eq3A_337, %lt3A_338 : vector<256x128xi1>
    %or3A_340 = arith.ori %gt3A_336, %and3A_339 : vector<256x128xi1>
    %xor3A_341 = arith.xori %or3A_340, %ne3A_317 : vector<256x128xi1>
    %not3A_342 = arith.constant dense<true> : vector<256x128xi1>
    %not3A_343 = arith.xori %not3A_325, %not3A_342 : vector<256x128xi1>
    %xor3A_344 = arith.xori %xor3A_341, %not3A_343 : vector<256x128xi1>
    %select_n3A_345 = arith.select %xor3A_344, %select_n3A_310, %select_n3A_330 : vector<256x128xi1>, vector<256x128xf32>
    %select_n3A_346 = arith.select %xor3A_344, %select_n3A_311, %select_n3A_335 : vector<256x128xi1>, vector<256x128xi32>
    %and3A_347 = arith.constant 16 : i32
    %and3A_348 = vector.broadcast %and3A_347 : i32 to vector<256x128xi32>
    %and3A_349 = arith.andi %iota3A_5, %and3A_348 : vector<256x128xi32>
    %ne3A_350 = arith.constant 0 : i32
    %ne3A_351 = vector.broadcast %ne3A_350 : i32 to vector<256x128xi32>
    %ne3A_352 = arith.cmpi ne, %and3A_349, %ne3A_351 : vector<256x128xi32>
    %and3A_353 = arith.constant 32 : i32
    %and3A_354 = vector.broadcast %and3A_353 : i32 to vector<256x128xi32>
    %and3A_355 = arith.andi %iota3A_5, %and3A_354 : vector<256x128xi32>
    %ne3A_356 = arith.constant 0 : i32
    %ne3A_357 = vector.broadcast %ne3A_356 : i32 to vector<256x128xi32>
    %ne3A_358 = arith.cmpi ne, %and3A_355, %ne3A_357 : vector<256x128xi32>
    %not3A_359 = arith.constant dense<true> : vector<256x128xi1>
    %not3A_360 = arith.xori %ne3A_358, %not3A_359 : vector<256x128xi1>
    %roll3A_361 = arith.constant 16 : i32
    %roll3A_362 = tpu.dynamic_rotate %select_n3A_345 by %roll3A_361 dim 1 : vector<256x128xf32>, i32 -> vector<256x128xf32>
    %roll3A_363 = arith.constant 112 : i32
    %roll3A_364 = tpu.dynamic_rotate %select_n3A_345 by %roll3A_363 dim 1 : vector<256x128xf32>, i32 -> vector<256x128xf32>
    %select_n3A_365 = arith.select %ne3A_352, %roll3A_362, %roll3A_364 : vector<256x128xi1>, vector<256x128xf32>
    %roll3A_366 = arith.constant 16 : i32
    %roll3A_367 = tpu.dynamic_rotate %select_n3A_346 by %roll3A_366 dim 1 : vector<256x128xi32>, i32 -> vector<256x128xi32>
    %roll3A_368 = arith.constant 112 : i32
    %roll3A_369 = tpu.dynamic_rotate %select_n3A_346 by %roll3A_368 dim 1 : vector<256x128xi32>, i32 -> vector<256x128xi32>
    %select_n3A_370 = arith.select %ne3A_352, %roll3A_367, %roll3A_369 : vector<256x128xi1>, vector<256x128xi32>
    %gt3A_371 = arith.cmpf ogt, %select_n3A_345, %select_n3A_365 : vector<256x128xf32>
    %eq3A_372 = arith.cmpf oeq, %select_n3A_345, %select_n3A_365 : vector<256x128xf32>
    %lt3A_373 = arith.cmpi slt, %select_n3A_346, %select_n3A_370 : vector<256x128xi32>
    %and3A_374 = arith.andi %eq3A_372, %lt3A_373 : vector<256x128xi1>
    %or3A_375 = arith.ori %gt3A_371, %and3A_374 : vector<256x128xi1>
    %xor3A_376 = arith.xori %or3A_375, %ne3A_352 : vector<256x128xi1>
    %not3A_377 = arith.constant dense<true> : vector<256x128xi1>
    %not3A_378 = arith.xori %not3A_360, %not3A_377 : vector<256x128xi1>
    %xor3A_379 = arith.xori %xor3A_376, %not3A_378 : vector<256x128xi1>
    %select_n3A_380 = arith.select %xor3A_379, %select_n3A_345, %select_n3A_365 : vector<256x128xi1>, vector<256x128xf32>
    %select_n3A_381 = arith.select %xor3A_379, %select_n3A_346, %select_n3A_370 : vector<256x128xi1>, vector<256x128xi32>
    %and3A_382 = arith.constant 8 : i32
    %and3A_383 = vector.broadcast %and3A_382 : i32 to vector<256x128xi32>
    %and3A_384 = arith.andi %iota3A_5, %and3A_383 : vector<256x128xi32>
    %ne3A_385 = arith.constant 0 : i32
    %ne3A_386 = vector.broadcast %ne3A_385 : i32 to vector<256x128xi32>
    %ne3A_387 = arith.cmpi ne, %and3A_384, %ne3A_386 : vector<256x128xi32>
    %and3A_388 = arith.constant 32 : i32
    %and3A_389 = vector.broadcast %and3A_388 : i32 to vector<256x128xi32>
    %and3A_390 = arith.andi %iota3A_5, %and3A_389 : vector<256x128xi32>
    %ne3A_391 = arith.constant 0 : i32
    %ne3A_392 = vector.broadcast %ne3A_391 : i32 to vector<256x128xi32>
    %ne3A_393 = arith.cmpi ne, %and3A_390, %ne3A_392 : vector<256x128xi32>
    %not3A_394 = arith.constant dense<true> : vector<256x128xi1>
    %not3A_395 = arith.xori %ne3A_393, %not3A_394 : vector<256x128xi1>
    %roll3A_396 = arith.constant 8 : i32
    %roll3A_397 = tpu.dynamic_rotate %select_n3A_380 by %roll3A_396 dim 1 : vector<256x128xf32>, i32 -> vector<256x128xf32>
    %roll3A_398 = arith.constant 120 : i32
    %roll3A_399 = tpu.dynamic_rotate %select_n3A_380 by %roll3A_398 dim 1 : vector<256x128xf32>, i32 -> vector<256x128xf32>
    %select_n3A_400 = arith.select %ne3A_387, %roll3A_397, %roll3A_399 : vector<256x128xi1>, vector<256x128xf32>
    %roll3A_401 = arith.constant 8 : i32
    %roll3A_402 = tpu.dynamic_rotate %select_n3A_381 by %roll3A_401 dim 1 : vector<256x128xi32>, i32 -> vector<256x128xi32>
    %roll3A_403 = arith.constant 120 : i32
    %roll3A_404 = tpu.dynamic_rotate %select_n3A_381 by %roll3A_403 dim 1 : vector<256x128xi32>, i32 -> vector<256x128xi32>
    %select_n3A_405 = arith.select %ne3A_387, %roll3A_402, %roll3A_404 : vector<256x128xi1>, vector<256x128xi32>
    %gt3A_406 = arith.cmpf ogt, %select_n3A_380, %select_n3A_400 : vector<256x128xf32>
    %eq3A_407 = arith.cmpf oeq, %select_n3A_380, %select_n3A_400 : vector<256x128xf32>
    %lt3A_408 = arith.cmpi slt, %select_n3A_381, %select_n3A_405 : vector<256x128xi32>
    %and3A_409 = arith.andi %eq3A_407, %lt3A_408 : vector<256x128xi1>
    %or3A_410 = arith.ori %gt3A_406, %and3A_409 : vector<256x128xi1>
    %xor3A_411 = arith.xori %or3A_410, %ne3A_387 : vector<256x128xi1>
    %not3A_412 = arith.constant dense<true> : vector<256x128xi1>
    %not3A_413 = arith.xori %not3A_395, %not3A_412 : vector<256x128xi1>
    %xor3A_414 = arith.xori %xor3A_411, %not3A_413 : vector<256x128xi1>
    %select_n3A_415 = arith.select %xor3A_414, %select_n3A_380, %select_n3A_400 : vector<256x128xi1>, vector<256x128xf32>
    %select_n3A_416 = arith.select %xor3A_414, %select_n3A_381, %select_n3A_405 : vector<256x128xi1>, vector<256x128xi32>
    %and3A_417 = arith.constant 4 : i32
    %and3A_418 = vector.broadcast %and3A_417 : i32 to vector<256x128xi32>
    %and3A_419 = arith.andi %iota3A_5, %and3A_418 : vector<256x128xi32>
    %ne3A_420 = arith.constant 0 : i32
    %ne3A_421 = vector.broadcast %ne3A_420 : i32 to vector<256x128xi32>
    %ne3A_422 = arith.cmpi ne, %and3A_419, %ne3A_421 : vector<256x128xi32>
    %and3A_423 = arith.constant 32 : i32
    %and3A_424 = vector.broadcast %and3A_423 : i32 to vector<256x128xi32>
    %and3A_425 = arith.andi %iota3A_5, %and3A_424 : vector<256x128xi32>
    %ne3A_426 = arith.constant 0 : i32
    %ne3A_427 = vector.broadcast %ne3A_426 : i32 to vector<256x128xi32>
    %ne3A_428 = arith.cmpi ne, %and3A_425, %ne3A_427 : vector<256x128xi32>
    %not3A_429 = arith.constant dense<true> : vector<256x128xi1>
    %not3A_430 = arith.xori %ne3A_428, %not3A_429 : vector<256x128xi1>
    %roll3A_431 = arith.constant 4 : i32
    %roll3A_432 = tpu.dynamic_rotate %select_n3A_415 by %roll3A_431 dim 1 : vector<256x128xf32>, i32 -> vector<256x128xf32>
    %roll3A_433 = arith.constant 124 : i32
    %roll3A_434 = tpu.dynamic_rotate %select_n3A_415 by %roll3A_433 dim 1 : vector<256x128xf32>, i32 -> vector<256x128xf32>
    %select_n3A_435 = arith.select %ne3A_422, %roll3A_432, %roll3A_434 : vector<256x128xi1>, vector<256x128xf32>
    %roll3A_436 = arith.constant 4 : i32
    %roll3A_437 = tpu.dynamic_rotate %select_n3A_416 by %roll3A_436 dim 1 : vector<256x128xi32>, i32 -> vector<256x128xi32>
    %roll3A_438 = arith.constant 124 : i32
    %roll3A_439 = tpu.dynamic_rotate %select_n3A_416 by %roll3A_438 dim 1 : vector<256x128xi32>, i32 -> vector<256x128xi32>
    %select_n3A_440 = arith.select %ne3A_422, %roll3A_437, %roll3A_439 : vector<256x128xi1>, vector<256x128xi32>
    %gt3A_441 = arith.cmpf ogt, %select_n3A_415, %select_n3A_435 : vector<256x128xf32>
    %eq3A_442 = arith.cmpf oeq, %select_n3A_415, %select_n3A_435 : vector<256x128xf32>
    %lt3A_443 = arith.cmpi slt, %select_n3A_416, %select_n3A_440 : vector<256x128xi32>
    %and3A_444 = arith.andi %eq3A_442, %lt3A_443 : vector<256x128xi1>
    %or3A_445 = arith.ori %gt3A_441, %and3A_444 : vector<256x128xi1>
    %xor3A_446 = arith.xori %or3A_445, %ne3A_422 : vector<256x128xi1>
    %not3A_447 = arith.constant dense<true> : vector<256x128xi1>
    %not3A_448 = arith.xori %not3A_430, %not3A_447 : vector<256x128xi1>
    %xor3A_449 = arith.xori %xor3A_446, %not3A_448 : vector<256x128xi1>
    %select_n3A_450 = arith.select %xor3A_449, %select_n3A_415, %select_n3A_435 : vector<256x128xi1>, vector<256x128xf32>
    %select_n3A_451 = arith.select %xor3A_449, %select_n3A_416, %select_n3A_440 : vector<256x128xi1>, vector<256x128xi32>
    %and3A_452 = arith.constant 2 : i32
    %and3A_453 = vector.broadcast %and3A_452 : i32 to vector<256x128xi32>
    %and3A_454 = arith.andi %iota3A_5, %and3A_453 : vector<256x128xi32>
    %ne3A_455 = arith.constant 0 : i32
    %ne3A_456 = vector.broadcast %ne3A_455 : i32 to vector<256x128xi32>
    %ne3A_457 = arith.cmpi ne, %and3A_454, %ne3A_456 : vector<256x128xi32>
    %and3A_458 = arith.constant 32 : i32
    %and3A_459 = vector.broadcast %and3A_458 : i32 to vector<256x128xi32>
    %and3A_460 = arith.andi %iota3A_5, %and3A_459 : vector<256x128xi32>
    %ne3A_461 = arith.constant 0 : i32
    %ne3A_462 = vector.broadcast %ne3A_461 : i32 to vector<256x128xi32>
    %ne3A_463 = arith.cmpi ne, %and3A_460, %ne3A_462 : vector<256x128xi32>
    %not3A_464 = arith.constant dense<true> : vector<256x128xi1>
    %not3A_465 = arith.xori %ne3A_463, %not3A_464 : vector<256x128xi1>
    %roll3A_466 = arith.constant 2 : i32
    %roll3A_467 = tpu.dynamic_rotate %select_n3A_450 by %roll3A_466 dim 1 : vector<256x128xf32>, i32 -> vector<256x128xf32>
    %roll3A_468 = arith.constant 126 : i32
    %roll3A_469 = tpu.dynamic_rotate %select_n3A_450 by %roll3A_468 dim 1 : vector<256x128xf32>, i32 -> vector<256x128xf32>
    %select_n3A_470 = arith.select %ne3A_457, %roll3A_467, %roll3A_469 : vector<256x128xi1>, vector<256x128xf32>
    %roll3A_471 = arith.constant 2 : i32
    %roll3A_472 = tpu.dynamic_rotate %select_n3A_451 by %roll3A_471 dim 1 : vector<256x128xi32>, i32 -> vector<256x128xi32>
    %roll3A_473 = arith.constant 126 : i32
    %roll3A_474 = tpu.dynamic_rotate %select_n3A_451 by %roll3A_473 dim 1 : vector<256x128xi32>, i32 -> vector<256x128xi32>
    %select_n3A_475 = arith.select %ne3A_457, %roll3A_472, %roll3A_474 : vector<256x128xi1>, vector<256x128xi32>
    %gt3A_476 = arith.cmpf ogt, %select_n3A_450, %select_n3A_470 : vector<256x128xf32>
    %eq3A_477 = arith.cmpf oeq, %select_n3A_450, %select_n3A_470 : vector<256x128xf32>
    %lt3A_478 = arith.cmpi slt, %select_n3A_451, %select_n3A_475 : vector<256x128xi32>
    %and3A_479 = arith.andi %eq3A_477, %lt3A_478 : vector<256x128xi1>
    %or3A_480 = arith.ori %gt3A_476, %and3A_479 : vector<256x128xi1>
    %xor3A_481 = arith.xori %or3A_480, %ne3A_457 : vector<256x128xi1>
    %not3A_482 = arith.constant dense<true> : vector<256x128xi1>
    %not3A_483 = arith.xori %not3A_465, %not3A_482 : vector<256x128xi1>
    %xor3A_484 = arith.xori %xor3A_481, %not3A_483 : vector<256x128xi1>
    %select_n3A_485 = arith.select %xor3A_484, %select_n3A_450, %select_n3A_470 : vector<256x128xi1>, vector<256x128xf32>
    %select_n3A_486 = arith.select %xor3A_484, %select_n3A_451, %select_n3A_475 : vector<256x128xi1>, vector<256x128xi32>
    %and3A_487 = arith.constant 1 : i32
    %and3A_488 = vector.broadcast %and3A_487 : i32 to vector<256x128xi32>
    %and3A_489 = arith.andi %iota3A_5, %and3A_488 : vector<256x128xi32>
    %ne3A_490 = arith.constant 0 : i32
    %ne3A_491 = vector.broadcast %ne3A_490 : i32 to vector<256x128xi32>
    %ne3A_492 = arith.cmpi ne, %and3A_489, %ne3A_491 : vector<256x128xi32>
    %and3A_493 = arith.constant 32 : i32
    %and3A_494 = vector.broadcast %and3A_493 : i32 to vector<256x128xi32>
    %and3A_495 = arith.andi %iota3A_5, %and3A_494 : vector<256x128xi32>
    %ne3A_496 = arith.constant 0 : i32
    %ne3A_497 = vector.broadcast %ne3A_496 : i32 to vector<256x128xi32>
    %ne3A_498 = arith.cmpi ne, %and3A_495, %ne3A_497 : vector<256x128xi32>
    %not3A_499 = arith.constant dense<true> : vector<256x128xi1>
    %not3A_500 = arith.xori %ne3A_498, %not3A_499 : vector<256x128xi1>
    %roll3A_501 = arith.constant 1 : i32
    %roll3A_502 = tpu.dynamic_rotate %select_n3A_485 by %roll3A_501 dim 1 : vector<256x128xf32>, i32 -> vector<256x128xf32>
    %roll3A_503 = arith.constant 127 : i32
    %roll3A_504 = tpu.dynamic_rotate %select_n3A_485 by %roll3A_503 dim 1 : vector<256x128xf32>, i32 -> vector<256x128xf32>
    %select_n3A_505 = arith.select %ne3A_492, %roll3A_502, %roll3A_504 : vector<256x128xi1>, vector<256x128xf32>
    %roll3A_506 = arith.constant 1 : i32
    %roll3A_507 = tpu.dynamic_rotate %select_n3A_486 by %roll3A_506 dim 1 : vector<256x128xi32>, i32 -> vector<256x128xi32>
    %roll3A_508 = arith.constant 127 : i32
    %roll3A_509 = tpu.dynamic_rotate %select_n3A_486 by %roll3A_508 dim 1 : vector<256x128xi32>, i32 -> vector<256x128xi32>
    %select_n3A_510 = arith.select %ne3A_492, %roll3A_507, %roll3A_509 : vector<256x128xi1>, vector<256x128xi32>
    %gt3A_511 = arith.cmpf ogt, %select_n3A_485, %select_n3A_505 : vector<256x128xf32>
    %eq3A_512 = arith.cmpf oeq, %select_n3A_485, %select_n3A_505 : vector<256x128xf32>
    %lt3A_513 = arith.cmpi slt, %select_n3A_486, %select_n3A_510 : vector<256x128xi32>
    %and3A_514 = arith.andi %eq3A_512, %lt3A_513 : vector<256x128xi1>
    %or3A_515 = arith.ori %gt3A_511, %and3A_514 : vector<256x128xi1>
    %xor3A_516 = arith.xori %or3A_515, %ne3A_492 : vector<256x128xi1>
    %not3A_517 = arith.constant dense<true> : vector<256x128xi1>
    %not3A_518 = arith.xori %not3A_500, %not3A_517 : vector<256x128xi1>
    %xor3A_519 = arith.xori %xor3A_516, %not3A_518 : vector<256x128xi1>
    %select_n3A_520 = arith.select %xor3A_519, %select_n3A_485, %select_n3A_505 : vector<256x128xi1>, vector<256x128xf32>
    %select_n3A_521 = arith.select %xor3A_519, %select_n3A_486, %select_n3A_510 : vector<256x128xi1>, vector<256x128xi32>
    %and3A_522 = arith.constant 32 : i32
    %and3A_523 = vector.broadcast %and3A_522 : i32 to vector<256x128xi32>
    %and3A_524 = arith.andi %iota3A_5, %and3A_523 : vector<256x128xi32>
    %ne3A_525 = arith.constant 0 : i32
    %ne3A_526 = vector.broadcast %ne3A_525 : i32 to vector<256x128xi32>
    %ne3A_527 = arith.cmpi ne, %and3A_524, %ne3A_526 : vector<256x128xi32>
    %and3A_528 = arith.constant 64 : i32
    %and3A_529 = vector.broadcast %and3A_528 : i32 to vector<256x128xi32>
    %and3A_530 = arith.andi %iota3A_5, %and3A_529 : vector<256x128xi32>
    %ne3A_531 = arith.constant 0 : i32
    %ne3A_532 = vector.broadcast %ne3A_531 : i32 to vector<256x128xi32>
    %ne3A_533 = arith.cmpi ne, %and3A_530, %ne3A_532 : vector<256x128xi32>
    %not3A_534 = arith.constant dense<true> : vector<256x128xi1>
    %not3A_535 = arith.xori %ne3A_533, %not3A_534 : vector<256x128xi1>
    %roll3A_536 = arith.constant 32 : i32
    %roll3A_537 = tpu.dynamic_rotate %select_n3A_520 by %roll3A_536 dim 1 : vector<256x128xf32>, i32 -> vector<256x128xf32>
    %roll3A_538 = arith.constant 96 : i32
    %roll3A_539 = tpu.dynamic_rotate %select_n3A_520 by %roll3A_538 dim 1 : vector<256x128xf32>, i32 -> vector<256x128xf32>
    %select_n3A_540 = arith.select %ne3A_527, %roll3A_537, %roll3A_539 : vector<256x128xi1>, vector<256x128xf32>
    %roll3A_541 = arith.constant 32 : i32
    %roll3A_542 = tpu.dynamic_rotate %select_n3A_521 by %roll3A_541 dim 1 : vector<256x128xi32>, i32 -> vector<256x128xi32>
    %roll3A_543 = arith.constant 96 : i32
    %roll3A_544 = tpu.dynamic_rotate %select_n3A_521 by %roll3A_543 dim 1 : vector<256x128xi32>, i32 -> vector<256x128xi32>
    %select_n3A_545 = arith.select %ne3A_527, %roll3A_542, %roll3A_544 : vector<256x128xi1>, vector<256x128xi32>
    %gt3A_546 = arith.cmpf ogt, %select_n3A_520, %select_n3A_540 : vector<256x128xf32>
    %eq3A_547 = arith.cmpf oeq, %select_n3A_520, %select_n3A_540 : vector<256x128xf32>
    %lt3A_548 = arith.cmpi slt, %select_n3A_521, %select_n3A_545 : vector<256x128xi32>
    %and3A_549 = arith.andi %eq3A_547, %lt3A_548 : vector<256x128xi1>
    %or3A_550 = arith.ori %gt3A_546, %and3A_549 : vector<256x128xi1>
    %xor3A_551 = arith.xori %or3A_550, %ne3A_527 : vector<256x128xi1>
    %not3A_552 = arith.constant dense<true> : vector<256x128xi1>
    %not3A_553 = arith.xori %not3A_535, %not3A_552 : vector<256x128xi1>
    %xor3A_554 = arith.xori %xor3A_551, %not3A_553 : vector<256x128xi1>
    %select_n3A_555 = arith.select %xor3A_554, %select_n3A_520, %select_n3A_540 : vector<256x128xi1>, vector<256x128xf32>
    %select_n3A_556 = arith.select %xor3A_554, %select_n3A_521, %select_n3A_545 : vector<256x128xi1>, vector<256x128xi32>
    %and3A_557 = arith.constant 16 : i32
    %and3A_558 = vector.broadcast %and3A_557 : i32 to vector<256x128xi32>
    %and3A_559 = arith.andi %iota3A_5, %and3A_558 : vector<256x128xi32>
    %ne3A_560 = arith.constant 0 : i32
    %ne3A_561 = vector.broadcast %ne3A_560 : i32 to vector<256x128xi32>
    %ne3A_562 = arith.cmpi ne, %and3A_559, %ne3A_561 : vector<256x128xi32>
    %and3A_563 = arith.constant 64 : i32
    %and3A_564 = vector.broadcast %and3A_563 : i32 to vector<256x128xi32>
    %and3A_565 = arith.andi %iota3A_5, %and3A_564 : vector<256x128xi32>
    %ne3A_566 = arith.constant 0 : i32
    %ne3A_567 = vector.broadcast %ne3A_566 : i32 to vector<256x128xi32>
    %ne3A_568 = arith.cmpi ne, %and3A_565, %ne3A_567 : vector<256x128xi32>
    %not3A_569 = arith.constant dense<true> : vector<256x128xi1>
    %not3A_570 = arith.xori %ne3A_568, %not3A_569 : vector<256x128xi1>
    %roll3A_571 = arith.constant 16 : i32
    %roll3A_572 = tpu.dynamic_rotate %select_n3A_555 by %roll3A_571 dim 1 : vector<256x128xf32>, i32 -> vector<256x128xf32>
    %roll3A_573 = arith.constant 112 : i32
    %roll3A_574 = tpu.dynamic_rotate %select_n3A_555 by %roll3A_573 dim 1 : vector<256x128xf32>, i32 -> vector<256x128xf32>
    %select_n3A_575 = arith.select %ne3A_562, %roll3A_572, %roll3A_574 : vector<256x128xi1>, vector<256x128xf32>
    %roll3A_576 = arith.constant 16 : i32
    %roll3A_577 = tpu.dynamic_rotate %select_n3A_556 by %roll3A_576 dim 1 : vector<256x128xi32>, i32 -> vector<256x128xi32>
    %roll3A_578 = arith.constant 112 : i32
    %roll3A_579 = tpu.dynamic_rotate %select_n3A_556 by %roll3A_578 dim 1 : vector<256x128xi32>, i32 -> vector<256x128xi32>
    %select_n3A_580 = arith.select %ne3A_562, %roll3A_577, %roll3A_579 : vector<256x128xi1>, vector<256x128xi32>
    %gt3A_581 = arith.cmpf ogt, %select_n3A_555, %select_n3A_575 : vector<256x128xf32>
    %eq3A_582 = arith.cmpf oeq, %select_n3A_555, %select_n3A_575 : vector<256x128xf32>
    %lt3A_583 = arith.cmpi slt, %select_n3A_556, %select_n3A_580 : vector<256x128xi32>
    %and3A_584 = arith.andi %eq3A_582, %lt3A_583 : vector<256x128xi1>
    %or3A_585 = arith.ori %gt3A_581, %and3A_584 : vector<256x128xi1>
    %xor3A_586 = arith.xori %or3A_585, %ne3A_562 : vector<256x128xi1>
    %not3A_587 = arith.constant dense<true> : vector<256x128xi1>
    %not3A_588 = arith.xori %not3A_570, %not3A_587 : vector<256x128xi1>
    %xor3A_589 = arith.xori %xor3A_586, %not3A_588 : vector<256x128xi1>
    %select_n3A_590 = arith.select %xor3A_589, %select_n3A_555, %select_n3A_575 : vector<256x128xi1>, vector<256x128xf32>
    %select_n3A_591 = arith.select %xor3A_589, %select_n3A_556, %select_n3A_580 : vector<256x128xi1>, vector<256x128xi32>
    %and3A_592 = arith.constant 8 : i32
    %and3A_593 = vector.broadcast %and3A_592 : i32 to vector<256x128xi32>
    %and3A_594 = arith.andi %iota3A_5, %and3A_593 : vector<256x128xi32>
    %ne3A_595 = arith.constant 0 : i32
    %ne3A_596 = vector.broadcast %ne3A_595 : i32 to vector<256x128xi32>
    %ne3A_597 = arith.cmpi ne, %and3A_594, %ne3A_596 : vector<256x128xi32>
    %and3A_598 = arith.constant 64 : i32
    %and3A_599 = vector.broadcast %and3A_598 : i32 to vector<256x128xi32>
    %and3A_600 = arith.andi %iota3A_5, %and3A_599 : vector<256x128xi32>
    %ne3A_601 = arith.constant 0 : i32
    %ne3A_602 = vector.broadcast %ne3A_601 : i32 to vector<256x128xi32>
    %ne3A_603 = arith.cmpi ne, %and3A_600, %ne3A_602 : vector<256x128xi32>
    %not3A_604 = arith.constant dense<true> : vector<256x128xi1>
    %not3A_605 = arith.xori %ne3A_603, %not3A_604 : vector<256x128xi1>
    %roll3A_606 = arith.constant 8 : i32
    %roll3A_607 = tpu.dynamic_rotate %select_n3A_590 by %roll3A_606 dim 1 : vector<256x128xf32>, i32 -> vector<256x128xf32>
    %roll3A_608 = arith.constant 120 : i32
    %roll3A_609 = tpu.dynamic_rotate %select_n3A_590 by %roll3A_608 dim 1 : vector<256x128xf32>, i32 -> vector<256x128xf32>
    %select_n3A_610 = arith.select %ne3A_597, %roll3A_607, %roll3A_609 : vector<256x128xi1>, vector<256x128xf32>
    %roll3A_611 = arith.constant 8 : i32
    %roll3A_612 = tpu.dynamic_rotate %select_n3A_591 by %roll3A_611 dim 1 : vector<256x128xi32>, i32 -> vector<256x128xi32>
    %roll3A_613 = arith.constant 120 : i32
    %roll3A_614 = tpu.dynamic_rotate %select_n3A_591 by %roll3A_613 dim 1 : vector<256x128xi32>, i32 -> vector<256x128xi32>
    %select_n3A_615 = arith.select %ne3A_597, %roll3A_612, %roll3A_614 : vector<256x128xi1>, vector<256x128xi32>
    %gt3A_616 = arith.cmpf ogt, %select_n3A_590, %select_n3A_610 : vector<256x128xf32>
    %eq3A_617 = arith.cmpf oeq, %select_n3A_590, %select_n3A_610 : vector<256x128xf32>
    %lt3A_618 = arith.cmpi slt, %select_n3A_591, %select_n3A_615 : vector<256x128xi32>
    %and3A_619 = arith.andi %eq3A_617, %lt3A_618 : vector<256x128xi1>
    %or3A_620 = arith.ori %gt3A_616, %and3A_619 : vector<256x128xi1>
    %xor3A_621 = arith.xori %or3A_620, %ne3A_597 : vector<256x128xi1>
    %not3A_622 = arith.constant dense<true> : vector<256x128xi1>
    %not3A_623 = arith.xori %not3A_605, %not3A_622 : vector<256x128xi1>
    %xor3A_624 = arith.xori %xor3A_621, %not3A_623 : vector<256x128xi1>
    %select_n3A_625 = arith.select %xor3A_624, %select_n3A_590, %select_n3A_610 : vector<256x128xi1>, vector<256x128xf32>
    %select_n3A_626 = arith.select %xor3A_624, %select_n3A_591, %select_n3A_615 : vector<256x128xi1>, vector<256x128xi32>
    %and3A_627 = arith.constant 4 : i32
    %and3A_628 = vector.broadcast %and3A_627 : i32 to vector<256x128xi32>
    %and3A_629 = arith.andi %iota3A_5, %and3A_628 : vector<256x128xi32>
    %ne3A_630 = arith.constant 0 : i32
    %ne3A_631 = vector.broadcast %ne3A_630 : i32 to vector<256x128xi32>
    %ne3A_632 = arith.cmpi ne, %and3A_629, %ne3A_631 : vector<256x128xi32>
    %and3A_633 = arith.constant 64 : i32
    %and3A_634 = vector.broadcast %and3A_633 : i32 to vector<256x128xi32>
    %and3A_635 = arith.andi %iota3A_5, %and3A_634 : vector<256x128xi32>
    %ne3A_636 = arith.constant 0 : i32
    %ne3A_637 = vector.broadcast %ne3A_636 : i32 to vector<256x128xi32>
    %ne3A_638 = arith.cmpi ne, %and3A_635, %ne3A_637 : vector<256x128xi32>
    %not3A_639 = arith.constant dense<true> : vector<256x128xi1>
    %not3A_640 = arith.xori %ne3A_638, %not3A_639 : vector<256x128xi1>
    %roll3A_641 = arith.constant 4 : i32
    %roll3A_642 = tpu.dynamic_rotate %select_n3A_625 by %roll3A_641 dim 1 : vector<256x128xf32>, i32 -> vector<256x128xf32>
    %roll3A_643 = arith.constant 124 : i32
    %roll3A_644 = tpu.dynamic_rotate %select_n3A_625 by %roll3A_643 dim 1 : vector<256x128xf32>, i32 -> vector<256x128xf32>
    %select_n3A_645 = arith.select %ne3A_632, %roll3A_642, %roll3A_644 : vector<256x128xi1>, vector<256x128xf32>
    %roll3A_646 = arith.constant 4 : i32
    %roll3A_647 = tpu.dynamic_rotate %select_n3A_626 by %roll3A_646 dim 1 : vector<256x128xi32>, i32 -> vector<256x128xi32>
    %roll3A_648 = arith.constant 124 : i32
    %roll3A_649 = tpu.dynamic_rotate %select_n3A_626 by %roll3A_648 dim 1 : vector<256x128xi32>, i32 -> vector<256x128xi32>
    %select_n3A_650 = arith.select %ne3A_632, %roll3A_647, %roll3A_649 : vector<256x128xi1>, vector<256x128xi32>
    %gt3A_651 = arith.cmpf ogt, %select_n3A_625, %select_n3A_645 : vector<256x128xf32>
    %eq3A_652 = arith.cmpf oeq, %select_n3A_625, %select_n3A_645 : vector<256x128xf32>
    %lt3A_653 = arith.cmpi slt, %select_n3A_626, %select_n3A_650 : vector<256x128xi32>
    %and3A_654 = arith.andi %eq3A_652, %lt3A_653 : vector<256x128xi1>
    %or3A_655 = arith.ori %gt3A_651, %and3A_654 : vector<256x128xi1>
    %xor3A_656 = arith.xori %or3A_655, %ne3A_632 : vector<256x128xi1>
    %not3A_657 = arith.constant dense<true> : vector<256x128xi1>
    %not3A_658 = arith.xori %not3A_640, %not3A_657 : vector<256x128xi1>
    %xor3A_659 = arith.xori %xor3A_656, %not3A_658 : vector<256x128xi1>
    %select_n3A_660 = arith.select %xor3A_659, %select_n3A_625, %select_n3A_645 : vector<256x128xi1>, vector<256x128xf32>
    %select_n3A_661 = arith.select %xor3A_659, %select_n3A_626, %select_n3A_650 : vector<256x128xi1>, vector<256x128xi32>
    %and3A_662 = arith.constant 2 : i32
    %and3A_663 = vector.broadcast %and3A_662 : i32 to vector<256x128xi32>
    %and3A_664 = arith.andi %iota3A_5, %and3A_663 : vector<256x128xi32>
    %ne3A_665 = arith.constant 0 : i32
    %ne3A_666 = vector.broadcast %ne3A_665 : i32 to vector<256x128xi32>
    %ne3A_667 = arith.cmpi ne, %and3A_664, %ne3A_666 : vector<256x128xi32>
    %and3A_668 = arith.constant 64 : i32
    %and3A_669 = vector.broadcast %and3A_668 : i32 to vector<256x128xi32>
    %and3A_670 = arith.andi %iota3A_5, %and3A_669 : vector<256x128xi32>
    %ne3A_671 = arith.constant 0 : i32
    %ne3A_672 = vector.broadcast %ne3A_671 : i32 to vector<256x128xi32>
    %ne3A_673 = arith.cmpi ne, %and3A_670, %ne3A_672 : vector<256x128xi32>
    %not3A_674 = arith.constant dense<true> : vector<256x128xi1>
    %not3A_675 = arith.xori %ne3A_673, %not3A_674 : vector<256x128xi1>
    %roll3A_676 = arith.constant 2 : i32
    %roll3A_677 = tpu.dynamic_rotate %select_n3A_660 by %roll3A_676 dim 1 : vector<256x128xf32>, i32 -> vector<256x128xf32>
    %roll3A_678 = arith.constant 126 : i32
    %roll3A_679 = tpu.dynamic_rotate %select_n3A_660 by %roll3A_678 dim 1 : vector<256x128xf32>, i32 -> vector<256x128xf32>
    %select_n3A_680 = arith.select %ne3A_667, %roll3A_677, %roll3A_679 : vector<256x128xi1>, vector<256x128xf32>
    %roll3A_681 = arith.constant 2 : i32
    %roll3A_682 = tpu.dynamic_rotate %select_n3A_661 by %roll3A_681 dim 1 : vector<256x128xi32>, i32 -> vector<256x128xi32>
    %roll3A_683 = arith.constant 126 : i32
    %roll3A_684 = tpu.dynamic_rotate %select_n3A_661 by %roll3A_683 dim 1 : vector<256x128xi32>, i32 -> vector<256x128xi32>
    %select_n3A_685 = arith.select %ne3A_667, %roll3A_682, %roll3A_684 : vector<256x128xi1>, vector<256x128xi32>
    %gt3A_686 = arith.cmpf ogt, %select_n3A_660, %select_n3A_680 : vector<256x128xf32>
    %eq3A_687 = arith.cmpf oeq, %select_n3A_660, %select_n3A_680 : vector<256x128xf32>
    %lt3A_688 = arith.cmpi slt, %select_n3A_661, %select_n3A_685 : vector<256x128xi32>
    %and3A_689 = arith.andi %eq3A_687, %lt3A_688 : vector<256x128xi1>
    %or3A_690 = arith.ori %gt3A_686, %and3A_689 : vector<256x128xi1>
    %xor3A_691 = arith.xori %or3A_690, %ne3A_667 : vector<256x128xi1>
    %not3A_692 = arith.constant dense<true> : vector<256x128xi1>
    %not3A_693 = arith.xori %not3A_675, %not3A_692 : vector<256x128xi1>
    %xor3A_694 = arith.xori %xor3A_691, %not3A_693 : vector<256x128xi1>
    %select_n3A_695 = arith.select %xor3A_694, %select_n3A_660, %select_n3A_680 : vector<256x128xi1>, vector<256x128xf32>
    %select_n3A_696 = arith.select %xor3A_694, %select_n3A_661, %select_n3A_685 : vector<256x128xi1>, vector<256x128xi32>
    %and3A_697 = arith.constant 1 : i32
    %and3A_698 = vector.broadcast %and3A_697 : i32 to vector<256x128xi32>
    %and3A_699 = arith.andi %iota3A_5, %and3A_698 : vector<256x128xi32>
    %ne3A_700 = arith.constant 0 : i32
    %ne3A_701 = vector.broadcast %ne3A_700 : i32 to vector<256x128xi32>
    %ne3A_702 = arith.cmpi ne, %and3A_699, %ne3A_701 : vector<256x128xi32>
    %and3A_703 = arith.constant 64 : i32
    %and3A_704 = vector.broadcast %and3A_703 : i32 to vector<256x128xi32>
    %and3A_705 = arith.andi %iota3A_5, %and3A_704 : vector<256x128xi32>
    %ne3A_706 = arith.constant 0 : i32
    %ne3A_707 = vector.broadcast %ne3A_706 : i32 to vector<256x128xi32>
    %ne3A_708 = arith.cmpi ne, %and3A_705, %ne3A_707 : vector<256x128xi32>
    %not3A_709 = arith.constant dense<true> : vector<256x128xi1>
    %not3A_710 = arith.xori %ne3A_708, %not3A_709 : vector<256x128xi1>
    %roll3A_711 = arith.constant 1 : i32
    %roll3A_712 = tpu.dynamic_rotate %select_n3A_695 by %roll3A_711 dim 1 : vector<256x128xf32>, i32 -> vector<256x128xf32>
    %roll3A_713 = arith.constant 127 : i32
    %roll3A_714 = tpu.dynamic_rotate %select_n3A_695 by %roll3A_713 dim 1 : vector<256x128xf32>, i32 -> vector<256x128xf32>
    %select_n3A_715 = arith.select %ne3A_702, %roll3A_712, %roll3A_714 : vector<256x128xi1>, vector<256x128xf32>
    %roll3A_716 = arith.constant 1 : i32
    %roll3A_717 = tpu.dynamic_rotate %select_n3A_696 by %roll3A_716 dim 1 : vector<256x128xi32>, i32 -> vector<256x128xi32>
    %roll3A_718 = arith.constant 127 : i32
    %roll3A_719 = tpu.dynamic_rotate %select_n3A_696 by %roll3A_718 dim 1 : vector<256x128xi32>, i32 -> vector<256x128xi32>
    %select_n3A_720 = arith.select %ne3A_702, %roll3A_717, %roll3A_719 : vector<256x128xi1>, vector<256x128xi32>
    %gt3A_721 = arith.cmpf ogt, %select_n3A_695, %select_n3A_715 : vector<256x128xf32>
    %eq3A_722 = arith.cmpf oeq, %select_n3A_695, %select_n3A_715 : vector<256x128xf32>
    %lt3A_723 = arith.cmpi slt, %select_n3A_696, %select_n3A_720 : vector<256x128xi32>
    %and3A_724 = arith.andi %eq3A_722, %lt3A_723 : vector<256x128xi1>
    %or3A_725 = arith.ori %gt3A_721, %and3A_724 : vector<256x128xi1>
    %xor3A_726 = arith.xori %or3A_725, %ne3A_702 : vector<256x128xi1>
    %not3A_727 = arith.constant dense<true> : vector<256x128xi1>
    %not3A_728 = arith.xori %not3A_710, %not3A_727 : vector<256x128xi1>
    %xor3A_729 = arith.xori %xor3A_726, %not3A_728 : vector<256x128xi1>
    %select_n3A_730 = arith.select %xor3A_729, %select_n3A_695, %select_n3A_715 : vector<256x128xi1>, vector<256x128xf32>
    %select_n3A_731 = arith.select %xor3A_729, %select_n3A_696, %select_n3A_720 : vector<256x128xi1>, vector<256x128xi32>
    %and3A_732 = arith.constant 64 : i32
    %and3A_733 = vector.broadcast %and3A_732 : i32 to vector<256x128xi32>
    %and3A_734 = arith.andi %iota3A_5, %and3A_733 : vector<256x128xi32>
    %ne3A_735 = arith.constant 0 : i32
    %ne3A_736 = vector.broadcast %ne3A_735 : i32 to vector<256x128xi32>
    %ne3A_737 = arith.cmpi ne, %and3A_734, %ne3A_736 : vector<256x128xi32>
    %and3A_738 = arith.constant 1 : i32
    %and3A_739 = vector.broadcast %and3A_738 : i32 to vector<256x128xi32>
    %and3A_740 = arith.andi %iota3A_6, %and3A_739 : vector<256x128xi32>
    %ne3A_741 = arith.constant 0 : i32
    %ne3A_742 = vector.broadcast %ne3A_741 : i32 to vector<256x128xi32>
    %ne3A_743 = arith.cmpi ne, %and3A_740, %ne3A_742 : vector<256x128xi32>
    %not3A_744 = arith.constant dense<true> : vector<256x128xi1>
    %not3A_745 = arith.xori %ne3A_743, %not3A_744 : vector<256x128xi1>
    %roll3A_746 = arith.constant 64 : i32
    %roll3A_747 = tpu.dynamic_rotate %select_n3A_730 by %roll3A_746 dim 1 : vector<256x128xf32>, i32 -> vector<256x128xf32>
    %roll3A_748 = arith.constant 64 : i32
    %roll3A_749 = tpu.dynamic_rotate %select_n3A_730 by %roll3A_748 dim 1 : vector<256x128xf32>, i32 -> vector<256x128xf32>
    %select_n3A_750 = arith.select %ne3A_737, %roll3A_747, %roll3A_749 : vector<256x128xi1>, vector<256x128xf32>
    %roll3A_751 = arith.constant 64 : i32
    %roll3A_752 = tpu.dynamic_rotate %select_n3A_731 by %roll3A_751 dim 1 : vector<256x128xi32>, i32 -> vector<256x128xi32>
    %roll3A_753 = arith.constant 64 : i32
    %roll3A_754 = tpu.dynamic_rotate %select_n3A_731 by %roll3A_753 dim 1 : vector<256x128xi32>, i32 -> vector<256x128xi32>
    %select_n3A_755 = arith.select %ne3A_737, %roll3A_752, %roll3A_754 : vector<256x128xi1>, vector<256x128xi32>
    %gt3A_756 = arith.cmpf ogt, %select_n3A_730, %select_n3A_750 : vector<256x128xf32>
    %eq3A_757 = arith.cmpf oeq, %select_n3A_730, %select_n3A_750 : vector<256x128xf32>
    %lt3A_758 = arith.cmpi slt, %select_n3A_731, %select_n3A_755 : vector<256x128xi32>
    %and3A_759 = arith.andi %eq3A_757, %lt3A_758 : vector<256x128xi1>
    %or3A_760 = arith.ori %gt3A_756, %and3A_759 : vector<256x128xi1>
    %xor3A_761 = arith.xori %or3A_760, %ne3A_737 : vector<256x128xi1>
    %not3A_762 = arith.constant dense<true> : vector<256x128xi1>
    %not3A_763 = arith.xori %not3A_745, %not3A_762 : vector<256x128xi1>
    %xor3A_764 = arith.xori %xor3A_761, %not3A_763 : vector<256x128xi1>
    %select_n3A_765 = arith.select %xor3A_764, %select_n3A_730, %select_n3A_750 : vector<256x128xi1>, vector<256x128xf32>
    %select_n3A_766 = arith.select %xor3A_764, %select_n3A_731, %select_n3A_755 : vector<256x128xi1>, vector<256x128xi32>
    %and3A_767 = arith.constant 32 : i32
    %and3A_768 = vector.broadcast %and3A_767 : i32 to vector<256x128xi32>
    %and3A_769 = arith.andi %iota3A_5, %and3A_768 : vector<256x128xi32>
    %ne3A_770 = arith.constant 0 : i32
    %ne3A_771 = vector.broadcast %ne3A_770 : i32 to vector<256x128xi32>
    %ne3A_772 = arith.cmpi ne, %and3A_769, %ne3A_771 : vector<256x128xi32>
    %and3A_773 = arith.constant 1 : i32
    %and3A_774 = vector.broadcast %and3A_773 : i32 to vector<256x128xi32>
    %and3A_775 = arith.andi %iota3A_6, %and3A_774 : vector<256x128xi32>
    %ne3A_776 = arith.constant 0 : i32
    %ne3A_777 = vector.broadcast %ne3A_776 : i32 to vector<256x128xi32>
    %ne3A_778 = arith.cmpi ne, %and3A_775, %ne3A_777 : vector<256x128xi32>
    %not3A_779 = arith.constant dense<true> : vector<256x128xi1>
    %not3A_780 = arith.xori %ne3A_778, %not3A_779 : vector<256x128xi1>
    %roll3A_781 = arith.constant 32 : i32
    %roll3A_782 = tpu.dynamic_rotate %select_n3A_765 by %roll3A_781 dim 1 : vector<256x128xf32>, i32 -> vector<256x128xf32>
    %roll3A_783 = arith.constant 96 : i32
    %roll3A_784 = tpu.dynamic_rotate %select_n3A_765 by %roll3A_783 dim 1 : vector<256x128xf32>, i32 -> vector<256x128xf32>
    %select_n3A_785 = arith.select %ne3A_772, %roll3A_782, %roll3A_784 : vector<256x128xi1>, vector<256x128xf32>
    %roll3A_786 = arith.constant 32 : i32
    %roll3A_787 = tpu.dynamic_rotate %select_n3A_766 by %roll3A_786 dim 1 : vector<256x128xi32>, i32 -> vector<256x128xi32>
    %roll3A_788 = arith.constant 96 : i32
    %roll3A_789 = tpu.dynamic_rotate %select_n3A_766 by %roll3A_788 dim 1 : vector<256x128xi32>, i32 -> vector<256x128xi32>
    %select_n3A_790 = arith.select %ne3A_772, %roll3A_787, %roll3A_789 : vector<256x128xi1>, vector<256x128xi32>
    %gt3A_791 = arith.cmpf ogt, %select_n3A_765, %select_n3A_785 : vector<256x128xf32>
    %eq3A_792 = arith.cmpf oeq, %select_n3A_765, %select_n3A_785 : vector<256x128xf32>
    %lt3A_793 = arith.cmpi slt, %select_n3A_766, %select_n3A_790 : vector<256x128xi32>
    %and3A_794 = arith.andi %eq3A_792, %lt3A_793 : vector<256x128xi1>
    %or3A_795 = arith.ori %gt3A_791, %and3A_794 : vector<256x128xi1>
    %xor3A_796 = arith.xori %or3A_795, %ne3A_772 : vector<256x128xi1>
    %not3A_797 = arith.constant dense<true> : vector<256x128xi1>
    %not3A_798 = arith.xori %not3A_780, %not3A_797 : vector<256x128xi1>
    %xor3A_799 = arith.xori %xor3A_796, %not3A_798 : vector<256x128xi1>
    %select_n3A_800 = arith.select %xor3A_799, %select_n3A_765, %select_n3A_785 : vector<256x128xi1>, vector<256x128xf32>
    %select_n3A_801 = arith.select %xor3A_799, %select_n3A_766, %select_n3A_790 : vector<256x128xi1>, vector<256x128xi32>
    %and3A_802 = arith.constant 16 : i32
    %and3A_803 = vector.broadcast %and3A_802 : i32 to vector<256x128xi32>
    %and3A_804 = arith.andi %iota3A_5, %and3A_803 : vector<256x128xi32>
    %ne3A_805 = arith.constant 0 : i32
    %ne3A_806 = vector.broadcast %ne3A_805 : i32 to vector<256x128xi32>
    %ne3A_807 = arith.cmpi ne, %and3A_804, %ne3A_806 : vector<256x128xi32>
    %and3A_808 = arith.constant 1 : i32
    %and3A_809 = vector.broadcast %and3A_808 : i32 to vector<256x128xi32>
    %and3A_810 = arith.andi %iota3A_6, %and3A_809 : vector<256x128xi32>
    %ne3A_811 = arith.constant 0 : i32
    %ne3A_812 = vector.broadcast %ne3A_811 : i32 to vector<256x128xi32>
    %ne3A_813 = arith.cmpi ne, %and3A_810, %ne3A_812 : vector<256x128xi32>
    %not3A_814 = arith.constant dense<true> : vector<256x128xi1>
    %not3A_815 = arith.xori %ne3A_813, %not3A_814 : vector<256x128xi1>
    %roll3A_816 = arith.constant 16 : i32
    %roll3A_817 = tpu.dynamic_rotate %select_n3A_800 by %roll3A_816 dim 1 : vector<256x128xf32>, i32 -> vector<256x128xf32>
    %roll3A_818 = arith.constant 112 : i32
    %roll3A_819 = tpu.dynamic_rotate %select_n3A_800 by %roll3A_818 dim 1 : vector<256x128xf32>, i32 -> vector<256x128xf32>
    %select_n3A_820 = arith.select %ne3A_807, %roll3A_817, %roll3A_819 : vector<256x128xi1>, vector<256x128xf32>
    %roll3A_821 = arith.constant 16 : i32
    %roll3A_822 = tpu.dynamic_rotate %select_n3A_801 by %roll3A_821 dim 1 : vector<256x128xi32>, i32 -> vector<256x128xi32>
    %roll3A_823 = arith.constant 112 : i32
    %roll3A_824 = tpu.dynamic_rotate %select_n3A_801 by %roll3A_823 dim 1 : vector<256x128xi32>, i32 -> vector<256x128xi32>
    %select_n3A_825 = arith.select %ne3A_807, %roll3A_822, %roll3A_824 : vector<256x128xi1>, vector<256x128xi32>
    %gt3A_826 = arith.cmpf ogt, %select_n3A_800, %select_n3A_820 : vector<256x128xf32>
    %eq3A_827 = arith.cmpf oeq, %select_n3A_800, %select_n3A_820 : vector<256x128xf32>
    %lt3A_828 = arith.cmpi slt, %select_n3A_801, %select_n3A_825 : vector<256x128xi32>
    %and3A_829 = arith.andi %eq3A_827, %lt3A_828 : vector<256x128xi1>
    %or3A_830 = arith.ori %gt3A_826, %and3A_829 : vector<256x128xi1>
    %xor3A_831 = arith.xori %or3A_830, %ne3A_807 : vector<256x128xi1>
    %not3A_832 = arith.constant dense<true> : vector<256x128xi1>
    %not3A_833 = arith.xori %not3A_815, %not3A_832 : vector<256x128xi1>
    %xor3A_834 = arith.xori %xor3A_831, %not3A_833 : vector<256x128xi1>
    %select_n3A_835 = arith.select %xor3A_834, %select_n3A_800, %select_n3A_820 : vector<256x128xi1>, vector<256x128xf32>
    %select_n3A_836 = arith.select %xor3A_834, %select_n3A_801, %select_n3A_825 : vector<256x128xi1>, vector<256x128xi32>
    %and3A_837 = arith.constant 8 : i32
    %and3A_838 = vector.broadcast %and3A_837 : i32 to vector<256x128xi32>
    %and3A_839 = arith.andi %iota3A_5, %and3A_838 : vector<256x128xi32>
    %ne3A_840 = arith.constant 0 : i32
    %ne3A_841 = vector.broadcast %ne3A_840 : i32 to vector<256x128xi32>
    %ne3A_842 = arith.cmpi ne, %and3A_839, %ne3A_841 : vector<256x128xi32>
    %and3A_843 = arith.constant 1 : i32
    %and3A_844 = vector.broadcast %and3A_843 : i32 to vector<256x128xi32>
    %and3A_845 = arith.andi %iota3A_6, %and3A_844 : vector<256x128xi32>
    %ne3A_846 = arith.constant 0 : i32
    %ne3A_847 = vector.broadcast %ne3A_846 : i32 to vector<256x128xi32>
    %ne3A_848 = arith.cmpi ne, %and3A_845, %ne3A_847 : vector<256x128xi32>
    %not3A_849 = arith.constant dense<true> : vector<256x128xi1>
    %not3A_850 = arith.xori %ne3A_848, %not3A_849 : vector<256x128xi1>
    %roll3A_851 = arith.constant 8 : i32
    %roll3A_852 = tpu.dynamic_rotate %select_n3A_835 by %roll3A_851 dim 1 : vector<256x128xf32>, i32 -> vector<256x128xf32>
    %roll3A_853 = arith.constant 120 : i32
    %roll3A_854 = tpu.dynamic_rotate %select_n3A_835 by %roll3A_853 dim 1 : vector<256x128xf32>, i32 -> vector<256x128xf32>
    %select_n3A_855 = arith.select %ne3A_842, %roll3A_852, %roll3A_854 : vector<256x128xi1>, vector<256x128xf32>
    %roll3A_856 = arith.constant 8 : i32
    %roll3A_857 = tpu.dynamic_rotate %select_n3A_836 by %roll3A_856 dim 1 : vector<256x128xi32>, i32 -> vector<256x128xi32>
    %roll3A_858 = arith.constant 120 : i32
    %roll3A_859 = tpu.dynamic_rotate %select_n3A_836 by %roll3A_858 dim 1 : vector<256x128xi32>, i32 -> vector<256x128xi32>
    %select_n3A_860 = arith.select %ne3A_842, %roll3A_857, %roll3A_859 : vector<256x128xi1>, vector<256x128xi32>
    %gt3A_861 = arith.cmpf ogt, %select_n3A_835, %select_n3A_855 : vector<256x128xf32>
    %eq3A_862 = arith.cmpf oeq, %select_n3A_835, %select_n3A_855 : vector<256x128xf32>
    %lt3A_863 = arith.cmpi slt, %select_n3A_836, %select_n3A_860 : vector<256x128xi32>
    %and3A_864 = arith.andi %eq3A_862, %lt3A_863 : vector<256x128xi1>
    %or3A_865 = arith.ori %gt3A_861, %and3A_864 : vector<256x128xi1>
    %xor3A_866 = arith.xori %or3A_865, %ne3A_842 : vector<256x128xi1>
    %not3A_867 = arith.constant dense<true> : vector<256x128xi1>
    %not3A_868 = arith.xori %not3A_850, %not3A_867 : vector<256x128xi1>
    %xor3A_869 = arith.xori %xor3A_866, %not3A_868 : vector<256x128xi1>
    %select_n3A_870 = arith.select %xor3A_869, %select_n3A_835, %select_n3A_855 : vector<256x128xi1>, vector<256x128xf32>
    %select_n3A_871 = arith.select %xor3A_869, %select_n3A_836, %select_n3A_860 : vector<256x128xi1>, vector<256x128xi32>
    %and3A_872 = arith.constant 4 : i32
    %and3A_873 = vector.broadcast %and3A_872 : i32 to vector<256x128xi32>
    %and3A_874 = arith.andi %iota3A_5, %and3A_873 : vector<256x128xi32>
    %ne3A_875 = arith.constant 0 : i32
    %ne3A_876 = vector.broadcast %ne3A_875 : i32 to vector<256x128xi32>
    %ne3A_877 = arith.cmpi ne, %and3A_874, %ne3A_876 : vector<256x128xi32>
    %and3A_878 = arith.constant 1 : i32
    %and3A_879 = vector.broadcast %and3A_878 : i32 to vector<256x128xi32>
    %and3A_880 = arith.andi %iota3A_6, %and3A_879 : vector<256x128xi32>
    %ne3A_881 = arith.constant 0 : i32
    %ne3A_882 = vector.broadcast %ne3A_881 : i32 to vector<256x128xi32>
    %ne3A_883 = arith.cmpi ne, %and3A_880, %ne3A_882 : vector<256x128xi32>
    %not3A_884 = arith.constant dense<true> : vector<256x128xi1>
    %not3A_885 = arith.xori %ne3A_883, %not3A_884 : vector<256x128xi1>
    %roll3A_886 = arith.constant 4 : i32
    %roll3A_887 = tpu.dynamic_rotate %select_n3A_870 by %roll3A_886 dim 1 : vector<256x128xf32>, i32 -> vector<256x128xf32>
    %roll3A_888 = arith.constant 124 : i32
    %roll3A_889 = tpu.dynamic_rotate %select_n3A_870 by %roll3A_888 dim 1 : vector<256x128xf32>, i32 -> vector<256x128xf32>
    %select_n3A_890 = arith.select %ne3A_877, %roll3A_887, %roll3A_889 : vector<256x128xi1>, vector<256x128xf32>
    %roll3A_891 = arith.constant 4 : i32
    %roll3A_892 = tpu.dynamic_rotate %select_n3A_871 by %roll3A_891 dim 1 : vector<256x128xi32>, i32 -> vector<256x128xi32>
    %roll3A_893 = arith.constant 124 : i32
    %roll3A_894 = tpu.dynamic_rotate %select_n3A_871 by %roll3A_893 dim 1 : vector<256x128xi32>, i32 -> vector<256x128xi32>
    %select_n3A_895 = arith.select %ne3A_877, %roll3A_892, %roll3A_894 : vector<256x128xi1>, vector<256x128xi32>
    %gt3A_896 = arith.cmpf ogt, %select_n3A_870, %select_n3A_890 : vector<256x128xf32>
    %eq3A_897 = arith.cmpf oeq, %select_n3A_870, %select_n3A_890 : vector<256x128xf32>
    %lt3A_898 = arith.cmpi slt, %select_n3A_871, %select_n3A_895 : vector<256x128xi32>
    %and3A_899 = arith.andi %eq3A_897, %lt3A_898 : vector<256x128xi1>
    %or3A_900 = arith.ori %gt3A_896, %and3A_899 : vector<256x128xi1>
    %xor3A_901 = arith.xori %or3A_900, %ne3A_877 : vector<256x128xi1>
    %not3A_902 = arith.constant dense<true> : vector<256x128xi1>
    %not3A_903 = arith.xori %not3A_885, %not3A_902 : vector<256x128xi1>
    %xor3A_904 = arith.xori %xor3A_901, %not3A_903 : vector<256x128xi1>
    %select_n3A_905 = arith.select %xor3A_904, %select_n3A_870, %select_n3A_890 : vector<256x128xi1>, vector<256x128xf32>
    %select_n3A_906 = arith.select %xor3A_904, %select_n3A_871, %select_n3A_895 : vector<256x128xi1>, vector<256x128xi32>
    %and3A_907 = arith.constant 2 : i32
    %and3A_908 = vector.broadcast %and3A_907 : i32 to vector<256x128xi32>
    %and3A_909 = arith.andi %iota3A_5, %and3A_908 : vector<256x128xi32>
    %ne3A_910 = arith.constant 0 : i32
    %ne3A_911 = vector.broadcast %ne3A_910 : i32 to vector<256x128xi32>
    %ne3A_912 = arith.cmpi ne, %and3A_909, %ne3A_911 : vector<256x128xi32>
    %and3A_913 = arith.constant 1 : i32
    %and3A_914 = vector.broadcast %and3A_913 : i32 to vector<256x128xi32>
    %and3A_915 = arith.andi %iota3A_6, %and3A_914 : vector<256x128xi32>
    %ne3A_916 = arith.constant 0 : i32
    %ne3A_917 = vector.broadcast %ne3A_916 : i32 to vector<256x128xi32>
    %ne3A_918 = arith.cmpi ne, %and3A_915, %ne3A_917 : vector<256x128xi32>
    %not3A_919 = arith.constant dense<true> : vector<256x128xi1>
    %not3A_920 = arith.xori %ne3A_918, %not3A_919 : vector<256x128xi1>
    %roll3A_921 = arith.constant 2 : i32
    %roll3A_922 = tpu.dynamic_rotate %select_n3A_905 by %roll3A_921 dim 1 : vector<256x128xf32>, i32 -> vector<256x128xf32>
    %roll3A_923 = arith.constant 126 : i32
    %roll3A_924 = tpu.dynamic_rotate %select_n3A_905 by %roll3A_923 dim 1 : vector<256x128xf32>, i32 -> vector<256x128xf32>
    %select_n3A_925 = arith.select %ne3A_912, %roll3A_922, %roll3A_924 : vector<256x128xi1>, vector<256x128xf32>
    %roll3A_926 = arith.constant 2 : i32
    %roll3A_927 = tpu.dynamic_rotate %select_n3A_906 by %roll3A_926 dim 1 : vector<256x128xi32>, i32 -> vector<256x128xi32>
    %roll3A_928 = arith.constant 126 : i32
    %roll3A_929 = tpu.dynamic_rotate %select_n3A_906 by %roll3A_928 dim 1 : vector<256x128xi32>, i32 -> vector<256x128xi32>
    %select_n3A_930 = arith.select %ne3A_912, %roll3A_927, %roll3A_929 : vector<256x128xi1>, vector<256x128xi32>
    %gt3A_931 = arith.cmpf ogt, %select_n3A_905, %select_n3A_925 : vector<256x128xf32>
    %eq3A_932 = arith.cmpf oeq, %select_n3A_905, %select_n3A_925 : vector<256x128xf32>
    %lt3A_933 = arith.cmpi slt, %select_n3A_906, %select_n3A_930 : vector<256x128xi32>
    %and3A_934 = arith.andi %eq3A_932, %lt3A_933 : vector<256x128xi1>
    %or3A_935 = arith.ori %gt3A_931, %and3A_934 : vector<256x128xi1>
    %xor3A_936 = arith.xori %or3A_935, %ne3A_912 : vector<256x128xi1>
    %not3A_937 = arith.constant dense<true> : vector<256x128xi1>
    %not3A_938 = arith.xori %not3A_920, %not3A_937 : vector<256x128xi1>
    %xor3A_939 = arith.xori %xor3A_936, %not3A_938 : vector<256x128xi1>
    %select_n3A_940 = arith.select %xor3A_939, %select_n3A_905, %select_n3A_925 : vector<256x128xi1>, vector<256x128xf32>
    %select_n3A_941 = arith.select %xor3A_939, %select_n3A_906, %select_n3A_930 : vector<256x128xi1>, vector<256x128xi32>
    %and3A_942 = arith.constant 1 : i32
    %and3A_943 = vector.broadcast %and3A_942 : i32 to vector<256x128xi32>
    %and3A_944 = arith.andi %iota3A_5, %and3A_943 : vector<256x128xi32>
    %ne3A_945 = arith.constant 0 : i32
    %ne3A_946 = vector.broadcast %ne3A_945 : i32 to vector<256x128xi32>
    %ne3A_947 = arith.cmpi ne, %and3A_944, %ne3A_946 : vector<256x128xi32>
    %and3A_948 = arith.constant 1 : i32
    %and3A_949 = vector.broadcast %and3A_948 : i32 to vector<256x128xi32>
    %and3A_950 = arith.andi %iota3A_6, %and3A_949 : vector<256x128xi32>
    %ne3A_951 = arith.constant 0 : i32
    %ne3A_952 = vector.broadcast %ne3A_951 : i32 to vector<256x128xi32>
    %ne3A_953 = arith.cmpi ne, %and3A_950, %ne3A_952 : vector<256x128xi32>
    %not3A_954 = arith.constant dense<true> : vector<256x128xi1>
    %not3A_955 = arith.xori %ne3A_953, %not3A_954 : vector<256x128xi1>
    %roll3A_956 = arith.constant 1 : i32
    %roll3A_957 = tpu.dynamic_rotate %select_n3A_940 by %roll3A_956 dim 1 : vector<256x128xf32>, i32 -> vector<256x128xf32>
    %roll3A_958 = arith.constant 127 : i32
    %roll3A_959 = tpu.dynamic_rotate %select_n3A_940 by %roll3A_958 dim 1 : vector<256x128xf32>, i32 -> vector<256x128xf32>
    %select_n3A_960 = arith.select %ne3A_947, %roll3A_957, %roll3A_959 : vector<256x128xi1>, vector<256x128xf32>
    %roll3A_961 = arith.constant 1 : i32
    %roll3A_962 = tpu.dynamic_rotate %select_n3A_941 by %roll3A_961 dim 1 : vector<256x128xi32>, i32 -> vector<256x128xi32>
    %roll3A_963 = arith.constant 127 : i32
    %roll3A_964 = tpu.dynamic_rotate %select_n3A_941 by %roll3A_963 dim 1 : vector<256x128xi32>, i32 -> vector<256x128xi32>
    %select_n3A_965 = arith.select %ne3A_947, %roll3A_962, %roll3A_964 : vector<256x128xi1>, vector<256x128xi32>
    %gt3A_966 = arith.cmpf ogt, %select_n3A_940, %select_n3A_960 : vector<256x128xf32>
    %eq3A_967 = arith.cmpf oeq, %select_n3A_940, %select_n3A_960 : vector<256x128xf32>
    %lt3A_968 = arith.cmpi slt, %select_n3A_941, %select_n3A_965 : vector<256x128xi32>
    %and3A_969 = arith.andi %eq3A_967, %lt3A_968 : vector<256x128xi1>
    %or3A_970 = arith.ori %gt3A_966, %and3A_969 : vector<256x128xi1>
    %xor3A_971 = arith.xori %or3A_970, %ne3A_947 : vector<256x128xi1>
    %not3A_972 = arith.constant dense<true> : vector<256x128xi1>
    %not3A_973 = arith.xori %not3A_955, %not3A_972 : vector<256x128xi1>
    %xor3A_974 = arith.xori %xor3A_971, %not3A_973 : vector<256x128xi1>
    %select_n3A_975 = arith.select %xor3A_974, %select_n3A_940, %select_n3A_960 : vector<256x128xi1>, vector<256x128xf32>
    %select_n3A_976 = arith.select %xor3A_974, %select_n3A_941, %select_n3A_965 : vector<256x128xi1>, vector<256x128xi32>
    %and3A_977 = arith.constant 1 : i32
    %and3A_978 = vector.broadcast %and3A_977 : i32 to vector<256x128xi32>
    %and3A_979 = arith.andi %iota3A_6, %and3A_978 : vector<256x128xi32>
    %ne3A_980 = arith.constant 0 : i32
    %ne3A_981 = vector.broadcast %ne3A_980 : i32 to vector<256x128xi32>
    %ne3A_982 = arith.cmpi ne, %and3A_979, %ne3A_981 : vector<256x128xi32>
    %and3A_983 = arith.constant 2 : i32
    %and3A_984 = vector.broadcast %and3A_983 : i32 to vector<256x128xi32>
    %and3A_985 = arith.andi %iota3A_6, %and3A_984 : vector<256x128xi32>
    %ne3A_986 = arith.constant 0 : i32
    %ne3A_987 = vector.broadcast %ne3A_986 : i32 to vector<256x128xi32>
    %ne3A_988 = arith.cmpi ne, %and3A_985, %ne3A_987 : vector<256x128xi32>
    %not3A_989 = arith.constant dense<true> : vector<256x128xi1>
    %not3A_990 = arith.xori %ne3A_988, %not3A_989 : vector<256x128xi1>
    %roll3A_991 = arith.constant 1 : i32
    %roll3A_992 = tpu.dynamic_rotate %select_n3A_975 by %roll3A_991 dim 0 : vector<256x128xf32>, i32 -> vector<256x128xf32>
    %roll3A_993 = arith.constant 255 : i32
    %roll3A_994 = tpu.dynamic_rotate %select_n3A_975 by %roll3A_993 dim 0 : vector<256x128xf32>, i32 -> vector<256x128xf32>
    %select_n3A_995 = arith.select %ne3A_982, %roll3A_992, %roll3A_994 : vector<256x128xi1>, vector<256x128xf32>
    %roll3A_996 = arith.constant 1 : i32
    %roll3A_997 = tpu.dynamic_rotate %select_n3A_976 by %roll3A_996 dim 0 : vector<256x128xi32>, i32 -> vector<256x128xi32>
    %roll3A_998 = arith.constant 255 : i32
    %roll3A_999 = tpu.dynamic_rotate %select_n3A_976 by %roll3A_998 dim 0 : vector<256x128xi32>, i32 -> vector<256x128xi32>
    %select_n3A_1000 = arith.select %ne3A_982, %roll3A_997, %roll3A_999 : vector<256x128xi1>, vector<256x128xi32>
    %gt3A_1001 = arith.cmpf ogt, %select_n3A_975, %select_n3A_995 : vector<256x128xf32>
    %eq3A_1002 = arith.cmpf oeq, %select_n3A_975, %select_n3A_995 : vector<256x128xf32>
    %lt3A_1003 = arith.cmpi slt, %select_n3A_976, %select_n3A_1000 : vector<256x128xi32>
    %and3A_1004 = arith.andi %eq3A_1002, %lt3A_1003 : vector<256x128xi1>
    %or3A_1005 = arith.ori %gt3A_1001, %and3A_1004 : vector<256x128xi1>
    %xor3A_1006 = arith.xori %or3A_1005, %ne3A_982 : vector<256x128xi1>
    %not3A_1007 = arith.constant dense<true> : vector<256x128xi1>
    %not3A_1008 = arith.xori %not3A_990, %not3A_1007 : vector<256x128xi1>
    %xor3A_1009 = arith.xori %xor3A_1006, %not3A_1008 : vector<256x128xi1>
    %select_n3A_1010 = arith.select %xor3A_1009, %select_n3A_975, %select_n3A_995 : vector<256x128xi1>, vector<256x128xf32>
    %select_n3A_1011 = arith.select %xor3A_1009, %select_n3A_976, %select_n3A_1000 : vector<256x128xi1>, vector<256x128xi32>
    %and3A_1012 = arith.constant 64 : i32
    %and3A_1013 = vector.broadcast %and3A_1012 : i32 to vector<256x128xi32>
    %and3A_1014 = arith.andi %iota3A_5, %and3A_1013 : vector<256x128xi32>
    %ne3A_1015 = arith.constant 0 : i32
    %ne3A_1016 = vector.broadcast %ne3A_1015 : i32 to vector<256x128xi32>
    %ne3A_1017 = arith.cmpi ne, %and3A_1014, %ne3A_1016 : vector<256x128xi32>
    %and3A_1018 = arith.constant 2 : i32
    %and3A_1019 = vector.broadcast %and3A_1018 : i32 to vector<256x128xi32>
    %and3A_1020 = arith.andi %iota3A_6, %and3A_1019 : vector<256x128xi32>
    %ne3A_1021 = arith.constant 0 : i32
    %ne3A_1022 = vector.broadcast %ne3A_1021 : i32 to vector<256x128xi32>
    %ne3A_1023 = arith.cmpi ne, %and3A_1020, %ne3A_1022 : vector<256x128xi32>
    %not3A_1024 = arith.constant dense<true> : vector<256x128xi1>
    %not3A_1025 = arith.xori %ne3A_1023, %not3A_1024 : vector<256x128xi1>
    %roll3A_1026 = arith.constant 64 : i32
    %roll3A_1027 = tpu.dynamic_rotate %select_n3A_1010 by %roll3A_1026 dim 1 : vector<256x128xf32>, i32 -> vector<256x128xf32>
    %roll3A_1028 = arith.constant 64 : i32
    %roll3A_1029 = tpu.dynamic_rotate %select_n3A_1010 by %roll3A_1028 dim 1 : vector<256x128xf32>, i32 -> vector<256x128xf32>
    %select_n3A_1030 = arith.select %ne3A_1017, %roll3A_1027, %roll3A_1029 : vector<256x128xi1>, vector<256x128xf32>
    %roll3A_1031 = arith.constant 64 : i32
    %roll3A_1032 = tpu.dynamic_rotate %select_n3A_1011 by %roll3A_1031 dim 1 : vector<256x128xi32>, i32 -> vector<256x128xi32>
    %roll3A_1033 = arith.constant 64 : i32
    %roll3A_1034 = tpu.dynamic_rotate %select_n3A_1011 by %roll3A_1033 dim 1 : vector<256x128xi32>, i32 -> vector<256x128xi32>
    %select_n3A_1035 = arith.select %ne3A_1017, %roll3A_1032, %roll3A_1034 : vector<256x128xi1>, vector<256x128xi32>
    %gt3A_1036 = arith.cmpf ogt, %select_n3A_1010, %select_n3A_1030 : vector<256x128xf32>
    %eq3A_1037 = arith.cmpf oeq, %select_n3A_1010, %select_n3A_1030 : vector<256x128xf32>
    %lt3A_1038 = arith.cmpi slt, %select_n3A_1011, %select_n3A_1035 : vector<256x128xi32>
    %and3A_1039 = arith.andi %eq3A_1037, %lt3A_1038 : vector<256x128xi1>
    %or3A_1040 = arith.ori %gt3A_1036, %and3A_1039 : vector<256x128xi1>
    %xor3A_1041 = arith.xori %or3A_1040, %ne3A_1017 : vector<256x128xi1>
    %not3A_1042 = arith.constant dense<true> : vector<256x128xi1>
    %not3A_1043 = arith.xori %not3A_1025, %not3A_1042 : vector<256x128xi1>
    %xor3A_1044 = arith.xori %xor3A_1041, %not3A_1043 : vector<256x128xi1>
    %select_n3A_1045 = arith.select %xor3A_1044, %select_n3A_1010, %select_n3A_1030 : vector<256x128xi1>, vector<256x128xf32>
    %select_n3A_1046 = arith.select %xor3A_1044, %select_n3A_1011, %select_n3A_1035 : vector<256x128xi1>, vector<256x128xi32>
    %and3A_1047 = arith.constant 32 : i32
    %and3A_1048 = vector.broadcast %and3A_1047 : i32 to vector<256x128xi32>
    %and3A_1049 = arith.andi %iota3A_5, %and3A_1048 : vector<256x128xi32>
    %ne3A_1050 = arith.constant 0 : i32
    %ne3A_1051 = vector.broadcast %ne3A_1050 : i32 to vector<256x128xi32>
    %ne3A_1052 = arith.cmpi ne, %and3A_1049, %ne3A_1051 : vector<256x128xi32>
    %and3A_1053 = arith.constant 2 : i32
    %and3A_1054 = vector.broadcast %and3A_1053 : i32 to vector<256x128xi32>
    %and3A_1055 = arith.andi %iota3A_6, %and3A_1054 : vector<256x128xi32>
    %ne3A_1056 = arith.constant 0 : i32
    %ne3A_1057 = vector.broadcast %ne3A_1056 : i32 to vector<256x128xi32>
    %ne3A_1058 = arith.cmpi ne, %and3A_1055, %ne3A_1057 : vector<256x128xi32>
    %not3A_1059 = arith.constant dense<true> : vector<256x128xi1>
    %not3A_1060 = arith.xori %ne3A_1058, %not3A_1059 : vector<256x128xi1>
    %roll3A_1061 = arith.constant 32 : i32
    %roll3A_1062 = tpu.dynamic_rotate %select_n3A_1045 by %roll3A_1061 dim 1 : vector<256x128xf32>, i32 -> vector<256x128xf32>
    %roll3A_1063 = arith.constant 96 : i32
    %roll3A_1064 = tpu.dynamic_rotate %select_n3A_1045 by %roll3A_1063 dim 1 : vector<256x128xf32>, i32 -> vector<256x128xf32>
    %select_n3A_1065 = arith.select %ne3A_1052, %roll3A_1062, %roll3A_1064 : vector<256x128xi1>, vector<256x128xf32>
    %roll3A_1066 = arith.constant 32 : i32
    %roll3A_1067 = tpu.dynamic_rotate %select_n3A_1046 by %roll3A_1066 dim 1 : vector<256x128xi32>, i32 -> vector<256x128xi32>
    %roll3A_1068 = arith.constant 96 : i32
    %roll3A_1069 = tpu.dynamic_rotate %select_n3A_1046 by %roll3A_1068 dim 1 : vector<256x128xi32>, i32 -> vector<256x128xi32>
    %select_n3A_1070 = arith.select %ne3A_1052, %roll3A_1067, %roll3A_1069 : vector<256x128xi1>, vector<256x128xi32>
    %gt3A_1071 = arith.cmpf ogt, %select_n3A_1045, %select_n3A_1065 : vector<256x128xf32>
    %eq3A_1072 = arith.cmpf oeq, %select_n3A_1045, %select_n3A_1065 : vector<256x128xf32>
    %lt3A_1073 = arith.cmpi slt, %select_n3A_1046, %select_n3A_1070 : vector<256x128xi32>
    %and3A_1074 = arith.andi %eq3A_1072, %lt3A_1073 : vector<256x128xi1>
    %or3A_1075 = arith.ori %gt3A_1071, %and3A_1074 : vector<256x128xi1>
    %xor3A_1076 = arith.xori %or3A_1075, %ne3A_1052 : vector<256x128xi1>
    %not3A_1077 = arith.constant dense<true> : vector<256x128xi1>
    %not3A_1078 = arith.xori %not3A_1060, %not3A_1077 : vector<256x128xi1>
    %xor3A_1079 = arith.xori %xor3A_1076, %not3A_1078 : vector<256x128xi1>
    %select_n3A_1080 = arith.select %xor3A_1079, %select_n3A_1045, %select_n3A_1065 : vector<256x128xi1>, vector<256x128xf32>
    %select_n3A_1081 = arith.select %xor3A_1079, %select_n3A_1046, %select_n3A_1070 : vector<256x128xi1>, vector<256x128xi32>
    %and3A_1082 = arith.constant 16 : i32
    %and3A_1083 = vector.broadcast %and3A_1082 : i32 to vector<256x128xi32>
    %and3A_1084 = arith.andi %iota3A_5, %and3A_1083 : vector<256x128xi32>
    %ne3A_1085 = arith.constant 0 : i32
    %ne3A_1086 = vector.broadcast %ne3A_1085 : i32 to vector<256x128xi32>
    %ne3A_1087 = arith.cmpi ne, %and3A_1084, %ne3A_1086 : vector<256x128xi32>
    %and3A_1088 = arith.constant 2 : i32
    %and3A_1089 = vector.broadcast %and3A_1088 : i32 to vector<256x128xi32>
    %and3A_1090 = arith.andi %iota3A_6, %and3A_1089 : vector<256x128xi32>
    %ne3A_1091 = arith.constant 0 : i32
    %ne3A_1092 = vector.broadcast %ne3A_1091 : i32 to vector<256x128xi32>
    %ne3A_1093 = arith.cmpi ne, %and3A_1090, %ne3A_1092 : vector<256x128xi32>
    %not3A_1094 = arith.constant dense<true> : vector<256x128xi1>
    %not3A_1095 = arith.xori %ne3A_1093, %not3A_1094 : vector<256x128xi1>
    %roll3A_1096 = arith.constant 16 : i32
    %roll3A_1097 = tpu.dynamic_rotate %select_n3A_1080 by %roll3A_1096 dim 1 : vector<256x128xf32>, i32 -> vector<256x128xf32>
    %roll3A_1098 = arith.constant 112 : i32
    %roll3A_1099 = tpu.dynamic_rotate %select_n3A_1080 by %roll3A_1098 dim 1 : vector<256x128xf32>, i32 -> vector<256x128xf32>
    %select_n3A_1100 = arith.select %ne3A_1087, %roll3A_1097, %roll3A_1099 : vector<256x128xi1>, vector<256x128xf32>
    %roll3A_1101 = arith.constant 16 : i32
    %roll3A_1102 = tpu.dynamic_rotate %select_n3A_1081 by %roll3A_1101 dim 1 : vector<256x128xi32>, i32 -> vector<256x128xi32>
    %roll3A_1103 = arith.constant 112 : i32
    %roll3A_1104 = tpu.dynamic_rotate %select_n3A_1081 by %roll3A_1103 dim 1 : vector<256x128xi32>, i32 -> vector<256x128xi32>
    %select_n3A_1105 = arith.select %ne3A_1087, %roll3A_1102, %roll3A_1104 : vector<256x128xi1>, vector<256x128xi32>
    %gt3A_1106 = arith.cmpf ogt, %select_n3A_1080, %select_n3A_1100 : vector<256x128xf32>
    %eq3A_1107 = arith.cmpf oeq, %select_n3A_1080, %select_n3A_1100 : vector<256x128xf32>
    %lt3A_1108 = arith.cmpi slt, %select_n3A_1081, %select_n3A_1105 : vector<256x128xi32>
    %and3A_1109 = arith.andi %eq3A_1107, %lt3A_1108 : vector<256x128xi1>
    %or3A_1110 = arith.ori %gt3A_1106, %and3A_1109 : vector<256x128xi1>
    %xor3A_1111 = arith.xori %or3A_1110, %ne3A_1087 : vector<256x128xi1>
    %not3A_1112 = arith.constant dense<true> : vector<256x128xi1>
    %not3A_1113 = arith.xori %not3A_1095, %not3A_1112 : vector<256x128xi1>
    %xor3A_1114 = arith.xori %xor3A_1111, %not3A_1113 : vector<256x128xi1>
    %select_n3A_1115 = arith.select %xor3A_1114, %select_n3A_1080, %select_n3A_1100 : vector<256x128xi1>, vector<256x128xf32>
    %select_n3A_1116 = arith.select %xor3A_1114, %select_n3A_1081, %select_n3A_1105 : vector<256x128xi1>, vector<256x128xi32>
    %and3A_1117 = arith.constant 8 : i32
    %and3A_1118 = vector.broadcast %and3A_1117 : i32 to vector<256x128xi32>
    %and3A_1119 = arith.andi %iota3A_5, %and3A_1118 : vector<256x128xi32>
    %ne3A_1120 = arith.constant 0 : i32
    %ne3A_1121 = vector.broadcast %ne3A_1120 : i32 to vector<256x128xi32>
    %ne3A_1122 = arith.cmpi ne, %and3A_1119, %ne3A_1121 : vector<256x128xi32>
    %and3A_1123 = arith.constant 2 : i32
    %and3A_1124 = vector.broadcast %and3A_1123 : i32 to vector<256x128xi32>
    %and3A_1125 = arith.andi %iota3A_6, %and3A_1124 : vector<256x128xi32>
    %ne3A_1126 = arith.constant 0 : i32
    %ne3A_1127 = vector.broadcast %ne3A_1126 : i32 to vector<256x128xi32>
    %ne3A_1128 = arith.cmpi ne, %and3A_1125, %ne3A_1127 : vector<256x128xi32>
    %not3A_1129 = arith.constant dense<true> : vector<256x128xi1>
    %not3A_1130 = arith.xori %ne3A_1128, %not3A_1129 : vector<256x128xi1>
    %roll3A_1131 = arith.constant 8 : i32
    %roll3A_1132 = tpu.dynamic_rotate %select_n3A_1115 by %roll3A_1131 dim 1 : vector<256x128xf32>, i32 -> vector<256x128xf32>
    %roll3A_1133 = arith.constant 120 : i32
    %roll3A_1134 = tpu.dynamic_rotate %select_n3A_1115 by %roll3A_1133 dim 1 : vector<256x128xf32>, i32 -> vector<256x128xf32>
    %select_n3A_1135 = arith.select %ne3A_1122, %roll3A_1132, %roll3A_1134 : vector<256x128xi1>, vector<256x128xf32>
    %roll3A_1136 = arith.constant 8 : i32
    %roll3A_1137 = tpu.dynamic_rotate %select_n3A_1116 by %roll3A_1136 dim 1 : vector<256x128xi32>, i32 -> vector<256x128xi32>
    %roll3A_1138 = arith.constant 120 : i32
    %roll3A_1139 = tpu.dynamic_rotate %select_n3A_1116 by %roll3A_1138 dim 1 : vector<256x128xi32>, i32 -> vector<256x128xi32>
    %select_n3A_1140 = arith.select %ne3A_1122, %roll3A_1137, %roll3A_1139 : vector<256x128xi1>, vector<256x128xi32>
    %gt3A_1141 = arith.cmpf ogt, %select_n3A_1115, %select_n3A_1135 : vector<256x128xf32>
    %eq3A_1142 = arith.cmpf oeq, %select_n3A_1115, %select_n3A_1135 : vector<256x128xf32>
    %lt3A_1143 = arith.cmpi slt, %select_n3A_1116, %select_n3A_1140 : vector<256x128xi32>
    %and3A_1144 = arith.andi %eq3A_1142, %lt3A_1143 : vector<256x128xi1>
    %or3A_1145 = arith.ori %gt3A_1141, %and3A_1144 : vector<256x128xi1>
    %xor3A_1146 = arith.xori %or3A_1145, %ne3A_1122 : vector<256x128xi1>
    %not3A_1147 = arith.constant dense<true> : vector<256x128xi1>
    %not3A_1148 = arith.xori %not3A_1130, %not3A_1147 : vector<256x128xi1>
    %xor3A_1149 = arith.xori %xor3A_1146, %not3A_1148 : vector<256x128xi1>
    %select_n3A_1150 = arith.select %xor3A_1149, %select_n3A_1115, %select_n3A_1135 : vector<256x128xi1>, vector<256x128xf32>
    %select_n3A_1151 = arith.select %xor3A_1149, %select_n3A_1116, %select_n3A_1140 : vector<256x128xi1>, vector<256x128xi32>
    %and3A_1152 = arith.constant 4 : i32
    %and3A_1153 = vector.broadcast %and3A_1152 : i32 to vector<256x128xi32>
    %and3A_1154 = arith.andi %iota3A_5, %and3A_1153 : vector<256x128xi32>
    %ne3A_1155 = arith.constant 0 : i32
    %ne3A_1156 = vector.broadcast %ne3A_1155 : i32 to vector<256x128xi32>
    %ne3A_1157 = arith.cmpi ne, %and3A_1154, %ne3A_1156 : vector<256x128xi32>
    %and3A_1158 = arith.constant 2 : i32
    %and3A_1159 = vector.broadcast %and3A_1158 : i32 to vector<256x128xi32>
    %and3A_1160 = arith.andi %iota3A_6, %and3A_1159 : vector<256x128xi32>
    %ne3A_1161 = arith.constant 0 : i32
    %ne3A_1162 = vector.broadcast %ne3A_1161 : i32 to vector<256x128xi32>
    %ne3A_1163 = arith.cmpi ne, %and3A_1160, %ne3A_1162 : vector<256x128xi32>
    %not3A_1164 = arith.constant dense<true> : vector<256x128xi1>
    %not3A_1165 = arith.xori %ne3A_1163, %not3A_1164 : vector<256x128xi1>
    %roll3A_1166 = arith.constant 4 : i32
    %roll3A_1167 = tpu.dynamic_rotate %select_n3A_1150 by %roll3A_1166 dim 1 : vector<256x128xf32>, i32 -> vector<256x128xf32>
    %roll3A_1168 = arith.constant 124 : i32
    %roll3A_1169 = tpu.dynamic_rotate %select_n3A_1150 by %roll3A_1168 dim 1 : vector<256x128xf32>, i32 -> vector<256x128xf32>
    %select_n3A_1170 = arith.select %ne3A_1157, %roll3A_1167, %roll3A_1169 : vector<256x128xi1>, vector<256x128xf32>
    %roll3A_1171 = arith.constant 4 : i32
    %roll3A_1172 = tpu.dynamic_rotate %select_n3A_1151 by %roll3A_1171 dim 1 : vector<256x128xi32>, i32 -> vector<256x128xi32>
    %roll3A_1173 = arith.constant 124 : i32
    %roll3A_1174 = tpu.dynamic_rotate %select_n3A_1151 by %roll3A_1173 dim 1 : vector<256x128xi32>, i32 -> vector<256x128xi32>
    %select_n3A_1175 = arith.select %ne3A_1157, %roll3A_1172, %roll3A_1174 : vector<256x128xi1>, vector<256x128xi32>
    %gt3A_1176 = arith.cmpf ogt, %select_n3A_1150, %select_n3A_1170 : vector<256x128xf32>
    %eq3A_1177 = arith.cmpf oeq, %select_n3A_1150, %select_n3A_1170 : vector<256x128xf32>
    %lt3A_1178 = arith.cmpi slt, %select_n3A_1151, %select_n3A_1175 : vector<256x128xi32>
    %and3A_1179 = arith.andi %eq3A_1177, %lt3A_1178 : vector<256x128xi1>
    %or3A_1180 = arith.ori %gt3A_1176, %and3A_1179 : vector<256x128xi1>
    %xor3A_1181 = arith.xori %or3A_1180, %ne3A_1157 : vector<256x128xi1>
    %not3A_1182 = arith.constant dense<true> : vector<256x128xi1>
    %not3A_1183 = arith.xori %not3A_1165, %not3A_1182 : vector<256x128xi1>
    %xor3A_1184 = arith.xori %xor3A_1181, %not3A_1183 : vector<256x128xi1>
    %select_n3A_1185 = arith.select %xor3A_1184, %select_n3A_1150, %select_n3A_1170 : vector<256x128xi1>, vector<256x128xf32>
    %select_n3A_1186 = arith.select %xor3A_1184, %select_n3A_1151, %select_n3A_1175 : vector<256x128xi1>, vector<256x128xi32>
    %and3A_1187 = arith.constant 2 : i32
    %and3A_1188 = vector.broadcast %and3A_1187 : i32 to vector<256x128xi32>
    %and3A_1189 = arith.andi %iota3A_5, %and3A_1188 : vector<256x128xi32>
    %ne3A_1190 = arith.constant 0 : i32
    %ne3A_1191 = vector.broadcast %ne3A_1190 : i32 to vector<256x128xi32>
    %ne3A_1192 = arith.cmpi ne, %and3A_1189, %ne3A_1191 : vector<256x128xi32>
    %and3A_1193 = arith.constant 2 : i32
    %and3A_1194 = vector.broadcast %and3A_1193 : i32 to vector<256x128xi32>
    %and3A_1195 = arith.andi %iota3A_6, %and3A_1194 : vector<256x128xi32>
    %ne3A_1196 = arith.constant 0 : i32
    %ne3A_1197 = vector.broadcast %ne3A_1196 : i32 to vector<256x128xi32>
    %ne3A_1198 = arith.cmpi ne, %and3A_1195, %ne3A_1197 : vector<256x128xi32>
    %not3A_1199 = arith.constant dense<true> : vector<256x128xi1>
    %not3A_1200 = arith.xori %ne3A_1198, %not3A_1199 : vector<256x128xi1>
    %roll3A_1201 = arith.constant 2 : i32
    %roll3A_1202 = tpu.dynamic_rotate %select_n3A_1185 by %roll3A_1201 dim 1 : vector<256x128xf32>, i32 -> vector<256x128xf32>
    %roll3A_1203 = arith.constant 126 : i32
    %roll3A_1204 = tpu.dynamic_rotate %select_n3A_1185 by %roll3A_1203 dim 1 : vector<256x128xf32>, i32 -> vector<256x128xf32>
    %select_n3A_1205 = arith.select %ne3A_1192, %roll3A_1202, %roll3A_1204 : vector<256x128xi1>, vector<256x128xf32>
    %roll3A_1206 = arith.constant 2 : i32
    %roll3A_1207 = tpu.dynamic_rotate %select_n3A_1186 by %roll3A_1206 dim 1 : vector<256x128xi32>, i32 -> vector<256x128xi32>
    %roll3A_1208 = arith.constant 126 : i32
    %roll3A_1209 = tpu.dynamic_rotate %select_n3A_1186 by %roll3A_1208 dim 1 : vector<256x128xi32>, i32 -> vector<256x128xi32>
    %select_n3A_1210 = arith.select %ne3A_1192, %roll3A_1207, %roll3A_1209 : vector<256x128xi1>, vector<256x128xi32>
    %gt3A_1211 = arith.cmpf ogt, %select_n3A_1185, %select_n3A_1205 : vector<256x128xf32>
    %eq3A_1212 = arith.cmpf oeq, %select_n3A_1185, %select_n3A_1205 : vector<256x128xf32>
    %lt3A_1213 = arith.cmpi slt, %select_n3A_1186, %select_n3A_1210 : vector<256x128xi32>
    %and3A_1214 = arith.andi %eq3A_1212, %lt3A_1213 : vector<256x128xi1>
    %or3A_1215 = arith.ori %gt3A_1211, %and3A_1214 : vector<256x128xi1>
    %xor3A_1216 = arith.xori %or3A_1215, %ne3A_1192 : vector<256x128xi1>
    %not3A_1217 = arith.constant dense<true> : vector<256x128xi1>
    %not3A_1218 = arith.xori %not3A_1200, %not3A_1217 : vector<256x128xi1>
    %xor3A_1219 = arith.xori %xor3A_1216, %not3A_1218 : vector<256x128xi1>
    %select_n3A_1220 = arith.select %xor3A_1219, %select_n3A_1185, %select_n3A_1205 : vector<256x128xi1>, vector<256x128xf32>
    %select_n3A_1221 = arith.select %xor3A_1219, %select_n3A_1186, %select_n3A_1210 : vector<256x128xi1>, vector<256x128xi32>
    %and3A_1222 = arith.constant 1 : i32
    %and3A_1223 = vector.broadcast %and3A_1222 : i32 to vector<256x128xi32>
    %and3A_1224 = arith.andi %iota3A_5, %and3A_1223 : vector<256x128xi32>
    %ne3A_1225 = arith.constant 0 : i32
    %ne3A_1226 = vector.broadcast %ne3A_1225 : i32 to vector<256x128xi32>
    %ne3A_1227 = arith.cmpi ne, %and3A_1224, %ne3A_1226 : vector<256x128xi32>
    %and3A_1228 = arith.constant 2 : i32
    %and3A_1229 = vector.broadcast %and3A_1228 : i32 to vector<256x128xi32>
    %and3A_1230 = arith.andi %iota3A_6, %and3A_1229 : vector<256x128xi32>
    %ne3A_1231 = arith.constant 0 : i32
    %ne3A_1232 = vector.broadcast %ne3A_1231 : i32 to vector<256x128xi32>
    %ne3A_1233 = arith.cmpi ne, %and3A_1230, %ne3A_1232 : vector<256x128xi32>
    %not3A_1234 = arith.constant dense<true> : vector<256x128xi1>
    %not3A_1235 = arith.xori %ne3A_1233, %not3A_1234 : vector<256x128xi1>
    %roll3A_1236 = arith.constant 1 : i32
    %roll3A_1237 = tpu.dynamic_rotate %select_n3A_1220 by %roll3A_1236 dim 1 : vector<256x128xf32>, i32 -> vector<256x128xf32>
    %roll3A_1238 = arith.constant 127 : i32
    %roll3A_1239 = tpu.dynamic_rotate %select_n3A_1220 by %roll3A_1238 dim 1 : vector<256x128xf32>, i32 -> vector<256x128xf32>
    %select_n3A_1240 = arith.select %ne3A_1227, %roll3A_1237, %roll3A_1239 : vector<256x128xi1>, vector<256x128xf32>
    %roll3A_1241 = arith.constant 1 : i32
    %roll3A_1242 = tpu.dynamic_rotate %select_n3A_1221 by %roll3A_1241 dim 1 : vector<256x128xi32>, i32 -> vector<256x128xi32>
    %roll3A_1243 = arith.constant 127 : i32
    %roll3A_1244 = tpu.dynamic_rotate %select_n3A_1221 by %roll3A_1243 dim 1 : vector<256x128xi32>, i32 -> vector<256x128xi32>
    %select_n3A_1245 = arith.select %ne3A_1227, %roll3A_1242, %roll3A_1244 : vector<256x128xi1>, vector<256x128xi32>
    %gt3A_1246 = arith.cmpf ogt, %select_n3A_1220, %select_n3A_1240 : vector<256x128xf32>
    %eq3A_1247 = arith.cmpf oeq, %select_n3A_1220, %select_n3A_1240 : vector<256x128xf32>
    %lt3A_1248 = arith.cmpi slt, %select_n3A_1221, %select_n3A_1245 : vector<256x128xi32>
    %and3A_1249 = arith.andi %eq3A_1247, %lt3A_1248 : vector<256x128xi1>
    %or3A_1250 = arith.ori %gt3A_1246, %and3A_1249 : vector<256x128xi1>
    %xor3A_1251 = arith.xori %or3A_1250, %ne3A_1227 : vector<256x128xi1>
    %not3A_1252 = arith.constant dense<true> : vector<256x128xi1>
    %not3A_1253 = arith.xori %not3A_1235, %not3A_1252 : vector<256x128xi1>
    %xor3A_1254 = arith.xori %xor3A_1251, %not3A_1253 : vector<256x128xi1>
    %select_n3A_1255 = arith.select %xor3A_1254, %select_n3A_1220, %select_n3A_1240 : vector<256x128xi1>, vector<256x128xf32>
    %select_n3A_1256 = arith.select %xor3A_1254, %select_n3A_1221, %select_n3A_1245 : vector<256x128xi1>, vector<256x128xi32>
    %and3A_1257 = arith.constant 2 : i32
    %and3A_1258 = vector.broadcast %and3A_1257 : i32 to vector<256x128xi32>
    %and3A_1259 = arith.andi %iota3A_6, %and3A_1258 : vector<256x128xi32>
    %ne3A_1260 = arith.constant 0 : i32
    %ne3A_1261 = vector.broadcast %ne3A_1260 : i32 to vector<256x128xi32>
    %ne3A_1262 = arith.cmpi ne, %and3A_1259, %ne3A_1261 : vector<256x128xi32>
    %and3A_1263 = arith.constant 4 : i32
    %and3A_1264 = vector.broadcast %and3A_1263 : i32 to vector<256x128xi32>
    %and3A_1265 = arith.andi %iota3A_6, %and3A_1264 : vector<256x128xi32>
    %ne3A_1266 = arith.constant 0 : i32
    %ne3A_1267 = vector.broadcast %ne3A_1266 : i32 to vector<256x128xi32>
    %ne3A_1268 = arith.cmpi ne, %and3A_1265, %ne3A_1267 : vector<256x128xi32>
    %not3A_1269 = arith.constant dense<true> : vector<256x128xi1>
    %not3A_1270 = arith.xori %ne3A_1268, %not3A_1269 : vector<256x128xi1>
    %roll3A_1271 = arith.constant 2 : i32
    %roll3A_1272 = tpu.dynamic_rotate %select_n3A_1255 by %roll3A_1271 dim 0 : vector<256x128xf32>, i32 -> vector<256x128xf32>
    %roll3A_1273 = arith.constant 254 : i32
    %roll3A_1274 = tpu.dynamic_rotate %select_n3A_1255 by %roll3A_1273 dim 0 : vector<256x128xf32>, i32 -> vector<256x128xf32>
    %select_n3A_1275 = arith.select %ne3A_1262, %roll3A_1272, %roll3A_1274 : vector<256x128xi1>, vector<256x128xf32>
    %roll3A_1276 = arith.constant 2 : i32
    %roll3A_1277 = tpu.dynamic_rotate %select_n3A_1256 by %roll3A_1276 dim 0 : vector<256x128xi32>, i32 -> vector<256x128xi32>
    %roll3A_1278 = arith.constant 254 : i32
    %roll3A_1279 = tpu.dynamic_rotate %select_n3A_1256 by %roll3A_1278 dim 0 : vector<256x128xi32>, i32 -> vector<256x128xi32>
    %select_n3A_1280 = arith.select %ne3A_1262, %roll3A_1277, %roll3A_1279 : vector<256x128xi1>, vector<256x128xi32>
    %gt3A_1281 = arith.cmpf ogt, %select_n3A_1255, %select_n3A_1275 : vector<256x128xf32>
    %eq3A_1282 = arith.cmpf oeq, %select_n3A_1255, %select_n3A_1275 : vector<256x128xf32>
    %lt3A_1283 = arith.cmpi slt, %select_n3A_1256, %select_n3A_1280 : vector<256x128xi32>
    %and3A_1284 = arith.andi %eq3A_1282, %lt3A_1283 : vector<256x128xi1>
    %or3A_1285 = arith.ori %gt3A_1281, %and3A_1284 : vector<256x128xi1>
    %xor3A_1286 = arith.xori %or3A_1285, %ne3A_1262 : vector<256x128xi1>
    %not3A_1287 = arith.constant dense<true> : vector<256x128xi1>
    %not3A_1288 = arith.xori %not3A_1270, %not3A_1287 : vector<256x128xi1>
    %xor3A_1289 = arith.xori %xor3A_1286, %not3A_1288 : vector<256x128xi1>
    %select_n3A_1290 = arith.select %xor3A_1289, %select_n3A_1255, %select_n3A_1275 : vector<256x128xi1>, vector<256x128xf32>
    %select_n3A_1291 = arith.select %xor3A_1289, %select_n3A_1256, %select_n3A_1280 : vector<256x128xi1>, vector<256x128xi32>
    %and3A_1292 = arith.constant 1 : i32
    %and3A_1293 = vector.broadcast %and3A_1292 : i32 to vector<256x128xi32>
    %and3A_1294 = arith.andi %iota3A_6, %and3A_1293 : vector<256x128xi32>
    %ne3A_1295 = arith.constant 0 : i32
    %ne3A_1296 = vector.broadcast %ne3A_1295 : i32 to vector<256x128xi32>
    %ne3A_1297 = arith.cmpi ne, %and3A_1294, %ne3A_1296 : vector<256x128xi32>
    %and3A_1298 = arith.constant 4 : i32
    %and3A_1299 = vector.broadcast %and3A_1298 : i32 to vector<256x128xi32>
    %and3A_1300 = arith.andi %iota3A_6, %and3A_1299 : vector<256x128xi32>
    %ne3A_1301 = arith.constant 0 : i32
    %ne3A_1302 = vector.broadcast %ne3A_1301 : i32 to vector<256x128xi32>
    %ne3A_1303 = arith.cmpi ne, %and3A_1300, %ne3A_1302 : vector<256x128xi32>
    %not3A_1304 = arith.constant dense<true> : vector<256x128xi1>
    %not3A_1305 = arith.xori %ne3A_1303, %not3A_1304 : vector<256x128xi1>
    %roll3A_1306 = arith.constant 1 : i32
    %roll3A_1307 = tpu.dynamic_rotate %select_n3A_1290 by %roll3A_1306 dim 0 : vector<256x128xf32>, i32 -> vector<256x128xf32>
    %roll3A_1308 = arith.constant 255 : i32
    %roll3A_1309 = tpu.dynamic_rotate %select_n3A_1290 by %roll3A_1308 dim 0 : vector<256x128xf32>, i32 -> vector<256x128xf32>
    %select_n3A_1310 = arith.select %ne3A_1297, %roll3A_1307, %roll3A_1309 : vector<256x128xi1>, vector<256x128xf32>
    %roll3A_1311 = arith.constant 1 : i32
    %roll3A_1312 = tpu.dynamic_rotate %select_n3A_1291 by %roll3A_1311 dim 0 : vector<256x128xi32>, i32 -> vector<256x128xi32>
    %roll3A_1313 = arith.constant 255 : i32
    %roll3A_1314 = tpu.dynamic_rotate %select_n3A_1291 by %roll3A_1313 dim 0 : vector<256x128xi32>, i32 -> vector<256x128xi32>
    %select_n3A_1315 = arith.select %ne3A_1297, %roll3A_1312, %roll3A_1314 : vector<256x128xi1>, vector<256x128xi32>
    %gt3A_1316 = arith.cmpf ogt, %select_n3A_1290, %select_n3A_1310 : vector<256x128xf32>
    %eq3A_1317 = arith.cmpf oeq, %select_n3A_1290, %select_n3A_1310 : vector<256x128xf32>
    %lt3A_1318 = arith.cmpi slt, %select_n3A_1291, %select_n3A_1315 : vector<256x128xi32>
    %and3A_1319 = arith.andi %eq3A_1317, %lt3A_1318 : vector<256x128xi1>
    %or3A_1320 = arith.ori %gt3A_1316, %and3A_1319 : vector<256x128xi1>
    %xor3A_1321 = arith.xori %or3A_1320, %ne3A_1297 : vector<256x128xi1>
    %not3A_1322 = arith.constant dense<true> : vector<256x128xi1>
    %not3A_1323 = arith.xori %not3A_1305, %not3A_1322 : vector<256x128xi1>
    %xor3A_1324 = arith.xori %xor3A_1321, %not3A_1323 : vector<256x128xi1>
    %select_n3A_1325 = arith.select %xor3A_1324, %select_n3A_1290, %select_n3A_1310 : vector<256x128xi1>, vector<256x128xf32>
    %select_n3A_1326 = arith.select %xor3A_1324, %select_n3A_1291, %select_n3A_1315 : vector<256x128xi1>, vector<256x128xi32>
    %and3A_1327 = arith.constant 64 : i32
    %and3A_1328 = vector.broadcast %and3A_1327 : i32 to vector<256x128xi32>
    %and3A_1329 = arith.andi %iota3A_5, %and3A_1328 : vector<256x128xi32>
    %ne3A_1330 = arith.constant 0 : i32
    %ne3A_1331 = vector.broadcast %ne3A_1330 : i32 to vector<256x128xi32>
    %ne3A_1332 = arith.cmpi ne, %and3A_1329, %ne3A_1331 : vector<256x128xi32>
    %and3A_1333 = arith.constant 4 : i32
    %and3A_1334 = vector.broadcast %and3A_1333 : i32 to vector<256x128xi32>
    %and3A_1335 = arith.andi %iota3A_6, %and3A_1334 : vector<256x128xi32>
    %ne3A_1336 = arith.constant 0 : i32
    %ne3A_1337 = vector.broadcast %ne3A_1336 : i32 to vector<256x128xi32>
    %ne3A_1338 = arith.cmpi ne, %and3A_1335, %ne3A_1337 : vector<256x128xi32>
    %not3A_1339 = arith.constant dense<true> : vector<256x128xi1>
    %not3A_1340 = arith.xori %ne3A_1338, %not3A_1339 : vector<256x128xi1>
    %roll3A_1341 = arith.constant 64 : i32
    %roll3A_1342 = tpu.dynamic_rotate %select_n3A_1325 by %roll3A_1341 dim 1 : vector<256x128xf32>, i32 -> vector<256x128xf32>
    %roll3A_1343 = arith.constant 64 : i32
    %roll3A_1344 = tpu.dynamic_rotate %select_n3A_1325 by %roll3A_1343 dim 1 : vector<256x128xf32>, i32 -> vector<256x128xf32>
    %select_n3A_1345 = arith.select %ne3A_1332, %roll3A_1342, %roll3A_1344 : vector<256x128xi1>, vector<256x128xf32>
    %roll3A_1346 = arith.constant 64 : i32
    %roll3A_1347 = tpu.dynamic_rotate %select_n3A_1326 by %roll3A_1346 dim 1 : vector<256x128xi32>, i32 -> vector<256x128xi32>
    %roll3A_1348 = arith.constant 64 : i32
    %roll3A_1349 = tpu.dynamic_rotate %select_n3A_1326 by %roll3A_1348 dim 1 : vector<256x128xi32>, i32 -> vector<256x128xi32>
    %select_n3A_1350 = arith.select %ne3A_1332, %roll3A_1347, %roll3A_1349 : vector<256x128xi1>, vector<256x128xi32>
    %gt3A_1351 = arith.cmpf ogt, %select_n3A_1325, %select_n3A_1345 : vector<256x128xf32>
    %eq3A_1352 = arith.cmpf oeq, %select_n3A_1325, %select_n3A_1345 : vector<256x128xf32>
    %lt3A_1353 = arith.cmpi slt, %select_n3A_1326, %select_n3A_1350 : vector<256x128xi32>
    %and3A_1354 = arith.andi %eq3A_1352, %lt3A_1353 : vector<256x128xi1>
    %or3A_1355 = arith.ori %gt3A_1351, %and3A_1354 : vector<256x128xi1>
    %xor3A_1356 = arith.xori %or3A_1355, %ne3A_1332 : vector<256x128xi1>
    %not3A_1357 = arith.constant dense<true> : vector<256x128xi1>
    %not3A_1358 = arith.xori %not3A_1340, %not3A_1357 : vector<256x128xi1>
    %xor3A_1359 = arith.xori %xor3A_1356, %not3A_1358 : vector<256x128xi1>
    %select_n3A_1360 = arith.select %xor3A_1359, %select_n3A_1325, %select_n3A_1345 : vector<256x128xi1>, vector<256x128xf32>
    %select_n3A_1361 = arith.select %xor3A_1359, %select_n3A_1326, %select_n3A_1350 : vector<256x128xi1>, vector<256x128xi32>
    %and3A_1362 = arith.constant 32 : i32
    %and3A_1363 = vector.broadcast %and3A_1362 : i32 to vector<256x128xi32>
    %and3A_1364 = arith.andi %iota3A_5, %and3A_1363 : vector<256x128xi32>
    %ne3A_1365 = arith.constant 0 : i32
    %ne3A_1366 = vector.broadcast %ne3A_1365 : i32 to vector<256x128xi32>
    %ne3A_1367 = arith.cmpi ne, %and3A_1364, %ne3A_1366 : vector<256x128xi32>
    %and3A_1368 = arith.constant 4 : i32
    %and3A_1369 = vector.broadcast %and3A_1368 : i32 to vector<256x128xi32>
    %and3A_1370 = arith.andi %iota3A_6, %and3A_1369 : vector<256x128xi32>
    %ne3A_1371 = arith.constant 0 : i32
    %ne3A_1372 = vector.broadcast %ne3A_1371 : i32 to vector<256x128xi32>
    %ne3A_1373 = arith.cmpi ne, %and3A_1370, %ne3A_1372 : vector<256x128xi32>
    %not3A_1374 = arith.constant dense<true> : vector<256x128xi1>
    %not3A_1375 = arith.xori %ne3A_1373, %not3A_1374 : vector<256x128xi1>
    %roll3A_1376 = arith.constant 32 : i32
    %roll3A_1377 = tpu.dynamic_rotate %select_n3A_1360 by %roll3A_1376 dim 1 : vector<256x128xf32>, i32 -> vector<256x128xf32>
    %roll3A_1378 = arith.constant 96 : i32
    %roll3A_1379 = tpu.dynamic_rotate %select_n3A_1360 by %roll3A_1378 dim 1 : vector<256x128xf32>, i32 -> vector<256x128xf32>
    %select_n3A_1380 = arith.select %ne3A_1367, %roll3A_1377, %roll3A_1379 : vector<256x128xi1>, vector<256x128xf32>
    %roll3A_1381 = arith.constant 32 : i32
    %roll3A_1382 = tpu.dynamic_rotate %select_n3A_1361 by %roll3A_1381 dim 1 : vector<256x128xi32>, i32 -> vector<256x128xi32>
    %roll3A_1383 = arith.constant 96 : i32
    %roll3A_1384 = tpu.dynamic_rotate %select_n3A_1361 by %roll3A_1383 dim 1 : vector<256x128xi32>, i32 -> vector<256x128xi32>
    %select_n3A_1385 = arith.select %ne3A_1367, %roll3A_1382, %roll3A_1384 : vector<256x128xi1>, vector<256x128xi32>
    %gt3A_1386 = arith.cmpf ogt, %select_n3A_1360, %select_n3A_1380 : vector<256x128xf32>
    %eq3A_1387 = arith.cmpf oeq, %select_n3A_1360, %select_n3A_1380 : vector<256x128xf32>
    %lt3A_1388 = arith.cmpi slt, %select_n3A_1361, %select_n3A_1385 : vector<256x128xi32>
    %and3A_1389 = arith.andi %eq3A_1387, %lt3A_1388 : vector<256x128xi1>
    %or3A_1390 = arith.ori %gt3A_1386, %and3A_1389 : vector<256x128xi1>
    %xor3A_1391 = arith.xori %or3A_1390, %ne3A_1367 : vector<256x128xi1>
    %not3A_1392 = arith.constant dense<true> : vector<256x128xi1>
    %not3A_1393 = arith.xori %not3A_1375, %not3A_1392 : vector<256x128xi1>
    %xor3A_1394 = arith.xori %xor3A_1391, %not3A_1393 : vector<256x128xi1>
    %select_n3A_1395 = arith.select %xor3A_1394, %select_n3A_1360, %select_n3A_1380 : vector<256x128xi1>, vector<256x128xf32>
    %select_n3A_1396 = arith.select %xor3A_1394, %select_n3A_1361, %select_n3A_1385 : vector<256x128xi1>, vector<256x128xi32>
    %and3A_1397 = arith.constant 16 : i32
    %and3A_1398 = vector.broadcast %and3A_1397 : i32 to vector<256x128xi32>
    %and3A_1399 = arith.andi %iota3A_5, %and3A_1398 : vector<256x128xi32>
    %ne3A_1400 = arith.constant 0 : i32
    %ne3A_1401 = vector.broadcast %ne3A_1400 : i32 to vector<256x128xi32>
    %ne3A_1402 = arith.cmpi ne, %and3A_1399, %ne3A_1401 : vector<256x128xi32>
    %and3A_1403 = arith.constant 4 : i32
    %and3A_1404 = vector.broadcast %and3A_1403 : i32 to vector<256x128xi32>
    %and3A_1405 = arith.andi %iota3A_6, %and3A_1404 : vector<256x128xi32>
    %ne3A_1406 = arith.constant 0 : i32
    %ne3A_1407 = vector.broadcast %ne3A_1406 : i32 to vector<256x128xi32>
    %ne3A_1408 = arith.cmpi ne, %and3A_1405, %ne3A_1407 : vector<256x128xi32>
    %not3A_1409 = arith.constant dense<true> : vector<256x128xi1>
    %not3A_1410 = arith.xori %ne3A_1408, %not3A_1409 : vector<256x128xi1>
    %roll3A_1411 = arith.constant 16 : i32
    %roll3A_1412 = tpu.dynamic_rotate %select_n3A_1395 by %roll3A_1411 dim 1 : vector<256x128xf32>, i32 -> vector<256x128xf32>
    %roll3A_1413 = arith.constant 112 : i32
    %roll3A_1414 = tpu.dynamic_rotate %select_n3A_1395 by %roll3A_1413 dim 1 : vector<256x128xf32>, i32 -> vector<256x128xf32>
    %select_n3A_1415 = arith.select %ne3A_1402, %roll3A_1412, %roll3A_1414 : vector<256x128xi1>, vector<256x128xf32>
    %roll3A_1416 = arith.constant 16 : i32
    %roll3A_1417 = tpu.dynamic_rotate %select_n3A_1396 by %roll3A_1416 dim 1 : vector<256x128xi32>, i32 -> vector<256x128xi32>
    %roll3A_1418 = arith.constant 112 : i32
    %roll3A_1419 = tpu.dynamic_rotate %select_n3A_1396 by %roll3A_1418 dim 1 : vector<256x128xi32>, i32 -> vector<256x128xi32>
    %select_n3A_1420 = arith.select %ne3A_1402, %roll3A_1417, %roll3A_1419 : vector<256x128xi1>, vector<256x128xi32>
    %gt3A_1421 = arith.cmpf ogt, %select_n3A_1395, %select_n3A_1415 : vector<256x128xf32>
    %eq3A_1422 = arith.cmpf oeq, %select_n3A_1395, %select_n3A_1415 : vector<256x128xf32>
    %lt3A_1423 = arith.cmpi slt, %select_n3A_1396, %select_n3A_1420 : vector<256x128xi32>
    %and3A_1424 = arith.andi %eq3A_1422, %lt3A_1423 : vector<256x128xi1>
    %or3A_1425 = arith.ori %gt3A_1421, %and3A_1424 : vector<256x128xi1>
    %xor3A_1426 = arith.xori %or3A_1425, %ne3A_1402 : vector<256x128xi1>
    %not3A_1427 = arith.constant dense<true> : vector<256x128xi1>
    %not3A_1428 = arith.xori %not3A_1410, %not3A_1427 : vector<256x128xi1>
    %xor3A_1429 = arith.xori %xor3A_1426, %not3A_1428 : vector<256x128xi1>
    %select_n3A_1430 = arith.select %xor3A_1429, %select_n3A_1395, %select_n3A_1415 : vector<256x128xi1>, vector<256x128xf32>
    %select_n3A_1431 = arith.select %xor3A_1429, %select_n3A_1396, %select_n3A_1420 : vector<256x128xi1>, vector<256x128xi32>
    %and3A_1432 = arith.constant 8 : i32
    %and3A_1433 = vector.broadcast %and3A_1432 : i32 to vector<256x128xi32>
    %and3A_1434 = arith.andi %iota3A_5, %and3A_1433 : vector<256x128xi32>
    %ne3A_1435 = arith.constant 0 : i32
    %ne3A_1436 = vector.broadcast %ne3A_1435 : i32 to vector<256x128xi32>
    %ne3A_1437 = arith.cmpi ne, %and3A_1434, %ne3A_1436 : vector<256x128xi32>
    %and3A_1438 = arith.constant 4 : i32
    %and3A_1439 = vector.broadcast %and3A_1438 : i32 to vector<256x128xi32>
    %and3A_1440 = arith.andi %iota3A_6, %and3A_1439 : vector<256x128xi32>
    %ne3A_1441 = arith.constant 0 : i32
    %ne3A_1442 = vector.broadcast %ne3A_1441 : i32 to vector<256x128xi32>
    %ne3A_1443 = arith.cmpi ne, %and3A_1440, %ne3A_1442 : vector<256x128xi32>
    %not3A_1444 = arith.constant dense<true> : vector<256x128xi1>
    %not3A_1445 = arith.xori %ne3A_1443, %not3A_1444 : vector<256x128xi1>
    %roll3A_1446 = arith.constant 8 : i32
    %roll3A_1447 = tpu.dynamic_rotate %select_n3A_1430 by %roll3A_1446 dim 1 : vector<256x128xf32>, i32 -> vector<256x128xf32>
    %roll3A_1448 = arith.constant 120 : i32
    %roll3A_1449 = tpu.dynamic_rotate %select_n3A_1430 by %roll3A_1448 dim 1 : vector<256x128xf32>, i32 -> vector<256x128xf32>
    %select_n3A_1450 = arith.select %ne3A_1437, %roll3A_1447, %roll3A_1449 : vector<256x128xi1>, vector<256x128xf32>
    %roll3A_1451 = arith.constant 8 : i32
    %roll3A_1452 = tpu.dynamic_rotate %select_n3A_1431 by %roll3A_1451 dim 1 : vector<256x128xi32>, i32 -> vector<256x128xi32>
    %roll3A_1453 = arith.constant 120 : i32
    %roll3A_1454 = tpu.dynamic_rotate %select_n3A_1431 by %roll3A_1453 dim 1 : vector<256x128xi32>, i32 -> vector<256x128xi32>
    %select_n3A_1455 = arith.select %ne3A_1437, %roll3A_1452, %roll3A_1454 : vector<256x128xi1>, vector<256x128xi32>
    %gt3A_1456 = arith.cmpf ogt, %select_n3A_1430, %select_n3A_1450 : vector<256x128xf32>
    %eq3A_1457 = arith.cmpf oeq, %select_n3A_1430, %select_n3A_1450 : vector<256x128xf32>
    %lt3A_1458 = arith.cmpi slt, %select_n3A_1431, %select_n3A_1455 : vector<256x128xi32>
    %and3A_1459 = arith.andi %eq3A_1457, %lt3A_1458 : vector<256x128xi1>
    %or3A_1460 = arith.ori %gt3A_1456, %and3A_1459 : vector<256x128xi1>
    %xor3A_1461 = arith.xori %or3A_1460, %ne3A_1437 : vector<256x128xi1>
    %not3A_1462 = arith.constant dense<true> : vector<256x128xi1>
    %not3A_1463 = arith.xori %not3A_1445, %not3A_1462 : vector<256x128xi1>
    %xor3A_1464 = arith.xori %xor3A_1461, %not3A_1463 : vector<256x128xi1>
    %select_n3A_1465 = arith.select %xor3A_1464, %select_n3A_1430, %select_n3A_1450 : vector<256x128xi1>, vector<256x128xf32>
    %select_n3A_1466 = arith.select %xor3A_1464, %select_n3A_1431, %select_n3A_1455 : vector<256x128xi1>, vector<256x128xi32>
    %and3A_1467 = arith.constant 4 : i32
    %and3A_1468 = vector.broadcast %and3A_1467 : i32 to vector<256x128xi32>
    %and3A_1469 = arith.andi %iota3A_5, %and3A_1468 : vector<256x128xi32>
    %ne3A_1470 = arith.constant 0 : i32
    %ne3A_1471 = vector.broadcast %ne3A_1470 : i32 to vector<256x128xi32>
    %ne3A_1472 = arith.cmpi ne, %and3A_1469, %ne3A_1471 : vector<256x128xi32>
    %and3A_1473 = arith.constant 4 : i32
    %and3A_1474 = vector.broadcast %and3A_1473 : i32 to vector<256x128xi32>
    %and3A_1475 = arith.andi %iota3A_6, %and3A_1474 : vector<256x128xi32>
    %ne3A_1476 = arith.constant 0 : i32
    %ne3A_1477 = vector.broadcast %ne3A_1476 : i32 to vector<256x128xi32>
    %ne3A_1478 = arith.cmpi ne, %and3A_1475, %ne3A_1477 : vector<256x128xi32>
    %not3A_1479 = arith.constant dense<true> : vector<256x128xi1>
    %not3A_1480 = arith.xori %ne3A_1478, %not3A_1479 : vector<256x128xi1>
    %roll3A_1481 = arith.constant 4 : i32
    %roll3A_1482 = tpu.dynamic_rotate %select_n3A_1465 by %roll3A_1481 dim 1 : vector<256x128xf32>, i32 -> vector<256x128xf32>
    %roll3A_1483 = arith.constant 124 : i32
    %roll3A_1484 = tpu.dynamic_rotate %select_n3A_1465 by %roll3A_1483 dim 1 : vector<256x128xf32>, i32 -> vector<256x128xf32>
    %select_n3A_1485 = arith.select %ne3A_1472, %roll3A_1482, %roll3A_1484 : vector<256x128xi1>, vector<256x128xf32>
    %roll3A_1486 = arith.constant 4 : i32
    %roll3A_1487 = tpu.dynamic_rotate %select_n3A_1466 by %roll3A_1486 dim 1 : vector<256x128xi32>, i32 -> vector<256x128xi32>
    %roll3A_1488 = arith.constant 124 : i32
    %roll3A_1489 = tpu.dynamic_rotate %select_n3A_1466 by %roll3A_1488 dim 1 : vector<256x128xi32>, i32 -> vector<256x128xi32>
    %select_n3A_1490 = arith.select %ne3A_1472, %roll3A_1487, %roll3A_1489 : vector<256x128xi1>, vector<256x128xi32>
    %gt3A_1491 = arith.cmpf ogt, %select_n3A_1465, %select_n3A_1485 : vector<256x128xf32>
    %eq3A_1492 = arith.cmpf oeq, %select_n3A_1465, %select_n3A_1485 : vector<256x128xf32>
    %lt3A_1493 = arith.cmpi slt, %select_n3A_1466, %select_n3A_1490 : vector<256x128xi32>
    %and3A_1494 = arith.andi %eq3A_1492, %lt3A_1493 : vector<256x128xi1>
    %or3A_1495 = arith.ori %gt3A_1491, %and3A_1494 : vector<256x128xi1>
    %xor3A_1496 = arith.xori %or3A_1495, %ne3A_1472 : vector<256x128xi1>
    %not3A_1497 = arith.constant dense<true> : vector<256x128xi1>
    %not3A_1498 = arith.xori %not3A_1480, %not3A_1497 : vector<256x128xi1>
    %xor3A_1499 = arith.xori %xor3A_1496, %not3A_1498 : vector<256x128xi1>
    %select_n3A_1500 = arith.select %xor3A_1499, %select_n3A_1465, %select_n3A_1485 : vector<256x128xi1>, vector<256x128xf32>
    %select_n3A_1501 = arith.select %xor3A_1499, %select_n3A_1466, %select_n3A_1490 : vector<256x128xi1>, vector<256x128xi32>
    %and3A_1502 = arith.constant 2 : i32
    %and3A_1503 = vector.broadcast %and3A_1502 : i32 to vector<256x128xi32>
    %and3A_1504 = arith.andi %iota3A_5, %and3A_1503 : vector<256x128xi32>
    %ne3A_1505 = arith.constant 0 : i32
    %ne3A_1506 = vector.broadcast %ne3A_1505 : i32 to vector<256x128xi32>
    %ne3A_1507 = arith.cmpi ne, %and3A_1504, %ne3A_1506 : vector<256x128xi32>
    %and3A_1508 = arith.constant 4 : i32
    %and3A_1509 = vector.broadcast %and3A_1508 : i32 to vector<256x128xi32>
    %and3A_1510 = arith.andi %iota3A_6, %and3A_1509 : vector<256x128xi32>
    %ne3A_1511 = arith.constant 0 : i32
    %ne3A_1512 = vector.broadcast %ne3A_1511 : i32 to vector<256x128xi32>
    %ne3A_1513 = arith.cmpi ne, %and3A_1510, %ne3A_1512 : vector<256x128xi32>
    %not3A_1514 = arith.constant dense<true> : vector<256x128xi1>
    %not3A_1515 = arith.xori %ne3A_1513, %not3A_1514 : vector<256x128xi1>
    %roll3A_1516 = arith.constant 2 : i32
    %roll3A_1517 = tpu.dynamic_rotate %select_n3A_1500 by %roll3A_1516 dim 1 : vector<256x128xf32>, i32 -> vector<256x128xf32>
    %roll3A_1518 = arith.constant 126 : i32
    %roll3A_1519 = tpu.dynamic_rotate %select_n3A_1500 by %roll3A_1518 dim 1 : vector<256x128xf32>, i32 -> vector<256x128xf32>
    %select_n3A_1520 = arith.select %ne3A_1507, %roll3A_1517, %roll3A_1519 : vector<256x128xi1>, vector<256x128xf32>
    %roll3A_1521 = arith.constant 2 : i32
    %roll3A_1522 = tpu.dynamic_rotate %select_n3A_1501 by %roll3A_1521 dim 1 : vector<256x128xi32>, i32 -> vector<256x128xi32>
    %roll3A_1523 = arith.constant 126 : i32
    %roll3A_1524 = tpu.dynamic_rotate %select_n3A_1501 by %roll3A_1523 dim 1 : vector<256x128xi32>, i32 -> vector<256x128xi32>
    %select_n3A_1525 = arith.select %ne3A_1507, %roll3A_1522, %roll3A_1524 : vector<256x128xi1>, vector<256x128xi32>
    %gt3A_1526 = arith.cmpf ogt, %select_n3A_1500, %select_n3A_1520 : vector<256x128xf32>
    %eq3A_1527 = arith.cmpf oeq, %select_n3A_1500, %select_n3A_1520 : vector<256x128xf32>
    %lt3A_1528 = arith.cmpi slt, %select_n3A_1501, %select_n3A_1525 : vector<256x128xi32>
    %and3A_1529 = arith.andi %eq3A_1527, %lt3A_1528 : vector<256x128xi1>
    %or3A_1530 = arith.ori %gt3A_1526, %and3A_1529 : vector<256x128xi1>
    %xor3A_1531 = arith.xori %or3A_1530, %ne3A_1507 : vector<256x128xi1>
    %not3A_1532 = arith.constant dense<true> : vector<256x128xi1>
    %not3A_1533 = arith.xori %not3A_1515, %not3A_1532 : vector<256x128xi1>
    %xor3A_1534 = arith.xori %xor3A_1531, %not3A_1533 : vector<256x128xi1>
    %select_n3A_1535 = arith.select %xor3A_1534, %select_n3A_1500, %select_n3A_1520 : vector<256x128xi1>, vector<256x128xf32>
    %select_n3A_1536 = arith.select %xor3A_1534, %select_n3A_1501, %select_n3A_1525 : vector<256x128xi1>, vector<256x128xi32>
    %and3A_1537 = arith.constant 1 : i32
    %and3A_1538 = vector.broadcast %and3A_1537 : i32 to vector<256x128xi32>
    %and3A_1539 = arith.andi %iota3A_5, %and3A_1538 : vector<256x128xi32>
    %ne3A_1540 = arith.constant 0 : i32
    %ne3A_1541 = vector.broadcast %ne3A_1540 : i32 to vector<256x128xi32>
    %ne3A_1542 = arith.cmpi ne, %and3A_1539, %ne3A_1541 : vector<256x128xi32>
    %and3A_1543 = arith.constant 4 : i32
    %and3A_1544 = vector.broadcast %and3A_1543 : i32 to vector<256x128xi32>
    %and3A_1545 = arith.andi %iota3A_6, %and3A_1544 : vector<256x128xi32>
    %ne3A_1546 = arith.constant 0 : i32
    %ne3A_1547 = vector.broadcast %ne3A_1546 : i32 to vector<256x128xi32>
    %ne3A_1548 = arith.cmpi ne, %and3A_1545, %ne3A_1547 : vector<256x128xi32>
    %not3A_1549 = arith.constant dense<true> : vector<256x128xi1>
    %not3A_1550 = arith.xori %ne3A_1548, %not3A_1549 : vector<256x128xi1>
    %roll3A_1551 = arith.constant 1 : i32
    %roll3A_1552 = tpu.dynamic_rotate %select_n3A_1535 by %roll3A_1551 dim 1 : vector<256x128xf32>, i32 -> vector<256x128xf32>
    %roll3A_1553 = arith.constant 127 : i32
    %roll3A_1554 = tpu.dynamic_rotate %select_n3A_1535 by %roll3A_1553 dim 1 : vector<256x128xf32>, i32 -> vector<256x128xf32>
    %select_n3A_1555 = arith.select %ne3A_1542, %roll3A_1552, %roll3A_1554 : vector<256x128xi1>, vector<256x128xf32>
    %roll3A_1556 = arith.constant 1 : i32
    %roll3A_1557 = tpu.dynamic_rotate %select_n3A_1536 by %roll3A_1556 dim 1 : vector<256x128xi32>, i32 -> vector<256x128xi32>
    %roll3A_1558 = arith.constant 127 : i32
    %roll3A_1559 = tpu.dynamic_rotate %select_n3A_1536 by %roll3A_1558 dim 1 : vector<256x128xi32>, i32 -> vector<256x128xi32>
    %select_n3A_1560 = arith.select %ne3A_1542, %roll3A_1557, %roll3A_1559 : vector<256x128xi1>, vector<256x128xi32>
    %gt3A_1561 = arith.cmpf ogt, %select_n3A_1535, %select_n3A_1555 : vector<256x128xf32>
    %eq3A_1562 = arith.cmpf oeq, %select_n3A_1535, %select_n3A_1555 : vector<256x128xf32>
    %lt3A_1563 = arith.cmpi slt, %select_n3A_1536, %select_n3A_1560 : vector<256x128xi32>
    %and3A_1564 = arith.andi %eq3A_1562, %lt3A_1563 : vector<256x128xi1>
    %or3A_1565 = arith.ori %gt3A_1561, %and3A_1564 : vector<256x128xi1>
    %xor3A_1566 = arith.xori %or3A_1565, %ne3A_1542 : vector<256x128xi1>
    %not3A_1567 = arith.constant dense<true> : vector<256x128xi1>
    %not3A_1568 = arith.xori %not3A_1550, %not3A_1567 : vector<256x128xi1>
    %xor3A_1569 = arith.xori %xor3A_1566, %not3A_1568 : vector<256x128xi1>
    %select_n3A_1570 = arith.select %xor3A_1569, %select_n3A_1535, %select_n3A_1555 : vector<256x128xi1>, vector<256x128xf32>
    %select_n3A_1571 = arith.select %xor3A_1569, %select_n3A_1536, %select_n3A_1560 : vector<256x128xi1>, vector<256x128xi32>
    %and3A_1572 = arith.constant 4 : i32
    %and3A_1573 = vector.broadcast %and3A_1572 : i32 to vector<256x128xi32>
    %and3A_1574 = arith.andi %iota3A_6, %and3A_1573 : vector<256x128xi32>
    %ne3A_1575 = arith.constant 0 : i32
    %ne3A_1576 = vector.broadcast %ne3A_1575 : i32 to vector<256x128xi32>
    %ne3A_1577 = arith.cmpi ne, %and3A_1574, %ne3A_1576 : vector<256x128xi32>
    %and3A_1578 = arith.constant 8 : i32
    %and3A_1579 = vector.broadcast %and3A_1578 : i32 to vector<256x128xi32>
    %and3A_1580 = arith.andi %iota3A_6, %and3A_1579 : vector<256x128xi32>
    %ne3A_1581 = arith.constant 0 : i32
    %ne3A_1582 = vector.broadcast %ne3A_1581 : i32 to vector<256x128xi32>
    %ne3A_1583 = arith.cmpi ne, %and3A_1580, %ne3A_1582 : vector<256x128xi32>
    %not3A_1584 = arith.constant dense<true> : vector<256x128xi1>
    %not3A_1585 = arith.xori %ne3A_1583, %not3A_1584 : vector<256x128xi1>
    %roll3A_1586 = arith.constant 4 : i32
    %roll3A_1587 = tpu.dynamic_rotate %select_n3A_1570 by %roll3A_1586 dim 0 : vector<256x128xf32>, i32 -> vector<256x128xf32>
    %roll3A_1588 = arith.constant 252 : i32
    %roll3A_1589 = tpu.dynamic_rotate %select_n3A_1570 by %roll3A_1588 dim 0 : vector<256x128xf32>, i32 -> vector<256x128xf32>
    %select_n3A_1590 = arith.select %ne3A_1577, %roll3A_1587, %roll3A_1589 : vector<256x128xi1>, vector<256x128xf32>
    %roll3A_1591 = arith.constant 4 : i32
    %roll3A_1592 = tpu.dynamic_rotate %select_n3A_1571 by %roll3A_1591 dim 0 : vector<256x128xi32>, i32 -> vector<256x128xi32>
    %roll3A_1593 = arith.constant 252 : i32
    %roll3A_1594 = tpu.dynamic_rotate %select_n3A_1571 by %roll3A_1593 dim 0 : vector<256x128xi32>, i32 -> vector<256x128xi32>
    %select_n3A_1595 = arith.select %ne3A_1577, %roll3A_1592, %roll3A_1594 : vector<256x128xi1>, vector<256x128xi32>
    %gt3A_1596 = arith.cmpf ogt, %select_n3A_1570, %select_n3A_1590 : vector<256x128xf32>
    %eq3A_1597 = arith.cmpf oeq, %select_n3A_1570, %select_n3A_1590 : vector<256x128xf32>
    %lt3A_1598 = arith.cmpi slt, %select_n3A_1571, %select_n3A_1595 : vector<256x128xi32>
    %and3A_1599 = arith.andi %eq3A_1597, %lt3A_1598 : vector<256x128xi1>
    %or3A_1600 = arith.ori %gt3A_1596, %and3A_1599 : vector<256x128xi1>
    %xor3A_1601 = arith.xori %or3A_1600, %ne3A_1577 : vector<256x128xi1>
    %not3A_1602 = arith.constant dense<true> : vector<256x128xi1>
    %not3A_1603 = arith.xori %not3A_1585, %not3A_1602 : vector<256x128xi1>
    %xor3A_1604 = arith.xori %xor3A_1601, %not3A_1603 : vector<256x128xi1>
    %select_n3A_1605 = arith.select %xor3A_1604, %select_n3A_1570, %select_n3A_1590 : vector<256x128xi1>, vector<256x128xf32>
    %select_n3A_1606 = arith.select %xor3A_1604, %select_n3A_1571, %select_n3A_1595 : vector<256x128xi1>, vector<256x128xi32>
    %and3A_1607 = arith.constant 2 : i32
    %and3A_1608 = vector.broadcast %and3A_1607 : i32 to vector<256x128xi32>
    %and3A_1609 = arith.andi %iota3A_6, %and3A_1608 : vector<256x128xi32>
    %ne3A_1610 = arith.constant 0 : i32
    %ne3A_1611 = vector.broadcast %ne3A_1610 : i32 to vector<256x128xi32>
    %ne3A_1612 = arith.cmpi ne, %and3A_1609, %ne3A_1611 : vector<256x128xi32>
    %and3A_1613 = arith.constant 8 : i32
    %and3A_1614 = vector.broadcast %and3A_1613 : i32 to vector<256x128xi32>
    %and3A_1615 = arith.andi %iota3A_6, %and3A_1614 : vector<256x128xi32>
    %ne3A_1616 = arith.constant 0 : i32
    %ne3A_1617 = vector.broadcast %ne3A_1616 : i32 to vector<256x128xi32>
    %ne3A_1618 = arith.cmpi ne, %and3A_1615, %ne3A_1617 : vector<256x128xi32>
    %not3A_1619 = arith.constant dense<true> : vector<256x128xi1>
    %not3A_1620 = arith.xori %ne3A_1618, %not3A_1619 : vector<256x128xi1>
    %roll3A_1621 = arith.constant 2 : i32
    %roll3A_1622 = tpu.dynamic_rotate %select_n3A_1605 by %roll3A_1621 dim 0 : vector<256x128xf32>, i32 -> vector<256x128xf32>
    %roll3A_1623 = arith.constant 254 : i32
    %roll3A_1624 = tpu.dynamic_rotate %select_n3A_1605 by %roll3A_1623 dim 0 : vector<256x128xf32>, i32 -> vector<256x128xf32>
    %select_n3A_1625 = arith.select %ne3A_1612, %roll3A_1622, %roll3A_1624 : vector<256x128xi1>, vector<256x128xf32>
    %roll3A_1626 = arith.constant 2 : i32
    %roll3A_1627 = tpu.dynamic_rotate %select_n3A_1606 by %roll3A_1626 dim 0 : vector<256x128xi32>, i32 -> vector<256x128xi32>
    %roll3A_1628 = arith.constant 254 : i32
    %roll3A_1629 = tpu.dynamic_rotate %select_n3A_1606 by %roll3A_1628 dim 0 : vector<256x128xi32>, i32 -> vector<256x128xi32>
    %select_n3A_1630 = arith.select %ne3A_1612, %roll3A_1627, %roll3A_1629 : vector<256x128xi1>, vector<256x128xi32>
    %gt3A_1631 = arith.cmpf ogt, %select_n3A_1605, %select_n3A_1625 : vector<256x128xf32>
    %eq3A_1632 = arith.cmpf oeq, %select_n3A_1605, %select_n3A_1625 : vector<256x128xf32>
    %lt3A_1633 = arith.cmpi slt, %select_n3A_1606, %select_n3A_1630 : vector<256x128xi32>
    %and3A_1634 = arith.andi %eq3A_1632, %lt3A_1633 : vector<256x128xi1>
    %or3A_1635 = arith.ori %gt3A_1631, %and3A_1634 : vector<256x128xi1>
    %xor3A_1636 = arith.xori %or3A_1635, %ne3A_1612 : vector<256x128xi1>
    %not3A_1637 = arith.constant dense<true> : vector<256x128xi1>
    %not3A_1638 = arith.xori %not3A_1620, %not3A_1637 : vector<256x128xi1>
    %xor3A_1639 = arith.xori %xor3A_1636, %not3A_1638 : vector<256x128xi1>
    %select_n3A_1640 = arith.select %xor3A_1639, %select_n3A_1605, %select_n3A_1625 : vector<256x128xi1>, vector<256x128xf32>
    %select_n3A_1641 = arith.select %xor3A_1639, %select_n3A_1606, %select_n3A_1630 : vector<256x128xi1>, vector<256x128xi32>
    %and3A_1642 = arith.constant 1 : i32
    %and3A_1643 = vector.broadcast %and3A_1642 : i32 to vector<256x128xi32>
    %and3A_1644 = arith.andi %iota3A_6, %and3A_1643 : vector<256x128xi32>
    %ne3A_1645 = arith.constant 0 : i32
    %ne3A_1646 = vector.broadcast %ne3A_1645 : i32 to vector<256x128xi32>
    %ne3A_1647 = arith.cmpi ne, %and3A_1644, %ne3A_1646 : vector<256x128xi32>
    %and3A_1648 = arith.constant 8 : i32
    %and3A_1649 = vector.broadcast %and3A_1648 : i32 to vector<256x128xi32>
    %and3A_1650 = arith.andi %iota3A_6, %and3A_1649 : vector<256x128xi32>
    %ne3A_1651 = arith.constant 0 : i32
    %ne3A_1652 = vector.broadcast %ne3A_1651 : i32 to vector<256x128xi32>
    %ne3A_1653 = arith.cmpi ne, %and3A_1650, %ne3A_1652 : vector<256x128xi32>
    %not3A_1654 = arith.constant dense<true> : vector<256x128xi1>
    %not3A_1655 = arith.xori %ne3A_1653, %not3A_1654 : vector<256x128xi1>
    %roll3A_1656 = arith.constant 1 : i32
    %roll3A_1657 = tpu.dynamic_rotate %select_n3A_1640 by %roll3A_1656 dim 0 : vector<256x128xf32>, i32 -> vector<256x128xf32>
    %roll3A_1658 = arith.constant 255 : i32
    %roll3A_1659 = tpu.dynamic_rotate %select_n3A_1640 by %roll3A_1658 dim 0 : vector<256x128xf32>, i32 -> vector<256x128xf32>
    %select_n3A_1660 = arith.select %ne3A_1647, %roll3A_1657, %roll3A_1659 : vector<256x128xi1>, vector<256x128xf32>
    %roll3A_1661 = arith.constant 1 : i32
    %roll3A_1662 = tpu.dynamic_rotate %select_n3A_1641 by %roll3A_1661 dim 0 : vector<256x128xi32>, i32 -> vector<256x128xi32>
    %roll3A_1663 = arith.constant 255 : i32
    %roll3A_1664 = tpu.dynamic_rotate %select_n3A_1641 by %roll3A_1663 dim 0 : vector<256x128xi32>, i32 -> vector<256x128xi32>
    %select_n3A_1665 = arith.select %ne3A_1647, %roll3A_1662, %roll3A_1664 : vector<256x128xi1>, vector<256x128xi32>
    %gt3A_1666 = arith.cmpf ogt, %select_n3A_1640, %select_n3A_1660 : vector<256x128xf32>
    %eq3A_1667 = arith.cmpf oeq, %select_n3A_1640, %select_n3A_1660 : vector<256x128xf32>
    %lt3A_1668 = arith.cmpi slt, %select_n3A_1641, %select_n3A_1665 : vector<256x128xi32>
    %and3A_1669 = arith.andi %eq3A_1667, %lt3A_1668 : vector<256x128xi1>
    %or3A_1670 = arith.ori %gt3A_1666, %and3A_1669 : vector<256x128xi1>
    %xor3A_1671 = arith.xori %or3A_1670, %ne3A_1647 : vector<256x128xi1>
    %not3A_1672 = arith.constant dense<true> : vector<256x128xi1>
    %not3A_1673 = arith.xori %not3A_1655, %not3A_1672 : vector<256x128xi1>
    %xor3A_1674 = arith.xori %xor3A_1671, %not3A_1673 : vector<256x128xi1>
    %select_n3A_1675 = arith.select %xor3A_1674, %select_n3A_1640, %select_n3A_1660 : vector<256x128xi1>, vector<256x128xf32>
    %select_n3A_1676 = arith.select %xor3A_1674, %select_n3A_1641, %select_n3A_1665 : vector<256x128xi1>, vector<256x128xi32>
    %and3A_1677 = arith.constant 64 : i32
    %and3A_1678 = vector.broadcast %and3A_1677 : i32 to vector<256x128xi32>
    %and3A_1679 = arith.andi %iota3A_5, %and3A_1678 : vector<256x128xi32>
    %ne3A_1680 = arith.constant 0 : i32
    %ne3A_1681 = vector.broadcast %ne3A_1680 : i32 to vector<256x128xi32>
    %ne3A_1682 = arith.cmpi ne, %and3A_1679, %ne3A_1681 : vector<256x128xi32>
    %and3A_1683 = arith.constant 8 : i32
    %and3A_1684 = vector.broadcast %and3A_1683 : i32 to vector<256x128xi32>
    %and3A_1685 = arith.andi %iota3A_6, %and3A_1684 : vector<256x128xi32>
    %ne3A_1686 = arith.constant 0 : i32
    %ne3A_1687 = vector.broadcast %ne3A_1686 : i32 to vector<256x128xi32>
    %ne3A_1688 = arith.cmpi ne, %and3A_1685, %ne3A_1687 : vector<256x128xi32>
    %not3A_1689 = arith.constant dense<true> : vector<256x128xi1>
    %not3A_1690 = arith.xori %ne3A_1688, %not3A_1689 : vector<256x128xi1>
    %roll3A_1691 = arith.constant 64 : i32
    %roll3A_1692 = tpu.dynamic_rotate %select_n3A_1675 by %roll3A_1691 dim 1 : vector<256x128xf32>, i32 -> vector<256x128xf32>
    %roll3A_1693 = arith.constant 64 : i32
    %roll3A_1694 = tpu.dynamic_rotate %select_n3A_1675 by %roll3A_1693 dim 1 : vector<256x128xf32>, i32 -> vector<256x128xf32>
    %select_n3A_1695 = arith.select %ne3A_1682, %roll3A_1692, %roll3A_1694 : vector<256x128xi1>, vector<256x128xf32>
    %roll3A_1696 = arith.constant 64 : i32
    %roll3A_1697 = tpu.dynamic_rotate %select_n3A_1676 by %roll3A_1696 dim 1 : vector<256x128xi32>, i32 -> vector<256x128xi32>
    %roll3A_1698 = arith.constant 64 : i32
    %roll3A_1699 = tpu.dynamic_rotate %select_n3A_1676 by %roll3A_1698 dim 1 : vector<256x128xi32>, i32 -> vector<256x128xi32>
    %select_n3A_1700 = arith.select %ne3A_1682, %roll3A_1697, %roll3A_1699 : vector<256x128xi1>, vector<256x128xi32>
    %gt3A_1701 = arith.cmpf ogt, %select_n3A_1675, %select_n3A_1695 : vector<256x128xf32>
    %eq3A_1702 = arith.cmpf oeq, %select_n3A_1675, %select_n3A_1695 : vector<256x128xf32>
    %lt3A_1703 = arith.cmpi slt, %select_n3A_1676, %select_n3A_1700 : vector<256x128xi32>
    %and3A_1704 = arith.andi %eq3A_1702, %lt3A_1703 : vector<256x128xi1>
    %or3A_1705 = arith.ori %gt3A_1701, %and3A_1704 : vector<256x128xi1>
    %xor3A_1706 = arith.xori %or3A_1705, %ne3A_1682 : vector<256x128xi1>
    %not3A_1707 = arith.constant dense<true> : vector<256x128xi1>
    %not3A_1708 = arith.xori %not3A_1690, %not3A_1707 : vector<256x128xi1>
    %xor3A_1709 = arith.xori %xor3A_1706, %not3A_1708 : vector<256x128xi1>
    %select_n3A_1710 = arith.select %xor3A_1709, %select_n3A_1675, %select_n3A_1695 : vector<256x128xi1>, vector<256x128xf32>
    %select_n3A_1711 = arith.select %xor3A_1709, %select_n3A_1676, %select_n3A_1700 : vector<256x128xi1>, vector<256x128xi32>
    %and3A_1712 = arith.constant 32 : i32
    %and3A_1713 = vector.broadcast %and3A_1712 : i32 to vector<256x128xi32>
    %and3A_1714 = arith.andi %iota3A_5, %and3A_1713 : vector<256x128xi32>
    %ne3A_1715 = arith.constant 0 : i32
    %ne3A_1716 = vector.broadcast %ne3A_1715 : i32 to vector<256x128xi32>
    %ne3A_1717 = arith.cmpi ne, %and3A_1714, %ne3A_1716 : vector<256x128xi32>
    %and3A_1718 = arith.constant 8 : i32
    %and3A_1719 = vector.broadcast %and3A_1718 : i32 to vector<256x128xi32>
    %and3A_1720 = arith.andi %iota3A_6, %and3A_1719 : vector<256x128xi32>
    %ne3A_1721 = arith.constant 0 : i32
    %ne3A_1722 = vector.broadcast %ne3A_1721 : i32 to vector<256x128xi32>
    %ne3A_1723 = arith.cmpi ne, %and3A_1720, %ne3A_1722 : vector<256x128xi32>
    %not3A_1724 = arith.constant dense<true> : vector<256x128xi1>
    %not3A_1725 = arith.xori %ne3A_1723, %not3A_1724 : vector<256x128xi1>
    %roll3A_1726 = arith.constant 32 : i32
    %roll3A_1727 = tpu.dynamic_rotate %select_n3A_1710 by %roll3A_1726 dim 1 : vector<256x128xf32>, i32 -> vector<256x128xf32>
    %roll3A_1728 = arith.constant 96 : i32
    %roll3A_1729 = tpu.dynamic_rotate %select_n3A_1710 by %roll3A_1728 dim 1 : vector<256x128xf32>, i32 -> vector<256x128xf32>
    %select_n3A_1730 = arith.select %ne3A_1717, %roll3A_1727, %roll3A_1729 : vector<256x128xi1>, vector<256x128xf32>
    %roll3A_1731 = arith.constant 32 : i32
    %roll3A_1732 = tpu.dynamic_rotate %select_n3A_1711 by %roll3A_1731 dim 1 : vector<256x128xi32>, i32 -> vector<256x128xi32>
    %roll3A_1733 = arith.constant 96 : i32
    %roll3A_1734 = tpu.dynamic_rotate %select_n3A_1711 by %roll3A_1733 dim 1 : vector<256x128xi32>, i32 -> vector<256x128xi32>
    %select_n3A_1735 = arith.select %ne3A_1717, %roll3A_1732, %roll3A_1734 : vector<256x128xi1>, vector<256x128xi32>
    %gt3A_1736 = arith.cmpf ogt, %select_n3A_1710, %select_n3A_1730 : vector<256x128xf32>
    %eq3A_1737 = arith.cmpf oeq, %select_n3A_1710, %select_n3A_1730 : vector<256x128xf32>
    %lt3A_1738 = arith.cmpi slt, %select_n3A_1711, %select_n3A_1735 : vector<256x128xi32>
    %and3A_1739 = arith.andi %eq3A_1737, %lt3A_1738 : vector<256x128xi1>
    %or3A_1740 = arith.ori %gt3A_1736, %and3A_1739 : vector<256x128xi1>
    %xor3A_1741 = arith.xori %or3A_1740, %ne3A_1717 : vector<256x128xi1>
    %not3A_1742 = arith.constant dense<true> : vector<256x128xi1>
    %not3A_1743 = arith.xori %not3A_1725, %not3A_1742 : vector<256x128xi1>
    %xor3A_1744 = arith.xori %xor3A_1741, %not3A_1743 : vector<256x128xi1>
    %select_n3A_1745 = arith.select %xor3A_1744, %select_n3A_1710, %select_n3A_1730 : vector<256x128xi1>, vector<256x128xf32>
    %select_n3A_1746 = arith.select %xor3A_1744, %select_n3A_1711, %select_n3A_1735 : vector<256x128xi1>, vector<256x128xi32>
    %and3A_1747 = arith.constant 16 : i32
    %and3A_1748 = vector.broadcast %and3A_1747 : i32 to vector<256x128xi32>
    %and3A_1749 = arith.andi %iota3A_5, %and3A_1748 : vector<256x128xi32>
    %ne3A_1750 = arith.constant 0 : i32
    %ne3A_1751 = vector.broadcast %ne3A_1750 : i32 to vector<256x128xi32>
    %ne3A_1752 = arith.cmpi ne, %and3A_1749, %ne3A_1751 : vector<256x128xi32>
    %and3A_1753 = arith.constant 8 : i32
    %and3A_1754 = vector.broadcast %and3A_1753 : i32 to vector<256x128xi32>
    %and3A_1755 = arith.andi %iota3A_6, %and3A_1754 : vector<256x128xi32>
    %ne3A_1756 = arith.constant 0 : i32
    %ne3A_1757 = vector.broadcast %ne3A_1756 : i32 to vector<256x128xi32>
    %ne3A_1758 = arith.cmpi ne, %and3A_1755, %ne3A_1757 : vector<256x128xi32>
    %not3A_1759 = arith.constant dense<true> : vector<256x128xi1>
    %not3A_1760 = arith.xori %ne3A_1758, %not3A_1759 : vector<256x128xi1>
    %roll3A_1761 = arith.constant 16 : i32
    %roll3A_1762 = tpu.dynamic_rotate %select_n3A_1745 by %roll3A_1761 dim 1 : vector<256x128xf32>, i32 -> vector<256x128xf32>
    %roll3A_1763 = arith.constant 112 : i32
    %roll3A_1764 = tpu.dynamic_rotate %select_n3A_1745 by %roll3A_1763 dim 1 : vector<256x128xf32>, i32 -> vector<256x128xf32>
    %select_n3A_1765 = arith.select %ne3A_1752, %roll3A_1762, %roll3A_1764 : vector<256x128xi1>, vector<256x128xf32>
    %roll3A_1766 = arith.constant 16 : i32
    %roll3A_1767 = tpu.dynamic_rotate %select_n3A_1746 by %roll3A_1766 dim 1 : vector<256x128xi32>, i32 -> vector<256x128xi32>
    %roll3A_1768 = arith.constant 112 : i32
    %roll3A_1769 = tpu.dynamic_rotate %select_n3A_1746 by %roll3A_1768 dim 1 : vector<256x128xi32>, i32 -> vector<256x128xi32>
    %select_n3A_1770 = arith.select %ne3A_1752, %roll3A_1767, %roll3A_1769 : vector<256x128xi1>, vector<256x128xi32>
    %gt3A_1771 = arith.cmpf ogt, %select_n3A_1745, %select_n3A_1765 : vector<256x128xf32>
    %eq3A_1772 = arith.cmpf oeq, %select_n3A_1745, %select_n3A_1765 : vector<256x128xf32>
    %lt3A_1773 = arith.cmpi slt, %select_n3A_1746, %select_n3A_1770 : vector<256x128xi32>
    %and3A_1774 = arith.andi %eq3A_1772, %lt3A_1773 : vector<256x128xi1>
    %or3A_1775 = arith.ori %gt3A_1771, %and3A_1774 : vector<256x128xi1>
    %xor3A_1776 = arith.xori %or3A_1775, %ne3A_1752 : vector<256x128xi1>
    %not3A_1777 = arith.constant dense<true> : vector<256x128xi1>
    %not3A_1778 = arith.xori %not3A_1760, %not3A_1777 : vector<256x128xi1>
    %xor3A_1779 = arith.xori %xor3A_1776, %not3A_1778 : vector<256x128xi1>
    %select_n3A_1780 = arith.select %xor3A_1779, %select_n3A_1745, %select_n3A_1765 : vector<256x128xi1>, vector<256x128xf32>
    %select_n3A_1781 = arith.select %xor3A_1779, %select_n3A_1746, %select_n3A_1770 : vector<256x128xi1>, vector<256x128xi32>
    %and3A_1782 = arith.constant 8 : i32
    %and3A_1783 = vector.broadcast %and3A_1782 : i32 to vector<256x128xi32>
    %and3A_1784 = arith.andi %iota3A_5, %and3A_1783 : vector<256x128xi32>
    %ne3A_1785 = arith.constant 0 : i32
    %ne3A_1786 = vector.broadcast %ne3A_1785 : i32 to vector<256x128xi32>
    %ne3A_1787 = arith.cmpi ne, %and3A_1784, %ne3A_1786 : vector<256x128xi32>
    %and3A_1788 = arith.constant 8 : i32
    %and3A_1789 = vector.broadcast %and3A_1788 : i32 to vector<256x128xi32>
    %and3A_1790 = arith.andi %iota3A_6, %and3A_1789 : vector<256x128xi32>
    %ne3A_1791 = arith.constant 0 : i32
    %ne3A_1792 = vector.broadcast %ne3A_1791 : i32 to vector<256x128xi32>
    %ne3A_1793 = arith.cmpi ne, %and3A_1790, %ne3A_1792 : vector<256x128xi32>
    %not3A_1794 = arith.constant dense<true> : vector<256x128xi1>
    %not3A_1795 = arith.xori %ne3A_1793, %not3A_1794 : vector<256x128xi1>
    %roll3A_1796 = arith.constant 8 : i32
    %roll3A_1797 = tpu.dynamic_rotate %select_n3A_1780 by %roll3A_1796 dim 1 : vector<256x128xf32>, i32 -> vector<256x128xf32>
    %roll3A_1798 = arith.constant 120 : i32
    %roll3A_1799 = tpu.dynamic_rotate %select_n3A_1780 by %roll3A_1798 dim 1 : vector<256x128xf32>, i32 -> vector<256x128xf32>
    %select_n3A_1800 = arith.select %ne3A_1787, %roll3A_1797, %roll3A_1799 : vector<256x128xi1>, vector<256x128xf32>
    %roll3A_1801 = arith.constant 8 : i32
    %roll3A_1802 = tpu.dynamic_rotate %select_n3A_1781 by %roll3A_1801 dim 1 : vector<256x128xi32>, i32 -> vector<256x128xi32>
    %roll3A_1803 = arith.constant 120 : i32
    %roll3A_1804 = tpu.dynamic_rotate %select_n3A_1781 by %roll3A_1803 dim 1 : vector<256x128xi32>, i32 -> vector<256x128xi32>
    %select_n3A_1805 = arith.select %ne3A_1787, %roll3A_1802, %roll3A_1804 : vector<256x128xi1>, vector<256x128xi32>
    %gt3A_1806 = arith.cmpf ogt, %select_n3A_1780, %select_n3A_1800 : vector<256x128xf32>
    %eq3A_1807 = arith.cmpf oeq, %select_n3A_1780, %select_n3A_1800 : vector<256x128xf32>
    %lt3A_1808 = arith.cmpi slt, %select_n3A_1781, %select_n3A_1805 : vector<256x128xi32>
    %and3A_1809 = arith.andi %eq3A_1807, %lt3A_1808 : vector<256x128xi1>
    %or3A_1810 = arith.ori %gt3A_1806, %and3A_1809 : vector<256x128xi1>
    %xor3A_1811 = arith.xori %or3A_1810, %ne3A_1787 : vector<256x128xi1>
    %not3A_1812 = arith.constant dense<true> : vector<256x128xi1>
    %not3A_1813 = arith.xori %not3A_1795, %not3A_1812 : vector<256x128xi1>
    %xor3A_1814 = arith.xori %xor3A_1811, %not3A_1813 : vector<256x128xi1>
    %select_n3A_1815 = arith.select %xor3A_1814, %select_n3A_1780, %select_n3A_1800 : vector<256x128xi1>, vector<256x128xf32>
    %select_n3A_1816 = arith.select %xor3A_1814, %select_n3A_1781, %select_n3A_1805 : vector<256x128xi1>, vector<256x128xi32>
    %and3A_1817 = arith.constant 4 : i32
    %and3A_1818 = vector.broadcast %and3A_1817 : i32 to vector<256x128xi32>
    %and3A_1819 = arith.andi %iota3A_5, %and3A_1818 : vector<256x128xi32>
    %ne3A_1820 = arith.constant 0 : i32
    %ne3A_1821 = vector.broadcast %ne3A_1820 : i32 to vector<256x128xi32>
    %ne3A_1822 = arith.cmpi ne, %and3A_1819, %ne3A_1821 : vector<256x128xi32>
    %and3A_1823 = arith.constant 8 : i32
    %and3A_1824 = vector.broadcast %and3A_1823 : i32 to vector<256x128xi32>
    %and3A_1825 = arith.andi %iota3A_6, %and3A_1824 : vector<256x128xi32>
    %ne3A_1826 = arith.constant 0 : i32
    %ne3A_1827 = vector.broadcast %ne3A_1826 : i32 to vector<256x128xi32>
    %ne3A_1828 = arith.cmpi ne, %and3A_1825, %ne3A_1827 : vector<256x128xi32>
    %not3A_1829 = arith.constant dense<true> : vector<256x128xi1>
    %not3A_1830 = arith.xori %ne3A_1828, %not3A_1829 : vector<256x128xi1>
    %roll3A_1831 = arith.constant 4 : i32
    %roll3A_1832 = tpu.dynamic_rotate %select_n3A_1815 by %roll3A_1831 dim 1 : vector<256x128xf32>, i32 -> vector<256x128xf32>
    %roll3A_1833 = arith.constant 124 : i32
    %roll3A_1834 = tpu.dynamic_rotate %select_n3A_1815 by %roll3A_1833 dim 1 : vector<256x128xf32>, i32 -> vector<256x128xf32>
    %select_n3A_1835 = arith.select %ne3A_1822, %roll3A_1832, %roll3A_1834 : vector<256x128xi1>, vector<256x128xf32>
    %roll3A_1836 = arith.constant 4 : i32
    %roll3A_1837 = tpu.dynamic_rotate %select_n3A_1816 by %roll3A_1836 dim 1 : vector<256x128xi32>, i32 -> vector<256x128xi32>
    %roll3A_1838 = arith.constant 124 : i32
    %roll3A_1839 = tpu.dynamic_rotate %select_n3A_1816 by %roll3A_1838 dim 1 : vector<256x128xi32>, i32 -> vector<256x128xi32>
    %select_n3A_1840 = arith.select %ne3A_1822, %roll3A_1837, %roll3A_1839 : vector<256x128xi1>, vector<256x128xi32>
    %gt3A_1841 = arith.cmpf ogt, %select_n3A_1815, %select_n3A_1835 : vector<256x128xf32>
    %eq3A_1842 = arith.cmpf oeq, %select_n3A_1815, %select_n3A_1835 : vector<256x128xf32>
    %lt3A_1843 = arith.cmpi slt, %select_n3A_1816, %select_n3A_1840 : vector<256x128xi32>
    %and3A_1844 = arith.andi %eq3A_1842, %lt3A_1843 : vector<256x128xi1>
    %or3A_1845 = arith.ori %gt3A_1841, %and3A_1844 : vector<256x128xi1>
    %xor3A_1846 = arith.xori %or3A_1845, %ne3A_1822 : vector<256x128xi1>
    %not3A_1847 = arith.constant dense<true> : vector<256x128xi1>
    %not3A_1848 = arith.xori %not3A_1830, %not3A_1847 : vector<256x128xi1>
    %xor3A_1849 = arith.xori %xor3A_1846, %not3A_1848 : vector<256x128xi1>
    %select_n3A_1850 = arith.select %xor3A_1849, %select_n3A_1815, %select_n3A_1835 : vector<256x128xi1>, vector<256x128xf32>
    %select_n3A_1851 = arith.select %xor3A_1849, %select_n3A_1816, %select_n3A_1840 : vector<256x128xi1>, vector<256x128xi32>
    %and3A_1852 = arith.constant 2 : i32
    %and3A_1853 = vector.broadcast %and3A_1852 : i32 to vector<256x128xi32>
    %and3A_1854 = arith.andi %iota3A_5, %and3A_1853 : vector<256x128xi32>
    %ne3A_1855 = arith.constant 0 : i32
    %ne3A_1856 = vector.broadcast %ne3A_1855 : i32 to vector<256x128xi32>
    %ne3A_1857 = arith.cmpi ne, %and3A_1854, %ne3A_1856 : vector<256x128xi32>
    %and3A_1858 = arith.constant 8 : i32
    %and3A_1859 = vector.broadcast %and3A_1858 : i32 to vector<256x128xi32>
    %and3A_1860 = arith.andi %iota3A_6, %and3A_1859 : vector<256x128xi32>
    %ne3A_1861 = arith.constant 0 : i32
    %ne3A_1862 = vector.broadcast %ne3A_1861 : i32 to vector<256x128xi32>
    %ne3A_1863 = arith.cmpi ne, %and3A_1860, %ne3A_1862 : vector<256x128xi32>
    %not3A_1864 = arith.constant dense<true> : vector<256x128xi1>
    %not3A_1865 = arith.xori %ne3A_1863, %not3A_1864 : vector<256x128xi1>
    %roll3A_1866 = arith.constant 2 : i32
    %roll3A_1867 = tpu.dynamic_rotate %select_n3A_1850 by %roll3A_1866 dim 1 : vector<256x128xf32>, i32 -> vector<256x128xf32>
    %roll3A_1868 = arith.constant 126 : i32
    %roll3A_1869 = tpu.dynamic_rotate %select_n3A_1850 by %roll3A_1868 dim 1 : vector<256x128xf32>, i32 -> vector<256x128xf32>
    %select_n3A_1870 = arith.select %ne3A_1857, %roll3A_1867, %roll3A_1869 : vector<256x128xi1>, vector<256x128xf32>
    %roll3A_1871 = arith.constant 2 : i32
    %roll3A_1872 = tpu.dynamic_rotate %select_n3A_1851 by %roll3A_1871 dim 1 : vector<256x128xi32>, i32 -> vector<256x128xi32>
    %roll3A_1873 = arith.constant 126 : i32
    %roll3A_1874 = tpu.dynamic_rotate %select_n3A_1851 by %roll3A_1873 dim 1 : vector<256x128xi32>, i32 -> vector<256x128xi32>
    %select_n3A_1875 = arith.select %ne3A_1857, %roll3A_1872, %roll3A_1874 : vector<256x128xi1>, vector<256x128xi32>
    %gt3A_1876 = arith.cmpf ogt, %select_n3A_1850, %select_n3A_1870 : vector<256x128xf32>
    %eq3A_1877 = arith.cmpf oeq, %select_n3A_1850, %select_n3A_1870 : vector<256x128xf32>
    %lt3A_1878 = arith.cmpi slt, %select_n3A_1851, %select_n3A_1875 : vector<256x128xi32>
    %and3A_1879 = arith.andi %eq3A_1877, %lt3A_1878 : vector<256x128xi1>
    %or3A_1880 = arith.ori %gt3A_1876, %and3A_1879 : vector<256x128xi1>
    %xor3A_1881 = arith.xori %or3A_1880, %ne3A_1857 : vector<256x128xi1>
    %not3A_1882 = arith.constant dense<true> : vector<256x128xi1>
    %not3A_1883 = arith.xori %not3A_1865, %not3A_1882 : vector<256x128xi1>
    %xor3A_1884 = arith.xori %xor3A_1881, %not3A_1883 : vector<256x128xi1>
    %select_n3A_1885 = arith.select %xor3A_1884, %select_n3A_1850, %select_n3A_1870 : vector<256x128xi1>, vector<256x128xf32>
    %select_n3A_1886 = arith.select %xor3A_1884, %select_n3A_1851, %select_n3A_1875 : vector<256x128xi1>, vector<256x128xi32>
    %and3A_1887 = arith.constant 1 : i32
    %and3A_1888 = vector.broadcast %and3A_1887 : i32 to vector<256x128xi32>
    %and3A_1889 = arith.andi %iota3A_5, %and3A_1888 : vector<256x128xi32>
    %ne3A_1890 = arith.constant 0 : i32
    %ne3A_1891 = vector.broadcast %ne3A_1890 : i32 to vector<256x128xi32>
    %ne3A_1892 = arith.cmpi ne, %and3A_1889, %ne3A_1891 : vector<256x128xi32>
    %and3A_1893 = arith.constant 8 : i32
    %and3A_1894 = vector.broadcast %and3A_1893 : i32 to vector<256x128xi32>
    %and3A_1895 = arith.andi %iota3A_6, %and3A_1894 : vector<256x128xi32>
    %ne3A_1896 = arith.constant 0 : i32
    %ne3A_1897 = vector.broadcast %ne3A_1896 : i32 to vector<256x128xi32>
    %ne3A_1898 = arith.cmpi ne, %and3A_1895, %ne3A_1897 : vector<256x128xi32>
    %not3A_1899 = arith.constant dense<true> : vector<256x128xi1>
    %not3A_1900 = arith.xori %ne3A_1898, %not3A_1899 : vector<256x128xi1>
    %roll3A_1901 = arith.constant 1 : i32
    %roll3A_1902 = tpu.dynamic_rotate %select_n3A_1885 by %roll3A_1901 dim 1 : vector<256x128xf32>, i32 -> vector<256x128xf32>
    %roll3A_1903 = arith.constant 127 : i32
    %roll3A_1904 = tpu.dynamic_rotate %select_n3A_1885 by %roll3A_1903 dim 1 : vector<256x128xf32>, i32 -> vector<256x128xf32>
    %select_n3A_1905 = arith.select %ne3A_1892, %roll3A_1902, %roll3A_1904 : vector<256x128xi1>, vector<256x128xf32>
    %roll3A_1906 = arith.constant 1 : i32
    %roll3A_1907 = tpu.dynamic_rotate %select_n3A_1886 by %roll3A_1906 dim 1 : vector<256x128xi32>, i32 -> vector<256x128xi32>
    %roll3A_1908 = arith.constant 127 : i32
    %roll3A_1909 = tpu.dynamic_rotate %select_n3A_1886 by %roll3A_1908 dim 1 : vector<256x128xi32>, i32 -> vector<256x128xi32>
    %select_n3A_1910 = arith.select %ne3A_1892, %roll3A_1907, %roll3A_1909 : vector<256x128xi1>, vector<256x128xi32>
    %gt3A_1911 = arith.cmpf ogt, %select_n3A_1885, %select_n3A_1905 : vector<256x128xf32>
    %eq3A_1912 = arith.cmpf oeq, %select_n3A_1885, %select_n3A_1905 : vector<256x128xf32>
    %lt3A_1913 = arith.cmpi slt, %select_n3A_1886, %select_n3A_1910 : vector<256x128xi32>
    %and3A_1914 = arith.andi %eq3A_1912, %lt3A_1913 : vector<256x128xi1>
    %or3A_1915 = arith.ori %gt3A_1911, %and3A_1914 : vector<256x128xi1>
    %xor3A_1916 = arith.xori %or3A_1915, %ne3A_1892 : vector<256x128xi1>
    %not3A_1917 = arith.constant dense<true> : vector<256x128xi1>
    %not3A_1918 = arith.xori %not3A_1900, %not3A_1917 : vector<256x128xi1>
    %xor3A_1919 = arith.xori %xor3A_1916, %not3A_1918 : vector<256x128xi1>
    %select_n3A_1920 = arith.select %xor3A_1919, %select_n3A_1885, %select_n3A_1905 : vector<256x128xi1>, vector<256x128xf32>
    %select_n3A_1921 = arith.select %xor3A_1919, %select_n3A_1886, %select_n3A_1910 : vector<256x128xi1>, vector<256x128xi32>
    %and3A_1922 = arith.constant 8 : i32
    %and3A_1923 = vector.broadcast %and3A_1922 : i32 to vector<256x128xi32>
    %and3A_1924 = arith.andi %iota3A_6, %and3A_1923 : vector<256x128xi32>
    %ne3A_1925 = arith.constant 0 : i32
    %ne3A_1926 = vector.broadcast %ne3A_1925 : i32 to vector<256x128xi32>
    %ne3A_1927 = arith.cmpi ne, %and3A_1924, %ne3A_1926 : vector<256x128xi32>
    %and3A_1928 = arith.constant 16 : i32
    %and3A_1929 = vector.broadcast %and3A_1928 : i32 to vector<256x128xi32>
    %and3A_1930 = arith.andi %iota3A_6, %and3A_1929 : vector<256x128xi32>
    %ne3A_1931 = arith.constant 0 : i32
    %ne3A_1932 = vector.broadcast %ne3A_1931 : i32 to vector<256x128xi32>
    %ne3A_1933 = arith.cmpi ne, %and3A_1930, %ne3A_1932 : vector<256x128xi32>
    %not3A_1934 = arith.constant dense<true> : vector<256x128xi1>
    %not3A_1935 = arith.xori %ne3A_1933, %not3A_1934 : vector<256x128xi1>
    %roll3A_1936 = arith.constant 8 : i32
    %roll3A_1937 = tpu.dynamic_rotate %select_n3A_1920 by %roll3A_1936 dim 0 : vector<256x128xf32>, i32 -> vector<256x128xf32>
    %roll3A_1938 = arith.constant 248 : i32
    %roll3A_1939 = tpu.dynamic_rotate %select_n3A_1920 by %roll3A_1938 dim 0 : vector<256x128xf32>, i32 -> vector<256x128xf32>
    %select_n3A_1940 = arith.select %ne3A_1927, %roll3A_1937, %roll3A_1939 : vector<256x128xi1>, vector<256x128xf32>
    %roll3A_1941 = arith.constant 8 : i32
    %roll3A_1942 = tpu.dynamic_rotate %select_n3A_1921 by %roll3A_1941 dim 0 : vector<256x128xi32>, i32 -> vector<256x128xi32>
    %roll3A_1943 = arith.constant 248 : i32
    %roll3A_1944 = tpu.dynamic_rotate %select_n3A_1921 by %roll3A_1943 dim 0 : vector<256x128xi32>, i32 -> vector<256x128xi32>
    %select_n3A_1945 = arith.select %ne3A_1927, %roll3A_1942, %roll3A_1944 : vector<256x128xi1>, vector<256x128xi32>
    %gt3A_1946 = arith.cmpf ogt, %select_n3A_1920, %select_n3A_1940 : vector<256x128xf32>
    %eq3A_1947 = arith.cmpf oeq, %select_n3A_1920, %select_n3A_1940 : vector<256x128xf32>
    %lt3A_1948 = arith.cmpi slt, %select_n3A_1921, %select_n3A_1945 : vector<256x128xi32>
    %and3A_1949 = arith.andi %eq3A_1947, %lt3A_1948 : vector<256x128xi1>
    %or3A_1950 = arith.ori %gt3A_1946, %and3A_1949 : vector<256x128xi1>
    %xor3A_1951 = arith.xori %or3A_1950, %ne3A_1927 : vector<256x128xi1>
    %not3A_1952 = arith.constant dense<true> : vector<256x128xi1>
    %not3A_1953 = arith.xori %not3A_1935, %not3A_1952 : vector<256x128xi1>
    %xor3A_1954 = arith.xori %xor3A_1951, %not3A_1953 : vector<256x128xi1>
    %select_n3A_1955 = arith.select %xor3A_1954, %select_n3A_1920, %select_n3A_1940 : vector<256x128xi1>, vector<256x128xf32>
    %select_n3A_1956 = arith.select %xor3A_1954, %select_n3A_1921, %select_n3A_1945 : vector<256x128xi1>, vector<256x128xi32>
    %and3A_1957 = arith.constant 4 : i32
    %and3A_1958 = vector.broadcast %and3A_1957 : i32 to vector<256x128xi32>
    %and3A_1959 = arith.andi %iota3A_6, %and3A_1958 : vector<256x128xi32>
    %ne3A_1960 = arith.constant 0 : i32
    %ne3A_1961 = vector.broadcast %ne3A_1960 : i32 to vector<256x128xi32>
    %ne3A_1962 = arith.cmpi ne, %and3A_1959, %ne3A_1961 : vector<256x128xi32>
    %and3A_1963 = arith.constant 16 : i32
    %and3A_1964 = vector.broadcast %and3A_1963 : i32 to vector<256x128xi32>
    %and3A_1965 = arith.andi %iota3A_6, %and3A_1964 : vector<256x128xi32>
    %ne3A_1966 = arith.constant 0 : i32
    %ne3A_1967 = vector.broadcast %ne3A_1966 : i32 to vector<256x128xi32>
    %ne3A_1968 = arith.cmpi ne, %and3A_1965, %ne3A_1967 : vector<256x128xi32>
    %not3A_1969 = arith.constant dense<true> : vector<256x128xi1>
    %not3A_1970 = arith.xori %ne3A_1968, %not3A_1969 : vector<256x128xi1>
    %roll3A_1971 = arith.constant 4 : i32
    %roll3A_1972 = tpu.dynamic_rotate %select_n3A_1955 by %roll3A_1971 dim 0 : vector<256x128xf32>, i32 -> vector<256x128xf32>
    %roll3A_1973 = arith.constant 252 : i32
    %roll3A_1974 = tpu.dynamic_rotate %select_n3A_1955 by %roll3A_1973 dim 0 : vector<256x128xf32>, i32 -> vector<256x128xf32>
    %select_n3A_1975 = arith.select %ne3A_1962, %roll3A_1972, %roll3A_1974 : vector<256x128xi1>, vector<256x128xf32>
    %roll3A_1976 = arith.constant 4 : i32
    %roll3A_1977 = tpu.dynamic_rotate %select_n3A_1956 by %roll3A_1976 dim 0 : vector<256x128xi32>, i32 -> vector<256x128xi32>
    %roll3A_1978 = arith.constant 252 : i32
    %roll3A_1979 = tpu.dynamic_rotate %select_n3A_1956 by %roll3A_1978 dim 0 : vector<256x128xi32>, i32 -> vector<256x128xi32>
    %select_n3A_1980 = arith.select %ne3A_1962, %roll3A_1977, %roll3A_1979 : vector<256x128xi1>, vector<256x128xi32>
    %gt3A_1981 = arith.cmpf ogt, %select_n3A_1955, %select_n3A_1975 : vector<256x128xf32>
    %eq3A_1982 = arith.cmpf oeq, %select_n3A_1955, %select_n3A_1975 : vector<256x128xf32>
    %lt3A_1983 = arith.cmpi slt, %select_n3A_1956, %select_n3A_1980 : vector<256x128xi32>
    %and3A_1984 = arith.andi %eq3A_1982, %lt3A_1983 : vector<256x128xi1>
    %or3A_1985 = arith.ori %gt3A_1981, %and3A_1984 : vector<256x128xi1>
    %xor3A_1986 = arith.xori %or3A_1985, %ne3A_1962 : vector<256x128xi1>
    %not3A_1987 = arith.constant dense<true> : vector<256x128xi1>
    %not3A_1988 = arith.xori %not3A_1970, %not3A_1987 : vector<256x128xi1>
    %xor3A_1989 = arith.xori %xor3A_1986, %not3A_1988 : vector<256x128xi1>
    %select_n3A_1990 = arith.select %xor3A_1989, %select_n3A_1955, %select_n3A_1975 : vector<256x128xi1>, vector<256x128xf32>
    %select_n3A_1991 = arith.select %xor3A_1989, %select_n3A_1956, %select_n3A_1980 : vector<256x128xi1>, vector<256x128xi32>
    %and3A_1992 = arith.constant 2 : i32
    %and3A_1993 = vector.broadcast %and3A_1992 : i32 to vector<256x128xi32>
    %and3A_1994 = arith.andi %iota3A_6, %and3A_1993 : vector<256x128xi32>
    %ne3A_1995 = arith.constant 0 : i32
    %ne3A_1996 = vector.broadcast %ne3A_1995 : i32 to vector<256x128xi32>
    %ne3A_1997 = arith.cmpi ne, %and3A_1994, %ne3A_1996 : vector<256x128xi32>
    %and3A_1998 = arith.constant 16 : i32
    %and3A_1999 = vector.broadcast %and3A_1998 : i32 to vector<256x128xi32>
    %and3A_2000 = arith.andi %iota3A_6, %and3A_1999 : vector<256x128xi32>
    %ne3A_2001 = arith.constant 0 : i32
    %ne3A_2002 = vector.broadcast %ne3A_2001 : i32 to vector<256x128xi32>
    %ne3A_2003 = arith.cmpi ne, %and3A_2000, %ne3A_2002 : vector<256x128xi32>
    %not3A_2004 = arith.constant dense<true> : vector<256x128xi1>
    %not3A_2005 = arith.xori %ne3A_2003, %not3A_2004 : vector<256x128xi1>
    %roll3A_2006 = arith.constant 2 : i32
    %roll3A_2007 = tpu.dynamic_rotate %select_n3A_1990 by %roll3A_2006 dim 0 : vector<256x128xf32>, i32 -> vector<256x128xf32>
    %roll3A_2008 = arith.constant 254 : i32
    %roll3A_2009 = tpu.dynamic_rotate %select_n3A_1990 by %roll3A_2008 dim 0 : vector<256x128xf32>, i32 -> vector<256x128xf32>
    %select_n3A_2010 = arith.select %ne3A_1997, %roll3A_2007, %roll3A_2009 : vector<256x128xi1>, vector<256x128xf32>
    %roll3A_2011 = arith.constant 2 : i32
    %roll3A_2012 = tpu.dynamic_rotate %select_n3A_1991 by %roll3A_2011 dim 0 : vector<256x128xi32>, i32 -> vector<256x128xi32>
    %roll3A_2013 = arith.constant 254 : i32
    %roll3A_2014 = tpu.dynamic_rotate %select_n3A_1991 by %roll3A_2013 dim 0 : vector<256x128xi32>, i32 -> vector<256x128xi32>
    %select_n3A_2015 = arith.select %ne3A_1997, %roll3A_2012, %roll3A_2014 : vector<256x128xi1>, vector<256x128xi32>
    %gt3A_2016 = arith.cmpf ogt, %select_n3A_1990, %select_n3A_2010 : vector<256x128xf32>
    %eq3A_2017 = arith.cmpf oeq, %select_n3A_1990, %select_n3A_2010 : vector<256x128xf32>
    %lt3A_2018 = arith.cmpi slt, %select_n3A_1991, %select_n3A_2015 : vector<256x128xi32>
    %and3A_2019 = arith.andi %eq3A_2017, %lt3A_2018 : vector<256x128xi1>
    %or3A_2020 = arith.ori %gt3A_2016, %and3A_2019 : vector<256x128xi1>
    %xor3A_2021 = arith.xori %or3A_2020, %ne3A_1997 : vector<256x128xi1>
    %not3A_2022 = arith.constant dense<true> : vector<256x128xi1>
    %not3A_2023 = arith.xori %not3A_2005, %not3A_2022 : vector<256x128xi1>
    %xor3A_2024 = arith.xori %xor3A_2021, %not3A_2023 : vector<256x128xi1>
    %select_n3A_2025 = arith.select %xor3A_2024, %select_n3A_1990, %select_n3A_2010 : vector<256x128xi1>, vector<256x128xf32>
    %select_n3A_2026 = arith.select %xor3A_2024, %select_n3A_1991, %select_n3A_2015 : vector<256x128xi1>, vector<256x128xi32>
    %and3A_2027 = arith.constant 1 : i32
    %and3A_2028 = vector.broadcast %and3A_2027 : i32 to vector<256x128xi32>
    %and3A_2029 = arith.andi %iota3A_6, %and3A_2028 : vector<256x128xi32>
    %ne3A_2030 = arith.constant 0 : i32
    %ne3A_2031 = vector.broadcast %ne3A_2030 : i32 to vector<256x128xi32>
    %ne3A_2032 = arith.cmpi ne, %and3A_2029, %ne3A_2031 : vector<256x128xi32>
    %and3A_2033 = arith.constant 16 : i32
    %and3A_2034 = vector.broadcast %and3A_2033 : i32 to vector<256x128xi32>
    %and3A_2035 = arith.andi %iota3A_6, %and3A_2034 : vector<256x128xi32>
    %ne3A_2036 = arith.constant 0 : i32
    %ne3A_2037 = vector.broadcast %ne3A_2036 : i32 to vector<256x128xi32>
    %ne3A_2038 = arith.cmpi ne, %and3A_2035, %ne3A_2037 : vector<256x128xi32>
    %not3A_2039 = arith.constant dense<true> : vector<256x128xi1>
    %not3A_2040 = arith.xori %ne3A_2038, %not3A_2039 : vector<256x128xi1>
    %roll3A_2041 = arith.constant 1 : i32
    %roll3A_2042 = tpu.dynamic_rotate %select_n3A_2025 by %roll3A_2041 dim 0 : vector<256x128xf32>, i32 -> vector<256x128xf32>
    %roll3A_2043 = arith.constant 255 : i32
    %roll3A_2044 = tpu.dynamic_rotate %select_n3A_2025 by %roll3A_2043 dim 0 : vector<256x128xf32>, i32 -> vector<256x128xf32>
    %select_n3A_2045 = arith.select %ne3A_2032, %roll3A_2042, %roll3A_2044 : vector<256x128xi1>, vector<256x128xf32>
    %roll3A_2046 = arith.constant 1 : i32
    %roll3A_2047 = tpu.dynamic_rotate %select_n3A_2026 by %roll3A_2046 dim 0 : vector<256x128xi32>, i32 -> vector<256x128xi32>
    %roll3A_2048 = arith.constant 255 : i32
    %roll3A_2049 = tpu.dynamic_rotate %select_n3A_2026 by %roll3A_2048 dim 0 : vector<256x128xi32>, i32 -> vector<256x128xi32>
    %select_n3A_2050 = arith.select %ne3A_2032, %roll3A_2047, %roll3A_2049 : vector<256x128xi1>, vector<256x128xi32>
    %gt3A_2051 = arith.cmpf ogt, %select_n3A_2025, %select_n3A_2045 : vector<256x128xf32>
    %eq3A_2052 = arith.cmpf oeq, %select_n3A_2025, %select_n3A_2045 : vector<256x128xf32>
    %lt3A_2053 = arith.cmpi slt, %select_n3A_2026, %select_n3A_2050 : vector<256x128xi32>
    %and3A_2054 = arith.andi %eq3A_2052, %lt3A_2053 : vector<256x128xi1>
    %or3A_2055 = arith.ori %gt3A_2051, %and3A_2054 : vector<256x128xi1>
    %xor3A_2056 = arith.xori %or3A_2055, %ne3A_2032 : vector<256x128xi1>
    %not3A_2057 = arith.constant dense<true> : vector<256x128xi1>
    %not3A_2058 = arith.xori %not3A_2040, %not3A_2057 : vector<256x128xi1>
    %xor3A_2059 = arith.xori %xor3A_2056, %not3A_2058 : vector<256x128xi1>
    %select_n3A_2060 = arith.select %xor3A_2059, %select_n3A_2025, %select_n3A_2045 : vector<256x128xi1>, vector<256x128xf32>
    %select_n3A_2061 = arith.select %xor3A_2059, %select_n3A_2026, %select_n3A_2050 : vector<256x128xi1>, vector<256x128xi32>
    %and3A_2062 = arith.constant 64 : i32
    %and3A_2063 = vector.broadcast %and3A_2062 : i32 to vector<256x128xi32>
    %and3A_2064 = arith.andi %iota3A_5, %and3A_2063 : vector<256x128xi32>
    %ne3A_2065 = arith.constant 0 : i32
    %ne3A_2066 = vector.broadcast %ne3A_2065 : i32 to vector<256x128xi32>
    %ne3A_2067 = arith.cmpi ne, %and3A_2064, %ne3A_2066 : vector<256x128xi32>
    %and3A_2068 = arith.constant 16 : i32
    %and3A_2069 = vector.broadcast %and3A_2068 : i32 to vector<256x128xi32>
    %and3A_2070 = arith.andi %iota3A_6, %and3A_2069 : vector<256x128xi32>
    %ne3A_2071 = arith.constant 0 : i32
    %ne3A_2072 = vector.broadcast %ne3A_2071 : i32 to vector<256x128xi32>
    %ne3A_2073 = arith.cmpi ne, %and3A_2070, %ne3A_2072 : vector<256x128xi32>
    %not3A_2074 = arith.constant dense<true> : vector<256x128xi1>
    %not3A_2075 = arith.xori %ne3A_2073, %not3A_2074 : vector<256x128xi1>
    %roll3A_2076 = arith.constant 64 : i32
    %roll3A_2077 = tpu.dynamic_rotate %select_n3A_2060 by %roll3A_2076 dim 1 : vector<256x128xf32>, i32 -> vector<256x128xf32>
    %roll3A_2078 = arith.constant 64 : i32
    %roll3A_2079 = tpu.dynamic_rotate %select_n3A_2060 by %roll3A_2078 dim 1 : vector<256x128xf32>, i32 -> vector<256x128xf32>
    %select_n3A_2080 = arith.select %ne3A_2067, %roll3A_2077, %roll3A_2079 : vector<256x128xi1>, vector<256x128xf32>
    %roll3A_2081 = arith.constant 64 : i32
    %roll3A_2082 = tpu.dynamic_rotate %select_n3A_2061 by %roll3A_2081 dim 1 : vector<256x128xi32>, i32 -> vector<256x128xi32>
    %roll3A_2083 = arith.constant 64 : i32
    %roll3A_2084 = tpu.dynamic_rotate %select_n3A_2061 by %roll3A_2083 dim 1 : vector<256x128xi32>, i32 -> vector<256x128xi32>
    %select_n3A_2085 = arith.select %ne3A_2067, %roll3A_2082, %roll3A_2084 : vector<256x128xi1>, vector<256x128xi32>
    %gt3A_2086 = arith.cmpf ogt, %select_n3A_2060, %select_n3A_2080 : vector<256x128xf32>
    %eq3A_2087 = arith.cmpf oeq, %select_n3A_2060, %select_n3A_2080 : vector<256x128xf32>
    %lt3A_2088 = arith.cmpi slt, %select_n3A_2061, %select_n3A_2085 : vector<256x128xi32>
    %and3A_2089 = arith.andi %eq3A_2087, %lt3A_2088 : vector<256x128xi1>
    %or3A_2090 = arith.ori %gt3A_2086, %and3A_2089 : vector<256x128xi1>
    %xor3A_2091 = arith.xori %or3A_2090, %ne3A_2067 : vector<256x128xi1>
    %not3A_2092 = arith.constant dense<true> : vector<256x128xi1>
    %not3A_2093 = arith.xori %not3A_2075, %not3A_2092 : vector<256x128xi1>
    %xor3A_2094 = arith.xori %xor3A_2091, %not3A_2093 : vector<256x128xi1>
    %select_n3A_2095 = arith.select %xor3A_2094, %select_n3A_2060, %select_n3A_2080 : vector<256x128xi1>, vector<256x128xf32>
    %select_n3A_2096 = arith.select %xor3A_2094, %select_n3A_2061, %select_n3A_2085 : vector<256x128xi1>, vector<256x128xi32>
    %and3A_2097 = arith.constant 32 : i32
    %and3A_2098 = vector.broadcast %and3A_2097 : i32 to vector<256x128xi32>
    %and3A_2099 = arith.andi %iota3A_5, %and3A_2098 : vector<256x128xi32>
    %ne3A_2100 = arith.constant 0 : i32
    %ne3A_2101 = vector.broadcast %ne3A_2100 : i32 to vector<256x128xi32>
    %ne3A_2102 = arith.cmpi ne, %and3A_2099, %ne3A_2101 : vector<256x128xi32>
    %and3A_2103 = arith.constant 16 : i32
    %and3A_2104 = vector.broadcast %and3A_2103 : i32 to vector<256x128xi32>
    %and3A_2105 = arith.andi %iota3A_6, %and3A_2104 : vector<256x128xi32>
    %ne3A_2106 = arith.constant 0 : i32
    %ne3A_2107 = vector.broadcast %ne3A_2106 : i32 to vector<256x128xi32>
    %ne3A_2108 = arith.cmpi ne, %and3A_2105, %ne3A_2107 : vector<256x128xi32>
    %not3A_2109 = arith.constant dense<true> : vector<256x128xi1>
    %not3A_2110 = arith.xori %ne3A_2108, %not3A_2109 : vector<256x128xi1>
    %roll3A_2111 = arith.constant 32 : i32
    %roll3A_2112 = tpu.dynamic_rotate %select_n3A_2095 by %roll3A_2111 dim 1 : vector<256x128xf32>, i32 -> vector<256x128xf32>
    %roll3A_2113 = arith.constant 96 : i32
    %roll3A_2114 = tpu.dynamic_rotate %select_n3A_2095 by %roll3A_2113 dim 1 : vector<256x128xf32>, i32 -> vector<256x128xf32>
    %select_n3A_2115 = arith.select %ne3A_2102, %roll3A_2112, %roll3A_2114 : vector<256x128xi1>, vector<256x128xf32>
    %roll3A_2116 = arith.constant 32 : i32
    %roll3A_2117 = tpu.dynamic_rotate %select_n3A_2096 by %roll3A_2116 dim 1 : vector<256x128xi32>, i32 -> vector<256x128xi32>
    %roll3A_2118 = arith.constant 96 : i32
    %roll3A_2119 = tpu.dynamic_rotate %select_n3A_2096 by %roll3A_2118 dim 1 : vector<256x128xi32>, i32 -> vector<256x128xi32>
    %select_n3A_2120 = arith.select %ne3A_2102, %roll3A_2117, %roll3A_2119 : vector<256x128xi1>, vector<256x128xi32>
    %gt3A_2121 = arith.cmpf ogt, %select_n3A_2095, %select_n3A_2115 : vector<256x128xf32>
    %eq3A_2122 = arith.cmpf oeq, %select_n3A_2095, %select_n3A_2115 : vector<256x128xf32>
    %lt3A_2123 = arith.cmpi slt, %select_n3A_2096, %select_n3A_2120 : vector<256x128xi32>
    %and3A_2124 = arith.andi %eq3A_2122, %lt3A_2123 : vector<256x128xi1>
    %or3A_2125 = arith.ori %gt3A_2121, %and3A_2124 : vector<256x128xi1>
    %xor3A_2126 = arith.xori %or3A_2125, %ne3A_2102 : vector<256x128xi1>
    %not3A_2127 = arith.constant dense<true> : vector<256x128xi1>
    %not3A_2128 = arith.xori %not3A_2110, %not3A_2127 : vector<256x128xi1>
    %xor3A_2129 = arith.xori %xor3A_2126, %not3A_2128 : vector<256x128xi1>
    %select_n3A_2130 = arith.select %xor3A_2129, %select_n3A_2095, %select_n3A_2115 : vector<256x128xi1>, vector<256x128xf32>
    %select_n3A_2131 = arith.select %xor3A_2129, %select_n3A_2096, %select_n3A_2120 : vector<256x128xi1>, vector<256x128xi32>
    %and3A_2132 = arith.constant 16 : i32
    %and3A_2133 = vector.broadcast %and3A_2132 : i32 to vector<256x128xi32>
    %and3A_2134 = arith.andi %iota3A_5, %and3A_2133 : vector<256x128xi32>
    %ne3A_2135 = arith.constant 0 : i32
    %ne3A_2136 = vector.broadcast %ne3A_2135 : i32 to vector<256x128xi32>
    %ne3A_2137 = arith.cmpi ne, %and3A_2134, %ne3A_2136 : vector<256x128xi32>
    %and3A_2138 = arith.constant 16 : i32
    %and3A_2139 = vector.broadcast %and3A_2138 : i32 to vector<256x128xi32>
    %and3A_2140 = arith.andi %iota3A_6, %and3A_2139 : vector<256x128xi32>
    %ne3A_2141 = arith.constant 0 : i32
    %ne3A_2142 = vector.broadcast %ne3A_2141 : i32 to vector<256x128xi32>
    %ne3A_2143 = arith.cmpi ne, %and3A_2140, %ne3A_2142 : vector<256x128xi32>
    %not3A_2144 = arith.constant dense<true> : vector<256x128xi1>
    %not3A_2145 = arith.xori %ne3A_2143, %not3A_2144 : vector<256x128xi1>
    %roll3A_2146 = arith.constant 16 : i32
    %roll3A_2147 = tpu.dynamic_rotate %select_n3A_2130 by %roll3A_2146 dim 1 : vector<256x128xf32>, i32 -> vector<256x128xf32>
    %roll3A_2148 = arith.constant 112 : i32
    %roll3A_2149 = tpu.dynamic_rotate %select_n3A_2130 by %roll3A_2148 dim 1 : vector<256x128xf32>, i32 -> vector<256x128xf32>
    %select_n3A_2150 = arith.select %ne3A_2137, %roll3A_2147, %roll3A_2149 : vector<256x128xi1>, vector<256x128xf32>
    %roll3A_2151 = arith.constant 16 : i32
    %roll3A_2152 = tpu.dynamic_rotate %select_n3A_2131 by %roll3A_2151 dim 1 : vector<256x128xi32>, i32 -> vector<256x128xi32>
    %roll3A_2153 = arith.constant 112 : i32
    %roll3A_2154 = tpu.dynamic_rotate %select_n3A_2131 by %roll3A_2153 dim 1 : vector<256x128xi32>, i32 -> vector<256x128xi32>
    %select_n3A_2155 = arith.select %ne3A_2137, %roll3A_2152, %roll3A_2154 : vector<256x128xi1>, vector<256x128xi32>
    %gt3A_2156 = arith.cmpf ogt, %select_n3A_2130, %select_n3A_2150 : vector<256x128xf32>
    %eq3A_2157 = arith.cmpf oeq, %select_n3A_2130, %select_n3A_2150 : vector<256x128xf32>
    %lt3A_2158 = arith.cmpi slt, %select_n3A_2131, %select_n3A_2155 : vector<256x128xi32>
    %and3A_2159 = arith.andi %eq3A_2157, %lt3A_2158 : vector<256x128xi1>
    %or3A_2160 = arith.ori %gt3A_2156, %and3A_2159 : vector<256x128xi1>
    %xor3A_2161 = arith.xori %or3A_2160, %ne3A_2137 : vector<256x128xi1>
    %not3A_2162 = arith.constant dense<true> : vector<256x128xi1>
    %not3A_2163 = arith.xori %not3A_2145, %not3A_2162 : vector<256x128xi1>
    %xor3A_2164 = arith.xori %xor3A_2161, %not3A_2163 : vector<256x128xi1>
    %select_n3A_2165 = arith.select %xor3A_2164, %select_n3A_2130, %select_n3A_2150 : vector<256x128xi1>, vector<256x128xf32>
    %select_n3A_2166 = arith.select %xor3A_2164, %select_n3A_2131, %select_n3A_2155 : vector<256x128xi1>, vector<256x128xi32>
    %and3A_2167 = arith.constant 8 : i32
    %and3A_2168 = vector.broadcast %and3A_2167 : i32 to vector<256x128xi32>
    %and3A_2169 = arith.andi %iota3A_5, %and3A_2168 : vector<256x128xi32>
    %ne3A_2170 = arith.constant 0 : i32
    %ne3A_2171 = vector.broadcast %ne3A_2170 : i32 to vector<256x128xi32>
    %ne3A_2172 = arith.cmpi ne, %and3A_2169, %ne3A_2171 : vector<256x128xi32>
    %and3A_2173 = arith.constant 16 : i32
    %and3A_2174 = vector.broadcast %and3A_2173 : i32 to vector<256x128xi32>
    %and3A_2175 = arith.andi %iota3A_6, %and3A_2174 : vector<256x128xi32>
    %ne3A_2176 = arith.constant 0 : i32
    %ne3A_2177 = vector.broadcast %ne3A_2176 : i32 to vector<256x128xi32>
    %ne3A_2178 = arith.cmpi ne, %and3A_2175, %ne3A_2177 : vector<256x128xi32>
    %not3A_2179 = arith.constant dense<true> : vector<256x128xi1>
    %not3A_2180 = arith.xori %ne3A_2178, %not3A_2179 : vector<256x128xi1>
    %roll3A_2181 = arith.constant 8 : i32
    %roll3A_2182 = tpu.dynamic_rotate %select_n3A_2165 by %roll3A_2181 dim 1 : vector<256x128xf32>, i32 -> vector<256x128xf32>
    %roll3A_2183 = arith.constant 120 : i32
    %roll3A_2184 = tpu.dynamic_rotate %select_n3A_2165 by %roll3A_2183 dim 1 : vector<256x128xf32>, i32 -> vector<256x128xf32>
    %select_n3A_2185 = arith.select %ne3A_2172, %roll3A_2182, %roll3A_2184 : vector<256x128xi1>, vector<256x128xf32>
    %roll3A_2186 = arith.constant 8 : i32
    %roll3A_2187 = tpu.dynamic_rotate %select_n3A_2166 by %roll3A_2186 dim 1 : vector<256x128xi32>, i32 -> vector<256x128xi32>
    %roll3A_2188 = arith.constant 120 : i32
    %roll3A_2189 = tpu.dynamic_rotate %select_n3A_2166 by %roll3A_2188 dim 1 : vector<256x128xi32>, i32 -> vector<256x128xi32>
    %select_n3A_2190 = arith.select %ne3A_2172, %roll3A_2187, %roll3A_2189 : vector<256x128xi1>, vector<256x128xi32>
    %gt3A_2191 = arith.cmpf ogt, %select_n3A_2165, %select_n3A_2185 : vector<256x128xf32>
    %eq3A_2192 = arith.cmpf oeq, %select_n3A_2165, %select_n3A_2185 : vector<256x128xf32>
    %lt3A_2193 = arith.cmpi slt, %select_n3A_2166, %select_n3A_2190 : vector<256x128xi32>
    %and3A_2194 = arith.andi %eq3A_2192, %lt3A_2193 : vector<256x128xi1>
    %or3A_2195 = arith.ori %gt3A_2191, %and3A_2194 : vector<256x128xi1>
    %xor3A_2196 = arith.xori %or3A_2195, %ne3A_2172 : vector<256x128xi1>
    %not3A_2197 = arith.constant dense<true> : vector<256x128xi1>
    %not3A_2198 = arith.xori %not3A_2180, %not3A_2197 : vector<256x128xi1>
    %xor3A_2199 = arith.xori %xor3A_2196, %not3A_2198 : vector<256x128xi1>
    %select_n3A_2200 = arith.select %xor3A_2199, %select_n3A_2165, %select_n3A_2185 : vector<256x128xi1>, vector<256x128xf32>
    %select_n3A_2201 = arith.select %xor3A_2199, %select_n3A_2166, %select_n3A_2190 : vector<256x128xi1>, vector<256x128xi32>
    %and3A_2202 = arith.constant 4 : i32
    %and3A_2203 = vector.broadcast %and3A_2202 : i32 to vector<256x128xi32>
    %and3A_2204 = arith.andi %iota3A_5, %and3A_2203 : vector<256x128xi32>
    %ne3A_2205 = arith.constant 0 : i32
    %ne3A_2206 = vector.broadcast %ne3A_2205 : i32 to vector<256x128xi32>
    %ne3A_2207 = arith.cmpi ne, %and3A_2204, %ne3A_2206 : vector<256x128xi32>
    %and3A_2208 = arith.constant 16 : i32
    %and3A_2209 = vector.broadcast %and3A_2208 : i32 to vector<256x128xi32>
    %and3A_2210 = arith.andi %iota3A_6, %and3A_2209 : vector<256x128xi32>
    %ne3A_2211 = arith.constant 0 : i32
    %ne3A_2212 = vector.broadcast %ne3A_2211 : i32 to vector<256x128xi32>
    %ne3A_2213 = arith.cmpi ne, %and3A_2210, %ne3A_2212 : vector<256x128xi32>
    %not3A_2214 = arith.constant dense<true> : vector<256x128xi1>
    %not3A_2215 = arith.xori %ne3A_2213, %not3A_2214 : vector<256x128xi1>
    %roll3A_2216 = arith.constant 4 : i32
    %roll3A_2217 = tpu.dynamic_rotate %select_n3A_2200 by %roll3A_2216 dim 1 : vector<256x128xf32>, i32 -> vector<256x128xf32>
    %roll3A_2218 = arith.constant 124 : i32
    %roll3A_2219 = tpu.dynamic_rotate %select_n3A_2200 by %roll3A_2218 dim 1 : vector<256x128xf32>, i32 -> vector<256x128xf32>
    %select_n3A_2220 = arith.select %ne3A_2207, %roll3A_2217, %roll3A_2219 : vector<256x128xi1>, vector<256x128xf32>
    %roll3A_2221 = arith.constant 4 : i32
    %roll3A_2222 = tpu.dynamic_rotate %select_n3A_2201 by %roll3A_2221 dim 1 : vector<256x128xi32>, i32 -> vector<256x128xi32>
    %roll3A_2223 = arith.constant 124 : i32
    %roll3A_2224 = tpu.dynamic_rotate %select_n3A_2201 by %roll3A_2223 dim 1 : vector<256x128xi32>, i32 -> vector<256x128xi32>
    %select_n3A_2225 = arith.select %ne3A_2207, %roll3A_2222, %roll3A_2224 : vector<256x128xi1>, vector<256x128xi32>
    %gt3A_2226 = arith.cmpf ogt, %select_n3A_2200, %select_n3A_2220 : vector<256x128xf32>
    %eq3A_2227 = arith.cmpf oeq, %select_n3A_2200, %select_n3A_2220 : vector<256x128xf32>
    %lt3A_2228 = arith.cmpi slt, %select_n3A_2201, %select_n3A_2225 : vector<256x128xi32>
    %and3A_2229 = arith.andi %eq3A_2227, %lt3A_2228 : vector<256x128xi1>
    %or3A_2230 = arith.ori %gt3A_2226, %and3A_2229 : vector<256x128xi1>
    %xor3A_2231 = arith.xori %or3A_2230, %ne3A_2207 : vector<256x128xi1>
    %not3A_2232 = arith.constant dense<true> : vector<256x128xi1>
    %not3A_2233 = arith.xori %not3A_2215, %not3A_2232 : vector<256x128xi1>
    %xor3A_2234 = arith.xori %xor3A_2231, %not3A_2233 : vector<256x128xi1>
    %select_n3A_2235 = arith.select %xor3A_2234, %select_n3A_2200, %select_n3A_2220 : vector<256x128xi1>, vector<256x128xf32>
    %select_n3A_2236 = arith.select %xor3A_2234, %select_n3A_2201, %select_n3A_2225 : vector<256x128xi1>, vector<256x128xi32>
    %and3A_2237 = arith.constant 2 : i32
    %and3A_2238 = vector.broadcast %and3A_2237 : i32 to vector<256x128xi32>
    %and3A_2239 = arith.andi %iota3A_5, %and3A_2238 : vector<256x128xi32>
    %ne3A_2240 = arith.constant 0 : i32
    %ne3A_2241 = vector.broadcast %ne3A_2240 : i32 to vector<256x128xi32>
    %ne3A_2242 = arith.cmpi ne, %and3A_2239, %ne3A_2241 : vector<256x128xi32>
    %and3A_2243 = arith.constant 16 : i32
    %and3A_2244 = vector.broadcast %and3A_2243 : i32 to vector<256x128xi32>
    %and3A_2245 = arith.andi %iota3A_6, %and3A_2244 : vector<256x128xi32>
    %ne3A_2246 = arith.constant 0 : i32
    %ne3A_2247 = vector.broadcast %ne3A_2246 : i32 to vector<256x128xi32>
    %ne3A_2248 = arith.cmpi ne, %and3A_2245, %ne3A_2247 : vector<256x128xi32>
    %not3A_2249 = arith.constant dense<true> : vector<256x128xi1>
    %not3A_2250 = arith.xori %ne3A_2248, %not3A_2249 : vector<256x128xi1>
    %roll3A_2251 = arith.constant 2 : i32
    %roll3A_2252 = tpu.dynamic_rotate %select_n3A_2235 by %roll3A_2251 dim 1 : vector<256x128xf32>, i32 -> vector<256x128xf32>
    %roll3A_2253 = arith.constant 126 : i32
    %roll3A_2254 = tpu.dynamic_rotate %select_n3A_2235 by %roll3A_2253 dim 1 : vector<256x128xf32>, i32 -> vector<256x128xf32>
    %select_n3A_2255 = arith.select %ne3A_2242, %roll3A_2252, %roll3A_2254 : vector<256x128xi1>, vector<256x128xf32>
    %roll3A_2256 = arith.constant 2 : i32
    %roll3A_2257 = tpu.dynamic_rotate %select_n3A_2236 by %roll3A_2256 dim 1 : vector<256x128xi32>, i32 -> vector<256x128xi32>
    %roll3A_2258 = arith.constant 126 : i32
    %roll3A_2259 = tpu.dynamic_rotate %select_n3A_2236 by %roll3A_2258 dim 1 : vector<256x128xi32>, i32 -> vector<256x128xi32>
    %select_n3A_2260 = arith.select %ne3A_2242, %roll3A_2257, %roll3A_2259 : vector<256x128xi1>, vector<256x128xi32>
    %gt3A_2261 = arith.cmpf ogt, %select_n3A_2235, %select_n3A_2255 : vector<256x128xf32>
    %eq3A_2262 = arith.cmpf oeq, %select_n3A_2235, %select_n3A_2255 : vector<256x128xf32>
    %lt3A_2263 = arith.cmpi slt, %select_n3A_2236, %select_n3A_2260 : vector<256x128xi32>
    %and3A_2264 = arith.andi %eq3A_2262, %lt3A_2263 : vector<256x128xi1>
    %or3A_2265 = arith.ori %gt3A_2261, %and3A_2264 : vector<256x128xi1>
    %xor3A_2266 = arith.xori %or3A_2265, %ne3A_2242 : vector<256x128xi1>
    %not3A_2267 = arith.constant dense<true> : vector<256x128xi1>
    %not3A_2268 = arith.xori %not3A_2250, %not3A_2267 : vector<256x128xi1>
    %xor3A_2269 = arith.xori %xor3A_2266, %not3A_2268 : vector<256x128xi1>
    %select_n3A_2270 = arith.select %xor3A_2269, %select_n3A_2235, %select_n3A_2255 : vector<256x128xi1>, vector<256x128xf32>
    %select_n3A_2271 = arith.select %xor3A_2269, %select_n3A_2236, %select_n3A_2260 : vector<256x128xi1>, vector<256x128xi32>
    %and3A_2272 = arith.constant 1 : i32
    %and3A_2273 = vector.broadcast %and3A_2272 : i32 to vector<256x128xi32>
    %and3A_2274 = arith.andi %iota3A_5, %and3A_2273 : vector<256x128xi32>
    %ne3A_2275 = arith.constant 0 : i32
    %ne3A_2276 = vector.broadcast %ne3A_2275 : i32 to vector<256x128xi32>
    %ne3A_2277 = arith.cmpi ne, %and3A_2274, %ne3A_2276 : vector<256x128xi32>
    %and3A_2278 = arith.constant 16 : i32
    %and3A_2279 = vector.broadcast %and3A_2278 : i32 to vector<256x128xi32>
    %and3A_2280 = arith.andi %iota3A_6, %and3A_2279 : vector<256x128xi32>
    %ne3A_2281 = arith.constant 0 : i32
    %ne3A_2282 = vector.broadcast %ne3A_2281 : i32 to vector<256x128xi32>
    %ne3A_2283 = arith.cmpi ne, %and3A_2280, %ne3A_2282 : vector<256x128xi32>
    %not3A_2284 = arith.constant dense<true> : vector<256x128xi1>
    %not3A_2285 = arith.xori %ne3A_2283, %not3A_2284 : vector<256x128xi1>
    %roll3A_2286 = arith.constant 1 : i32
    %roll3A_2287 = tpu.dynamic_rotate %select_n3A_2270 by %roll3A_2286 dim 1 : vector<256x128xf32>, i32 -> vector<256x128xf32>
    %roll3A_2288 = arith.constant 127 : i32
    %roll3A_2289 = tpu.dynamic_rotate %select_n3A_2270 by %roll3A_2288 dim 1 : vector<256x128xf32>, i32 -> vector<256x128xf32>
    %select_n3A_2290 = arith.select %ne3A_2277, %roll3A_2287, %roll3A_2289 : vector<256x128xi1>, vector<256x128xf32>
    %roll3A_2291 = arith.constant 1 : i32
    %roll3A_2292 = tpu.dynamic_rotate %select_n3A_2271 by %roll3A_2291 dim 1 : vector<256x128xi32>, i32 -> vector<256x128xi32>
    %roll3A_2293 = arith.constant 127 : i32
    %roll3A_2294 = tpu.dynamic_rotate %select_n3A_2271 by %roll3A_2293 dim 1 : vector<256x128xi32>, i32 -> vector<256x128xi32>
    %select_n3A_2295 = arith.select %ne3A_2277, %roll3A_2292, %roll3A_2294 : vector<256x128xi1>, vector<256x128xi32>
    %gt3A_2296 = arith.cmpf ogt, %select_n3A_2270, %select_n3A_2290 : vector<256x128xf32>
    %eq3A_2297 = arith.cmpf oeq, %select_n3A_2270, %select_n3A_2290 : vector<256x128xf32>
    %lt3A_2298 = arith.cmpi slt, %select_n3A_2271, %select_n3A_2295 : vector<256x128xi32>
    %and3A_2299 = arith.andi %eq3A_2297, %lt3A_2298 : vector<256x128xi1>
    %or3A_2300 = arith.ori %gt3A_2296, %and3A_2299 : vector<256x128xi1>
    %xor3A_2301 = arith.xori %or3A_2300, %ne3A_2277 : vector<256x128xi1>
    %not3A_2302 = arith.constant dense<true> : vector<256x128xi1>
    %not3A_2303 = arith.xori %not3A_2285, %not3A_2302 : vector<256x128xi1>
    %xor3A_2304 = arith.xori %xor3A_2301, %not3A_2303 : vector<256x128xi1>
    %select_n3A_2305 = arith.select %xor3A_2304, %select_n3A_2270, %select_n3A_2290 : vector<256x128xi1>, vector<256x128xf32>
    %select_n3A_2306 = arith.select %xor3A_2304, %select_n3A_2271, %select_n3A_2295 : vector<256x128xi1>, vector<256x128xi32>
    %and3A_2307 = arith.constant 16 : i32
    %and3A_2308 = vector.broadcast %and3A_2307 : i32 to vector<256x128xi32>
    %and3A_2309 = arith.andi %iota3A_6, %and3A_2308 : vector<256x128xi32>
    %ne3A_2310 = arith.constant 0 : i32
    %ne3A_2311 = vector.broadcast %ne3A_2310 : i32 to vector<256x128xi32>
    %ne3A_2312 = arith.cmpi ne, %and3A_2309, %ne3A_2311 : vector<256x128xi32>
    %and3A_2313 = arith.constant 32 : i32
    %and3A_2314 = vector.broadcast %and3A_2313 : i32 to vector<256x128xi32>
    %and3A_2315 = arith.andi %iota3A_6, %and3A_2314 : vector<256x128xi32>
    %ne3A_2316 = arith.constant 0 : i32
    %ne3A_2317 = vector.broadcast %ne3A_2316 : i32 to vector<256x128xi32>
    %ne3A_2318 = arith.cmpi ne, %and3A_2315, %ne3A_2317 : vector<256x128xi32>
    %not3A_2319 = arith.constant dense<true> : vector<256x128xi1>
    %not3A_2320 = arith.xori %ne3A_2318, %not3A_2319 : vector<256x128xi1>
    %roll3A_2321 = arith.constant 16 : i32
    %roll3A_2322 = tpu.dynamic_rotate %select_n3A_2305 by %roll3A_2321 dim 0 : vector<256x128xf32>, i32 -> vector<256x128xf32>
    %roll3A_2323 = arith.constant 240 : i32
    %roll3A_2324 = tpu.dynamic_rotate %select_n3A_2305 by %roll3A_2323 dim 0 : vector<256x128xf32>, i32 -> vector<256x128xf32>
    %select_n3A_2325 = arith.select %ne3A_2312, %roll3A_2322, %roll3A_2324 : vector<256x128xi1>, vector<256x128xf32>
    %roll3A_2326 = arith.constant 16 : i32
    %roll3A_2327 = tpu.dynamic_rotate %select_n3A_2306 by %roll3A_2326 dim 0 : vector<256x128xi32>, i32 -> vector<256x128xi32>
    %roll3A_2328 = arith.constant 240 : i32
    %roll3A_2329 = tpu.dynamic_rotate %select_n3A_2306 by %roll3A_2328 dim 0 : vector<256x128xi32>, i32 -> vector<256x128xi32>
    %select_n3A_2330 = arith.select %ne3A_2312, %roll3A_2327, %roll3A_2329 : vector<256x128xi1>, vector<256x128xi32>
    %gt3A_2331 = arith.cmpf ogt, %select_n3A_2305, %select_n3A_2325 : vector<256x128xf32>
    %eq3A_2332 = arith.cmpf oeq, %select_n3A_2305, %select_n3A_2325 : vector<256x128xf32>
    %lt3A_2333 = arith.cmpi slt, %select_n3A_2306, %select_n3A_2330 : vector<256x128xi32>
    %and3A_2334 = arith.andi %eq3A_2332, %lt3A_2333 : vector<256x128xi1>
    %or3A_2335 = arith.ori %gt3A_2331, %and3A_2334 : vector<256x128xi1>
    %xor3A_2336 = arith.xori %or3A_2335, %ne3A_2312 : vector<256x128xi1>
    %not3A_2337 = arith.constant dense<true> : vector<256x128xi1>
    %not3A_2338 = arith.xori %not3A_2320, %not3A_2337 : vector<256x128xi1>
    %xor3A_2339 = arith.xori %xor3A_2336, %not3A_2338 : vector<256x128xi1>
    %select_n3A_2340 = arith.select %xor3A_2339, %select_n3A_2305, %select_n3A_2325 : vector<256x128xi1>, vector<256x128xf32>
    %select_n3A_2341 = arith.select %xor3A_2339, %select_n3A_2306, %select_n3A_2330 : vector<256x128xi1>, vector<256x128xi32>
    %and3A_2342 = arith.constant 8 : i32
    %and3A_2343 = vector.broadcast %and3A_2342 : i32 to vector<256x128xi32>
    %and3A_2344 = arith.andi %iota3A_6, %and3A_2343 : vector<256x128xi32>
    %ne3A_2345 = arith.constant 0 : i32
    %ne3A_2346 = vector.broadcast %ne3A_2345 : i32 to vector<256x128xi32>
    %ne3A_2347 = arith.cmpi ne, %and3A_2344, %ne3A_2346 : vector<256x128xi32>
    %and3A_2348 = arith.constant 32 : i32
    %and3A_2349 = vector.broadcast %and3A_2348 : i32 to vector<256x128xi32>
    %and3A_2350 = arith.andi %iota3A_6, %and3A_2349 : vector<256x128xi32>
    %ne3A_2351 = arith.constant 0 : i32
    %ne3A_2352 = vector.broadcast %ne3A_2351 : i32 to vector<256x128xi32>
    %ne3A_2353 = arith.cmpi ne, %and3A_2350, %ne3A_2352 : vector<256x128xi32>
    %not3A_2354 = arith.constant dense<true> : vector<256x128xi1>
    %not3A_2355 = arith.xori %ne3A_2353, %not3A_2354 : vector<256x128xi1>
    %roll3A_2356 = arith.constant 8 : i32
    %roll3A_2357 = tpu.dynamic_rotate %select_n3A_2340 by %roll3A_2356 dim 0 : vector<256x128xf32>, i32 -> vector<256x128xf32>
    %roll3A_2358 = arith.constant 248 : i32
    %roll3A_2359 = tpu.dynamic_rotate %select_n3A_2340 by %roll3A_2358 dim 0 : vector<256x128xf32>, i32 -> vector<256x128xf32>
    %select_n3A_2360 = arith.select %ne3A_2347, %roll3A_2357, %roll3A_2359 : vector<256x128xi1>, vector<256x128xf32>
    %roll3A_2361 = arith.constant 8 : i32
    %roll3A_2362 = tpu.dynamic_rotate %select_n3A_2341 by %roll3A_2361 dim 0 : vector<256x128xi32>, i32 -> vector<256x128xi32>
    %roll3A_2363 = arith.constant 248 : i32
    %roll3A_2364 = tpu.dynamic_rotate %select_n3A_2341 by %roll3A_2363 dim 0 : vector<256x128xi32>, i32 -> vector<256x128xi32>
    %select_n3A_2365 = arith.select %ne3A_2347, %roll3A_2362, %roll3A_2364 : vector<256x128xi1>, vector<256x128xi32>
    %gt3A_2366 = arith.cmpf ogt, %select_n3A_2340, %select_n3A_2360 : vector<256x128xf32>
    %eq3A_2367 = arith.cmpf oeq, %select_n3A_2340, %select_n3A_2360 : vector<256x128xf32>
    %lt3A_2368 = arith.cmpi slt, %select_n3A_2341, %select_n3A_2365 : vector<256x128xi32>
    %and3A_2369 = arith.andi %eq3A_2367, %lt3A_2368 : vector<256x128xi1>
    %or3A_2370 = arith.ori %gt3A_2366, %and3A_2369 : vector<256x128xi1>
    %xor3A_2371 = arith.xori %or3A_2370, %ne3A_2347 : vector<256x128xi1>
    %not3A_2372 = arith.constant dense<true> : vector<256x128xi1>
    %not3A_2373 = arith.xori %not3A_2355, %not3A_2372 : vector<256x128xi1>
    %xor3A_2374 = arith.xori %xor3A_2371, %not3A_2373 : vector<256x128xi1>
    %select_n3A_2375 = arith.select %xor3A_2374, %select_n3A_2340, %select_n3A_2360 : vector<256x128xi1>, vector<256x128xf32>
    %select_n3A_2376 = arith.select %xor3A_2374, %select_n3A_2341, %select_n3A_2365 : vector<256x128xi1>, vector<256x128xi32>
    %and3A_2377 = arith.constant 4 : i32
    %and3A_2378 = vector.broadcast %and3A_2377 : i32 to vector<256x128xi32>
    %and3A_2379 = arith.andi %iota3A_6, %and3A_2378 : vector<256x128xi32>
    %ne3A_2380 = arith.constant 0 : i32
    %ne3A_2381 = vector.broadcast %ne3A_2380 : i32 to vector<256x128xi32>
    %ne3A_2382 = arith.cmpi ne, %and3A_2379, %ne3A_2381 : vector<256x128xi32>
    %and3A_2383 = arith.constant 32 : i32
    %and3A_2384 = vector.broadcast %and3A_2383 : i32 to vector<256x128xi32>
    %and3A_2385 = arith.andi %iota3A_6, %and3A_2384 : vector<256x128xi32>
    %ne3A_2386 = arith.constant 0 : i32
    %ne3A_2387 = vector.broadcast %ne3A_2386 : i32 to vector<256x128xi32>
    %ne3A_2388 = arith.cmpi ne, %and3A_2385, %ne3A_2387 : vector<256x128xi32>
    %not3A_2389 = arith.constant dense<true> : vector<256x128xi1>
    %not3A_2390 = arith.xori %ne3A_2388, %not3A_2389 : vector<256x128xi1>
    %roll3A_2391 = arith.constant 4 : i32
    %roll3A_2392 = tpu.dynamic_rotate %select_n3A_2375 by %roll3A_2391 dim 0 : vector<256x128xf32>, i32 -> vector<256x128xf32>
    %roll3A_2393 = arith.constant 252 : i32
    %roll3A_2394 = tpu.dynamic_rotate %select_n3A_2375 by %roll3A_2393 dim 0 : vector<256x128xf32>, i32 -> vector<256x128xf32>
    %select_n3A_2395 = arith.select %ne3A_2382, %roll3A_2392, %roll3A_2394 : vector<256x128xi1>, vector<256x128xf32>
    %roll3A_2396 = arith.constant 4 : i32
    %roll3A_2397 = tpu.dynamic_rotate %select_n3A_2376 by %roll3A_2396 dim 0 : vector<256x128xi32>, i32 -> vector<256x128xi32>
    %roll3A_2398 = arith.constant 252 : i32
    %roll3A_2399 = tpu.dynamic_rotate %select_n3A_2376 by %roll3A_2398 dim 0 : vector<256x128xi32>, i32 -> vector<256x128xi32>
    %select_n3A_2400 = arith.select %ne3A_2382, %roll3A_2397, %roll3A_2399 : vector<256x128xi1>, vector<256x128xi32>
    %gt3A_2401 = arith.cmpf ogt, %select_n3A_2375, %select_n3A_2395 : vector<256x128xf32>
    %eq3A_2402 = arith.cmpf oeq, %select_n3A_2375, %select_n3A_2395 : vector<256x128xf32>
    %lt3A_2403 = arith.cmpi slt, %select_n3A_2376, %select_n3A_2400 : vector<256x128xi32>
    %and3A_2404 = arith.andi %eq3A_2402, %lt3A_2403 : vector<256x128xi1>
    %or3A_2405 = arith.ori %gt3A_2401, %and3A_2404 : vector<256x128xi1>
    %xor3A_2406 = arith.xori %or3A_2405, %ne3A_2382 : vector<256x128xi1>
    %not3A_2407 = arith.constant dense<true> : vector<256x128xi1>
    %not3A_2408 = arith.xori %not3A_2390, %not3A_2407 : vector<256x128xi1>
    %xor3A_2409 = arith.xori %xor3A_2406, %not3A_2408 : vector<256x128xi1>
    %select_n3A_2410 = arith.select %xor3A_2409, %select_n3A_2375, %select_n3A_2395 : vector<256x128xi1>, vector<256x128xf32>
    %select_n3A_2411 = arith.select %xor3A_2409, %select_n3A_2376, %select_n3A_2400 : vector<256x128xi1>, vector<256x128xi32>
    %and3A_2412 = arith.constant 2 : i32
    %and3A_2413 = vector.broadcast %and3A_2412 : i32 to vector<256x128xi32>
    %and3A_2414 = arith.andi %iota3A_6, %and3A_2413 : vector<256x128xi32>
    %ne3A_2415 = arith.constant 0 : i32
    %ne3A_2416 = vector.broadcast %ne3A_2415 : i32 to vector<256x128xi32>
    %ne3A_2417 = arith.cmpi ne, %and3A_2414, %ne3A_2416 : vector<256x128xi32>
    %and3A_2418 = arith.constant 32 : i32
    %and3A_2419 = vector.broadcast %and3A_2418 : i32 to vector<256x128xi32>
    %and3A_2420 = arith.andi %iota3A_6, %and3A_2419 : vector<256x128xi32>
    %ne3A_2421 = arith.constant 0 : i32
    %ne3A_2422 = vector.broadcast %ne3A_2421 : i32 to vector<256x128xi32>
    %ne3A_2423 = arith.cmpi ne, %and3A_2420, %ne3A_2422 : vector<256x128xi32>
    %not3A_2424 = arith.constant dense<true> : vector<256x128xi1>
    %not3A_2425 = arith.xori %ne3A_2423, %not3A_2424 : vector<256x128xi1>
    %roll3A_2426 = arith.constant 2 : i32
    %roll3A_2427 = tpu.dynamic_rotate %select_n3A_2410 by %roll3A_2426 dim 0 : vector<256x128xf32>, i32 -> vector<256x128xf32>
    %roll3A_2428 = arith.constant 254 : i32
    %roll3A_2429 = tpu.dynamic_rotate %select_n3A_2410 by %roll3A_2428 dim 0 : vector<256x128xf32>, i32 -> vector<256x128xf32>
    %select_n3A_2430 = arith.select %ne3A_2417, %roll3A_2427, %roll3A_2429 : vector<256x128xi1>, vector<256x128xf32>
    %roll3A_2431 = arith.constant 2 : i32
    %roll3A_2432 = tpu.dynamic_rotate %select_n3A_2411 by %roll3A_2431 dim 0 : vector<256x128xi32>, i32 -> vector<256x128xi32>
    %roll3A_2433 = arith.constant 254 : i32
    %roll3A_2434 = tpu.dynamic_rotate %select_n3A_2411 by %roll3A_2433 dim 0 : vector<256x128xi32>, i32 -> vector<256x128xi32>
    %select_n3A_2435 = arith.select %ne3A_2417, %roll3A_2432, %roll3A_2434 : vector<256x128xi1>, vector<256x128xi32>
    %gt3A_2436 = arith.cmpf ogt, %select_n3A_2410, %select_n3A_2430 : vector<256x128xf32>
    %eq3A_2437 = arith.cmpf oeq, %select_n3A_2410, %select_n3A_2430 : vector<256x128xf32>
    %lt3A_2438 = arith.cmpi slt, %select_n3A_2411, %select_n3A_2435 : vector<256x128xi32>
    %and3A_2439 = arith.andi %eq3A_2437, %lt3A_2438 : vector<256x128xi1>
    %or3A_2440 = arith.ori %gt3A_2436, %and3A_2439 : vector<256x128xi1>
    %xor3A_2441 = arith.xori %or3A_2440, %ne3A_2417 : vector<256x128xi1>
    %not3A_2442 = arith.constant dense<true> : vector<256x128xi1>
    %not3A_2443 = arith.xori %not3A_2425, %not3A_2442 : vector<256x128xi1>
    %xor3A_2444 = arith.xori %xor3A_2441, %not3A_2443 : vector<256x128xi1>
    %select_n3A_2445 = arith.select %xor3A_2444, %select_n3A_2410, %select_n3A_2430 : vector<256x128xi1>, vector<256x128xf32>
    %select_n3A_2446 = arith.select %xor3A_2444, %select_n3A_2411, %select_n3A_2435 : vector<256x128xi1>, vector<256x128xi32>
    %and3A_2447 = arith.constant 1 : i32
    %and3A_2448 = vector.broadcast %and3A_2447 : i32 to vector<256x128xi32>
    %and3A_2449 = arith.andi %iota3A_6, %and3A_2448 : vector<256x128xi32>
    %ne3A_2450 = arith.constant 0 : i32
    %ne3A_2451 = vector.broadcast %ne3A_2450 : i32 to vector<256x128xi32>
    %ne3A_2452 = arith.cmpi ne, %and3A_2449, %ne3A_2451 : vector<256x128xi32>
    %and3A_2453 = arith.constant 32 : i32
    %and3A_2454 = vector.broadcast %and3A_2453 : i32 to vector<256x128xi32>
    %and3A_2455 = arith.andi %iota3A_6, %and3A_2454 : vector<256x128xi32>
    %ne3A_2456 = arith.constant 0 : i32
    %ne3A_2457 = vector.broadcast %ne3A_2456 : i32 to vector<256x128xi32>
    %ne3A_2458 = arith.cmpi ne, %and3A_2455, %ne3A_2457 : vector<256x128xi32>
    %not3A_2459 = arith.constant dense<true> : vector<256x128xi1>
    %not3A_2460 = arith.xori %ne3A_2458, %not3A_2459 : vector<256x128xi1>
    %roll3A_2461 = arith.constant 1 : i32
    %roll3A_2462 = tpu.dynamic_rotate %select_n3A_2445 by %roll3A_2461 dim 0 : vector<256x128xf32>, i32 -> vector<256x128xf32>
    %roll3A_2463 = arith.constant 255 : i32
    %roll3A_2464 = tpu.dynamic_rotate %select_n3A_2445 by %roll3A_2463 dim 0 : vector<256x128xf32>, i32 -> vector<256x128xf32>
    %select_n3A_2465 = arith.select %ne3A_2452, %roll3A_2462, %roll3A_2464 : vector<256x128xi1>, vector<256x128xf32>
    %roll3A_2466 = arith.constant 1 : i32
    %roll3A_2467 = tpu.dynamic_rotate %select_n3A_2446 by %roll3A_2466 dim 0 : vector<256x128xi32>, i32 -> vector<256x128xi32>
    %roll3A_2468 = arith.constant 255 : i32
    %roll3A_2469 = tpu.dynamic_rotate %select_n3A_2446 by %roll3A_2468 dim 0 : vector<256x128xi32>, i32 -> vector<256x128xi32>
    %select_n3A_2470 = arith.select %ne3A_2452, %roll3A_2467, %roll3A_2469 : vector<256x128xi1>, vector<256x128xi32>
    %gt3A_2471 = arith.cmpf ogt, %select_n3A_2445, %select_n3A_2465 : vector<256x128xf32>
    %eq3A_2472 = arith.cmpf oeq, %select_n3A_2445, %select_n3A_2465 : vector<256x128xf32>
    %lt3A_2473 = arith.cmpi slt, %select_n3A_2446, %select_n3A_2470 : vector<256x128xi32>
    %and3A_2474 = arith.andi %eq3A_2472, %lt3A_2473 : vector<256x128xi1>
    %or3A_2475 = arith.ori %gt3A_2471, %and3A_2474 : vector<256x128xi1>
    %xor3A_2476 = arith.xori %or3A_2475, %ne3A_2452 : vector<256x128xi1>
    %not3A_2477 = arith.constant dense<true> : vector<256x128xi1>
    %not3A_2478 = arith.xori %not3A_2460, %not3A_2477 : vector<256x128xi1>
    %xor3A_2479 = arith.xori %xor3A_2476, %not3A_2478 : vector<256x128xi1>
    %select_n3A_2480 = arith.select %xor3A_2479, %select_n3A_2445, %select_n3A_2465 : vector<256x128xi1>, vector<256x128xf32>
    %select_n3A_2481 = arith.select %xor3A_2479, %select_n3A_2446, %select_n3A_2470 : vector<256x128xi1>, vector<256x128xi32>
    %and3A_2482 = arith.constant 64 : i32
    %and3A_2483 = vector.broadcast %and3A_2482 : i32 to vector<256x128xi32>
    %and3A_2484 = arith.andi %iota3A_5, %and3A_2483 : vector<256x128xi32>
    %ne3A_2485 = arith.constant 0 : i32
    %ne3A_2486 = vector.broadcast %ne3A_2485 : i32 to vector<256x128xi32>
    %ne3A_2487 = arith.cmpi ne, %and3A_2484, %ne3A_2486 : vector<256x128xi32>
    %and3A_2488 = arith.constant 32 : i32
    %and3A_2489 = vector.broadcast %and3A_2488 : i32 to vector<256x128xi32>
    %and3A_2490 = arith.andi %iota3A_6, %and3A_2489 : vector<256x128xi32>
    %ne3A_2491 = arith.constant 0 : i32
    %ne3A_2492 = vector.broadcast %ne3A_2491 : i32 to vector<256x128xi32>
    %ne3A_2493 = arith.cmpi ne, %and3A_2490, %ne3A_2492 : vector<256x128xi32>
    %not3A_2494 = arith.constant dense<true> : vector<256x128xi1>
    %not3A_2495 = arith.xori %ne3A_2493, %not3A_2494 : vector<256x128xi1>
    %roll3A_2496 = arith.constant 64 : i32
    %roll3A_2497 = tpu.dynamic_rotate %select_n3A_2480 by %roll3A_2496 dim 1 : vector<256x128xf32>, i32 -> vector<256x128xf32>
    %roll3A_2498 = arith.constant 64 : i32
    %roll3A_2499 = tpu.dynamic_rotate %select_n3A_2480 by %roll3A_2498 dim 1 : vector<256x128xf32>, i32 -> vector<256x128xf32>
    %select_n3A_2500 = arith.select %ne3A_2487, %roll3A_2497, %roll3A_2499 : vector<256x128xi1>, vector<256x128xf32>
    %roll3A_2501 = arith.constant 64 : i32
    %roll3A_2502 = tpu.dynamic_rotate %select_n3A_2481 by %roll3A_2501 dim 1 : vector<256x128xi32>, i32 -> vector<256x128xi32>
    %roll3A_2503 = arith.constant 64 : i32
    %roll3A_2504 = tpu.dynamic_rotate %select_n3A_2481 by %roll3A_2503 dim 1 : vector<256x128xi32>, i32 -> vector<256x128xi32>
    %select_n3A_2505 = arith.select %ne3A_2487, %roll3A_2502, %roll3A_2504 : vector<256x128xi1>, vector<256x128xi32>
    %gt3A_2506 = arith.cmpf ogt, %select_n3A_2480, %select_n3A_2500 : vector<256x128xf32>
    %eq3A_2507 = arith.cmpf oeq, %select_n3A_2480, %select_n3A_2500 : vector<256x128xf32>
    %lt3A_2508 = arith.cmpi slt, %select_n3A_2481, %select_n3A_2505 : vector<256x128xi32>
    %and3A_2509 = arith.andi %eq3A_2507, %lt3A_2508 : vector<256x128xi1>
    %or3A_2510 = arith.ori %gt3A_2506, %and3A_2509 : vector<256x128xi1>
    %xor3A_2511 = arith.xori %or3A_2510, %ne3A_2487 : vector<256x128xi1>
    %not3A_2512 = arith.constant dense<true> : vector<256x128xi1>
    %not3A_2513 = arith.xori %not3A_2495, %not3A_2512 : vector<256x128xi1>
    %xor3A_2514 = arith.xori %xor3A_2511, %not3A_2513 : vector<256x128xi1>
    %select_n3A_2515 = arith.select %xor3A_2514, %select_n3A_2480, %select_n3A_2500 : vector<256x128xi1>, vector<256x128xf32>
    %select_n3A_2516 = arith.select %xor3A_2514, %select_n3A_2481, %select_n3A_2505 : vector<256x128xi1>, vector<256x128xi32>
    %and3A_2517 = arith.constant 32 : i32
    %and3A_2518 = vector.broadcast %and3A_2517 : i32 to vector<256x128xi32>
    %and3A_2519 = arith.andi %iota3A_5, %and3A_2518 : vector<256x128xi32>
    %ne3A_2520 = arith.constant 0 : i32
    %ne3A_2521 = vector.broadcast %ne3A_2520 : i32 to vector<256x128xi32>
    %ne3A_2522 = arith.cmpi ne, %and3A_2519, %ne3A_2521 : vector<256x128xi32>
    %and3A_2523 = arith.constant 32 : i32
    %and3A_2524 = vector.broadcast %and3A_2523 : i32 to vector<256x128xi32>
    %and3A_2525 = arith.andi %iota3A_6, %and3A_2524 : vector<256x128xi32>
    %ne3A_2526 = arith.constant 0 : i32
    %ne3A_2527 = vector.broadcast %ne3A_2526 : i32 to vector<256x128xi32>
    %ne3A_2528 = arith.cmpi ne, %and3A_2525, %ne3A_2527 : vector<256x128xi32>
    %not3A_2529 = arith.constant dense<true> : vector<256x128xi1>
    %not3A_2530 = arith.xori %ne3A_2528, %not3A_2529 : vector<256x128xi1>
    %roll3A_2531 = arith.constant 32 : i32
    %roll3A_2532 = tpu.dynamic_rotate %select_n3A_2515 by %roll3A_2531 dim 1 : vector<256x128xf32>, i32 -> vector<256x128xf32>
    %roll3A_2533 = arith.constant 96 : i32
    %roll3A_2534 = tpu.dynamic_rotate %select_n3A_2515 by %roll3A_2533 dim 1 : vector<256x128xf32>, i32 -> vector<256x128xf32>
    %select_n3A_2535 = arith.select %ne3A_2522, %roll3A_2532, %roll3A_2534 : vector<256x128xi1>, vector<256x128xf32>
    %roll3A_2536 = arith.constant 32 : i32
    %roll3A_2537 = tpu.dynamic_rotate %select_n3A_2516 by %roll3A_2536 dim 1 : vector<256x128xi32>, i32 -> vector<256x128xi32>
    %roll3A_2538 = arith.constant 96 : i32
    %roll3A_2539 = tpu.dynamic_rotate %select_n3A_2516 by %roll3A_2538 dim 1 : vector<256x128xi32>, i32 -> vector<256x128xi32>
    %select_n3A_2540 = arith.select %ne3A_2522, %roll3A_2537, %roll3A_2539 : vector<256x128xi1>, vector<256x128xi32>
    %gt3A_2541 = arith.cmpf ogt, %select_n3A_2515, %select_n3A_2535 : vector<256x128xf32>
    %eq3A_2542 = arith.cmpf oeq, %select_n3A_2515, %select_n3A_2535 : vector<256x128xf32>
    %lt3A_2543 = arith.cmpi slt, %select_n3A_2516, %select_n3A_2540 : vector<256x128xi32>
    %and3A_2544 = arith.andi %eq3A_2542, %lt3A_2543 : vector<256x128xi1>
    %or3A_2545 = arith.ori %gt3A_2541, %and3A_2544 : vector<256x128xi1>
    %xor3A_2546 = arith.xori %or3A_2545, %ne3A_2522 : vector<256x128xi1>
    %not3A_2547 = arith.constant dense<true> : vector<256x128xi1>
    %not3A_2548 = arith.xori %not3A_2530, %not3A_2547 : vector<256x128xi1>
    %xor3A_2549 = arith.xori %xor3A_2546, %not3A_2548 : vector<256x128xi1>
    %select_n3A_2550 = arith.select %xor3A_2549, %select_n3A_2515, %select_n3A_2535 : vector<256x128xi1>, vector<256x128xf32>
    %select_n3A_2551 = arith.select %xor3A_2549, %select_n3A_2516, %select_n3A_2540 : vector<256x128xi1>, vector<256x128xi32>
    %and3A_2552 = arith.constant 16 : i32
    %and3A_2553 = vector.broadcast %and3A_2552 : i32 to vector<256x128xi32>
    %and3A_2554 = arith.andi %iota3A_5, %and3A_2553 : vector<256x128xi32>
    %ne3A_2555 = arith.constant 0 : i32
    %ne3A_2556 = vector.broadcast %ne3A_2555 : i32 to vector<256x128xi32>
    %ne3A_2557 = arith.cmpi ne, %and3A_2554, %ne3A_2556 : vector<256x128xi32>
    %and3A_2558 = arith.constant 32 : i32
    %and3A_2559 = vector.broadcast %and3A_2558 : i32 to vector<256x128xi32>
    %and3A_2560 = arith.andi %iota3A_6, %and3A_2559 : vector<256x128xi32>
    %ne3A_2561 = arith.constant 0 : i32
    %ne3A_2562 = vector.broadcast %ne3A_2561 : i32 to vector<256x128xi32>
    %ne3A_2563 = arith.cmpi ne, %and3A_2560, %ne3A_2562 : vector<256x128xi32>
    %not3A_2564 = arith.constant dense<true> : vector<256x128xi1>
    %not3A_2565 = arith.xori %ne3A_2563, %not3A_2564 : vector<256x128xi1>
    %roll3A_2566 = arith.constant 16 : i32
    %roll3A_2567 = tpu.dynamic_rotate %select_n3A_2550 by %roll3A_2566 dim 1 : vector<256x128xf32>, i32 -> vector<256x128xf32>
    %roll3A_2568 = arith.constant 112 : i32
    %roll3A_2569 = tpu.dynamic_rotate %select_n3A_2550 by %roll3A_2568 dim 1 : vector<256x128xf32>, i32 -> vector<256x128xf32>
    %select_n3A_2570 = arith.select %ne3A_2557, %roll3A_2567, %roll3A_2569 : vector<256x128xi1>, vector<256x128xf32>
    %roll3A_2571 = arith.constant 16 : i32
    %roll3A_2572 = tpu.dynamic_rotate %select_n3A_2551 by %roll3A_2571 dim 1 : vector<256x128xi32>, i32 -> vector<256x128xi32>
    %roll3A_2573 = arith.constant 112 : i32
    %roll3A_2574 = tpu.dynamic_rotate %select_n3A_2551 by %roll3A_2573 dim 1 : vector<256x128xi32>, i32 -> vector<256x128xi32>
    %select_n3A_2575 = arith.select %ne3A_2557, %roll3A_2572, %roll3A_2574 : vector<256x128xi1>, vector<256x128xi32>
    %gt3A_2576 = arith.cmpf ogt, %select_n3A_2550, %select_n3A_2570 : vector<256x128xf32>
    %eq3A_2577 = arith.cmpf oeq, %select_n3A_2550, %select_n3A_2570 : vector<256x128xf32>
    %lt3A_2578 = arith.cmpi slt, %select_n3A_2551, %select_n3A_2575 : vector<256x128xi32>
    %and3A_2579 = arith.andi %eq3A_2577, %lt3A_2578 : vector<256x128xi1>
    %or3A_2580 = arith.ori %gt3A_2576, %and3A_2579 : vector<256x128xi1>
    %xor3A_2581 = arith.xori %or3A_2580, %ne3A_2557 : vector<256x128xi1>
    %not3A_2582 = arith.constant dense<true> : vector<256x128xi1>
    %not3A_2583 = arith.xori %not3A_2565, %not3A_2582 : vector<256x128xi1>
    %xor3A_2584 = arith.xori %xor3A_2581, %not3A_2583 : vector<256x128xi1>
    %select_n3A_2585 = arith.select %xor3A_2584, %select_n3A_2550, %select_n3A_2570 : vector<256x128xi1>, vector<256x128xf32>
    %select_n3A_2586 = arith.select %xor3A_2584, %select_n3A_2551, %select_n3A_2575 : vector<256x128xi1>, vector<256x128xi32>
    %and3A_2587 = arith.constant 8 : i32
    %and3A_2588 = vector.broadcast %and3A_2587 : i32 to vector<256x128xi32>
    %and3A_2589 = arith.andi %iota3A_5, %and3A_2588 : vector<256x128xi32>
    %ne3A_2590 = arith.constant 0 : i32
    %ne3A_2591 = vector.broadcast %ne3A_2590 : i32 to vector<256x128xi32>
    %ne3A_2592 = arith.cmpi ne, %and3A_2589, %ne3A_2591 : vector<256x128xi32>
    %and3A_2593 = arith.constant 32 : i32
    %and3A_2594 = vector.broadcast %and3A_2593 : i32 to vector<256x128xi32>
    %and3A_2595 = arith.andi %iota3A_6, %and3A_2594 : vector<256x128xi32>
    %ne3A_2596 = arith.constant 0 : i32
    %ne3A_2597 = vector.broadcast %ne3A_2596 : i32 to vector<256x128xi32>
    %ne3A_2598 = arith.cmpi ne, %and3A_2595, %ne3A_2597 : vector<256x128xi32>
    %not3A_2599 = arith.constant dense<true> : vector<256x128xi1>
    %not3A_2600 = arith.xori %ne3A_2598, %not3A_2599 : vector<256x128xi1>
    %roll3A_2601 = arith.constant 8 : i32
    %roll3A_2602 = tpu.dynamic_rotate %select_n3A_2585 by %roll3A_2601 dim 1 : vector<256x128xf32>, i32 -> vector<256x128xf32>
    %roll3A_2603 = arith.constant 120 : i32
    %roll3A_2604 = tpu.dynamic_rotate %select_n3A_2585 by %roll3A_2603 dim 1 : vector<256x128xf32>, i32 -> vector<256x128xf32>
    %select_n3A_2605 = arith.select %ne3A_2592, %roll3A_2602, %roll3A_2604 : vector<256x128xi1>, vector<256x128xf32>
    %roll3A_2606 = arith.constant 8 : i32
    %roll3A_2607 = tpu.dynamic_rotate %select_n3A_2586 by %roll3A_2606 dim 1 : vector<256x128xi32>, i32 -> vector<256x128xi32>
    %roll3A_2608 = arith.constant 120 : i32
    %roll3A_2609 = tpu.dynamic_rotate %select_n3A_2586 by %roll3A_2608 dim 1 : vector<256x128xi32>, i32 -> vector<256x128xi32>
    %select_n3A_2610 = arith.select %ne3A_2592, %roll3A_2607, %roll3A_2609 : vector<256x128xi1>, vector<256x128xi32>
    %gt3A_2611 = arith.cmpf ogt, %select_n3A_2585, %select_n3A_2605 : vector<256x128xf32>
    %eq3A_2612 = arith.cmpf oeq, %select_n3A_2585, %select_n3A_2605 : vector<256x128xf32>
    %lt3A_2613 = arith.cmpi slt, %select_n3A_2586, %select_n3A_2610 : vector<256x128xi32>
    %and3A_2614 = arith.andi %eq3A_2612, %lt3A_2613 : vector<256x128xi1>
    %or3A_2615 = arith.ori %gt3A_2611, %and3A_2614 : vector<256x128xi1>
    %xor3A_2616 = arith.xori %or3A_2615, %ne3A_2592 : vector<256x128xi1>
    %not3A_2617 = arith.constant dense<true> : vector<256x128xi1>
    %not3A_2618 = arith.xori %not3A_2600, %not3A_2617 : vector<256x128xi1>
    %xor3A_2619 = arith.xori %xor3A_2616, %not3A_2618 : vector<256x128xi1>
    %select_n3A_2620 = arith.select %xor3A_2619, %select_n3A_2585, %select_n3A_2605 : vector<256x128xi1>, vector<256x128xf32>
    %select_n3A_2621 = arith.select %xor3A_2619, %select_n3A_2586, %select_n3A_2610 : vector<256x128xi1>, vector<256x128xi32>
    %and3A_2622 = arith.constant 4 : i32
    %and3A_2623 = vector.broadcast %and3A_2622 : i32 to vector<256x128xi32>
    %and3A_2624 = arith.andi %iota3A_5, %and3A_2623 : vector<256x128xi32>
    %ne3A_2625 = arith.constant 0 : i32
    %ne3A_2626 = vector.broadcast %ne3A_2625 : i32 to vector<256x128xi32>
    %ne3A_2627 = arith.cmpi ne, %and3A_2624, %ne3A_2626 : vector<256x128xi32>
    %and3A_2628 = arith.constant 32 : i32
    %and3A_2629 = vector.broadcast %and3A_2628 : i32 to vector<256x128xi32>
    %and3A_2630 = arith.andi %iota3A_6, %and3A_2629 : vector<256x128xi32>
    %ne3A_2631 = arith.constant 0 : i32
    %ne3A_2632 = vector.broadcast %ne3A_2631 : i32 to vector<256x128xi32>
    %ne3A_2633 = arith.cmpi ne, %and3A_2630, %ne3A_2632 : vector<256x128xi32>
    %not3A_2634 = arith.constant dense<true> : vector<256x128xi1>
    %not3A_2635 = arith.xori %ne3A_2633, %not3A_2634 : vector<256x128xi1>
    %roll3A_2636 = arith.constant 4 : i32
    %roll3A_2637 = tpu.dynamic_rotate %select_n3A_2620 by %roll3A_2636 dim 1 : vector<256x128xf32>, i32 -> vector<256x128xf32>
    %roll3A_2638 = arith.constant 124 : i32
    %roll3A_2639 = tpu.dynamic_rotate %select_n3A_2620 by %roll3A_2638 dim 1 : vector<256x128xf32>, i32 -> vector<256x128xf32>
    %select_n3A_2640 = arith.select %ne3A_2627, %roll3A_2637, %roll3A_2639 : vector<256x128xi1>, vector<256x128xf32>
    %roll3A_2641 = arith.constant 4 : i32
    %roll3A_2642 = tpu.dynamic_rotate %select_n3A_2621 by %roll3A_2641 dim 1 : vector<256x128xi32>, i32 -> vector<256x128xi32>
    %roll3A_2643 = arith.constant 124 : i32
    %roll3A_2644 = tpu.dynamic_rotate %select_n3A_2621 by %roll3A_2643 dim 1 : vector<256x128xi32>, i32 -> vector<256x128xi32>
    %select_n3A_2645 = arith.select %ne3A_2627, %roll3A_2642, %roll3A_2644 : vector<256x128xi1>, vector<256x128xi32>
    %gt3A_2646 = arith.cmpf ogt, %select_n3A_2620, %select_n3A_2640 : vector<256x128xf32>
    %eq3A_2647 = arith.cmpf oeq, %select_n3A_2620, %select_n3A_2640 : vector<256x128xf32>
    %lt3A_2648 = arith.cmpi slt, %select_n3A_2621, %select_n3A_2645 : vector<256x128xi32>
    %and3A_2649 = arith.andi %eq3A_2647, %lt3A_2648 : vector<256x128xi1>
    %or3A_2650 = arith.ori %gt3A_2646, %and3A_2649 : vector<256x128xi1>
    %xor3A_2651 = arith.xori %or3A_2650, %ne3A_2627 : vector<256x128xi1>
    %not3A_2652 = arith.constant dense<true> : vector<256x128xi1>
    %not3A_2653 = arith.xori %not3A_2635, %not3A_2652 : vector<256x128xi1>
    %xor3A_2654 = arith.xori %xor3A_2651, %not3A_2653 : vector<256x128xi1>
    %select_n3A_2655 = arith.select %xor3A_2654, %select_n3A_2620, %select_n3A_2640 : vector<256x128xi1>, vector<256x128xf32>
    %select_n3A_2656 = arith.select %xor3A_2654, %select_n3A_2621, %select_n3A_2645 : vector<256x128xi1>, vector<256x128xi32>
    %and3A_2657 = arith.constant 2 : i32
    %and3A_2658 = vector.broadcast %and3A_2657 : i32 to vector<256x128xi32>
    %and3A_2659 = arith.andi %iota3A_5, %and3A_2658 : vector<256x128xi32>
    %ne3A_2660 = arith.constant 0 : i32
    %ne3A_2661 = vector.broadcast %ne3A_2660 : i32 to vector<256x128xi32>
    %ne3A_2662 = arith.cmpi ne, %and3A_2659, %ne3A_2661 : vector<256x128xi32>
    %and3A_2663 = arith.constant 32 : i32
    %and3A_2664 = vector.broadcast %and3A_2663 : i32 to vector<256x128xi32>
    %and3A_2665 = arith.andi %iota3A_6, %and3A_2664 : vector<256x128xi32>
    %ne3A_2666 = arith.constant 0 : i32
    %ne3A_2667 = vector.broadcast %ne3A_2666 : i32 to vector<256x128xi32>
    %ne3A_2668 = arith.cmpi ne, %and3A_2665, %ne3A_2667 : vector<256x128xi32>
    %not3A_2669 = arith.constant dense<true> : vector<256x128xi1>
    %not3A_2670 = arith.xori %ne3A_2668, %not3A_2669 : vector<256x128xi1>
    %roll3A_2671 = arith.constant 2 : i32
    %roll3A_2672 = tpu.dynamic_rotate %select_n3A_2655 by %roll3A_2671 dim 1 : vector<256x128xf32>, i32 -> vector<256x128xf32>
    %roll3A_2673 = arith.constant 126 : i32
    %roll3A_2674 = tpu.dynamic_rotate %select_n3A_2655 by %roll3A_2673 dim 1 : vector<256x128xf32>, i32 -> vector<256x128xf32>
    %select_n3A_2675 = arith.select %ne3A_2662, %roll3A_2672, %roll3A_2674 : vector<256x128xi1>, vector<256x128xf32>
    %roll3A_2676 = arith.constant 2 : i32
    %roll3A_2677 = tpu.dynamic_rotate %select_n3A_2656 by %roll3A_2676 dim 1 : vector<256x128xi32>, i32 -> vector<256x128xi32>
    %roll3A_2678 = arith.constant 126 : i32
    %roll3A_2679 = tpu.dynamic_rotate %select_n3A_2656 by %roll3A_2678 dim 1 : vector<256x128xi32>, i32 -> vector<256x128xi32>
    %select_n3A_2680 = arith.select %ne3A_2662, %roll3A_2677, %roll3A_2679 : vector<256x128xi1>, vector<256x128xi32>
    %gt3A_2681 = arith.cmpf ogt, %select_n3A_2655, %select_n3A_2675 : vector<256x128xf32>
    %eq3A_2682 = arith.cmpf oeq, %select_n3A_2655, %select_n3A_2675 : vector<256x128xf32>
    %lt3A_2683 = arith.cmpi slt, %select_n3A_2656, %select_n3A_2680 : vector<256x128xi32>
    %and3A_2684 = arith.andi %eq3A_2682, %lt3A_2683 : vector<256x128xi1>
    %or3A_2685 = arith.ori %gt3A_2681, %and3A_2684 : vector<256x128xi1>
    %xor3A_2686 = arith.xori %or3A_2685, %ne3A_2662 : vector<256x128xi1>
    %not3A_2687 = arith.constant dense<true> : vector<256x128xi1>
    %not3A_2688 = arith.xori %not3A_2670, %not3A_2687 : vector<256x128xi1>
    %xor3A_2689 = arith.xori %xor3A_2686, %not3A_2688 : vector<256x128xi1>
    %select_n3A_2690 = arith.select %xor3A_2689, %select_n3A_2655, %select_n3A_2675 : vector<256x128xi1>, vector<256x128xf32>
    %select_n3A_2691 = arith.select %xor3A_2689, %select_n3A_2656, %select_n3A_2680 : vector<256x128xi1>, vector<256x128xi32>
    %and3A_2692 = arith.constant 1 : i32
    %and3A_2693 = vector.broadcast %and3A_2692 : i32 to vector<256x128xi32>
    %and3A_2694 = arith.andi %iota3A_5, %and3A_2693 : vector<256x128xi32>
    %ne3A_2695 = arith.constant 0 : i32
    %ne3A_2696 = vector.broadcast %ne3A_2695 : i32 to vector<256x128xi32>
    %ne3A_2697 = arith.cmpi ne, %and3A_2694, %ne3A_2696 : vector<256x128xi32>
    %and3A_2698 = arith.constant 32 : i32
    %and3A_2699 = vector.broadcast %and3A_2698 : i32 to vector<256x128xi32>
    %and3A_2700 = arith.andi %iota3A_6, %and3A_2699 : vector<256x128xi32>
    %ne3A_2701 = arith.constant 0 : i32
    %ne3A_2702 = vector.broadcast %ne3A_2701 : i32 to vector<256x128xi32>
    %ne3A_2703 = arith.cmpi ne, %and3A_2700, %ne3A_2702 : vector<256x128xi32>
    %not3A_2704 = arith.constant dense<true> : vector<256x128xi1>
    %not3A_2705 = arith.xori %ne3A_2703, %not3A_2704 : vector<256x128xi1>
    %roll3A_2706 = arith.constant 1 : i32
    %roll3A_2707 = tpu.dynamic_rotate %select_n3A_2690 by %roll3A_2706 dim 1 : vector<256x128xf32>, i32 -> vector<256x128xf32>
    %roll3A_2708 = arith.constant 127 : i32
    %roll3A_2709 = tpu.dynamic_rotate %select_n3A_2690 by %roll3A_2708 dim 1 : vector<256x128xf32>, i32 -> vector<256x128xf32>
    %select_n3A_2710 = arith.select %ne3A_2697, %roll3A_2707, %roll3A_2709 : vector<256x128xi1>, vector<256x128xf32>
    %roll3A_2711 = arith.constant 1 : i32
    %roll3A_2712 = tpu.dynamic_rotate %select_n3A_2691 by %roll3A_2711 dim 1 : vector<256x128xi32>, i32 -> vector<256x128xi32>
    %roll3A_2713 = arith.constant 127 : i32
    %roll3A_2714 = tpu.dynamic_rotate %select_n3A_2691 by %roll3A_2713 dim 1 : vector<256x128xi32>, i32 -> vector<256x128xi32>
    %select_n3A_2715 = arith.select %ne3A_2697, %roll3A_2712, %roll3A_2714 : vector<256x128xi1>, vector<256x128xi32>
    %gt3A_2716 = arith.cmpf ogt, %select_n3A_2690, %select_n3A_2710 : vector<256x128xf32>
    %eq3A_2717 = arith.cmpf oeq, %select_n3A_2690, %select_n3A_2710 : vector<256x128xf32>
    %lt3A_2718 = arith.cmpi slt, %select_n3A_2691, %select_n3A_2715 : vector<256x128xi32>
    %and3A_2719 = arith.andi %eq3A_2717, %lt3A_2718 : vector<256x128xi1>
    %or3A_2720 = arith.ori %gt3A_2716, %and3A_2719 : vector<256x128xi1>
    %xor3A_2721 = arith.xori %or3A_2720, %ne3A_2697 : vector<256x128xi1>
    %not3A_2722 = arith.constant dense<true> : vector<256x128xi1>
    %not3A_2723 = arith.xori %not3A_2705, %not3A_2722 : vector<256x128xi1>
    %xor3A_2724 = arith.xori %xor3A_2721, %not3A_2723 : vector<256x128xi1>
    %select_n3A_2725 = arith.select %xor3A_2724, %select_n3A_2690, %select_n3A_2710 : vector<256x128xi1>, vector<256x128xf32>
    %select_n3A_2726 = arith.select %xor3A_2724, %select_n3A_2691, %select_n3A_2715 : vector<256x128xi1>, vector<256x128xi32>
    %and3A_2727 = arith.constant 32 : i32
    %and3A_2728 = vector.broadcast %and3A_2727 : i32 to vector<256x128xi32>
    %and3A_2729 = arith.andi %iota3A_6, %and3A_2728 : vector<256x128xi32>
    %ne3A_2730 = arith.constant 0 : i32
    %ne3A_2731 = vector.broadcast %ne3A_2730 : i32 to vector<256x128xi32>
    %ne3A_2732 = arith.cmpi ne, %and3A_2729, %ne3A_2731 : vector<256x128xi32>
    %and3A_2733 = arith.constant 64 : i32
    %and3A_2734 = vector.broadcast %and3A_2733 : i32 to vector<256x128xi32>
    %and3A_2735 = arith.andi %iota3A_6, %and3A_2734 : vector<256x128xi32>
    %ne3A_2736 = arith.constant 0 : i32
    %ne3A_2737 = vector.broadcast %ne3A_2736 : i32 to vector<256x128xi32>
    %ne3A_2738 = arith.cmpi ne, %and3A_2735, %ne3A_2737 : vector<256x128xi32>
    %not3A_2739 = arith.constant dense<true> : vector<256x128xi1>
    %not3A_2740 = arith.xori %ne3A_2738, %not3A_2739 : vector<256x128xi1>
    %roll3A_2741 = arith.constant 32 : i32
    %roll3A_2742 = tpu.dynamic_rotate %select_n3A_2725 by %roll3A_2741 dim 0 : vector<256x128xf32>, i32 -> vector<256x128xf32>
    %roll3A_2743 = arith.constant 224 : i32
    %roll3A_2744 = tpu.dynamic_rotate %select_n3A_2725 by %roll3A_2743 dim 0 : vector<256x128xf32>, i32 -> vector<256x128xf32>
    %select_n3A_2745 = arith.select %ne3A_2732, %roll3A_2742, %roll3A_2744 : vector<256x128xi1>, vector<256x128xf32>
    %roll3A_2746 = arith.constant 32 : i32
    %roll3A_2747 = tpu.dynamic_rotate %select_n3A_2726 by %roll3A_2746 dim 0 : vector<256x128xi32>, i32 -> vector<256x128xi32>
    %roll3A_2748 = arith.constant 224 : i32
    %roll3A_2749 = tpu.dynamic_rotate %select_n3A_2726 by %roll3A_2748 dim 0 : vector<256x128xi32>, i32 -> vector<256x128xi32>
    %select_n3A_2750 = arith.select %ne3A_2732, %roll3A_2747, %roll3A_2749 : vector<256x128xi1>, vector<256x128xi32>
    %gt3A_2751 = arith.cmpf ogt, %select_n3A_2725, %select_n3A_2745 : vector<256x128xf32>
    %eq3A_2752 = arith.cmpf oeq, %select_n3A_2725, %select_n3A_2745 : vector<256x128xf32>
    %lt3A_2753 = arith.cmpi slt, %select_n3A_2726, %select_n3A_2750 : vector<256x128xi32>
    %and3A_2754 = arith.andi %eq3A_2752, %lt3A_2753 : vector<256x128xi1>
    %or3A_2755 = arith.ori %gt3A_2751, %and3A_2754 : vector<256x128xi1>
    %xor3A_2756 = arith.xori %or3A_2755, %ne3A_2732 : vector<256x128xi1>
    %not3A_2757 = arith.constant dense<true> : vector<256x128xi1>
    %not3A_2758 = arith.xori %not3A_2740, %not3A_2757 : vector<256x128xi1>
    %xor3A_2759 = arith.xori %xor3A_2756, %not3A_2758 : vector<256x128xi1>
    %select_n3A_2760 = arith.select %xor3A_2759, %select_n3A_2725, %select_n3A_2745 : vector<256x128xi1>, vector<256x128xf32>
    %select_n3A_2761 = arith.select %xor3A_2759, %select_n3A_2726, %select_n3A_2750 : vector<256x128xi1>, vector<256x128xi32>
    %and3A_2762 = arith.constant 16 : i32
    %and3A_2763 = vector.broadcast %and3A_2762 : i32 to vector<256x128xi32>
    %and3A_2764 = arith.andi %iota3A_6, %and3A_2763 : vector<256x128xi32>
    %ne3A_2765 = arith.constant 0 : i32
    %ne3A_2766 = vector.broadcast %ne3A_2765 : i32 to vector<256x128xi32>
    %ne3A_2767 = arith.cmpi ne, %and3A_2764, %ne3A_2766 : vector<256x128xi32>
    %and3A_2768 = arith.constant 64 : i32
    %and3A_2769 = vector.broadcast %and3A_2768 : i32 to vector<256x128xi32>
    %and3A_2770 = arith.andi %iota3A_6, %and3A_2769 : vector<256x128xi32>
    %ne3A_2771 = arith.constant 0 : i32
    %ne3A_2772 = vector.broadcast %ne3A_2771 : i32 to vector<256x128xi32>
    %ne3A_2773 = arith.cmpi ne, %and3A_2770, %ne3A_2772 : vector<256x128xi32>
    %not3A_2774 = arith.constant dense<true> : vector<256x128xi1>
    %not3A_2775 = arith.xori %ne3A_2773, %not3A_2774 : vector<256x128xi1>
    %roll3A_2776 = arith.constant 16 : i32
    %roll3A_2777 = tpu.dynamic_rotate %select_n3A_2760 by %roll3A_2776 dim 0 : vector<256x128xf32>, i32 -> vector<256x128xf32>
    %roll3A_2778 = arith.constant 240 : i32
    %roll3A_2779 = tpu.dynamic_rotate %select_n3A_2760 by %roll3A_2778 dim 0 : vector<256x128xf32>, i32 -> vector<256x128xf32>
    %select_n3A_2780 = arith.select %ne3A_2767, %roll3A_2777, %roll3A_2779 : vector<256x128xi1>, vector<256x128xf32>
    %roll3A_2781 = arith.constant 16 : i32
    %roll3A_2782 = tpu.dynamic_rotate %select_n3A_2761 by %roll3A_2781 dim 0 : vector<256x128xi32>, i32 -> vector<256x128xi32>
    %roll3A_2783 = arith.constant 240 : i32
    %roll3A_2784 = tpu.dynamic_rotate %select_n3A_2761 by %roll3A_2783 dim 0 : vector<256x128xi32>, i32 -> vector<256x128xi32>
    %select_n3A_2785 = arith.select %ne3A_2767, %roll3A_2782, %roll3A_2784 : vector<256x128xi1>, vector<256x128xi32>
    %gt3A_2786 = arith.cmpf ogt, %select_n3A_2760, %select_n3A_2780 : vector<256x128xf32>
    %eq3A_2787 = arith.cmpf oeq, %select_n3A_2760, %select_n3A_2780 : vector<256x128xf32>
    %lt3A_2788 = arith.cmpi slt, %select_n3A_2761, %select_n3A_2785 : vector<256x128xi32>
    %and3A_2789 = arith.andi %eq3A_2787, %lt3A_2788 : vector<256x128xi1>
    %or3A_2790 = arith.ori %gt3A_2786, %and3A_2789 : vector<256x128xi1>
    %xor3A_2791 = arith.xori %or3A_2790, %ne3A_2767 : vector<256x128xi1>
    %not3A_2792 = arith.constant dense<true> : vector<256x128xi1>
    %not3A_2793 = arith.xori %not3A_2775, %not3A_2792 : vector<256x128xi1>
    %xor3A_2794 = arith.xori %xor3A_2791, %not3A_2793 : vector<256x128xi1>
    %select_n3A_2795 = arith.select %xor3A_2794, %select_n3A_2760, %select_n3A_2780 : vector<256x128xi1>, vector<256x128xf32>
    %select_n3A_2796 = arith.select %xor3A_2794, %select_n3A_2761, %select_n3A_2785 : vector<256x128xi1>, vector<256x128xi32>
    %and3A_2797 = arith.constant 8 : i32
    %and3A_2798 = vector.broadcast %and3A_2797 : i32 to vector<256x128xi32>
    %and3A_2799 = arith.andi %iota3A_6, %and3A_2798 : vector<256x128xi32>
    %ne3A_2800 = arith.constant 0 : i32
    %ne3A_2801 = vector.broadcast %ne3A_2800 : i32 to vector<256x128xi32>
    %ne3A_2802 = arith.cmpi ne, %and3A_2799, %ne3A_2801 : vector<256x128xi32>
    %and3A_2803 = arith.constant 64 : i32
    %and3A_2804 = vector.broadcast %and3A_2803 : i32 to vector<256x128xi32>
    %and3A_2805 = arith.andi %iota3A_6, %and3A_2804 : vector<256x128xi32>
    %ne3A_2806 = arith.constant 0 : i32
    %ne3A_2807 = vector.broadcast %ne3A_2806 : i32 to vector<256x128xi32>
    %ne3A_2808 = arith.cmpi ne, %and3A_2805, %ne3A_2807 : vector<256x128xi32>
    %not3A_2809 = arith.constant dense<true> : vector<256x128xi1>
    %not3A_2810 = arith.xori %ne3A_2808, %not3A_2809 : vector<256x128xi1>
    %roll3A_2811 = arith.constant 8 : i32
    %roll3A_2812 = tpu.dynamic_rotate %select_n3A_2795 by %roll3A_2811 dim 0 : vector<256x128xf32>, i32 -> vector<256x128xf32>
    %roll3A_2813 = arith.constant 248 : i32
    %roll3A_2814 = tpu.dynamic_rotate %select_n3A_2795 by %roll3A_2813 dim 0 : vector<256x128xf32>, i32 -> vector<256x128xf32>
    %select_n3A_2815 = arith.select %ne3A_2802, %roll3A_2812, %roll3A_2814 : vector<256x128xi1>, vector<256x128xf32>
    %roll3A_2816 = arith.constant 8 : i32
    %roll3A_2817 = tpu.dynamic_rotate %select_n3A_2796 by %roll3A_2816 dim 0 : vector<256x128xi32>, i32 -> vector<256x128xi32>
    %roll3A_2818 = arith.constant 248 : i32
    %roll3A_2819 = tpu.dynamic_rotate %select_n3A_2796 by %roll3A_2818 dim 0 : vector<256x128xi32>, i32 -> vector<256x128xi32>
    %select_n3A_2820 = arith.select %ne3A_2802, %roll3A_2817, %roll3A_2819 : vector<256x128xi1>, vector<256x128xi32>
    %gt3A_2821 = arith.cmpf ogt, %select_n3A_2795, %select_n3A_2815 : vector<256x128xf32>
    %eq3A_2822 = arith.cmpf oeq, %select_n3A_2795, %select_n3A_2815 : vector<256x128xf32>
    %lt3A_2823 = arith.cmpi slt, %select_n3A_2796, %select_n3A_2820 : vector<256x128xi32>
    %and3A_2824 = arith.andi %eq3A_2822, %lt3A_2823 : vector<256x128xi1>
    %or3A_2825 = arith.ori %gt3A_2821, %and3A_2824 : vector<256x128xi1>
    %xor3A_2826 = arith.xori %or3A_2825, %ne3A_2802 : vector<256x128xi1>
    %not3A_2827 = arith.constant dense<true> : vector<256x128xi1>
    %not3A_2828 = arith.xori %not3A_2810, %not3A_2827 : vector<256x128xi1>
    %xor3A_2829 = arith.xori %xor3A_2826, %not3A_2828 : vector<256x128xi1>
    %select_n3A_2830 = arith.select %xor3A_2829, %select_n3A_2795, %select_n3A_2815 : vector<256x128xi1>, vector<256x128xf32>
    %select_n3A_2831 = arith.select %xor3A_2829, %select_n3A_2796, %select_n3A_2820 : vector<256x128xi1>, vector<256x128xi32>
    %and3A_2832 = arith.constant 4 : i32
    %and3A_2833 = vector.broadcast %and3A_2832 : i32 to vector<256x128xi32>
    %and3A_2834 = arith.andi %iota3A_6, %and3A_2833 : vector<256x128xi32>
    %ne3A_2835 = arith.constant 0 : i32
    %ne3A_2836 = vector.broadcast %ne3A_2835 : i32 to vector<256x128xi32>
    %ne3A_2837 = arith.cmpi ne, %and3A_2834, %ne3A_2836 : vector<256x128xi32>
    %and3A_2838 = arith.constant 64 : i32
    %and3A_2839 = vector.broadcast %and3A_2838 : i32 to vector<256x128xi32>
    %and3A_2840 = arith.andi %iota3A_6, %and3A_2839 : vector<256x128xi32>
    %ne3A_2841 = arith.constant 0 : i32
    %ne3A_2842 = vector.broadcast %ne3A_2841 : i32 to vector<256x128xi32>
    %ne3A_2843 = arith.cmpi ne, %and3A_2840, %ne3A_2842 : vector<256x128xi32>
    %not3A_2844 = arith.constant dense<true> : vector<256x128xi1>
    %not3A_2845 = arith.xori %ne3A_2843, %not3A_2844 : vector<256x128xi1>
    %roll3A_2846 = arith.constant 4 : i32
    %roll3A_2847 = tpu.dynamic_rotate %select_n3A_2830 by %roll3A_2846 dim 0 : vector<256x128xf32>, i32 -> vector<256x128xf32>
    %roll3A_2848 = arith.constant 252 : i32
    %roll3A_2849 = tpu.dynamic_rotate %select_n3A_2830 by %roll3A_2848 dim 0 : vector<256x128xf32>, i32 -> vector<256x128xf32>
    %select_n3A_2850 = arith.select %ne3A_2837, %roll3A_2847, %roll3A_2849 : vector<256x128xi1>, vector<256x128xf32>
    %roll3A_2851 = arith.constant 4 : i32
    %roll3A_2852 = tpu.dynamic_rotate %select_n3A_2831 by %roll3A_2851 dim 0 : vector<256x128xi32>, i32 -> vector<256x128xi32>
    %roll3A_2853 = arith.constant 252 : i32
    %roll3A_2854 = tpu.dynamic_rotate %select_n3A_2831 by %roll3A_2853 dim 0 : vector<256x128xi32>, i32 -> vector<256x128xi32>
    %select_n3A_2855 = arith.select %ne3A_2837, %roll3A_2852, %roll3A_2854 : vector<256x128xi1>, vector<256x128xi32>
    %gt3A_2856 = arith.cmpf ogt, %select_n3A_2830, %select_n3A_2850 : vector<256x128xf32>
    %eq3A_2857 = arith.cmpf oeq, %select_n3A_2830, %select_n3A_2850 : vector<256x128xf32>
    %lt3A_2858 = arith.cmpi slt, %select_n3A_2831, %select_n3A_2855 : vector<256x128xi32>
    %and3A_2859 = arith.andi %eq3A_2857, %lt3A_2858 : vector<256x128xi1>
    %or3A_2860 = arith.ori %gt3A_2856, %and3A_2859 : vector<256x128xi1>
    %xor3A_2861 = arith.xori %or3A_2860, %ne3A_2837 : vector<256x128xi1>
    %not3A_2862 = arith.constant dense<true> : vector<256x128xi1>
    %not3A_2863 = arith.xori %not3A_2845, %not3A_2862 : vector<256x128xi1>
    %xor3A_2864 = arith.xori %xor3A_2861, %not3A_2863 : vector<256x128xi1>
    %select_n3A_2865 = arith.select %xor3A_2864, %select_n3A_2830, %select_n3A_2850 : vector<256x128xi1>, vector<256x128xf32>
    %select_n3A_2866 = arith.select %xor3A_2864, %select_n3A_2831, %select_n3A_2855 : vector<256x128xi1>, vector<256x128xi32>
    %and3A_2867 = arith.constant 2 : i32
    %and3A_2868 = vector.broadcast %and3A_2867 : i32 to vector<256x128xi32>
    %and3A_2869 = arith.andi %iota3A_6, %and3A_2868 : vector<256x128xi32>
    %ne3A_2870 = arith.constant 0 : i32
    %ne3A_2871 = vector.broadcast %ne3A_2870 : i32 to vector<256x128xi32>
    %ne3A_2872 = arith.cmpi ne, %and3A_2869, %ne3A_2871 : vector<256x128xi32>
    %and3A_2873 = arith.constant 64 : i32
    %and3A_2874 = vector.broadcast %and3A_2873 : i32 to vector<256x128xi32>
    %and3A_2875 = arith.andi %iota3A_6, %and3A_2874 : vector<256x128xi32>
    %ne3A_2876 = arith.constant 0 : i32
    %ne3A_2877 = vector.broadcast %ne3A_2876 : i32 to vector<256x128xi32>
    %ne3A_2878 = arith.cmpi ne, %and3A_2875, %ne3A_2877 : vector<256x128xi32>
    %not3A_2879 = arith.constant dense<true> : vector<256x128xi1>
    %not3A_2880 = arith.xori %ne3A_2878, %not3A_2879 : vector<256x128xi1>
    %roll3A_2881 = arith.constant 2 : i32
    %roll3A_2882 = tpu.dynamic_rotate %select_n3A_2865 by %roll3A_2881 dim 0 : vector<256x128xf32>, i32 -> vector<256x128xf32>
    %roll3A_2883 = arith.constant 254 : i32
    %roll3A_2884 = tpu.dynamic_rotate %select_n3A_2865 by %roll3A_2883 dim 0 : vector<256x128xf32>, i32 -> vector<256x128xf32>
    %select_n3A_2885 = arith.select %ne3A_2872, %roll3A_2882, %roll3A_2884 : vector<256x128xi1>, vector<256x128xf32>
    %roll3A_2886 = arith.constant 2 : i32
    %roll3A_2887 = tpu.dynamic_rotate %select_n3A_2866 by %roll3A_2886 dim 0 : vector<256x128xi32>, i32 -> vector<256x128xi32>
    %roll3A_2888 = arith.constant 254 : i32
    %roll3A_2889 = tpu.dynamic_rotate %select_n3A_2866 by %roll3A_2888 dim 0 : vector<256x128xi32>, i32 -> vector<256x128xi32>
    %select_n3A_2890 = arith.select %ne3A_2872, %roll3A_2887, %roll3A_2889 : vector<256x128xi1>, vector<256x128xi32>
    %gt3A_2891 = arith.cmpf ogt, %select_n3A_2865, %select_n3A_2885 : vector<256x128xf32>
    %eq3A_2892 = arith.cmpf oeq, %select_n3A_2865, %select_n3A_2885 : vector<256x128xf32>
    %lt3A_2893 = arith.cmpi slt, %select_n3A_2866, %select_n3A_2890 : vector<256x128xi32>
    %and3A_2894 = arith.andi %eq3A_2892, %lt3A_2893 : vector<256x128xi1>
    %or3A_2895 = arith.ori %gt3A_2891, %and3A_2894 : vector<256x128xi1>
    %xor3A_2896 = arith.xori %or3A_2895, %ne3A_2872 : vector<256x128xi1>
    %not3A_2897 = arith.constant dense<true> : vector<256x128xi1>
    %not3A_2898 = arith.xori %not3A_2880, %not3A_2897 : vector<256x128xi1>
    %xor3A_2899 = arith.xori %xor3A_2896, %not3A_2898 : vector<256x128xi1>
    %select_n3A_2900 = arith.select %xor3A_2899, %select_n3A_2865, %select_n3A_2885 : vector<256x128xi1>, vector<256x128xf32>
    %select_n3A_2901 = arith.select %xor3A_2899, %select_n3A_2866, %select_n3A_2890 : vector<256x128xi1>, vector<256x128xi32>
    %and3A_2902 = arith.constant 1 : i32
    %and3A_2903 = vector.broadcast %and3A_2902 : i32 to vector<256x128xi32>
    %and3A_2904 = arith.andi %iota3A_6, %and3A_2903 : vector<256x128xi32>
    %ne3A_2905 = arith.constant 0 : i32
    %ne3A_2906 = vector.broadcast %ne3A_2905 : i32 to vector<256x128xi32>
    %ne3A_2907 = arith.cmpi ne, %and3A_2904, %ne3A_2906 : vector<256x128xi32>
    %and3A_2908 = arith.constant 64 : i32
    %and3A_2909 = vector.broadcast %and3A_2908 : i32 to vector<256x128xi32>
    %and3A_2910 = arith.andi %iota3A_6, %and3A_2909 : vector<256x128xi32>
    %ne3A_2911 = arith.constant 0 : i32
    %ne3A_2912 = vector.broadcast %ne3A_2911 : i32 to vector<256x128xi32>
    %ne3A_2913 = arith.cmpi ne, %and3A_2910, %ne3A_2912 : vector<256x128xi32>
    %not3A_2914 = arith.constant dense<true> : vector<256x128xi1>
    %not3A_2915 = arith.xori %ne3A_2913, %not3A_2914 : vector<256x128xi1>
    %roll3A_2916 = arith.constant 1 : i32
    %roll3A_2917 = tpu.dynamic_rotate %select_n3A_2900 by %roll3A_2916 dim 0 : vector<256x128xf32>, i32 -> vector<256x128xf32>
    %roll3A_2918 = arith.constant 255 : i32
    %roll3A_2919 = tpu.dynamic_rotate %select_n3A_2900 by %roll3A_2918 dim 0 : vector<256x128xf32>, i32 -> vector<256x128xf32>
    %select_n3A_2920 = arith.select %ne3A_2907, %roll3A_2917, %roll3A_2919 : vector<256x128xi1>, vector<256x128xf32>
    %roll3A_2921 = arith.constant 1 : i32
    %roll3A_2922 = tpu.dynamic_rotate %select_n3A_2901 by %roll3A_2921 dim 0 : vector<256x128xi32>, i32 -> vector<256x128xi32>
    %roll3A_2923 = arith.constant 255 : i32
    %roll3A_2924 = tpu.dynamic_rotate %select_n3A_2901 by %roll3A_2923 dim 0 : vector<256x128xi32>, i32 -> vector<256x128xi32>
    %select_n3A_2925 = arith.select %ne3A_2907, %roll3A_2922, %roll3A_2924 : vector<256x128xi1>, vector<256x128xi32>
    %gt3A_2926 = arith.cmpf ogt, %select_n3A_2900, %select_n3A_2920 : vector<256x128xf32>
    %eq3A_2927 = arith.cmpf oeq, %select_n3A_2900, %select_n3A_2920 : vector<256x128xf32>
    %lt3A_2928 = arith.cmpi slt, %select_n3A_2901, %select_n3A_2925 : vector<256x128xi32>
    %and3A_2929 = arith.andi %eq3A_2927, %lt3A_2928 : vector<256x128xi1>
    %or3A_2930 = arith.ori %gt3A_2926, %and3A_2929 : vector<256x128xi1>
    %xor3A_2931 = arith.xori %or3A_2930, %ne3A_2907 : vector<256x128xi1>
    %not3A_2932 = arith.constant dense<true> : vector<256x128xi1>
    %not3A_2933 = arith.xori %not3A_2915, %not3A_2932 : vector<256x128xi1>
    %xor3A_2934 = arith.xori %xor3A_2931, %not3A_2933 : vector<256x128xi1>
    %select_n3A_2935 = arith.select %xor3A_2934, %select_n3A_2900, %select_n3A_2920 : vector<256x128xi1>, vector<256x128xf32>
    %select_n3A_2936 = arith.select %xor3A_2934, %select_n3A_2901, %select_n3A_2925 : vector<256x128xi1>, vector<256x128xi32>
    %and3A_2937 = arith.constant 64 : i32
    %and3A_2938 = vector.broadcast %and3A_2937 : i32 to vector<256x128xi32>
    %and3A_2939 = arith.andi %iota3A_5, %and3A_2938 : vector<256x128xi32>
    %ne3A_2940 = arith.constant 0 : i32
    %ne3A_2941 = vector.broadcast %ne3A_2940 : i32 to vector<256x128xi32>
    %ne3A_2942 = arith.cmpi ne, %and3A_2939, %ne3A_2941 : vector<256x128xi32>
    %and3A_2943 = arith.constant 64 : i32
    %and3A_2944 = vector.broadcast %and3A_2943 : i32 to vector<256x128xi32>
    %and3A_2945 = arith.andi %iota3A_6, %and3A_2944 : vector<256x128xi32>
    %ne3A_2946 = arith.constant 0 : i32
    %ne3A_2947 = vector.broadcast %ne3A_2946 : i32 to vector<256x128xi32>
    %ne3A_2948 = arith.cmpi ne, %and3A_2945, %ne3A_2947 : vector<256x128xi32>
    %not3A_2949 = arith.constant dense<true> : vector<256x128xi1>
    %not3A_2950 = arith.xori %ne3A_2948, %not3A_2949 : vector<256x128xi1>
    %roll3A_2951 = arith.constant 64 : i32
    %roll3A_2952 = tpu.dynamic_rotate %select_n3A_2935 by %roll3A_2951 dim 1 : vector<256x128xf32>, i32 -> vector<256x128xf32>
    %roll3A_2953 = arith.constant 64 : i32
    %roll3A_2954 = tpu.dynamic_rotate %select_n3A_2935 by %roll3A_2953 dim 1 : vector<256x128xf32>, i32 -> vector<256x128xf32>
    %select_n3A_2955 = arith.select %ne3A_2942, %roll3A_2952, %roll3A_2954 : vector<256x128xi1>, vector<256x128xf32>
    %roll3A_2956 = arith.constant 64 : i32
    %roll3A_2957 = tpu.dynamic_rotate %select_n3A_2936 by %roll3A_2956 dim 1 : vector<256x128xi32>, i32 -> vector<256x128xi32>
    %roll3A_2958 = arith.constant 64 : i32
    %roll3A_2959 = tpu.dynamic_rotate %select_n3A_2936 by %roll3A_2958 dim 1 : vector<256x128xi32>, i32 -> vector<256x128xi32>
    %select_n3A_2960 = arith.select %ne3A_2942, %roll3A_2957, %roll3A_2959 : vector<256x128xi1>, vector<256x128xi32>
    %gt3A_2961 = arith.cmpf ogt, %select_n3A_2935, %select_n3A_2955 : vector<256x128xf32>
    %eq3A_2962 = arith.cmpf oeq, %select_n3A_2935, %select_n3A_2955 : vector<256x128xf32>
    %lt3A_2963 = arith.cmpi slt, %select_n3A_2936, %select_n3A_2960 : vector<256x128xi32>
    %and3A_2964 = arith.andi %eq3A_2962, %lt3A_2963 : vector<256x128xi1>
    %or3A_2965 = arith.ori %gt3A_2961, %and3A_2964 : vector<256x128xi1>
    %xor3A_2966 = arith.xori %or3A_2965, %ne3A_2942 : vector<256x128xi1>
    %not3A_2967 = arith.constant dense<true> : vector<256x128xi1>
    %not3A_2968 = arith.xori %not3A_2950, %not3A_2967 : vector<256x128xi1>
    %xor3A_2969 = arith.xori %xor3A_2966, %not3A_2968 : vector<256x128xi1>
    %select_n3A_2970 = arith.select %xor3A_2969, %select_n3A_2935, %select_n3A_2955 : vector<256x128xi1>, vector<256x128xf32>
    %select_n3A_2971 = arith.select %xor3A_2969, %select_n3A_2936, %select_n3A_2960 : vector<256x128xi1>, vector<256x128xi32>
    %and3A_2972 = arith.constant 32 : i32
    %and3A_2973 = vector.broadcast %and3A_2972 : i32 to vector<256x128xi32>
    %and3A_2974 = arith.andi %iota3A_5, %and3A_2973 : vector<256x128xi32>
    %ne3A_2975 = arith.constant 0 : i32
    %ne3A_2976 = vector.broadcast %ne3A_2975 : i32 to vector<256x128xi32>
    %ne3A_2977 = arith.cmpi ne, %and3A_2974, %ne3A_2976 : vector<256x128xi32>
    %and3A_2978 = arith.constant 64 : i32
    %and3A_2979 = vector.broadcast %and3A_2978 : i32 to vector<256x128xi32>
    %and3A_2980 = arith.andi %iota3A_6, %and3A_2979 : vector<256x128xi32>
    %ne3A_2981 = arith.constant 0 : i32
    %ne3A_2982 = vector.broadcast %ne3A_2981 : i32 to vector<256x128xi32>
    %ne3A_2983 = arith.cmpi ne, %and3A_2980, %ne3A_2982 : vector<256x128xi32>
    %not3A_2984 = arith.constant dense<true> : vector<256x128xi1>
    %not3A_2985 = arith.xori %ne3A_2983, %not3A_2984 : vector<256x128xi1>
    %roll3A_2986 = arith.constant 32 : i32
    %roll3A_2987 = tpu.dynamic_rotate %select_n3A_2970 by %roll3A_2986 dim 1 : vector<256x128xf32>, i32 -> vector<256x128xf32>
    %roll3A_2988 = arith.constant 96 : i32
    %roll3A_2989 = tpu.dynamic_rotate %select_n3A_2970 by %roll3A_2988 dim 1 : vector<256x128xf32>, i32 -> vector<256x128xf32>
    %select_n3A_2990 = arith.select %ne3A_2977, %roll3A_2987, %roll3A_2989 : vector<256x128xi1>, vector<256x128xf32>
    %roll3A_2991 = arith.constant 32 : i32
    %roll3A_2992 = tpu.dynamic_rotate %select_n3A_2971 by %roll3A_2991 dim 1 : vector<256x128xi32>, i32 -> vector<256x128xi32>
    %roll3A_2993 = arith.constant 96 : i32
    %roll3A_2994 = tpu.dynamic_rotate %select_n3A_2971 by %roll3A_2993 dim 1 : vector<256x128xi32>, i32 -> vector<256x128xi32>
    %select_n3A_2995 = arith.select %ne3A_2977, %roll3A_2992, %roll3A_2994 : vector<256x128xi1>, vector<256x128xi32>
    %gt3A_2996 = arith.cmpf ogt, %select_n3A_2970, %select_n3A_2990 : vector<256x128xf32>
    %eq3A_2997 = arith.cmpf oeq, %select_n3A_2970, %select_n3A_2990 : vector<256x128xf32>
    %lt3A_2998 = arith.cmpi slt, %select_n3A_2971, %select_n3A_2995 : vector<256x128xi32>
    %and3A_2999 = arith.andi %eq3A_2997, %lt3A_2998 : vector<256x128xi1>
    %or3A_3000 = arith.ori %gt3A_2996, %and3A_2999 : vector<256x128xi1>
    %xor3A_3001 = arith.xori %or3A_3000, %ne3A_2977 : vector<256x128xi1>
    %not3A_3002 = arith.constant dense<true> : vector<256x128xi1>
    %not3A_3003 = arith.xori %not3A_2985, %not3A_3002 : vector<256x128xi1>
    %xor3A_3004 = arith.xori %xor3A_3001, %not3A_3003 : vector<256x128xi1>
    %select_n3A_3005 = arith.select %xor3A_3004, %select_n3A_2970, %select_n3A_2990 : vector<256x128xi1>, vector<256x128xf32>
    %select_n3A_3006 = arith.select %xor3A_3004, %select_n3A_2971, %select_n3A_2995 : vector<256x128xi1>, vector<256x128xi32>
    %and3A_3007 = arith.constant 16 : i32
    %and3A_3008 = vector.broadcast %and3A_3007 : i32 to vector<256x128xi32>
    %and3A_3009 = arith.andi %iota3A_5, %and3A_3008 : vector<256x128xi32>
    %ne3A_3010 = arith.constant 0 : i32
    %ne3A_3011 = vector.broadcast %ne3A_3010 : i32 to vector<256x128xi32>
    %ne3A_3012 = arith.cmpi ne, %and3A_3009, %ne3A_3011 : vector<256x128xi32>
    %and3A_3013 = arith.constant 64 : i32
    %and3A_3014 = vector.broadcast %and3A_3013 : i32 to vector<256x128xi32>
    %and3A_3015 = arith.andi %iota3A_6, %and3A_3014 : vector<256x128xi32>
    %ne3A_3016 = arith.constant 0 : i32
    %ne3A_3017 = vector.broadcast %ne3A_3016 : i32 to vector<256x128xi32>
    %ne3A_3018 = arith.cmpi ne, %and3A_3015, %ne3A_3017 : vector<256x128xi32>
    %not3A_3019 = arith.constant dense<true> : vector<256x128xi1>
    %not3A_3020 = arith.xori %ne3A_3018, %not3A_3019 : vector<256x128xi1>
    %roll3A_3021 = arith.constant 16 : i32
    %roll3A_3022 = tpu.dynamic_rotate %select_n3A_3005 by %roll3A_3021 dim 1 : vector<256x128xf32>, i32 -> vector<256x128xf32>
    %roll3A_3023 = arith.constant 112 : i32
    %roll3A_3024 = tpu.dynamic_rotate %select_n3A_3005 by %roll3A_3023 dim 1 : vector<256x128xf32>, i32 -> vector<256x128xf32>
    %select_n3A_3025 = arith.select %ne3A_3012, %roll3A_3022, %roll3A_3024 : vector<256x128xi1>, vector<256x128xf32>
    %roll3A_3026 = arith.constant 16 : i32
    %roll3A_3027 = tpu.dynamic_rotate %select_n3A_3006 by %roll3A_3026 dim 1 : vector<256x128xi32>, i32 -> vector<256x128xi32>
    %roll3A_3028 = arith.constant 112 : i32
    %roll3A_3029 = tpu.dynamic_rotate %select_n3A_3006 by %roll3A_3028 dim 1 : vector<256x128xi32>, i32 -> vector<256x128xi32>
    %select_n3A_3030 = arith.select %ne3A_3012, %roll3A_3027, %roll3A_3029 : vector<256x128xi1>, vector<256x128xi32>
    %gt3A_3031 = arith.cmpf ogt, %select_n3A_3005, %select_n3A_3025 : vector<256x128xf32>
    %eq3A_3032 = arith.cmpf oeq, %select_n3A_3005, %select_n3A_3025 : vector<256x128xf32>
    %lt3A_3033 = arith.cmpi slt, %select_n3A_3006, %select_n3A_3030 : vector<256x128xi32>
    %and3A_3034 = arith.andi %eq3A_3032, %lt3A_3033 : vector<256x128xi1>
    %or3A_3035 = arith.ori %gt3A_3031, %and3A_3034 : vector<256x128xi1>
    %xor3A_3036 = arith.xori %or3A_3035, %ne3A_3012 : vector<256x128xi1>
    %not3A_3037 = arith.constant dense<true> : vector<256x128xi1>
    %not3A_3038 = arith.xori %not3A_3020, %not3A_3037 : vector<256x128xi1>
    %xor3A_3039 = arith.xori %xor3A_3036, %not3A_3038 : vector<256x128xi1>
    %select_n3A_3040 = arith.select %xor3A_3039, %select_n3A_3005, %select_n3A_3025 : vector<256x128xi1>, vector<256x128xf32>
    %select_n3A_3041 = arith.select %xor3A_3039, %select_n3A_3006, %select_n3A_3030 : vector<256x128xi1>, vector<256x128xi32>
    %and3A_3042 = arith.constant 8 : i32
    %and3A_3043 = vector.broadcast %and3A_3042 : i32 to vector<256x128xi32>
    %and3A_3044 = arith.andi %iota3A_5, %and3A_3043 : vector<256x128xi32>
    %ne3A_3045 = arith.constant 0 : i32
    %ne3A_3046 = vector.broadcast %ne3A_3045 : i32 to vector<256x128xi32>
    %ne3A_3047 = arith.cmpi ne, %and3A_3044, %ne3A_3046 : vector<256x128xi32>
    %and3A_3048 = arith.constant 64 : i32
    %and3A_3049 = vector.broadcast %and3A_3048 : i32 to vector<256x128xi32>
    %and3A_3050 = arith.andi %iota3A_6, %and3A_3049 : vector<256x128xi32>
    %ne3A_3051 = arith.constant 0 : i32
    %ne3A_3052 = vector.broadcast %ne3A_3051 : i32 to vector<256x128xi32>
    %ne3A_3053 = arith.cmpi ne, %and3A_3050, %ne3A_3052 : vector<256x128xi32>
    %not3A_3054 = arith.constant dense<true> : vector<256x128xi1>
    %not3A_3055 = arith.xori %ne3A_3053, %not3A_3054 : vector<256x128xi1>
    %roll3A_3056 = arith.constant 8 : i32
    %roll3A_3057 = tpu.dynamic_rotate %select_n3A_3040 by %roll3A_3056 dim 1 : vector<256x128xf32>, i32 -> vector<256x128xf32>
    %roll3A_3058 = arith.constant 120 : i32
    %roll3A_3059 = tpu.dynamic_rotate %select_n3A_3040 by %roll3A_3058 dim 1 : vector<256x128xf32>, i32 -> vector<256x128xf32>
    %select_n3A_3060 = arith.select %ne3A_3047, %roll3A_3057, %roll3A_3059 : vector<256x128xi1>, vector<256x128xf32>
    %roll3A_3061 = arith.constant 8 : i32
    %roll3A_3062 = tpu.dynamic_rotate %select_n3A_3041 by %roll3A_3061 dim 1 : vector<256x128xi32>, i32 -> vector<256x128xi32>
    %roll3A_3063 = arith.constant 120 : i32
    %roll3A_3064 = tpu.dynamic_rotate %select_n3A_3041 by %roll3A_3063 dim 1 : vector<256x128xi32>, i32 -> vector<256x128xi32>
    %select_n3A_3065 = arith.select %ne3A_3047, %roll3A_3062, %roll3A_3064 : vector<256x128xi1>, vector<256x128xi32>
    %gt3A_3066 = arith.cmpf ogt, %select_n3A_3040, %select_n3A_3060 : vector<256x128xf32>
    %eq3A_3067 = arith.cmpf oeq, %select_n3A_3040, %select_n3A_3060 : vector<256x128xf32>
    %lt3A_3068 = arith.cmpi slt, %select_n3A_3041, %select_n3A_3065 : vector<256x128xi32>
    %and3A_3069 = arith.andi %eq3A_3067, %lt3A_3068 : vector<256x128xi1>
    %or3A_3070 = arith.ori %gt3A_3066, %and3A_3069 : vector<256x128xi1>
    %xor3A_3071 = arith.xori %or3A_3070, %ne3A_3047 : vector<256x128xi1>
    %not3A_3072 = arith.constant dense<true> : vector<256x128xi1>
    %not3A_3073 = arith.xori %not3A_3055, %not3A_3072 : vector<256x128xi1>
    %xor3A_3074 = arith.xori %xor3A_3071, %not3A_3073 : vector<256x128xi1>
    %select_n3A_3075 = arith.select %xor3A_3074, %select_n3A_3040, %select_n3A_3060 : vector<256x128xi1>, vector<256x128xf32>
    %select_n3A_3076 = arith.select %xor3A_3074, %select_n3A_3041, %select_n3A_3065 : vector<256x128xi1>, vector<256x128xi32>
    %and3A_3077 = arith.constant 4 : i32
    %and3A_3078 = vector.broadcast %and3A_3077 : i32 to vector<256x128xi32>
    %and3A_3079 = arith.andi %iota3A_5, %and3A_3078 : vector<256x128xi32>
    %ne3A_3080 = arith.constant 0 : i32
    %ne3A_3081 = vector.broadcast %ne3A_3080 : i32 to vector<256x128xi32>
    %ne3A_3082 = arith.cmpi ne, %and3A_3079, %ne3A_3081 : vector<256x128xi32>
    %and3A_3083 = arith.constant 64 : i32
    %and3A_3084 = vector.broadcast %and3A_3083 : i32 to vector<256x128xi32>
    %and3A_3085 = arith.andi %iota3A_6, %and3A_3084 : vector<256x128xi32>
    %ne3A_3086 = arith.constant 0 : i32
    %ne3A_3087 = vector.broadcast %ne3A_3086 : i32 to vector<256x128xi32>
    %ne3A_3088 = arith.cmpi ne, %and3A_3085, %ne3A_3087 : vector<256x128xi32>
    %not3A_3089 = arith.constant dense<true> : vector<256x128xi1>
    %not3A_3090 = arith.xori %ne3A_3088, %not3A_3089 : vector<256x128xi1>
    %roll3A_3091 = arith.constant 4 : i32
    %roll3A_3092 = tpu.dynamic_rotate %select_n3A_3075 by %roll3A_3091 dim 1 : vector<256x128xf32>, i32 -> vector<256x128xf32>
    %roll3A_3093 = arith.constant 124 : i32
    %roll3A_3094 = tpu.dynamic_rotate %select_n3A_3075 by %roll3A_3093 dim 1 : vector<256x128xf32>, i32 -> vector<256x128xf32>
    %select_n3A_3095 = arith.select %ne3A_3082, %roll3A_3092, %roll3A_3094 : vector<256x128xi1>, vector<256x128xf32>
    %roll3A_3096 = arith.constant 4 : i32
    %roll3A_3097 = tpu.dynamic_rotate %select_n3A_3076 by %roll3A_3096 dim 1 : vector<256x128xi32>, i32 -> vector<256x128xi32>
    %roll3A_3098 = arith.constant 124 : i32
    %roll3A_3099 = tpu.dynamic_rotate %select_n3A_3076 by %roll3A_3098 dim 1 : vector<256x128xi32>, i32 -> vector<256x128xi32>
    %select_n3A_3100 = arith.select %ne3A_3082, %roll3A_3097, %roll3A_3099 : vector<256x128xi1>, vector<256x128xi32>
    %gt3A_3101 = arith.cmpf ogt, %select_n3A_3075, %select_n3A_3095 : vector<256x128xf32>
    %eq3A_3102 = arith.cmpf oeq, %select_n3A_3075, %select_n3A_3095 : vector<256x128xf32>
    %lt3A_3103 = arith.cmpi slt, %select_n3A_3076, %select_n3A_3100 : vector<256x128xi32>
    %and3A_3104 = arith.andi %eq3A_3102, %lt3A_3103 : vector<256x128xi1>
    %or3A_3105 = arith.ori %gt3A_3101, %and3A_3104 : vector<256x128xi1>
    %xor3A_3106 = arith.xori %or3A_3105, %ne3A_3082 : vector<256x128xi1>
    %not3A_3107 = arith.constant dense<true> : vector<256x128xi1>
    %not3A_3108 = arith.xori %not3A_3090, %not3A_3107 : vector<256x128xi1>
    %xor3A_3109 = arith.xori %xor3A_3106, %not3A_3108 : vector<256x128xi1>
    %select_n3A_3110 = arith.select %xor3A_3109, %select_n3A_3075, %select_n3A_3095 : vector<256x128xi1>, vector<256x128xf32>
    %select_n3A_3111 = arith.select %xor3A_3109, %select_n3A_3076, %select_n3A_3100 : vector<256x128xi1>, vector<256x128xi32>
    %and3A_3112 = arith.constant 2 : i32
    %and3A_3113 = vector.broadcast %and3A_3112 : i32 to vector<256x128xi32>
    %and3A_3114 = arith.andi %iota3A_5, %and3A_3113 : vector<256x128xi32>
    %ne3A_3115 = arith.constant 0 : i32
    %ne3A_3116 = vector.broadcast %ne3A_3115 : i32 to vector<256x128xi32>
    %ne3A_3117 = arith.cmpi ne, %and3A_3114, %ne3A_3116 : vector<256x128xi32>
    %and3A_3118 = arith.constant 64 : i32
    %and3A_3119 = vector.broadcast %and3A_3118 : i32 to vector<256x128xi32>
    %and3A_3120 = arith.andi %iota3A_6, %and3A_3119 : vector<256x128xi32>
    %ne3A_3121 = arith.constant 0 : i32
    %ne3A_3122 = vector.broadcast %ne3A_3121 : i32 to vector<256x128xi32>
    %ne3A_3123 = arith.cmpi ne, %and3A_3120, %ne3A_3122 : vector<256x128xi32>
    %not3A_3124 = arith.constant dense<true> : vector<256x128xi1>
    %not3A_3125 = arith.xori %ne3A_3123, %not3A_3124 : vector<256x128xi1>
    %roll3A_3126 = arith.constant 2 : i32
    %roll3A_3127 = tpu.dynamic_rotate %select_n3A_3110 by %roll3A_3126 dim 1 : vector<256x128xf32>, i32 -> vector<256x128xf32>
    %roll3A_3128 = arith.constant 126 : i32
    %roll3A_3129 = tpu.dynamic_rotate %select_n3A_3110 by %roll3A_3128 dim 1 : vector<256x128xf32>, i32 -> vector<256x128xf32>
    %select_n3A_3130 = arith.select %ne3A_3117, %roll3A_3127, %roll3A_3129 : vector<256x128xi1>, vector<256x128xf32>
    %roll3A_3131 = arith.constant 2 : i32
    %roll3A_3132 = tpu.dynamic_rotate %select_n3A_3111 by %roll3A_3131 dim 1 : vector<256x128xi32>, i32 -> vector<256x128xi32>
    %roll3A_3133 = arith.constant 126 : i32
    %roll3A_3134 = tpu.dynamic_rotate %select_n3A_3111 by %roll3A_3133 dim 1 : vector<256x128xi32>, i32 -> vector<256x128xi32>
    %select_n3A_3135 = arith.select %ne3A_3117, %roll3A_3132, %roll3A_3134 : vector<256x128xi1>, vector<256x128xi32>
    %gt3A_3136 = arith.cmpf ogt, %select_n3A_3110, %select_n3A_3130 : vector<256x128xf32>
    %eq3A_3137 = arith.cmpf oeq, %select_n3A_3110, %select_n3A_3130 : vector<256x128xf32>
    %lt3A_3138 = arith.cmpi slt, %select_n3A_3111, %select_n3A_3135 : vector<256x128xi32>
    %and3A_3139 = arith.andi %eq3A_3137, %lt3A_3138 : vector<256x128xi1>
    %or3A_3140 = arith.ori %gt3A_3136, %and3A_3139 : vector<256x128xi1>
    %xor3A_3141 = arith.xori %or3A_3140, %ne3A_3117 : vector<256x128xi1>
    %not3A_3142 = arith.constant dense<true> : vector<256x128xi1>
    %not3A_3143 = arith.xori %not3A_3125, %not3A_3142 : vector<256x128xi1>
    %xor3A_3144 = arith.xori %xor3A_3141, %not3A_3143 : vector<256x128xi1>
    %select_n3A_3145 = arith.select %xor3A_3144, %select_n3A_3110, %select_n3A_3130 : vector<256x128xi1>, vector<256x128xf32>
    %select_n3A_3146 = arith.select %xor3A_3144, %select_n3A_3111, %select_n3A_3135 : vector<256x128xi1>, vector<256x128xi32>
    %and3A_3147 = arith.constant 1 : i32
    %and3A_3148 = vector.broadcast %and3A_3147 : i32 to vector<256x128xi32>
    %and3A_3149 = arith.andi %iota3A_5, %and3A_3148 : vector<256x128xi32>
    %ne3A_3150 = arith.constant 0 : i32
    %ne3A_3151 = vector.broadcast %ne3A_3150 : i32 to vector<256x128xi32>
    %ne3A_3152 = arith.cmpi ne, %and3A_3149, %ne3A_3151 : vector<256x128xi32>
    %and3A_3153 = arith.constant 64 : i32
    %and3A_3154 = vector.broadcast %and3A_3153 : i32 to vector<256x128xi32>
    %and3A_3155 = arith.andi %iota3A_6, %and3A_3154 : vector<256x128xi32>
    %ne3A_3156 = arith.constant 0 : i32
    %ne3A_3157 = vector.broadcast %ne3A_3156 : i32 to vector<256x128xi32>
    %ne3A_3158 = arith.cmpi ne, %and3A_3155, %ne3A_3157 : vector<256x128xi32>
    %not3A_3159 = arith.constant dense<true> : vector<256x128xi1>
    %not3A_3160 = arith.xori %ne3A_3158, %not3A_3159 : vector<256x128xi1>
    %roll3A_3161 = arith.constant 1 : i32
    %roll3A_3162 = tpu.dynamic_rotate %select_n3A_3145 by %roll3A_3161 dim 1 : vector<256x128xf32>, i32 -> vector<256x128xf32>
    %roll3A_3163 = arith.constant 127 : i32
    %roll3A_3164 = tpu.dynamic_rotate %select_n3A_3145 by %roll3A_3163 dim 1 : vector<256x128xf32>, i32 -> vector<256x128xf32>
    %select_n3A_3165 = arith.select %ne3A_3152, %roll3A_3162, %roll3A_3164 : vector<256x128xi1>, vector<256x128xf32>
    %roll3A_3166 = arith.constant 1 : i32
    %roll3A_3167 = tpu.dynamic_rotate %select_n3A_3146 by %roll3A_3166 dim 1 : vector<256x128xi32>, i32 -> vector<256x128xi32>
    %roll3A_3168 = arith.constant 127 : i32
    %roll3A_3169 = tpu.dynamic_rotate %select_n3A_3146 by %roll3A_3168 dim 1 : vector<256x128xi32>, i32 -> vector<256x128xi32>
    %select_n3A_3170 = arith.select %ne3A_3152, %roll3A_3167, %roll3A_3169 : vector<256x128xi1>, vector<256x128xi32>
    %gt3A_3171 = arith.cmpf ogt, %select_n3A_3145, %select_n3A_3165 : vector<256x128xf32>
    %eq3A_3172 = arith.cmpf oeq, %select_n3A_3145, %select_n3A_3165 : vector<256x128xf32>
    %lt3A_3173 = arith.cmpi slt, %select_n3A_3146, %select_n3A_3170 : vector<256x128xi32>
    %and3A_3174 = arith.andi %eq3A_3172, %lt3A_3173 : vector<256x128xi1>
    %or3A_3175 = arith.ori %gt3A_3171, %and3A_3174 : vector<256x128xi1>
    %xor3A_3176 = arith.xori %or3A_3175, %ne3A_3152 : vector<256x128xi1>
    %not3A_3177 = arith.constant dense<true> : vector<256x128xi1>
    %not3A_3178 = arith.xori %not3A_3160, %not3A_3177 : vector<256x128xi1>
    %xor3A_3179 = arith.xori %xor3A_3176, %not3A_3178 : vector<256x128xi1>
    %select_n3A_3180 = arith.select %xor3A_3179, %select_n3A_3145, %select_n3A_3165 : vector<256x128xi1>, vector<256x128xf32>
    %select_n3A_3181 = arith.select %xor3A_3179, %select_n3A_3146, %select_n3A_3170 : vector<256x128xi1>, vector<256x128xi32>
    %and3A_3182 = arith.constant 64 : i32
    %and3A_3183 = vector.broadcast %and3A_3182 : i32 to vector<256x128xi32>
    %and3A_3184 = arith.andi %iota3A_6, %and3A_3183 : vector<256x128xi32>
    %ne3A_3185 = arith.constant 0 : i32
    %ne3A_3186 = vector.broadcast %ne3A_3185 : i32 to vector<256x128xi32>
    %ne3A_3187 = arith.cmpi ne, %and3A_3184, %ne3A_3186 : vector<256x128xi32>
    %and3A_3188 = arith.constant 128 : i32
    %and3A_3189 = vector.broadcast %and3A_3188 : i32 to vector<256x128xi32>
    %and3A_3190 = arith.andi %iota3A_6, %and3A_3189 : vector<256x128xi32>
    %ne3A_3191 = arith.constant 0 : i32
    %ne3A_3192 = vector.broadcast %ne3A_3191 : i32 to vector<256x128xi32>
    %ne3A_3193 = arith.cmpi ne, %and3A_3190, %ne3A_3192 : vector<256x128xi32>
    %not3A_3194 = arith.constant dense<true> : vector<256x128xi1>
    %not3A_3195 = arith.xori %ne3A_3193, %not3A_3194 : vector<256x128xi1>
    %roll3A_3196 = arith.constant 64 : i32
    %roll3A_3197 = tpu.dynamic_rotate %select_n3A_3180 by %roll3A_3196 dim 0 : vector<256x128xf32>, i32 -> vector<256x128xf32>
    %roll3A_3198 = arith.constant 192 : i32
    %roll3A_3199 = tpu.dynamic_rotate %select_n3A_3180 by %roll3A_3198 dim 0 : vector<256x128xf32>, i32 -> vector<256x128xf32>
    %select_n3A_3200 = arith.select %ne3A_3187, %roll3A_3197, %roll3A_3199 : vector<256x128xi1>, vector<256x128xf32>
    %roll3A_3201 = arith.constant 64 : i32
    %roll3A_3202 = tpu.dynamic_rotate %select_n3A_3181 by %roll3A_3201 dim 0 : vector<256x128xi32>, i32 -> vector<256x128xi32>
    %roll3A_3203 = arith.constant 192 : i32
    %roll3A_3204 = tpu.dynamic_rotate %select_n3A_3181 by %roll3A_3203 dim 0 : vector<256x128xi32>, i32 -> vector<256x128xi32>
    %select_n3A_3205 = arith.select %ne3A_3187, %roll3A_3202, %roll3A_3204 : vector<256x128xi1>, vector<256x128xi32>
    %gt3A_3206 = arith.cmpf ogt, %select_n3A_3180, %select_n3A_3200 : vector<256x128xf32>
    %eq3A_3207 = arith.cmpf oeq, %select_n3A_3180, %select_n3A_3200 : vector<256x128xf32>
    %lt3A_3208 = arith.cmpi slt, %select_n3A_3181, %select_n3A_3205 : vector<256x128xi32>
    %and3A_3209 = arith.andi %eq3A_3207, %lt3A_3208 : vector<256x128xi1>
    %or3A_3210 = arith.ori %gt3A_3206, %and3A_3209 : vector<256x128xi1>
    %xor3A_3211 = arith.xori %or3A_3210, %ne3A_3187 : vector<256x128xi1>
    %not3A_3212 = arith.constant dense<true> : vector<256x128xi1>
    %not3A_3213 = arith.xori %not3A_3195, %not3A_3212 : vector<256x128xi1>
    %xor3A_3214 = arith.xori %xor3A_3211, %not3A_3213 : vector<256x128xi1>
    %select_n3A_3215 = arith.select %xor3A_3214, %select_n3A_3180, %select_n3A_3200 : vector<256x128xi1>, vector<256x128xf32>
    %select_n3A_3216 = arith.select %xor3A_3214, %select_n3A_3181, %select_n3A_3205 : vector<256x128xi1>, vector<256x128xi32>
    %and3A_3217 = arith.constant 32 : i32
    %and3A_3218 = vector.broadcast %and3A_3217 : i32 to vector<256x128xi32>
    %and3A_3219 = arith.andi %iota3A_6, %and3A_3218 : vector<256x128xi32>
    %ne3A_3220 = arith.constant 0 : i32
    %ne3A_3221 = vector.broadcast %ne3A_3220 : i32 to vector<256x128xi32>
    %ne3A_3222 = arith.cmpi ne, %and3A_3219, %ne3A_3221 : vector<256x128xi32>
    %and3A_3223 = arith.constant 128 : i32
    %and3A_3224 = vector.broadcast %and3A_3223 : i32 to vector<256x128xi32>
    %and3A_3225 = arith.andi %iota3A_6, %and3A_3224 : vector<256x128xi32>
    %ne3A_3226 = arith.constant 0 : i32
    %ne3A_3227 = vector.broadcast %ne3A_3226 : i32 to vector<256x128xi32>
    %ne3A_3228 = arith.cmpi ne, %and3A_3225, %ne3A_3227 : vector<256x128xi32>
    %not3A_3229 = arith.constant dense<true> : vector<256x128xi1>
    %not3A_3230 = arith.xori %ne3A_3228, %not3A_3229 : vector<256x128xi1>
    %roll3A_3231 = arith.constant 32 : i32
    %roll3A_3232 = tpu.dynamic_rotate %select_n3A_3215 by %roll3A_3231 dim 0 : vector<256x128xf32>, i32 -> vector<256x128xf32>
    %roll3A_3233 = arith.constant 224 : i32
    %roll3A_3234 = tpu.dynamic_rotate %select_n3A_3215 by %roll3A_3233 dim 0 : vector<256x128xf32>, i32 -> vector<256x128xf32>
    %select_n3A_3235 = arith.select %ne3A_3222, %roll3A_3232, %roll3A_3234 : vector<256x128xi1>, vector<256x128xf32>
    %roll3A_3236 = arith.constant 32 : i32
    %roll3A_3237 = tpu.dynamic_rotate %select_n3A_3216 by %roll3A_3236 dim 0 : vector<256x128xi32>, i32 -> vector<256x128xi32>
    %roll3A_3238 = arith.constant 224 : i32
    %roll3A_3239 = tpu.dynamic_rotate %select_n3A_3216 by %roll3A_3238 dim 0 : vector<256x128xi32>, i32 -> vector<256x128xi32>
    %select_n3A_3240 = arith.select %ne3A_3222, %roll3A_3237, %roll3A_3239 : vector<256x128xi1>, vector<256x128xi32>
    %gt3A_3241 = arith.cmpf ogt, %select_n3A_3215, %select_n3A_3235 : vector<256x128xf32>
    %eq3A_3242 = arith.cmpf oeq, %select_n3A_3215, %select_n3A_3235 : vector<256x128xf32>
    %lt3A_3243 = arith.cmpi slt, %select_n3A_3216, %select_n3A_3240 : vector<256x128xi32>
    %and3A_3244 = arith.andi %eq3A_3242, %lt3A_3243 : vector<256x128xi1>
    %or3A_3245 = arith.ori %gt3A_3241, %and3A_3244 : vector<256x128xi1>
    %xor3A_3246 = arith.xori %or3A_3245, %ne3A_3222 : vector<256x128xi1>
    %not3A_3247 = arith.constant dense<true> : vector<256x128xi1>
    %not3A_3248 = arith.xori %not3A_3230, %not3A_3247 : vector<256x128xi1>
    %xor3A_3249 = arith.xori %xor3A_3246, %not3A_3248 : vector<256x128xi1>
    %select_n3A_3250 = arith.select %xor3A_3249, %select_n3A_3215, %select_n3A_3235 : vector<256x128xi1>, vector<256x128xf32>
    %select_n3A_3251 = arith.select %xor3A_3249, %select_n3A_3216, %select_n3A_3240 : vector<256x128xi1>, vector<256x128xi32>
    %and3A_3252 = arith.constant 16 : i32
    %and3A_3253 = vector.broadcast %and3A_3252 : i32 to vector<256x128xi32>
    %and3A_3254 = arith.andi %iota3A_6, %and3A_3253 : vector<256x128xi32>
    %ne3A_3255 = arith.constant 0 : i32
    %ne3A_3256 = vector.broadcast %ne3A_3255 : i32 to vector<256x128xi32>
    %ne3A_3257 = arith.cmpi ne, %and3A_3254, %ne3A_3256 : vector<256x128xi32>
    %and3A_3258 = arith.constant 128 : i32
    %and3A_3259 = vector.broadcast %and3A_3258 : i32 to vector<256x128xi32>
    %and3A_3260 = arith.andi %iota3A_6, %and3A_3259 : vector<256x128xi32>
    %ne3A_3261 = arith.constant 0 : i32
    %ne3A_3262 = vector.broadcast %ne3A_3261 : i32 to vector<256x128xi32>
    %ne3A_3263 = arith.cmpi ne, %and3A_3260, %ne3A_3262 : vector<256x128xi32>
    %not3A_3264 = arith.constant dense<true> : vector<256x128xi1>
    %not3A_3265 = arith.xori %ne3A_3263, %not3A_3264 : vector<256x128xi1>
    %roll3A_3266 = arith.constant 16 : i32
    %roll3A_3267 = tpu.dynamic_rotate %select_n3A_3250 by %roll3A_3266 dim 0 : vector<256x128xf32>, i32 -> vector<256x128xf32>
    %roll3A_3268 = arith.constant 240 : i32
    %roll3A_3269 = tpu.dynamic_rotate %select_n3A_3250 by %roll3A_3268 dim 0 : vector<256x128xf32>, i32 -> vector<256x128xf32>
    %select_n3A_3270 = arith.select %ne3A_3257, %roll3A_3267, %roll3A_3269 : vector<256x128xi1>, vector<256x128xf32>
    %roll3A_3271 = arith.constant 16 : i32
    %roll3A_3272 = tpu.dynamic_rotate %select_n3A_3251 by %roll3A_3271 dim 0 : vector<256x128xi32>, i32 -> vector<256x128xi32>
    %roll3A_3273 = arith.constant 240 : i32
    %roll3A_3274 = tpu.dynamic_rotate %select_n3A_3251 by %roll3A_3273 dim 0 : vector<256x128xi32>, i32 -> vector<256x128xi32>
    %select_n3A_3275 = arith.select %ne3A_3257, %roll3A_3272, %roll3A_3274 : vector<256x128xi1>, vector<256x128xi32>
    %gt3A_3276 = arith.cmpf ogt, %select_n3A_3250, %select_n3A_3270 : vector<256x128xf32>
    %eq3A_3277 = arith.cmpf oeq, %select_n3A_3250, %select_n3A_3270 : vector<256x128xf32>
    %lt3A_3278 = arith.cmpi slt, %select_n3A_3251, %select_n3A_3275 : vector<256x128xi32>
    %and3A_3279 = arith.andi %eq3A_3277, %lt3A_3278 : vector<256x128xi1>
    %or3A_3280 = arith.ori %gt3A_3276, %and3A_3279 : vector<256x128xi1>
    %xor3A_3281 = arith.xori %or3A_3280, %ne3A_3257 : vector<256x128xi1>
    %not3A_3282 = arith.constant dense<true> : vector<256x128xi1>
    %not3A_3283 = arith.xori %not3A_3265, %not3A_3282 : vector<256x128xi1>
    %xor3A_3284 = arith.xori %xor3A_3281, %not3A_3283 : vector<256x128xi1>
    %select_n3A_3285 = arith.select %xor3A_3284, %select_n3A_3250, %select_n3A_3270 : vector<256x128xi1>, vector<256x128xf32>
    %select_n3A_3286 = arith.select %xor3A_3284, %select_n3A_3251, %select_n3A_3275 : vector<256x128xi1>, vector<256x128xi32>
    %and3A_3287 = arith.constant 8 : i32
    %and3A_3288 = vector.broadcast %and3A_3287 : i32 to vector<256x128xi32>
    %and3A_3289 = arith.andi %iota3A_6, %and3A_3288 : vector<256x128xi32>
    %ne3A_3290 = arith.constant 0 : i32
    %ne3A_3291 = vector.broadcast %ne3A_3290 : i32 to vector<256x128xi32>
    %ne3A_3292 = arith.cmpi ne, %and3A_3289, %ne3A_3291 : vector<256x128xi32>
    %and3A_3293 = arith.constant 128 : i32
    %and3A_3294 = vector.broadcast %and3A_3293 : i32 to vector<256x128xi32>
    %and3A_3295 = arith.andi %iota3A_6, %and3A_3294 : vector<256x128xi32>
    %ne3A_3296 = arith.constant 0 : i32
    %ne3A_3297 = vector.broadcast %ne3A_3296 : i32 to vector<256x128xi32>
    %ne3A_3298 = arith.cmpi ne, %and3A_3295, %ne3A_3297 : vector<256x128xi32>
    %not3A_3299 = arith.constant dense<true> : vector<256x128xi1>
    %not3A_3300 = arith.xori %ne3A_3298, %not3A_3299 : vector<256x128xi1>
    %roll3A_3301 = arith.constant 8 : i32
    %roll3A_3302 = tpu.dynamic_rotate %select_n3A_3285 by %roll3A_3301 dim 0 : vector<256x128xf32>, i32 -> vector<256x128xf32>
    %roll3A_3303 = arith.constant 248 : i32
    %roll3A_3304 = tpu.dynamic_rotate %select_n3A_3285 by %roll3A_3303 dim 0 : vector<256x128xf32>, i32 -> vector<256x128xf32>
    %select_n3A_3305 = arith.select %ne3A_3292, %roll3A_3302, %roll3A_3304 : vector<256x128xi1>, vector<256x128xf32>
    %roll3A_3306 = arith.constant 8 : i32
    %roll3A_3307 = tpu.dynamic_rotate %select_n3A_3286 by %roll3A_3306 dim 0 : vector<256x128xi32>, i32 -> vector<256x128xi32>
    %roll3A_3308 = arith.constant 248 : i32
    %roll3A_3309 = tpu.dynamic_rotate %select_n3A_3286 by %roll3A_3308 dim 0 : vector<256x128xi32>, i32 -> vector<256x128xi32>
    %select_n3A_3310 = arith.select %ne3A_3292, %roll3A_3307, %roll3A_3309 : vector<256x128xi1>, vector<256x128xi32>
    %gt3A_3311 = arith.cmpf ogt, %select_n3A_3285, %select_n3A_3305 : vector<256x128xf32>
    %eq3A_3312 = arith.cmpf oeq, %select_n3A_3285, %select_n3A_3305 : vector<256x128xf32>
    %lt3A_3313 = arith.cmpi slt, %select_n3A_3286, %select_n3A_3310 : vector<256x128xi32>
    %and3A_3314 = arith.andi %eq3A_3312, %lt3A_3313 : vector<256x128xi1>
    %or3A_3315 = arith.ori %gt3A_3311, %and3A_3314 : vector<256x128xi1>
    %xor3A_3316 = arith.xori %or3A_3315, %ne3A_3292 : vector<256x128xi1>
    %not3A_3317 = arith.constant dense<true> : vector<256x128xi1>
    %not3A_3318 = arith.xori %not3A_3300, %not3A_3317 : vector<256x128xi1>
    %xor3A_3319 = arith.xori %xor3A_3316, %not3A_3318 : vector<256x128xi1>
    %select_n3A_3320 = arith.select %xor3A_3319, %select_n3A_3285, %select_n3A_3305 : vector<256x128xi1>, vector<256x128xf32>
    %select_n3A_3321 = arith.select %xor3A_3319, %select_n3A_3286, %select_n3A_3310 : vector<256x128xi1>, vector<256x128xi32>
    %and3A_3322 = arith.constant 4 : i32
    %and3A_3323 = vector.broadcast %and3A_3322 : i32 to vector<256x128xi32>
    %and3A_3324 = arith.andi %iota3A_6, %and3A_3323 : vector<256x128xi32>
    %ne3A_3325 = arith.constant 0 : i32
    %ne3A_3326 = vector.broadcast %ne3A_3325 : i32 to vector<256x128xi32>
    %ne3A_3327 = arith.cmpi ne, %and3A_3324, %ne3A_3326 : vector<256x128xi32>
    %and3A_3328 = arith.constant 128 : i32
    %and3A_3329 = vector.broadcast %and3A_3328 : i32 to vector<256x128xi32>
    %and3A_3330 = arith.andi %iota3A_6, %and3A_3329 : vector<256x128xi32>
    %ne3A_3331 = arith.constant 0 : i32
    %ne3A_3332 = vector.broadcast %ne3A_3331 : i32 to vector<256x128xi32>
    %ne3A_3333 = arith.cmpi ne, %and3A_3330, %ne3A_3332 : vector<256x128xi32>
    %not3A_3334 = arith.constant dense<true> : vector<256x128xi1>
    %not3A_3335 = arith.xori %ne3A_3333, %not3A_3334 : vector<256x128xi1>
    %roll3A_3336 = arith.constant 4 : i32
    %roll3A_3337 = tpu.dynamic_rotate %select_n3A_3320 by %roll3A_3336 dim 0 : vector<256x128xf32>, i32 -> vector<256x128xf32>
    %roll3A_3338 = arith.constant 252 : i32
    %roll3A_3339 = tpu.dynamic_rotate %select_n3A_3320 by %roll3A_3338 dim 0 : vector<256x128xf32>, i32 -> vector<256x128xf32>
    %select_n3A_3340 = arith.select %ne3A_3327, %roll3A_3337, %roll3A_3339 : vector<256x128xi1>, vector<256x128xf32>
    %roll3A_3341 = arith.constant 4 : i32
    %roll3A_3342 = tpu.dynamic_rotate %select_n3A_3321 by %roll3A_3341 dim 0 : vector<256x128xi32>, i32 -> vector<256x128xi32>
    %roll3A_3343 = arith.constant 252 : i32
    %roll3A_3344 = tpu.dynamic_rotate %select_n3A_3321 by %roll3A_3343 dim 0 : vector<256x128xi32>, i32 -> vector<256x128xi32>
    %select_n3A_3345 = arith.select %ne3A_3327, %roll3A_3342, %roll3A_3344 : vector<256x128xi1>, vector<256x128xi32>
    %gt3A_3346 = arith.cmpf ogt, %select_n3A_3320, %select_n3A_3340 : vector<256x128xf32>
    %eq3A_3347 = arith.cmpf oeq, %select_n3A_3320, %select_n3A_3340 : vector<256x128xf32>
    %lt3A_3348 = arith.cmpi slt, %select_n3A_3321, %select_n3A_3345 : vector<256x128xi32>
    %and3A_3349 = arith.andi %eq3A_3347, %lt3A_3348 : vector<256x128xi1>
    %or3A_3350 = arith.ori %gt3A_3346, %and3A_3349 : vector<256x128xi1>
    %xor3A_3351 = arith.xori %or3A_3350, %ne3A_3327 : vector<256x128xi1>
    %not3A_3352 = arith.constant dense<true> : vector<256x128xi1>
    %not3A_3353 = arith.xori %not3A_3335, %not3A_3352 : vector<256x128xi1>
    %xor3A_3354 = arith.xori %xor3A_3351, %not3A_3353 : vector<256x128xi1>
    %select_n3A_3355 = arith.select %xor3A_3354, %select_n3A_3320, %select_n3A_3340 : vector<256x128xi1>, vector<256x128xf32>
    %select_n3A_3356 = arith.select %xor3A_3354, %select_n3A_3321, %select_n3A_3345 : vector<256x128xi1>, vector<256x128xi32>
    %and3A_3357 = arith.constant 2 : i32
    %and3A_3358 = vector.broadcast %and3A_3357 : i32 to vector<256x128xi32>
    %and3A_3359 = arith.andi %iota3A_6, %and3A_3358 : vector<256x128xi32>
    %ne3A_3360 = arith.constant 0 : i32
    %ne3A_3361 = vector.broadcast %ne3A_3360 : i32 to vector<256x128xi32>
    %ne3A_3362 = arith.cmpi ne, %and3A_3359, %ne3A_3361 : vector<256x128xi32>
    %and3A_3363 = arith.constant 128 : i32
    %and3A_3364 = vector.broadcast %and3A_3363 : i32 to vector<256x128xi32>
    %and3A_3365 = arith.andi %iota3A_6, %and3A_3364 : vector<256x128xi32>
    %ne3A_3366 = arith.constant 0 : i32
    %ne3A_3367 = vector.broadcast %ne3A_3366 : i32 to vector<256x128xi32>
    %ne3A_3368 = arith.cmpi ne, %and3A_3365, %ne3A_3367 : vector<256x128xi32>
    %not3A_3369 = arith.constant dense<true> : vector<256x128xi1>
    %not3A_3370 = arith.xori %ne3A_3368, %not3A_3369 : vector<256x128xi1>
    %roll3A_3371 = arith.constant 2 : i32
    %roll3A_3372 = tpu.dynamic_rotate %select_n3A_3355 by %roll3A_3371 dim 0 : vector<256x128xf32>, i32 -> vector<256x128xf32>
    %roll3A_3373 = arith.constant 254 : i32
    %roll3A_3374 = tpu.dynamic_rotate %select_n3A_3355 by %roll3A_3373 dim 0 : vector<256x128xf32>, i32 -> vector<256x128xf32>
    %select_n3A_3375 = arith.select %ne3A_3362, %roll3A_3372, %roll3A_3374 : vector<256x128xi1>, vector<256x128xf32>
    %roll3A_3376 = arith.constant 2 : i32
    %roll3A_3377 = tpu.dynamic_rotate %select_n3A_3356 by %roll3A_3376 dim 0 : vector<256x128xi32>, i32 -> vector<256x128xi32>
    %roll3A_3378 = arith.constant 254 : i32
    %roll3A_3379 = tpu.dynamic_rotate %select_n3A_3356 by %roll3A_3378 dim 0 : vector<256x128xi32>, i32 -> vector<256x128xi32>
    %select_n3A_3380 = arith.select %ne3A_3362, %roll3A_3377, %roll3A_3379 : vector<256x128xi1>, vector<256x128xi32>
    %gt3A_3381 = arith.cmpf ogt, %select_n3A_3355, %select_n3A_3375 : vector<256x128xf32>
    %eq3A_3382 = arith.cmpf oeq, %select_n3A_3355, %select_n3A_3375 : vector<256x128xf32>
    %lt3A_3383 = arith.cmpi slt, %select_n3A_3356, %select_n3A_3380 : vector<256x128xi32>
    %and3A_3384 = arith.andi %eq3A_3382, %lt3A_3383 : vector<256x128xi1>
    %or3A_3385 = arith.ori %gt3A_3381, %and3A_3384 : vector<256x128xi1>
    %xor3A_3386 = arith.xori %or3A_3385, %ne3A_3362 : vector<256x128xi1>
    %not3A_3387 = arith.constant dense<true> : vector<256x128xi1>
    %not3A_3388 = arith.xori %not3A_3370, %not3A_3387 : vector<256x128xi1>
    %xor3A_3389 = arith.xori %xor3A_3386, %not3A_3388 : vector<256x128xi1>
    %select_n3A_3390 = arith.select %xor3A_3389, %select_n3A_3355, %select_n3A_3375 : vector<256x128xi1>, vector<256x128xf32>
    %select_n3A_3391 = arith.select %xor3A_3389, %select_n3A_3356, %select_n3A_3380 : vector<256x128xi1>, vector<256x128xi32>
    %and3A_3392 = arith.constant 1 : i32
    %and3A_3393 = vector.broadcast %and3A_3392 : i32 to vector<256x128xi32>
    %and3A_3394 = arith.andi %iota3A_6, %and3A_3393 : vector<256x128xi32>
    %ne3A_3395 = arith.constant 0 : i32
    %ne3A_3396 = vector.broadcast %ne3A_3395 : i32 to vector<256x128xi32>
    %ne3A_3397 = arith.cmpi ne, %and3A_3394, %ne3A_3396 : vector<256x128xi32>
    %and3A_3398 = arith.constant 128 : i32
    %and3A_3399 = vector.broadcast %and3A_3398 : i32 to vector<256x128xi32>
    %and3A_3400 = arith.andi %iota3A_6, %and3A_3399 : vector<256x128xi32>
    %ne3A_3401 = arith.constant 0 : i32
    %ne3A_3402 = vector.broadcast %ne3A_3401 : i32 to vector<256x128xi32>
    %ne3A_3403 = arith.cmpi ne, %and3A_3400, %ne3A_3402 : vector<256x128xi32>
    %not3A_3404 = arith.constant dense<true> : vector<256x128xi1>
    %not3A_3405 = arith.xori %ne3A_3403, %not3A_3404 : vector<256x128xi1>
    %roll3A_3406 = arith.constant 1 : i32
    %roll3A_3407 = tpu.dynamic_rotate %select_n3A_3390 by %roll3A_3406 dim 0 : vector<256x128xf32>, i32 -> vector<256x128xf32>
    %roll3A_3408 = arith.constant 255 : i32
    %roll3A_3409 = tpu.dynamic_rotate %select_n3A_3390 by %roll3A_3408 dim 0 : vector<256x128xf32>, i32 -> vector<256x128xf32>
    %select_n3A_3410 = arith.select %ne3A_3397, %roll3A_3407, %roll3A_3409 : vector<256x128xi1>, vector<256x128xf32>
    %roll3A_3411 = arith.constant 1 : i32
    %roll3A_3412 = tpu.dynamic_rotate %select_n3A_3391 by %roll3A_3411 dim 0 : vector<256x128xi32>, i32 -> vector<256x128xi32>
    %roll3A_3413 = arith.constant 255 : i32
    %roll3A_3414 = tpu.dynamic_rotate %select_n3A_3391 by %roll3A_3413 dim 0 : vector<256x128xi32>, i32 -> vector<256x128xi32>
    %select_n3A_3415 = arith.select %ne3A_3397, %roll3A_3412, %roll3A_3414 : vector<256x128xi1>, vector<256x128xi32>
    %gt3A_3416 = arith.cmpf ogt, %select_n3A_3390, %select_n3A_3410 : vector<256x128xf32>
    %eq3A_3417 = arith.cmpf oeq, %select_n3A_3390, %select_n3A_3410 : vector<256x128xf32>
    %lt3A_3418 = arith.cmpi slt, %select_n3A_3391, %select_n3A_3415 : vector<256x128xi32>
    %and3A_3419 = arith.andi %eq3A_3417, %lt3A_3418 : vector<256x128xi1>
    %or3A_3420 = arith.ori %gt3A_3416, %and3A_3419 : vector<256x128xi1>
    %xor3A_3421 = arith.xori %or3A_3420, %ne3A_3397 : vector<256x128xi1>
    %not3A_3422 = arith.constant dense<true> : vector<256x128xi1>
    %not3A_3423 = arith.xori %not3A_3405, %not3A_3422 : vector<256x128xi1>
    %xor3A_3424 = arith.xori %xor3A_3421, %not3A_3423 : vector<256x128xi1>
    %select_n3A_3425 = arith.select %xor3A_3424, %select_n3A_3390, %select_n3A_3410 : vector<256x128xi1>, vector<256x128xf32>
    %select_n3A_3426 = arith.select %xor3A_3424, %select_n3A_3391, %select_n3A_3415 : vector<256x128xi1>, vector<256x128xi32>
    %and3A_3427 = arith.constant 64 : i32
    %and3A_3428 = vector.broadcast %and3A_3427 : i32 to vector<256x128xi32>
    %and3A_3429 = arith.andi %iota3A_5, %and3A_3428 : vector<256x128xi32>
    %ne3A_3430 = arith.constant 0 : i32
    %ne3A_3431 = vector.broadcast %ne3A_3430 : i32 to vector<256x128xi32>
    %ne3A_3432 = arith.cmpi ne, %and3A_3429, %ne3A_3431 : vector<256x128xi32>
    %and3A_3433 = arith.constant 128 : i32
    %and3A_3434 = vector.broadcast %and3A_3433 : i32 to vector<256x128xi32>
    %and3A_3435 = arith.andi %iota3A_6, %and3A_3434 : vector<256x128xi32>
    %ne3A_3436 = arith.constant 0 : i32
    %ne3A_3437 = vector.broadcast %ne3A_3436 : i32 to vector<256x128xi32>
    %ne3A_3438 = arith.cmpi ne, %and3A_3435, %ne3A_3437 : vector<256x128xi32>
    %not3A_3439 = arith.constant dense<true> : vector<256x128xi1>
    %not3A_3440 = arith.xori %ne3A_3438, %not3A_3439 : vector<256x128xi1>
    %roll3A_3441 = arith.constant 64 : i32
    %roll3A_3442 = tpu.dynamic_rotate %select_n3A_3425 by %roll3A_3441 dim 1 : vector<256x128xf32>, i32 -> vector<256x128xf32>
    %roll3A_3443 = arith.constant 64 : i32
    %roll3A_3444 = tpu.dynamic_rotate %select_n3A_3425 by %roll3A_3443 dim 1 : vector<256x128xf32>, i32 -> vector<256x128xf32>
    %select_n3A_3445 = arith.select %ne3A_3432, %roll3A_3442, %roll3A_3444 : vector<256x128xi1>, vector<256x128xf32>
    %roll3A_3446 = arith.constant 64 : i32
    %roll3A_3447 = tpu.dynamic_rotate %select_n3A_3426 by %roll3A_3446 dim 1 : vector<256x128xi32>, i32 -> vector<256x128xi32>
    %roll3A_3448 = arith.constant 64 : i32
    %roll3A_3449 = tpu.dynamic_rotate %select_n3A_3426 by %roll3A_3448 dim 1 : vector<256x128xi32>, i32 -> vector<256x128xi32>
    %select_n3A_3450 = arith.select %ne3A_3432, %roll3A_3447, %roll3A_3449 : vector<256x128xi1>, vector<256x128xi32>
    %gt3A_3451 = arith.cmpf ogt, %select_n3A_3425, %select_n3A_3445 : vector<256x128xf32>
    %eq3A_3452 = arith.cmpf oeq, %select_n3A_3425, %select_n3A_3445 : vector<256x128xf32>
    %lt3A_3453 = arith.cmpi slt, %select_n3A_3426, %select_n3A_3450 : vector<256x128xi32>
    %and3A_3454 = arith.andi %eq3A_3452, %lt3A_3453 : vector<256x128xi1>
    %or3A_3455 = arith.ori %gt3A_3451, %and3A_3454 : vector<256x128xi1>
    %xor3A_3456 = arith.xori %or3A_3455, %ne3A_3432 : vector<256x128xi1>
    %not3A_3457 = arith.constant dense<true> : vector<256x128xi1>
    %not3A_3458 = arith.xori %not3A_3440, %not3A_3457 : vector<256x128xi1>
    %xor3A_3459 = arith.xori %xor3A_3456, %not3A_3458 : vector<256x128xi1>
    %select_n3A_3460 = arith.select %xor3A_3459, %select_n3A_3425, %select_n3A_3445 : vector<256x128xi1>, vector<256x128xf32>
    %select_n3A_3461 = arith.select %xor3A_3459, %select_n3A_3426, %select_n3A_3450 : vector<256x128xi1>, vector<256x128xi32>
    %and3A_3462 = arith.constant 32 : i32
    %and3A_3463 = vector.broadcast %and3A_3462 : i32 to vector<256x128xi32>
    %and3A_3464 = arith.andi %iota3A_5, %and3A_3463 : vector<256x128xi32>
    %ne3A_3465 = arith.constant 0 : i32
    %ne3A_3466 = vector.broadcast %ne3A_3465 : i32 to vector<256x128xi32>
    %ne3A_3467 = arith.cmpi ne, %and3A_3464, %ne3A_3466 : vector<256x128xi32>
    %and3A_3468 = arith.constant 128 : i32
    %and3A_3469 = vector.broadcast %and3A_3468 : i32 to vector<256x128xi32>
    %and3A_3470 = arith.andi %iota3A_6, %and3A_3469 : vector<256x128xi32>
    %ne3A_3471 = arith.constant 0 : i32
    %ne3A_3472 = vector.broadcast %ne3A_3471 : i32 to vector<256x128xi32>
    %ne3A_3473 = arith.cmpi ne, %and3A_3470, %ne3A_3472 : vector<256x128xi32>
    %not3A_3474 = arith.constant dense<true> : vector<256x128xi1>
    %not3A_3475 = arith.xori %ne3A_3473, %not3A_3474 : vector<256x128xi1>
    %roll3A_3476 = arith.constant 32 : i32
    %roll3A_3477 = tpu.dynamic_rotate %select_n3A_3460 by %roll3A_3476 dim 1 : vector<256x128xf32>, i32 -> vector<256x128xf32>
    %roll3A_3478 = arith.constant 96 : i32
    %roll3A_3479 = tpu.dynamic_rotate %select_n3A_3460 by %roll3A_3478 dim 1 : vector<256x128xf32>, i32 -> vector<256x128xf32>
    %select_n3A_3480 = arith.select %ne3A_3467, %roll3A_3477, %roll3A_3479 : vector<256x128xi1>, vector<256x128xf32>
    %roll3A_3481 = arith.constant 32 : i32
    %roll3A_3482 = tpu.dynamic_rotate %select_n3A_3461 by %roll3A_3481 dim 1 : vector<256x128xi32>, i32 -> vector<256x128xi32>
    %roll3A_3483 = arith.constant 96 : i32
    %roll3A_3484 = tpu.dynamic_rotate %select_n3A_3461 by %roll3A_3483 dim 1 : vector<256x128xi32>, i32 -> vector<256x128xi32>
    %select_n3A_3485 = arith.select %ne3A_3467, %roll3A_3482, %roll3A_3484 : vector<256x128xi1>, vector<256x128xi32>
    %gt3A_3486 = arith.cmpf ogt, %select_n3A_3460, %select_n3A_3480 : vector<256x128xf32>
    %eq3A_3487 = arith.cmpf oeq, %select_n3A_3460, %select_n3A_3480 : vector<256x128xf32>
    %lt3A_3488 = arith.cmpi slt, %select_n3A_3461, %select_n3A_3485 : vector<256x128xi32>
    %and3A_3489 = arith.andi %eq3A_3487, %lt3A_3488 : vector<256x128xi1>
    %or3A_3490 = arith.ori %gt3A_3486, %and3A_3489 : vector<256x128xi1>
    %xor3A_3491 = arith.xori %or3A_3490, %ne3A_3467 : vector<256x128xi1>
    %not3A_3492 = arith.constant dense<true> : vector<256x128xi1>
    %not3A_3493 = arith.xori %not3A_3475, %not3A_3492 : vector<256x128xi1>
    %xor3A_3494 = arith.xori %xor3A_3491, %not3A_3493 : vector<256x128xi1>
    %select_n3A_3495 = arith.select %xor3A_3494, %select_n3A_3460, %select_n3A_3480 : vector<256x128xi1>, vector<256x128xf32>
    %select_n3A_3496 = arith.select %xor3A_3494, %select_n3A_3461, %select_n3A_3485 : vector<256x128xi1>, vector<256x128xi32>
    %and3A_3497 = arith.constant 16 : i32
    %and3A_3498 = vector.broadcast %and3A_3497 : i32 to vector<256x128xi32>
    %and3A_3499 = arith.andi %iota3A_5, %and3A_3498 : vector<256x128xi32>
    %ne3A_3500 = arith.constant 0 : i32
    %ne3A_3501 = vector.broadcast %ne3A_3500 : i32 to vector<256x128xi32>
    %ne3A_3502 = arith.cmpi ne, %and3A_3499, %ne3A_3501 : vector<256x128xi32>
    %and3A_3503 = arith.constant 128 : i32
    %and3A_3504 = vector.broadcast %and3A_3503 : i32 to vector<256x128xi32>
    %and3A_3505 = arith.andi %iota3A_6, %and3A_3504 : vector<256x128xi32>
    %ne3A_3506 = arith.constant 0 : i32
    %ne3A_3507 = vector.broadcast %ne3A_3506 : i32 to vector<256x128xi32>
    %ne3A_3508 = arith.cmpi ne, %and3A_3505, %ne3A_3507 : vector<256x128xi32>
    %not3A_3509 = arith.constant dense<true> : vector<256x128xi1>
    %not3A_3510 = arith.xori %ne3A_3508, %not3A_3509 : vector<256x128xi1>
    %roll3A_3511 = arith.constant 16 : i32
    %roll3A_3512 = tpu.dynamic_rotate %select_n3A_3495 by %roll3A_3511 dim 1 : vector<256x128xf32>, i32 -> vector<256x128xf32>
    %roll3A_3513 = arith.constant 112 : i32
    %roll3A_3514 = tpu.dynamic_rotate %select_n3A_3495 by %roll3A_3513 dim 1 : vector<256x128xf32>, i32 -> vector<256x128xf32>
    %select_n3A_3515 = arith.select %ne3A_3502, %roll3A_3512, %roll3A_3514 : vector<256x128xi1>, vector<256x128xf32>
    %roll3A_3516 = arith.constant 16 : i32
    %roll3A_3517 = tpu.dynamic_rotate %select_n3A_3496 by %roll3A_3516 dim 1 : vector<256x128xi32>, i32 -> vector<256x128xi32>
    %roll3A_3518 = arith.constant 112 : i32
    %roll3A_3519 = tpu.dynamic_rotate %select_n3A_3496 by %roll3A_3518 dim 1 : vector<256x128xi32>, i32 -> vector<256x128xi32>
    %select_n3A_3520 = arith.select %ne3A_3502, %roll3A_3517, %roll3A_3519 : vector<256x128xi1>, vector<256x128xi32>
    %gt3A_3521 = arith.cmpf ogt, %select_n3A_3495, %select_n3A_3515 : vector<256x128xf32>
    %eq3A_3522 = arith.cmpf oeq, %select_n3A_3495, %select_n3A_3515 : vector<256x128xf32>
    %lt3A_3523 = arith.cmpi slt, %select_n3A_3496, %select_n3A_3520 : vector<256x128xi32>
    %and3A_3524 = arith.andi %eq3A_3522, %lt3A_3523 : vector<256x128xi1>
    %or3A_3525 = arith.ori %gt3A_3521, %and3A_3524 : vector<256x128xi1>
    %xor3A_3526 = arith.xori %or3A_3525, %ne3A_3502 : vector<256x128xi1>
    %not3A_3527 = arith.constant dense<true> : vector<256x128xi1>
    %not3A_3528 = arith.xori %not3A_3510, %not3A_3527 : vector<256x128xi1>
    %xor3A_3529 = arith.xori %xor3A_3526, %not3A_3528 : vector<256x128xi1>
    %select_n3A_3530 = arith.select %xor3A_3529, %select_n3A_3495, %select_n3A_3515 : vector<256x128xi1>, vector<256x128xf32>
    %select_n3A_3531 = arith.select %xor3A_3529, %select_n3A_3496, %select_n3A_3520 : vector<256x128xi1>, vector<256x128xi32>
    %and3A_3532 = arith.constant 8 : i32
    %and3A_3533 = vector.broadcast %and3A_3532 : i32 to vector<256x128xi32>
    %and3A_3534 = arith.andi %iota3A_5, %and3A_3533 : vector<256x128xi32>
    %ne3A_3535 = arith.constant 0 : i32
    %ne3A_3536 = vector.broadcast %ne3A_3535 : i32 to vector<256x128xi32>
    %ne3A_3537 = arith.cmpi ne, %and3A_3534, %ne3A_3536 : vector<256x128xi32>
    %and3A_3538 = arith.constant 128 : i32
    %and3A_3539 = vector.broadcast %and3A_3538 : i32 to vector<256x128xi32>
    %and3A_3540 = arith.andi %iota3A_6, %and3A_3539 : vector<256x128xi32>
    %ne3A_3541 = arith.constant 0 : i32
    %ne3A_3542 = vector.broadcast %ne3A_3541 : i32 to vector<256x128xi32>
    %ne3A_3543 = arith.cmpi ne, %and3A_3540, %ne3A_3542 : vector<256x128xi32>
    %not3A_3544 = arith.constant dense<true> : vector<256x128xi1>
    %not3A_3545 = arith.xori %ne3A_3543, %not3A_3544 : vector<256x128xi1>
    %roll3A_3546 = arith.constant 8 : i32
    %roll3A_3547 = tpu.dynamic_rotate %select_n3A_3530 by %roll3A_3546 dim 1 : vector<256x128xf32>, i32 -> vector<256x128xf32>
    %roll3A_3548 = arith.constant 120 : i32
    %roll3A_3549 = tpu.dynamic_rotate %select_n3A_3530 by %roll3A_3548 dim 1 : vector<256x128xf32>, i32 -> vector<256x128xf32>
    %select_n3A_3550 = arith.select %ne3A_3537, %roll3A_3547, %roll3A_3549 : vector<256x128xi1>, vector<256x128xf32>
    %roll3A_3551 = arith.constant 8 : i32
    %roll3A_3552 = tpu.dynamic_rotate %select_n3A_3531 by %roll3A_3551 dim 1 : vector<256x128xi32>, i32 -> vector<256x128xi32>
    %roll3A_3553 = arith.constant 120 : i32
    %roll3A_3554 = tpu.dynamic_rotate %select_n3A_3531 by %roll3A_3553 dim 1 : vector<256x128xi32>, i32 -> vector<256x128xi32>
    %select_n3A_3555 = arith.select %ne3A_3537, %roll3A_3552, %roll3A_3554 : vector<256x128xi1>, vector<256x128xi32>
    %gt3A_3556 = arith.cmpf ogt, %select_n3A_3530, %select_n3A_3550 : vector<256x128xf32>
    %eq3A_3557 = arith.cmpf oeq, %select_n3A_3530, %select_n3A_3550 : vector<256x128xf32>
    %lt3A_3558 = arith.cmpi slt, %select_n3A_3531, %select_n3A_3555 : vector<256x128xi32>
    %and3A_3559 = arith.andi %eq3A_3557, %lt3A_3558 : vector<256x128xi1>
    %or3A_3560 = arith.ori %gt3A_3556, %and3A_3559 : vector<256x128xi1>
    %xor3A_3561 = arith.xori %or3A_3560, %ne3A_3537 : vector<256x128xi1>
    %not3A_3562 = arith.constant dense<true> : vector<256x128xi1>
    %not3A_3563 = arith.xori %not3A_3545, %not3A_3562 : vector<256x128xi1>
    %xor3A_3564 = arith.xori %xor3A_3561, %not3A_3563 : vector<256x128xi1>
    %select_n3A_3565 = arith.select %xor3A_3564, %select_n3A_3530, %select_n3A_3550 : vector<256x128xi1>, vector<256x128xf32>
    %select_n3A_3566 = arith.select %xor3A_3564, %select_n3A_3531, %select_n3A_3555 : vector<256x128xi1>, vector<256x128xi32>
    %and3A_3567 = arith.constant 4 : i32
    %and3A_3568 = vector.broadcast %and3A_3567 : i32 to vector<256x128xi32>
    %and3A_3569 = arith.andi %iota3A_5, %and3A_3568 : vector<256x128xi32>
    %ne3A_3570 = arith.constant 0 : i32
    %ne3A_3571 = vector.broadcast %ne3A_3570 : i32 to vector<256x128xi32>
    %ne3A_3572 = arith.cmpi ne, %and3A_3569, %ne3A_3571 : vector<256x128xi32>
    %and3A_3573 = arith.constant 128 : i32
    %and3A_3574 = vector.broadcast %and3A_3573 : i32 to vector<256x128xi32>
    %and3A_3575 = arith.andi %iota3A_6, %and3A_3574 : vector<256x128xi32>
    %ne3A_3576 = arith.constant 0 : i32
    %ne3A_3577 = vector.broadcast %ne3A_3576 : i32 to vector<256x128xi32>
    %ne3A_3578 = arith.cmpi ne, %and3A_3575, %ne3A_3577 : vector<256x128xi32>
    %not3A_3579 = arith.constant dense<true> : vector<256x128xi1>
    %not3A_3580 = arith.xori %ne3A_3578, %not3A_3579 : vector<256x128xi1>
    %roll3A_3581 = arith.constant 4 : i32
    %roll3A_3582 = tpu.dynamic_rotate %select_n3A_3565 by %roll3A_3581 dim 1 : vector<256x128xf32>, i32 -> vector<256x128xf32>
    %roll3A_3583 = arith.constant 124 : i32
    %roll3A_3584 = tpu.dynamic_rotate %select_n3A_3565 by %roll3A_3583 dim 1 : vector<256x128xf32>, i32 -> vector<256x128xf32>
    %select_n3A_3585 = arith.select %ne3A_3572, %roll3A_3582, %roll3A_3584 : vector<256x128xi1>, vector<256x128xf32>
    %roll3A_3586 = arith.constant 4 : i32
    %roll3A_3587 = tpu.dynamic_rotate %select_n3A_3566 by %roll3A_3586 dim 1 : vector<256x128xi32>, i32 -> vector<256x128xi32>
    %roll3A_3588 = arith.constant 124 : i32
    %roll3A_3589 = tpu.dynamic_rotate %select_n3A_3566 by %roll3A_3588 dim 1 : vector<256x128xi32>, i32 -> vector<256x128xi32>
    %select_n3A_3590 = arith.select %ne3A_3572, %roll3A_3587, %roll3A_3589 : vector<256x128xi1>, vector<256x128xi32>
    %gt3A_3591 = arith.cmpf ogt, %select_n3A_3565, %select_n3A_3585 : vector<256x128xf32>
    %eq3A_3592 = arith.cmpf oeq, %select_n3A_3565, %select_n3A_3585 : vector<256x128xf32>
    %lt3A_3593 = arith.cmpi slt, %select_n3A_3566, %select_n3A_3590 : vector<256x128xi32>
    %and3A_3594 = arith.andi %eq3A_3592, %lt3A_3593 : vector<256x128xi1>
    %or3A_3595 = arith.ori %gt3A_3591, %and3A_3594 : vector<256x128xi1>
    %xor3A_3596 = arith.xori %or3A_3595, %ne3A_3572 : vector<256x128xi1>
    %not3A_3597 = arith.constant dense<true> : vector<256x128xi1>
    %not3A_3598 = arith.xori %not3A_3580, %not3A_3597 : vector<256x128xi1>
    %xor3A_3599 = arith.xori %xor3A_3596, %not3A_3598 : vector<256x128xi1>
    %select_n3A_3600 = arith.select %xor3A_3599, %select_n3A_3565, %select_n3A_3585 : vector<256x128xi1>, vector<256x128xf32>
    %select_n3A_3601 = arith.select %xor3A_3599, %select_n3A_3566, %select_n3A_3590 : vector<256x128xi1>, vector<256x128xi32>
    %and3A_3602 = arith.constant 2 : i32
    %and3A_3603 = vector.broadcast %and3A_3602 : i32 to vector<256x128xi32>
    %and3A_3604 = arith.andi %iota3A_5, %and3A_3603 : vector<256x128xi32>
    %ne3A_3605 = arith.constant 0 : i32
    %ne3A_3606 = vector.broadcast %ne3A_3605 : i32 to vector<256x128xi32>
    %ne3A_3607 = arith.cmpi ne, %and3A_3604, %ne3A_3606 : vector<256x128xi32>
    %and3A_3608 = arith.constant 128 : i32
    %and3A_3609 = vector.broadcast %and3A_3608 : i32 to vector<256x128xi32>
    %and3A_3610 = arith.andi %iota3A_6, %and3A_3609 : vector<256x128xi32>
    %ne3A_3611 = arith.constant 0 : i32
    %ne3A_3612 = vector.broadcast %ne3A_3611 : i32 to vector<256x128xi32>
    %ne3A_3613 = arith.cmpi ne, %and3A_3610, %ne3A_3612 : vector<256x128xi32>
    %not3A_3614 = arith.constant dense<true> : vector<256x128xi1>
    %not3A_3615 = arith.xori %ne3A_3613, %not3A_3614 : vector<256x128xi1>
    %roll3A_3616 = arith.constant 2 : i32
    %roll3A_3617 = tpu.dynamic_rotate %select_n3A_3600 by %roll3A_3616 dim 1 : vector<256x128xf32>, i32 -> vector<256x128xf32>
    %roll3A_3618 = arith.constant 126 : i32
    %roll3A_3619 = tpu.dynamic_rotate %select_n3A_3600 by %roll3A_3618 dim 1 : vector<256x128xf32>, i32 -> vector<256x128xf32>
    %select_n3A_3620 = arith.select %ne3A_3607, %roll3A_3617, %roll3A_3619 : vector<256x128xi1>, vector<256x128xf32>
    %roll3A_3621 = arith.constant 2 : i32
    %roll3A_3622 = tpu.dynamic_rotate %select_n3A_3601 by %roll3A_3621 dim 1 : vector<256x128xi32>, i32 -> vector<256x128xi32>
    %roll3A_3623 = arith.constant 126 : i32
    %roll3A_3624 = tpu.dynamic_rotate %select_n3A_3601 by %roll3A_3623 dim 1 : vector<256x128xi32>, i32 -> vector<256x128xi32>
    %select_n3A_3625 = arith.select %ne3A_3607, %roll3A_3622, %roll3A_3624 : vector<256x128xi1>, vector<256x128xi32>
    %gt3A_3626 = arith.cmpf ogt, %select_n3A_3600, %select_n3A_3620 : vector<256x128xf32>
    %eq3A_3627 = arith.cmpf oeq, %select_n3A_3600, %select_n3A_3620 : vector<256x128xf32>
    %lt3A_3628 = arith.cmpi slt, %select_n3A_3601, %select_n3A_3625 : vector<256x128xi32>
    %and3A_3629 = arith.andi %eq3A_3627, %lt3A_3628 : vector<256x128xi1>
    %or3A_3630 = arith.ori %gt3A_3626, %and3A_3629 : vector<256x128xi1>
    %xor3A_3631 = arith.xori %or3A_3630, %ne3A_3607 : vector<256x128xi1>
    %not3A_3632 = arith.constant dense<true> : vector<256x128xi1>
    %not3A_3633 = arith.xori %not3A_3615, %not3A_3632 : vector<256x128xi1>
    %xor3A_3634 = arith.xori %xor3A_3631, %not3A_3633 : vector<256x128xi1>
    %select_n3A_3635 = arith.select %xor3A_3634, %select_n3A_3600, %select_n3A_3620 : vector<256x128xi1>, vector<256x128xf32>
    %select_n3A_3636 = arith.select %xor3A_3634, %select_n3A_3601, %select_n3A_3625 : vector<256x128xi1>, vector<256x128xi32>
    %and3A_3637 = arith.constant 1 : i32
    %and3A_3638 = vector.broadcast %and3A_3637 : i32 to vector<256x128xi32>
    %and3A_3639 = arith.andi %iota3A_5, %and3A_3638 : vector<256x128xi32>
    %ne3A_3640 = arith.constant 0 : i32
    %ne3A_3641 = vector.broadcast %ne3A_3640 : i32 to vector<256x128xi32>
    %ne3A_3642 = arith.cmpi ne, %and3A_3639, %ne3A_3641 : vector<256x128xi32>
    %and3A_3643 = arith.constant 128 : i32
    %and3A_3644 = vector.broadcast %and3A_3643 : i32 to vector<256x128xi32>
    %and3A_3645 = arith.andi %iota3A_6, %and3A_3644 : vector<256x128xi32>
    %ne3A_3646 = arith.constant 0 : i32
    %ne3A_3647 = vector.broadcast %ne3A_3646 : i32 to vector<256x128xi32>
    %ne3A_3648 = arith.cmpi ne, %and3A_3645, %ne3A_3647 : vector<256x128xi32>
    %not3A_3649 = arith.constant dense<true> : vector<256x128xi1>
    %not3A_3650 = arith.xori %ne3A_3648, %not3A_3649 : vector<256x128xi1>
    %roll3A_3651 = arith.constant 1 : i32
    %roll3A_3652 = tpu.dynamic_rotate %select_n3A_3635 by %roll3A_3651 dim 1 : vector<256x128xf32>, i32 -> vector<256x128xf32>
    %roll3A_3653 = arith.constant 127 : i32
    %roll3A_3654 = tpu.dynamic_rotate %select_n3A_3635 by %roll3A_3653 dim 1 : vector<256x128xf32>, i32 -> vector<256x128xf32>
    %select_n3A_3655 = arith.select %ne3A_3642, %roll3A_3652, %roll3A_3654 : vector<256x128xi1>, vector<256x128xf32>
    %roll3A_3656 = arith.constant 1 : i32
    %roll3A_3657 = tpu.dynamic_rotate %select_n3A_3636 by %roll3A_3656 dim 1 : vector<256x128xi32>, i32 -> vector<256x128xi32>
    %roll3A_3658 = arith.constant 127 : i32
    %roll3A_3659 = tpu.dynamic_rotate %select_n3A_3636 by %roll3A_3658 dim 1 : vector<256x128xi32>, i32 -> vector<256x128xi32>
    %select_n3A_3660 = arith.select %ne3A_3642, %roll3A_3657, %roll3A_3659 : vector<256x128xi1>, vector<256x128xi32>
    %gt3A_3661 = arith.cmpf ogt, %select_n3A_3635, %select_n3A_3655 : vector<256x128xf32>
    %eq3A_3662 = arith.cmpf oeq, %select_n3A_3635, %select_n3A_3655 : vector<256x128xf32>
    %lt3A_3663 = arith.cmpi slt, %select_n3A_3636, %select_n3A_3660 : vector<256x128xi32>
    %and3A_3664 = arith.andi %eq3A_3662, %lt3A_3663 : vector<256x128xi1>
    %or3A_3665 = arith.ori %gt3A_3661, %and3A_3664 : vector<256x128xi1>
    %xor3A_3666 = arith.xori %or3A_3665, %ne3A_3642 : vector<256x128xi1>
    %not3A_3667 = arith.constant dense<true> : vector<256x128xi1>
    %not3A_3668 = arith.xori %not3A_3650, %not3A_3667 : vector<256x128xi1>
    %xor3A_3669 = arith.xori %xor3A_3666, %not3A_3668 : vector<256x128xi1>
    %select_n3A_3670 = arith.select %xor3A_3669, %select_n3A_3635, %select_n3A_3655 : vector<256x128xi1>, vector<256x128xf32>
    %select_n3A_3671 = arith.select %xor3A_3669, %select_n3A_3636, %select_n3A_3660 : vector<256x128xi1>, vector<256x128xi32>
    %and3A_3672 = arith.constant 128 : i32
    %and3A_3673 = vector.broadcast %and3A_3672 : i32 to vector<256x128xi32>
    %and3A_3674 = arith.andi %iota3A_6, %and3A_3673 : vector<256x128xi32>
    %ne3A_3675 = arith.constant 0 : i32
    %ne3A_3676 = vector.broadcast %ne3A_3675 : i32 to vector<256x128xi32>
    %ne3A_3677 = arith.cmpi ne, %and3A_3674, %ne3A_3676 : vector<256x128xi32>
    %and3A_3678 = arith.constant 256 : i32
    %and3A_3679 = vector.broadcast %and3A_3678 : i32 to vector<256x128xi32>
    %and3A_3680 = arith.andi %iota3A_6, %and3A_3679 : vector<256x128xi32>
    %ne3A_3681 = arith.constant 0 : i32
    %ne3A_3682 = vector.broadcast %ne3A_3681 : i32 to vector<256x128xi32>
    %ne3A_3683 = arith.cmpi ne, %and3A_3680, %ne3A_3682 : vector<256x128xi32>
    %not3A_3684 = arith.constant dense<true> : vector<256x128xi1>
    %not3A_3685 = arith.xori %ne3A_3683, %not3A_3684 : vector<256x128xi1>
    %roll3A_3686 = arith.constant 128 : i32
    %roll3A_3687 = tpu.dynamic_rotate %select_n3A_3670 by %roll3A_3686 dim 0 : vector<256x128xf32>, i32 -> vector<256x128xf32>
    %roll3A_3688 = arith.constant 128 : i32
    %roll3A_3689 = tpu.dynamic_rotate %select_n3A_3670 by %roll3A_3688 dim 0 : vector<256x128xf32>, i32 -> vector<256x128xf32>
    %select_n3A_3690 = arith.select %ne3A_3677, %roll3A_3687, %roll3A_3689 : vector<256x128xi1>, vector<256x128xf32>
    %roll3A_3691 = arith.constant 128 : i32
    %roll3A_3692 = tpu.dynamic_rotate %select_n3A_3671 by %roll3A_3691 dim 0 : vector<256x128xi32>, i32 -> vector<256x128xi32>
    %roll3A_3693 = arith.constant 128 : i32
    %roll3A_3694 = tpu.dynamic_rotate %select_n3A_3671 by %roll3A_3693 dim 0 : vector<256x128xi32>, i32 -> vector<256x128xi32>
    %select_n3A_3695 = arith.select %ne3A_3677, %roll3A_3692, %roll3A_3694 : vector<256x128xi1>, vector<256x128xi32>
    %gt3A_3696 = arith.cmpf ogt, %select_n3A_3670, %select_n3A_3690 : vector<256x128xf32>
    %eq3A_3697 = arith.cmpf oeq, %select_n3A_3670, %select_n3A_3690 : vector<256x128xf32>
    %lt3A_3698 = arith.cmpi slt, %select_n3A_3671, %select_n3A_3695 : vector<256x128xi32>
    %and3A_3699 = arith.andi %eq3A_3697, %lt3A_3698 : vector<256x128xi1>
    %or3A_3700 = arith.ori %gt3A_3696, %and3A_3699 : vector<256x128xi1>
    %xor3A_3701 = arith.xori %or3A_3700, %ne3A_3677 : vector<256x128xi1>
    %not3A_3702 = arith.constant dense<true> : vector<256x128xi1>
    %not3A_3703 = arith.xori %not3A_3685, %not3A_3702 : vector<256x128xi1>
    %xor3A_3704 = arith.xori %xor3A_3701, %not3A_3703 : vector<256x128xi1>
    %select_n3A_3705 = arith.select %xor3A_3704, %select_n3A_3670, %select_n3A_3690 : vector<256x128xi1>, vector<256x128xf32>
    %select_n3A_3706 = arith.select %xor3A_3704, %select_n3A_3671, %select_n3A_3695 : vector<256x128xi1>, vector<256x128xi32>
    %and3A_3707 = arith.constant 64 : i32
    %and3A_3708 = vector.broadcast %and3A_3707 : i32 to vector<256x128xi32>
    %and3A_3709 = arith.andi %iota3A_6, %and3A_3708 : vector<256x128xi32>
    %ne3A_3710 = arith.constant 0 : i32
    %ne3A_3711 = vector.broadcast %ne3A_3710 : i32 to vector<256x128xi32>
    %ne3A_3712 = arith.cmpi ne, %and3A_3709, %ne3A_3711 : vector<256x128xi32>
    %and3A_3713 = arith.constant 256 : i32
    %and3A_3714 = vector.broadcast %and3A_3713 : i32 to vector<256x128xi32>
    %and3A_3715 = arith.andi %iota3A_6, %and3A_3714 : vector<256x128xi32>
    %ne3A_3716 = arith.constant 0 : i32
    %ne3A_3717 = vector.broadcast %ne3A_3716 : i32 to vector<256x128xi32>
    %ne3A_3718 = arith.cmpi ne, %and3A_3715, %ne3A_3717 : vector<256x128xi32>
    %not3A_3719 = arith.constant dense<true> : vector<256x128xi1>
    %not3A_3720 = arith.xori %ne3A_3718, %not3A_3719 : vector<256x128xi1>
    %roll3A_3721 = arith.constant 64 : i32
    %roll3A_3722 = tpu.dynamic_rotate %select_n3A_3705 by %roll3A_3721 dim 0 : vector<256x128xf32>, i32 -> vector<256x128xf32>
    %roll3A_3723 = arith.constant 192 : i32
    %roll3A_3724 = tpu.dynamic_rotate %select_n3A_3705 by %roll3A_3723 dim 0 : vector<256x128xf32>, i32 -> vector<256x128xf32>
    %select_n3A_3725 = arith.select %ne3A_3712, %roll3A_3722, %roll3A_3724 : vector<256x128xi1>, vector<256x128xf32>
    %roll3A_3726 = arith.constant 64 : i32
    %roll3A_3727 = tpu.dynamic_rotate %select_n3A_3706 by %roll3A_3726 dim 0 : vector<256x128xi32>, i32 -> vector<256x128xi32>
    %roll3A_3728 = arith.constant 192 : i32
    %roll3A_3729 = tpu.dynamic_rotate %select_n3A_3706 by %roll3A_3728 dim 0 : vector<256x128xi32>, i32 -> vector<256x128xi32>
    %select_n3A_3730 = arith.select %ne3A_3712, %roll3A_3727, %roll3A_3729 : vector<256x128xi1>, vector<256x128xi32>
    %gt3A_3731 = arith.cmpf ogt, %select_n3A_3705, %select_n3A_3725 : vector<256x128xf32>
    %eq3A_3732 = arith.cmpf oeq, %select_n3A_3705, %select_n3A_3725 : vector<256x128xf32>
    %lt3A_3733 = arith.cmpi slt, %select_n3A_3706, %select_n3A_3730 : vector<256x128xi32>
    %and3A_3734 = arith.andi %eq3A_3732, %lt3A_3733 : vector<256x128xi1>
    %or3A_3735 = arith.ori %gt3A_3731, %and3A_3734 : vector<256x128xi1>
    %xor3A_3736 = arith.xori %or3A_3735, %ne3A_3712 : vector<256x128xi1>
    %not3A_3737 = arith.constant dense<true> : vector<256x128xi1>
    %not3A_3738 = arith.xori %not3A_3720, %not3A_3737 : vector<256x128xi1>
    %xor3A_3739 = arith.xori %xor3A_3736, %not3A_3738 : vector<256x128xi1>
    %select_n3A_3740 = arith.select %xor3A_3739, %select_n3A_3705, %select_n3A_3725 : vector<256x128xi1>, vector<256x128xf32>
    %select_n3A_3741 = arith.select %xor3A_3739, %select_n3A_3706, %select_n3A_3730 : vector<256x128xi1>, vector<256x128xi32>
    %and3A_3742 = arith.constant 32 : i32
    %and3A_3743 = vector.broadcast %and3A_3742 : i32 to vector<256x128xi32>
    %and3A_3744 = arith.andi %iota3A_6, %and3A_3743 : vector<256x128xi32>
    %ne3A_3745 = arith.constant 0 : i32
    %ne3A_3746 = vector.broadcast %ne3A_3745 : i32 to vector<256x128xi32>
    %ne3A_3747 = arith.cmpi ne, %and3A_3744, %ne3A_3746 : vector<256x128xi32>
    %and3A_3748 = arith.constant 256 : i32
    %and3A_3749 = vector.broadcast %and3A_3748 : i32 to vector<256x128xi32>
    %and3A_3750 = arith.andi %iota3A_6, %and3A_3749 : vector<256x128xi32>
    %ne3A_3751 = arith.constant 0 : i32
    %ne3A_3752 = vector.broadcast %ne3A_3751 : i32 to vector<256x128xi32>
    %ne3A_3753 = arith.cmpi ne, %and3A_3750, %ne3A_3752 : vector<256x128xi32>
    %not3A_3754 = arith.constant dense<true> : vector<256x128xi1>
    %not3A_3755 = arith.xori %ne3A_3753, %not3A_3754 : vector<256x128xi1>
    %roll3A_3756 = arith.constant 32 : i32
    %roll3A_3757 = tpu.dynamic_rotate %select_n3A_3740 by %roll3A_3756 dim 0 : vector<256x128xf32>, i32 -> vector<256x128xf32>
    %roll3A_3758 = arith.constant 224 : i32
    %roll3A_3759 = tpu.dynamic_rotate %select_n3A_3740 by %roll3A_3758 dim 0 : vector<256x128xf32>, i32 -> vector<256x128xf32>
    %select_n3A_3760 = arith.select %ne3A_3747, %roll3A_3757, %roll3A_3759 : vector<256x128xi1>, vector<256x128xf32>
    %roll3A_3761 = arith.constant 32 : i32
    %roll3A_3762 = tpu.dynamic_rotate %select_n3A_3741 by %roll3A_3761 dim 0 : vector<256x128xi32>, i32 -> vector<256x128xi32>
    %roll3A_3763 = arith.constant 224 : i32
    %roll3A_3764 = tpu.dynamic_rotate %select_n3A_3741 by %roll3A_3763 dim 0 : vector<256x128xi32>, i32 -> vector<256x128xi32>
    %select_n3A_3765 = arith.select %ne3A_3747, %roll3A_3762, %roll3A_3764 : vector<256x128xi1>, vector<256x128xi32>
    %gt3A_3766 = arith.cmpf ogt, %select_n3A_3740, %select_n3A_3760 : vector<256x128xf32>
    %eq3A_3767 = arith.cmpf oeq, %select_n3A_3740, %select_n3A_3760 : vector<256x128xf32>
    %lt3A_3768 = arith.cmpi slt, %select_n3A_3741, %select_n3A_3765 : vector<256x128xi32>
    %and3A_3769 = arith.andi %eq3A_3767, %lt3A_3768 : vector<256x128xi1>
    %or3A_3770 = arith.ori %gt3A_3766, %and3A_3769 : vector<256x128xi1>
    %xor3A_3771 = arith.xori %or3A_3770, %ne3A_3747 : vector<256x128xi1>
    %not3A_3772 = arith.constant dense<true> : vector<256x128xi1>
    %not3A_3773 = arith.xori %not3A_3755, %not3A_3772 : vector<256x128xi1>
    %xor3A_3774 = arith.xori %xor3A_3771, %not3A_3773 : vector<256x128xi1>
    %select_n3A_3775 = arith.select %xor3A_3774, %select_n3A_3740, %select_n3A_3760 : vector<256x128xi1>, vector<256x128xf32>
    %select_n3A_3776 = arith.select %xor3A_3774, %select_n3A_3741, %select_n3A_3765 : vector<256x128xi1>, vector<256x128xi32>
    %and3A_3777 = arith.constant 16 : i32
    %and3A_3778 = vector.broadcast %and3A_3777 : i32 to vector<256x128xi32>
    %and3A_3779 = arith.andi %iota3A_6, %and3A_3778 : vector<256x128xi32>
    %ne3A_3780 = arith.constant 0 : i32
    %ne3A_3781 = vector.broadcast %ne3A_3780 : i32 to vector<256x128xi32>
    %ne3A_3782 = arith.cmpi ne, %and3A_3779, %ne3A_3781 : vector<256x128xi32>
    %and3A_3783 = arith.constant 256 : i32
    %and3A_3784 = vector.broadcast %and3A_3783 : i32 to vector<256x128xi32>
    %and3A_3785 = arith.andi %iota3A_6, %and3A_3784 : vector<256x128xi32>
    %ne3A_3786 = arith.constant 0 : i32
    %ne3A_3787 = vector.broadcast %ne3A_3786 : i32 to vector<256x128xi32>
    %ne3A_3788 = arith.cmpi ne, %and3A_3785, %ne3A_3787 : vector<256x128xi32>
    %not3A_3789 = arith.constant dense<true> : vector<256x128xi1>
    %not3A_3790 = arith.xori %ne3A_3788, %not3A_3789 : vector<256x128xi1>
    %roll3A_3791 = arith.constant 16 : i32
    %roll3A_3792 = tpu.dynamic_rotate %select_n3A_3775 by %roll3A_3791 dim 0 : vector<256x128xf32>, i32 -> vector<256x128xf32>
    %roll3A_3793 = arith.constant 240 : i32
    %roll3A_3794 = tpu.dynamic_rotate %select_n3A_3775 by %roll3A_3793 dim 0 : vector<256x128xf32>, i32 -> vector<256x128xf32>
    %select_n3A_3795 = arith.select %ne3A_3782, %roll3A_3792, %roll3A_3794 : vector<256x128xi1>, vector<256x128xf32>
    %roll3A_3796 = arith.constant 16 : i32
    %roll3A_3797 = tpu.dynamic_rotate %select_n3A_3776 by %roll3A_3796 dim 0 : vector<256x128xi32>, i32 -> vector<256x128xi32>
    %roll3A_3798 = arith.constant 240 : i32
    %roll3A_3799 = tpu.dynamic_rotate %select_n3A_3776 by %roll3A_3798 dim 0 : vector<256x128xi32>, i32 -> vector<256x128xi32>
    %select_n3A_3800 = arith.select %ne3A_3782, %roll3A_3797, %roll3A_3799 : vector<256x128xi1>, vector<256x128xi32>
    %gt3A_3801 = arith.cmpf ogt, %select_n3A_3775, %select_n3A_3795 : vector<256x128xf32>
    %eq3A_3802 = arith.cmpf oeq, %select_n3A_3775, %select_n3A_3795 : vector<256x128xf32>
    %lt3A_3803 = arith.cmpi slt, %select_n3A_3776, %select_n3A_3800 : vector<256x128xi32>
    %and3A_3804 = arith.andi %eq3A_3802, %lt3A_3803 : vector<256x128xi1>
    %or3A_3805 = arith.ori %gt3A_3801, %and3A_3804 : vector<256x128xi1>
    %xor3A_3806 = arith.xori %or3A_3805, %ne3A_3782 : vector<256x128xi1>
    %not3A_3807 = arith.constant dense<true> : vector<256x128xi1>
    %not3A_3808 = arith.xori %not3A_3790, %not3A_3807 : vector<256x128xi1>
    %xor3A_3809 = arith.xori %xor3A_3806, %not3A_3808 : vector<256x128xi1>
    %select_n3A_3810 = arith.select %xor3A_3809, %select_n3A_3775, %select_n3A_3795 : vector<256x128xi1>, vector<256x128xf32>
    %select_n3A_3811 = arith.select %xor3A_3809, %select_n3A_3776, %select_n3A_3800 : vector<256x128xi1>, vector<256x128xi32>
    %and3A_3812 = arith.constant 8 : i32
    %and3A_3813 = vector.broadcast %and3A_3812 : i32 to vector<256x128xi32>
    %and3A_3814 = arith.andi %iota3A_6, %and3A_3813 : vector<256x128xi32>
    %ne3A_3815 = arith.constant 0 : i32
    %ne3A_3816 = vector.broadcast %ne3A_3815 : i32 to vector<256x128xi32>
    %ne3A_3817 = arith.cmpi ne, %and3A_3814, %ne3A_3816 : vector<256x128xi32>
    %and3A_3818 = arith.constant 256 : i32
    %and3A_3819 = vector.broadcast %and3A_3818 : i32 to vector<256x128xi32>
    %and3A_3820 = arith.andi %iota3A_6, %and3A_3819 : vector<256x128xi32>
    %ne3A_3821 = arith.constant 0 : i32
    %ne3A_3822 = vector.broadcast %ne3A_3821 : i32 to vector<256x128xi32>
    %ne3A_3823 = arith.cmpi ne, %and3A_3820, %ne3A_3822 : vector<256x128xi32>
    %not3A_3824 = arith.constant dense<true> : vector<256x128xi1>
    %not3A_3825 = arith.xori %ne3A_3823, %not3A_3824 : vector<256x128xi1>
    %roll3A_3826 = arith.constant 8 : i32
    %roll3A_3827 = tpu.dynamic_rotate %select_n3A_3810 by %roll3A_3826 dim 0 : vector<256x128xf32>, i32 -> vector<256x128xf32>
    %roll3A_3828 = arith.constant 248 : i32
    %roll3A_3829 = tpu.dynamic_rotate %select_n3A_3810 by %roll3A_3828 dim 0 : vector<256x128xf32>, i32 -> vector<256x128xf32>
    %select_n3A_3830 = arith.select %ne3A_3817, %roll3A_3827, %roll3A_3829 : vector<256x128xi1>, vector<256x128xf32>
    %roll3A_3831 = arith.constant 8 : i32
    %roll3A_3832 = tpu.dynamic_rotate %select_n3A_3811 by %roll3A_3831 dim 0 : vector<256x128xi32>, i32 -> vector<256x128xi32>
    %roll3A_3833 = arith.constant 248 : i32
    %roll3A_3834 = tpu.dynamic_rotate %select_n3A_3811 by %roll3A_3833 dim 0 : vector<256x128xi32>, i32 -> vector<256x128xi32>
    %select_n3A_3835 = arith.select %ne3A_3817, %roll3A_3832, %roll3A_3834 : vector<256x128xi1>, vector<256x128xi32>
    %gt3A_3836 = arith.cmpf ogt, %select_n3A_3810, %select_n3A_3830 : vector<256x128xf32>
    %eq3A_3837 = arith.cmpf oeq, %select_n3A_3810, %select_n3A_3830 : vector<256x128xf32>
    %lt3A_3838 = arith.cmpi slt, %select_n3A_3811, %select_n3A_3835 : vector<256x128xi32>
    %and3A_3839 = arith.andi %eq3A_3837, %lt3A_3838 : vector<256x128xi1>
    %or3A_3840 = arith.ori %gt3A_3836, %and3A_3839 : vector<256x128xi1>
    %xor3A_3841 = arith.xori %or3A_3840, %ne3A_3817 : vector<256x128xi1>
    %not3A_3842 = arith.constant dense<true> : vector<256x128xi1>
    %not3A_3843 = arith.xori %not3A_3825, %not3A_3842 : vector<256x128xi1>
    %xor3A_3844 = arith.xori %xor3A_3841, %not3A_3843 : vector<256x128xi1>
    %select_n3A_3845 = arith.select %xor3A_3844, %select_n3A_3810, %select_n3A_3830 : vector<256x128xi1>, vector<256x128xf32>
    %select_n3A_3846 = arith.select %xor3A_3844, %select_n3A_3811, %select_n3A_3835 : vector<256x128xi1>, vector<256x128xi32>
    %and3A_3847 = arith.constant 4 : i32
    %and3A_3848 = vector.broadcast %and3A_3847 : i32 to vector<256x128xi32>
    %and3A_3849 = arith.andi %iota3A_6, %and3A_3848 : vector<256x128xi32>
    %ne3A_3850 = arith.constant 0 : i32
    %ne3A_3851 = vector.broadcast %ne3A_3850 : i32 to vector<256x128xi32>
    %ne3A_3852 = arith.cmpi ne, %and3A_3849, %ne3A_3851 : vector<256x128xi32>
    %and3A_3853 = arith.constant 256 : i32
    %and3A_3854 = vector.broadcast %and3A_3853 : i32 to vector<256x128xi32>
    %and3A_3855 = arith.andi %iota3A_6, %and3A_3854 : vector<256x128xi32>
    %ne3A_3856 = arith.constant 0 : i32
    %ne3A_3857 = vector.broadcast %ne3A_3856 : i32 to vector<256x128xi32>
    %ne3A_3858 = arith.cmpi ne, %and3A_3855, %ne3A_3857 : vector<256x128xi32>
    %not3A_3859 = arith.constant dense<true> : vector<256x128xi1>
    %not3A_3860 = arith.xori %ne3A_3858, %not3A_3859 : vector<256x128xi1>
    %roll3A_3861 = arith.constant 4 : i32
    %roll3A_3862 = tpu.dynamic_rotate %select_n3A_3845 by %roll3A_3861 dim 0 : vector<256x128xf32>, i32 -> vector<256x128xf32>
    %roll3A_3863 = arith.constant 252 : i32
    %roll3A_3864 = tpu.dynamic_rotate %select_n3A_3845 by %roll3A_3863 dim 0 : vector<256x128xf32>, i32 -> vector<256x128xf32>
    %select_n3A_3865 = arith.select %ne3A_3852, %roll3A_3862, %roll3A_3864 : vector<256x128xi1>, vector<256x128xf32>
    %roll3A_3866 = arith.constant 4 : i32
    %roll3A_3867 = tpu.dynamic_rotate %select_n3A_3846 by %roll3A_3866 dim 0 : vector<256x128xi32>, i32 -> vector<256x128xi32>
    %roll3A_3868 = arith.constant 252 : i32
    %roll3A_3869 = tpu.dynamic_rotate %select_n3A_3846 by %roll3A_3868 dim 0 : vector<256x128xi32>, i32 -> vector<256x128xi32>
    %select_n3A_3870 = arith.select %ne3A_3852, %roll3A_3867, %roll3A_3869 : vector<256x128xi1>, vector<256x128xi32>
    %gt3A_3871 = arith.cmpf ogt, %select_n3A_3845, %select_n3A_3865 : vector<256x128xf32>
    %eq3A_3872 = arith.cmpf oeq, %select_n3A_3845, %select_n3A_3865 : vector<256x128xf32>
    %lt3A_3873 = arith.cmpi slt, %select_n3A_3846, %select_n3A_3870 : vector<256x128xi32>
    %and3A_3874 = arith.andi %eq3A_3872, %lt3A_3873 : vector<256x128xi1>
    %or3A_3875 = arith.ori %gt3A_3871, %and3A_3874 : vector<256x128xi1>
    %xor3A_3876 = arith.xori %or3A_3875, %ne3A_3852 : vector<256x128xi1>
    %not3A_3877 = arith.constant dense<true> : vector<256x128xi1>
    %not3A_3878 = arith.xori %not3A_3860, %not3A_3877 : vector<256x128xi1>
    %xor3A_3879 = arith.xori %xor3A_3876, %not3A_3878 : vector<256x128xi1>
    %select_n3A_3880 = arith.select %xor3A_3879, %select_n3A_3845, %select_n3A_3865 : vector<256x128xi1>, vector<256x128xf32>
    %select_n3A_3881 = arith.select %xor3A_3879, %select_n3A_3846, %select_n3A_3870 : vector<256x128xi1>, vector<256x128xi32>
    %and3A_3882 = arith.constant 2 : i32
    %and3A_3883 = vector.broadcast %and3A_3882 : i32 to vector<256x128xi32>
    %and3A_3884 = arith.andi %iota3A_6, %and3A_3883 : vector<256x128xi32>
    %ne3A_3885 = arith.constant 0 : i32
    %ne3A_3886 = vector.broadcast %ne3A_3885 : i32 to vector<256x128xi32>
    %ne3A_3887 = arith.cmpi ne, %and3A_3884, %ne3A_3886 : vector<256x128xi32>
    %and3A_3888 = arith.constant 256 : i32
    %and3A_3889 = vector.broadcast %and3A_3888 : i32 to vector<256x128xi32>
    %and3A_3890 = arith.andi %iota3A_6, %and3A_3889 : vector<256x128xi32>
    %ne3A_3891 = arith.constant 0 : i32
    %ne3A_3892 = vector.broadcast %ne3A_3891 : i32 to vector<256x128xi32>
    %ne3A_3893 = arith.cmpi ne, %and3A_3890, %ne3A_3892 : vector<256x128xi32>
    %not3A_3894 = arith.constant dense<true> : vector<256x128xi1>
    %not3A_3895 = arith.xori %ne3A_3893, %not3A_3894 : vector<256x128xi1>
    %roll3A_3896 = arith.constant 2 : i32
    %roll3A_3897 = tpu.dynamic_rotate %select_n3A_3880 by %roll3A_3896 dim 0 : vector<256x128xf32>, i32 -> vector<256x128xf32>
    %roll3A_3898 = arith.constant 254 : i32
    %roll3A_3899 = tpu.dynamic_rotate %select_n3A_3880 by %roll3A_3898 dim 0 : vector<256x128xf32>, i32 -> vector<256x128xf32>
    %select_n3A_3900 = arith.select %ne3A_3887, %roll3A_3897, %roll3A_3899 : vector<256x128xi1>, vector<256x128xf32>
    %roll3A_3901 = arith.constant 2 : i32
    %roll3A_3902 = tpu.dynamic_rotate %select_n3A_3881 by %roll3A_3901 dim 0 : vector<256x128xi32>, i32 -> vector<256x128xi32>
    %roll3A_3903 = arith.constant 254 : i32
    %roll3A_3904 = tpu.dynamic_rotate %select_n3A_3881 by %roll3A_3903 dim 0 : vector<256x128xi32>, i32 -> vector<256x128xi32>
    %select_n3A_3905 = arith.select %ne3A_3887, %roll3A_3902, %roll3A_3904 : vector<256x128xi1>, vector<256x128xi32>
    %gt3A_3906 = arith.cmpf ogt, %select_n3A_3880, %select_n3A_3900 : vector<256x128xf32>
    %eq3A_3907 = arith.cmpf oeq, %select_n3A_3880, %select_n3A_3900 : vector<256x128xf32>
    %lt3A_3908 = arith.cmpi slt, %select_n3A_3881, %select_n3A_3905 : vector<256x128xi32>
    %and3A_3909 = arith.andi %eq3A_3907, %lt3A_3908 : vector<256x128xi1>
    %or3A_3910 = arith.ori %gt3A_3906, %and3A_3909 : vector<256x128xi1>
    %xor3A_3911 = arith.xori %or3A_3910, %ne3A_3887 : vector<256x128xi1>
    %not3A_3912 = arith.constant dense<true> : vector<256x128xi1>
    %not3A_3913 = arith.xori %not3A_3895, %not3A_3912 : vector<256x128xi1>
    %xor3A_3914 = arith.xori %xor3A_3911, %not3A_3913 : vector<256x128xi1>
    %select_n3A_3915 = arith.select %xor3A_3914, %select_n3A_3880, %select_n3A_3900 : vector<256x128xi1>, vector<256x128xf32>
    %select_n3A_3916 = arith.select %xor3A_3914, %select_n3A_3881, %select_n3A_3905 : vector<256x128xi1>, vector<256x128xi32>
    %and3A_3917 = arith.constant 1 : i32
    %and3A_3918 = vector.broadcast %and3A_3917 : i32 to vector<256x128xi32>
    %and3A_3919 = arith.andi %iota3A_6, %and3A_3918 : vector<256x128xi32>
    %ne3A_3920 = arith.constant 0 : i32
    %ne3A_3921 = vector.broadcast %ne3A_3920 : i32 to vector<256x128xi32>
    %ne3A_3922 = arith.cmpi ne, %and3A_3919, %ne3A_3921 : vector<256x128xi32>
    %and3A_3923 = arith.constant 256 : i32
    %and3A_3924 = vector.broadcast %and3A_3923 : i32 to vector<256x128xi32>
    %and3A_3925 = arith.andi %iota3A_6, %and3A_3924 : vector<256x128xi32>
    %ne3A_3926 = arith.constant 0 : i32
    %ne3A_3927 = vector.broadcast %ne3A_3926 : i32 to vector<256x128xi32>
    %ne3A_3928 = arith.cmpi ne, %and3A_3925, %ne3A_3927 : vector<256x128xi32>
    %not3A_3929 = arith.constant dense<true> : vector<256x128xi1>
    %not3A_3930 = arith.xori %ne3A_3928, %not3A_3929 : vector<256x128xi1>
    %roll3A_3931 = arith.constant 1 : i32
    %roll3A_3932 = tpu.dynamic_rotate %select_n3A_3915 by %roll3A_3931 dim 0 : vector<256x128xf32>, i32 -> vector<256x128xf32>
    %roll3A_3933 = arith.constant 255 : i32
    %roll3A_3934 = tpu.dynamic_rotate %select_n3A_3915 by %roll3A_3933 dim 0 : vector<256x128xf32>, i32 -> vector<256x128xf32>
    %select_n3A_3935 = arith.select %ne3A_3922, %roll3A_3932, %roll3A_3934 : vector<256x128xi1>, vector<256x128xf32>
    %roll3A_3936 = arith.constant 1 : i32
    %roll3A_3937 = tpu.dynamic_rotate %select_n3A_3916 by %roll3A_3936 dim 0 : vector<256x128xi32>, i32 -> vector<256x128xi32>
    %roll3A_3938 = arith.constant 255 : i32
    %roll3A_3939 = tpu.dynamic_rotate %select_n3A_3916 by %roll3A_3938 dim 0 : vector<256x128xi32>, i32 -> vector<256x128xi32>
    %select_n3A_3940 = arith.select %ne3A_3922, %roll3A_3937, %roll3A_3939 : vector<256x128xi1>, vector<256x128xi32>
    %gt3A_3941 = arith.cmpf ogt, %select_n3A_3915, %select_n3A_3935 : vector<256x128xf32>
    %eq3A_3942 = arith.cmpf oeq, %select_n3A_3915, %select_n3A_3935 : vector<256x128xf32>
    %lt3A_3943 = arith.cmpi slt, %select_n3A_3916, %select_n3A_3940 : vector<256x128xi32>
    %and3A_3944 = arith.andi %eq3A_3942, %lt3A_3943 : vector<256x128xi1>
    %or3A_3945 = arith.ori %gt3A_3941, %and3A_3944 : vector<256x128xi1>
    %xor3A_3946 = arith.xori %or3A_3945, %ne3A_3922 : vector<256x128xi1>
    %not3A_3947 = arith.constant dense<true> : vector<256x128xi1>
    %not3A_3948 = arith.xori %not3A_3930, %not3A_3947 : vector<256x128xi1>
    %xor3A_3949 = arith.xori %xor3A_3946, %not3A_3948 : vector<256x128xi1>
    %select_n3A_3950 = arith.select %xor3A_3949, %select_n3A_3915, %select_n3A_3935 : vector<256x128xi1>, vector<256x128xf32>
    %select_n3A_3951 = arith.select %xor3A_3949, %select_n3A_3916, %select_n3A_3940 : vector<256x128xi1>, vector<256x128xi32>
    %and3A_3952 = arith.constant 64 : i32
    %and3A_3953 = vector.broadcast %and3A_3952 : i32 to vector<256x128xi32>
    %and3A_3954 = arith.andi %iota3A_5, %and3A_3953 : vector<256x128xi32>
    %ne3A_3955 = arith.constant 0 : i32
    %ne3A_3956 = vector.broadcast %ne3A_3955 : i32 to vector<256x128xi32>
    %ne3A_3957 = arith.cmpi ne, %and3A_3954, %ne3A_3956 : vector<256x128xi32>
    %and3A_3958 = arith.constant 256 : i32
    %and3A_3959 = vector.broadcast %and3A_3958 : i32 to vector<256x128xi32>
    %and3A_3960 = arith.andi %iota3A_6, %and3A_3959 : vector<256x128xi32>
    %ne3A_3961 = arith.constant 0 : i32
    %ne3A_3962 = vector.broadcast %ne3A_3961 : i32 to vector<256x128xi32>
    %ne3A_3963 = arith.cmpi ne, %and3A_3960, %ne3A_3962 : vector<256x128xi32>
    %not3A_3964 = arith.constant dense<true> : vector<256x128xi1>
    %not3A_3965 = arith.xori %ne3A_3963, %not3A_3964 : vector<256x128xi1>
    %roll3A_3966 = arith.constant 64 : i32
    %roll3A_3967 = tpu.dynamic_rotate %select_n3A_3950 by %roll3A_3966 dim 1 : vector<256x128xf32>, i32 -> vector<256x128xf32>
    %roll3A_3968 = arith.constant 64 : i32
    %roll3A_3969 = tpu.dynamic_rotate %select_n3A_3950 by %roll3A_3968 dim 1 : vector<256x128xf32>, i32 -> vector<256x128xf32>
    %select_n3A_3970 = arith.select %ne3A_3957, %roll3A_3967, %roll3A_3969 : vector<256x128xi1>, vector<256x128xf32>
    %roll3A_3971 = arith.constant 64 : i32
    %roll3A_3972 = tpu.dynamic_rotate %select_n3A_3951 by %roll3A_3971 dim 1 : vector<256x128xi32>, i32 -> vector<256x128xi32>
    %roll3A_3973 = arith.constant 64 : i32
    %roll3A_3974 = tpu.dynamic_rotate %select_n3A_3951 by %roll3A_3973 dim 1 : vector<256x128xi32>, i32 -> vector<256x128xi32>
    %select_n3A_3975 = arith.select %ne3A_3957, %roll3A_3972, %roll3A_3974 : vector<256x128xi1>, vector<256x128xi32>
    %gt3A_3976 = arith.cmpf ogt, %select_n3A_3950, %select_n3A_3970 : vector<256x128xf32>
    %eq3A_3977 = arith.cmpf oeq, %select_n3A_3950, %select_n3A_3970 : vector<256x128xf32>
    %lt3A_3978 = arith.cmpi slt, %select_n3A_3951, %select_n3A_3975 : vector<256x128xi32>
    %and3A_3979 = arith.andi %eq3A_3977, %lt3A_3978 : vector<256x128xi1>
    %or3A_3980 = arith.ori %gt3A_3976, %and3A_3979 : vector<256x128xi1>
    %xor3A_3981 = arith.xori %or3A_3980, %ne3A_3957 : vector<256x128xi1>
    %not3A_3982 = arith.constant dense<true> : vector<256x128xi1>
    %not3A_3983 = arith.xori %not3A_3965, %not3A_3982 : vector<256x128xi1>
    %xor3A_3984 = arith.xori %xor3A_3981, %not3A_3983 : vector<256x128xi1>
    %select_n3A_3985 = arith.select %xor3A_3984, %select_n3A_3950, %select_n3A_3970 : vector<256x128xi1>, vector<256x128xf32>
    %select_n3A_3986 = arith.select %xor3A_3984, %select_n3A_3951, %select_n3A_3975 : vector<256x128xi1>, vector<256x128xi32>
    %and3A_3987 = arith.constant 32 : i32
    %and3A_3988 = vector.broadcast %and3A_3987 : i32 to vector<256x128xi32>
    %and3A_3989 = arith.andi %iota3A_5, %and3A_3988 : vector<256x128xi32>
    %ne3A_3990 = arith.constant 0 : i32
    %ne3A_3991 = vector.broadcast %ne3A_3990 : i32 to vector<256x128xi32>
    %ne3A_3992 = arith.cmpi ne, %and3A_3989, %ne3A_3991 : vector<256x128xi32>
    %and3A_3993 = arith.constant 256 : i32
    %and3A_3994 = vector.broadcast %and3A_3993 : i32 to vector<256x128xi32>
    %and3A_3995 = arith.andi %iota3A_6, %and3A_3994 : vector<256x128xi32>
    %ne3A_3996 = arith.constant 0 : i32
    %ne3A_3997 = vector.broadcast %ne3A_3996 : i32 to vector<256x128xi32>
    %ne3A_3998 = arith.cmpi ne, %and3A_3995, %ne3A_3997 : vector<256x128xi32>
    %not3A_3999 = arith.constant dense<true> : vector<256x128xi1>
    %not3A_4000 = arith.xori %ne3A_3998, %not3A_3999 : vector<256x128xi1>
    %roll3A_4001 = arith.constant 32 : i32
    %roll3A_4002 = tpu.dynamic_rotate %select_n3A_3985 by %roll3A_4001 dim 1 : vector<256x128xf32>, i32 -> vector<256x128xf32>
    %roll3A_4003 = arith.constant 96 : i32
    %roll3A_4004 = tpu.dynamic_rotate %select_n3A_3985 by %roll3A_4003 dim 1 : vector<256x128xf32>, i32 -> vector<256x128xf32>
    %select_n3A_4005 = arith.select %ne3A_3992, %roll3A_4002, %roll3A_4004 : vector<256x128xi1>, vector<256x128xf32>
    %roll3A_4006 = arith.constant 32 : i32
    %roll3A_4007 = tpu.dynamic_rotate %select_n3A_3986 by %roll3A_4006 dim 1 : vector<256x128xi32>, i32 -> vector<256x128xi32>
    %roll3A_4008 = arith.constant 96 : i32
    %roll3A_4009 = tpu.dynamic_rotate %select_n3A_3986 by %roll3A_4008 dim 1 : vector<256x128xi32>, i32 -> vector<256x128xi32>
    %select_n3A_4010 = arith.select %ne3A_3992, %roll3A_4007, %roll3A_4009 : vector<256x128xi1>, vector<256x128xi32>
    %gt3A_4011 = arith.cmpf ogt, %select_n3A_3985, %select_n3A_4005 : vector<256x128xf32>
    %eq3A_4012 = arith.cmpf oeq, %select_n3A_3985, %select_n3A_4005 : vector<256x128xf32>
    %lt3A_4013 = arith.cmpi slt, %select_n3A_3986, %select_n3A_4010 : vector<256x128xi32>
    %and3A_4014 = arith.andi %eq3A_4012, %lt3A_4013 : vector<256x128xi1>
    %or3A_4015 = arith.ori %gt3A_4011, %and3A_4014 : vector<256x128xi1>
    %xor3A_4016 = arith.xori %or3A_4015, %ne3A_3992 : vector<256x128xi1>
    %not3A_4017 = arith.constant dense<true> : vector<256x128xi1>
    %not3A_4018 = arith.xori %not3A_4000, %not3A_4017 : vector<256x128xi1>
    %xor3A_4019 = arith.xori %xor3A_4016, %not3A_4018 : vector<256x128xi1>
    %select_n3A_4020 = arith.select %xor3A_4019, %select_n3A_3985, %select_n3A_4005 : vector<256x128xi1>, vector<256x128xf32>
    %select_n3A_4021 = arith.select %xor3A_4019, %select_n3A_3986, %select_n3A_4010 : vector<256x128xi1>, vector<256x128xi32>
    %and3A_4022 = arith.constant 16 : i32
    %and3A_4023 = vector.broadcast %and3A_4022 : i32 to vector<256x128xi32>
    %and3A_4024 = arith.andi %iota3A_5, %and3A_4023 : vector<256x128xi32>
    %ne3A_4025 = arith.constant 0 : i32
    %ne3A_4026 = vector.broadcast %ne3A_4025 : i32 to vector<256x128xi32>
    %ne3A_4027 = arith.cmpi ne, %and3A_4024, %ne3A_4026 : vector<256x128xi32>
    %and3A_4028 = arith.constant 256 : i32
    %and3A_4029 = vector.broadcast %and3A_4028 : i32 to vector<256x128xi32>
    %and3A_4030 = arith.andi %iota3A_6, %and3A_4029 : vector<256x128xi32>
    %ne3A_4031 = arith.constant 0 : i32
    %ne3A_4032 = vector.broadcast %ne3A_4031 : i32 to vector<256x128xi32>
    %ne3A_4033 = arith.cmpi ne, %and3A_4030, %ne3A_4032 : vector<256x128xi32>
    %not3A_4034 = arith.constant dense<true> : vector<256x128xi1>
    %not3A_4035 = arith.xori %ne3A_4033, %not3A_4034 : vector<256x128xi1>
    %roll3A_4036 = arith.constant 16 : i32
    %roll3A_4037 = tpu.dynamic_rotate %select_n3A_4020 by %roll3A_4036 dim 1 : vector<256x128xf32>, i32 -> vector<256x128xf32>
    %roll3A_4038 = arith.constant 112 : i32
    %roll3A_4039 = tpu.dynamic_rotate %select_n3A_4020 by %roll3A_4038 dim 1 : vector<256x128xf32>, i32 -> vector<256x128xf32>
    %select_n3A_4040 = arith.select %ne3A_4027, %roll3A_4037, %roll3A_4039 : vector<256x128xi1>, vector<256x128xf32>
    %roll3A_4041 = arith.constant 16 : i32
    %roll3A_4042 = tpu.dynamic_rotate %select_n3A_4021 by %roll3A_4041 dim 1 : vector<256x128xi32>, i32 -> vector<256x128xi32>
    %roll3A_4043 = arith.constant 112 : i32
    %roll3A_4044 = tpu.dynamic_rotate %select_n3A_4021 by %roll3A_4043 dim 1 : vector<256x128xi32>, i32 -> vector<256x128xi32>
    %select_n3A_4045 = arith.select %ne3A_4027, %roll3A_4042, %roll3A_4044 : vector<256x128xi1>, vector<256x128xi32>
    %gt3A_4046 = arith.cmpf ogt, %select_n3A_4020, %select_n3A_4040 : vector<256x128xf32>
    %eq3A_4047 = arith.cmpf oeq, %select_n3A_4020, %select_n3A_4040 : vector<256x128xf32>
    %lt3A_4048 = arith.cmpi slt, %select_n3A_4021, %select_n3A_4045 : vector<256x128xi32>
    %and3A_4049 = arith.andi %eq3A_4047, %lt3A_4048 : vector<256x128xi1>
    %or3A_4050 = arith.ori %gt3A_4046, %and3A_4049 : vector<256x128xi1>
    %xor3A_4051 = arith.xori %or3A_4050, %ne3A_4027 : vector<256x128xi1>
    %not3A_4052 = arith.constant dense<true> : vector<256x128xi1>
    %not3A_4053 = arith.xori %not3A_4035, %not3A_4052 : vector<256x128xi1>
    %xor3A_4054 = arith.xori %xor3A_4051, %not3A_4053 : vector<256x128xi1>
    %select_n3A_4055 = arith.select %xor3A_4054, %select_n3A_4020, %select_n3A_4040 : vector<256x128xi1>, vector<256x128xf32>
    %select_n3A_4056 = arith.select %xor3A_4054, %select_n3A_4021, %select_n3A_4045 : vector<256x128xi1>, vector<256x128xi32>
    %and3A_4057 = arith.constant 8 : i32
    %and3A_4058 = vector.broadcast %and3A_4057 : i32 to vector<256x128xi32>
    %and3A_4059 = arith.andi %iota3A_5, %and3A_4058 : vector<256x128xi32>
    %ne3A_4060 = arith.constant 0 : i32
    %ne3A_4061 = vector.broadcast %ne3A_4060 : i32 to vector<256x128xi32>
    %ne3A_4062 = arith.cmpi ne, %and3A_4059, %ne3A_4061 : vector<256x128xi32>
    %and3A_4063 = arith.constant 256 : i32
    %and3A_4064 = vector.broadcast %and3A_4063 : i32 to vector<256x128xi32>
    %and3A_4065 = arith.andi %iota3A_6, %and3A_4064 : vector<256x128xi32>
    %ne3A_4066 = arith.constant 0 : i32
    %ne3A_4067 = vector.broadcast %ne3A_4066 : i32 to vector<256x128xi32>
    %ne3A_4068 = arith.cmpi ne, %and3A_4065, %ne3A_4067 : vector<256x128xi32>
    %not3A_4069 = arith.constant dense<true> : vector<256x128xi1>
    %not3A_4070 = arith.xori %ne3A_4068, %not3A_4069 : vector<256x128xi1>
    %roll3A_4071 = arith.constant 8 : i32
    %roll3A_4072 = tpu.dynamic_rotate %select_n3A_4055 by %roll3A_4071 dim 1 : vector<256x128xf32>, i32 -> vector<256x128xf32>
    %roll3A_4073 = arith.constant 120 : i32
    %roll3A_4074 = tpu.dynamic_rotate %select_n3A_4055 by %roll3A_4073 dim 1 : vector<256x128xf32>, i32 -> vector<256x128xf32>
    %select_n3A_4075 = arith.select %ne3A_4062, %roll3A_4072, %roll3A_4074 : vector<256x128xi1>, vector<256x128xf32>
    %roll3A_4076 = arith.constant 8 : i32
    %roll3A_4077 = tpu.dynamic_rotate %select_n3A_4056 by %roll3A_4076 dim 1 : vector<256x128xi32>, i32 -> vector<256x128xi32>
    %roll3A_4078 = arith.constant 120 : i32
    %roll3A_4079 = tpu.dynamic_rotate %select_n3A_4056 by %roll3A_4078 dim 1 : vector<256x128xi32>, i32 -> vector<256x128xi32>
    %select_n3A_4080 = arith.select %ne3A_4062, %roll3A_4077, %roll3A_4079 : vector<256x128xi1>, vector<256x128xi32>
    %gt3A_4081 = arith.cmpf ogt, %select_n3A_4055, %select_n3A_4075 : vector<256x128xf32>
    %eq3A_4082 = arith.cmpf oeq, %select_n3A_4055, %select_n3A_4075 : vector<256x128xf32>
    %lt3A_4083 = arith.cmpi slt, %select_n3A_4056, %select_n3A_4080 : vector<256x128xi32>
    %and3A_4084 = arith.andi %eq3A_4082, %lt3A_4083 : vector<256x128xi1>
    %or3A_4085 = arith.ori %gt3A_4081, %and3A_4084 : vector<256x128xi1>
    %xor3A_4086 = arith.xori %or3A_4085, %ne3A_4062 : vector<256x128xi1>
    %not3A_4087 = arith.constant dense<true> : vector<256x128xi1>
    %not3A_4088 = arith.xori %not3A_4070, %not3A_4087 : vector<256x128xi1>
    %xor3A_4089 = arith.xori %xor3A_4086, %not3A_4088 : vector<256x128xi1>
    %select_n3A_4090 = arith.select %xor3A_4089, %select_n3A_4055, %select_n3A_4075 : vector<256x128xi1>, vector<256x128xf32>
    %select_n3A_4091 = arith.select %xor3A_4089, %select_n3A_4056, %select_n3A_4080 : vector<256x128xi1>, vector<256x128xi32>
    %and3A_4092 = arith.constant 4 : i32
    %and3A_4093 = vector.broadcast %and3A_4092 : i32 to vector<256x128xi32>
    %and3A_4094 = arith.andi %iota3A_5, %and3A_4093 : vector<256x128xi32>
    %ne3A_4095 = arith.constant 0 : i32
    %ne3A_4096 = vector.broadcast %ne3A_4095 : i32 to vector<256x128xi32>
    %ne3A_4097 = arith.cmpi ne, %and3A_4094, %ne3A_4096 : vector<256x128xi32>
    %and3A_4098 = arith.constant 256 : i32
    %and3A_4099 = vector.broadcast %and3A_4098 : i32 to vector<256x128xi32>
    %and3A_4100 = arith.andi %iota3A_6, %and3A_4099 : vector<256x128xi32>
    %ne3A_4101 = arith.constant 0 : i32
    %ne3A_4102 = vector.broadcast %ne3A_4101 : i32 to vector<256x128xi32>
    %ne3A_4103 = arith.cmpi ne, %and3A_4100, %ne3A_4102 : vector<256x128xi32>
    %not3A_4104 = arith.constant dense<true> : vector<256x128xi1>
    %not3A_4105 = arith.xori %ne3A_4103, %not3A_4104 : vector<256x128xi1>
    %roll3A_4106 = arith.constant 4 : i32
    %roll3A_4107 = tpu.dynamic_rotate %select_n3A_4090 by %roll3A_4106 dim 1 : vector<256x128xf32>, i32 -> vector<256x128xf32>
    %roll3A_4108 = arith.constant 124 : i32
    %roll3A_4109 = tpu.dynamic_rotate %select_n3A_4090 by %roll3A_4108 dim 1 : vector<256x128xf32>, i32 -> vector<256x128xf32>
    %select_n3A_4110 = arith.select %ne3A_4097, %roll3A_4107, %roll3A_4109 : vector<256x128xi1>, vector<256x128xf32>
    %roll3A_4111 = arith.constant 4 : i32
    %roll3A_4112 = tpu.dynamic_rotate %select_n3A_4091 by %roll3A_4111 dim 1 : vector<256x128xi32>, i32 -> vector<256x128xi32>
    %roll3A_4113 = arith.constant 124 : i32
    %roll3A_4114 = tpu.dynamic_rotate %select_n3A_4091 by %roll3A_4113 dim 1 : vector<256x128xi32>, i32 -> vector<256x128xi32>
    %select_n3A_4115 = arith.select %ne3A_4097, %roll3A_4112, %roll3A_4114 : vector<256x128xi1>, vector<256x128xi32>
    %gt3A_4116 = arith.cmpf ogt, %select_n3A_4090, %select_n3A_4110 : vector<256x128xf32>
    %eq3A_4117 = arith.cmpf oeq, %select_n3A_4090, %select_n3A_4110 : vector<256x128xf32>
    %lt3A_4118 = arith.cmpi slt, %select_n3A_4091, %select_n3A_4115 : vector<256x128xi32>
    %and3A_4119 = arith.andi %eq3A_4117, %lt3A_4118 : vector<256x128xi1>
    %or3A_4120 = arith.ori %gt3A_4116, %and3A_4119 : vector<256x128xi1>
    %xor3A_4121 = arith.xori %or3A_4120, %ne3A_4097 : vector<256x128xi1>
    %not3A_4122 = arith.constant dense<true> : vector<256x128xi1>
    %not3A_4123 = arith.xori %not3A_4105, %not3A_4122 : vector<256x128xi1>
    %xor3A_4124 = arith.xori %xor3A_4121, %not3A_4123 : vector<256x128xi1>
    %select_n3A_4125 = arith.select %xor3A_4124, %select_n3A_4090, %select_n3A_4110 : vector<256x128xi1>, vector<256x128xf32>
    %select_n3A_4126 = arith.select %xor3A_4124, %select_n3A_4091, %select_n3A_4115 : vector<256x128xi1>, vector<256x128xi32>
    %and3A_4127 = arith.constant 2 : i32
    %and3A_4128 = vector.broadcast %and3A_4127 : i32 to vector<256x128xi32>
    %and3A_4129 = arith.andi %iota3A_5, %and3A_4128 : vector<256x128xi32>
    %ne3A_4130 = arith.constant 0 : i32
    %ne3A_4131 = vector.broadcast %ne3A_4130 : i32 to vector<256x128xi32>
    %ne3A_4132 = arith.cmpi ne, %and3A_4129, %ne3A_4131 : vector<256x128xi32>
    %and3A_4133 = arith.constant 256 : i32
    %and3A_4134 = vector.broadcast %and3A_4133 : i32 to vector<256x128xi32>
    %and3A_4135 = arith.andi %iota3A_6, %and3A_4134 : vector<256x128xi32>
    %ne3A_4136 = arith.constant 0 : i32
    %ne3A_4137 = vector.broadcast %ne3A_4136 : i32 to vector<256x128xi32>
    %ne3A_4138 = arith.cmpi ne, %and3A_4135, %ne3A_4137 : vector<256x128xi32>
    %not3A_4139 = arith.constant dense<true> : vector<256x128xi1>
    %not3A_4140 = arith.xori %ne3A_4138, %not3A_4139 : vector<256x128xi1>
    %roll3A_4141 = arith.constant 2 : i32
    %roll3A_4142 = tpu.dynamic_rotate %select_n3A_4125 by %roll3A_4141 dim 1 : vector<256x128xf32>, i32 -> vector<256x128xf32>
    %roll3A_4143 = arith.constant 126 : i32
    %roll3A_4144 = tpu.dynamic_rotate %select_n3A_4125 by %roll3A_4143 dim 1 : vector<256x128xf32>, i32 -> vector<256x128xf32>
    %select_n3A_4145 = arith.select %ne3A_4132, %roll3A_4142, %roll3A_4144 : vector<256x128xi1>, vector<256x128xf32>
    %roll3A_4146 = arith.constant 2 : i32
    %roll3A_4147 = tpu.dynamic_rotate %select_n3A_4126 by %roll3A_4146 dim 1 : vector<256x128xi32>, i32 -> vector<256x128xi32>
    %roll3A_4148 = arith.constant 126 : i32
    %roll3A_4149 = tpu.dynamic_rotate %select_n3A_4126 by %roll3A_4148 dim 1 : vector<256x128xi32>, i32 -> vector<256x128xi32>
    %select_n3A_4150 = arith.select %ne3A_4132, %roll3A_4147, %roll3A_4149 : vector<256x128xi1>, vector<256x128xi32>
    %gt3A_4151 = arith.cmpf ogt, %select_n3A_4125, %select_n3A_4145 : vector<256x128xf32>
    %eq3A_4152 = arith.cmpf oeq, %select_n3A_4125, %select_n3A_4145 : vector<256x128xf32>
    %lt3A_4153 = arith.cmpi slt, %select_n3A_4126, %select_n3A_4150 : vector<256x128xi32>
    %and3A_4154 = arith.andi %eq3A_4152, %lt3A_4153 : vector<256x128xi1>
    %or3A_4155 = arith.ori %gt3A_4151, %and3A_4154 : vector<256x128xi1>
    %xor3A_4156 = arith.xori %or3A_4155, %ne3A_4132 : vector<256x128xi1>
    %not3A_4157 = arith.constant dense<true> : vector<256x128xi1>
    %not3A_4158 = arith.xori %not3A_4140, %not3A_4157 : vector<256x128xi1>
    %xor3A_4159 = arith.xori %xor3A_4156, %not3A_4158 : vector<256x128xi1>
    %select_n3A_4160 = arith.select %xor3A_4159, %select_n3A_4125, %select_n3A_4145 : vector<256x128xi1>, vector<256x128xf32>
    %select_n3A_4161 = arith.select %xor3A_4159, %select_n3A_4126, %select_n3A_4150 : vector<256x128xi1>, vector<256x128xi32>
    %and3A_4162 = arith.constant 1 : i32
    %and3A_4163 = vector.broadcast %and3A_4162 : i32 to vector<256x128xi32>
    %and3A_4164 = arith.andi %iota3A_5, %and3A_4163 : vector<256x128xi32>
    %ne3A_4165 = arith.constant 0 : i32
    %ne3A_4166 = vector.broadcast %ne3A_4165 : i32 to vector<256x128xi32>
    %ne3A_4167 = arith.cmpi ne, %and3A_4164, %ne3A_4166 : vector<256x128xi32>
    %and3A_4168 = arith.constant 256 : i32
    %and3A_4169 = vector.broadcast %and3A_4168 : i32 to vector<256x128xi32>
    %and3A_4170 = arith.andi %iota3A_6, %and3A_4169 : vector<256x128xi32>
    %ne3A_4171 = arith.constant 0 : i32
    %ne3A_4172 = vector.broadcast %ne3A_4171 : i32 to vector<256x128xi32>
    %ne3A_4173 = arith.cmpi ne, %and3A_4170, %ne3A_4172 : vector<256x128xi32>
    %not3A_4174 = arith.constant dense<true> : vector<256x128xi1>
    %not3A_4175 = arith.xori %ne3A_4173, %not3A_4174 : vector<256x128xi1>
    %roll3A_4176 = arith.constant 1 : i32
    %roll3A_4177 = tpu.dynamic_rotate %select_n3A_4160 by %roll3A_4176 dim 1 : vector<256x128xf32>, i32 -> vector<256x128xf32>
    %roll3A_4178 = arith.constant 127 : i32
    %roll3A_4179 = tpu.dynamic_rotate %select_n3A_4160 by %roll3A_4178 dim 1 : vector<256x128xf32>, i32 -> vector<256x128xf32>
    %select_n3A_4180 = arith.select %ne3A_4167, %roll3A_4177, %roll3A_4179 : vector<256x128xi1>, vector<256x128xf32>
    %roll3A_4181 = arith.constant 1 : i32
    %roll3A_4182 = tpu.dynamic_rotate %select_n3A_4161 by %roll3A_4181 dim 1 : vector<256x128xi32>, i32 -> vector<256x128xi32>
    %roll3A_4183 = arith.constant 127 : i32
    %roll3A_4184 = tpu.dynamic_rotate %select_n3A_4161 by %roll3A_4183 dim 1 : vector<256x128xi32>, i32 -> vector<256x128xi32>
    %select_n3A_4185 = arith.select %ne3A_4167, %roll3A_4182, %roll3A_4184 : vector<256x128xi1>, vector<256x128xi32>
    %gt3A_4186 = arith.cmpf ogt, %select_n3A_4160, %select_n3A_4180 : vector<256x128xf32>
    %eq3A_4187 = arith.cmpf oeq, %select_n3A_4160, %select_n3A_4180 : vector<256x128xf32>
    %lt3A_4188 = arith.cmpi slt, %select_n3A_4161, %select_n3A_4185 : vector<256x128xi32>
    %and3A_4189 = arith.andi %eq3A_4187, %lt3A_4188 : vector<256x128xi1>
    %or3A_4190 = arith.ori %gt3A_4186, %and3A_4189 : vector<256x128xi1>
    %xor3A_4191 = arith.xori %or3A_4190, %ne3A_4167 : vector<256x128xi1>
    %not3A_4192 = arith.constant dense<true> : vector<256x128xi1>
    %not3A_4193 = arith.xori %not3A_4175, %not3A_4192 : vector<256x128xi1>
    %xor3A_4194 = arith.xori %xor3A_4191, %not3A_4193 : vector<256x128xi1>
    %select_n3A_4195 = arith.select %xor3A_4194, %select_n3A_4161, %select_n3A_4185 : vector<256x128xi1>, vector<256x128xi32>
    %swap3A = arith.constant 0 : index
    %swap3A_4196 = arith.constant 0 : index
    %swap3A_4197 = vector.load %arg1[%swap3A, %swap3A_4196] : memref<256x128xi32, #tpu.memory_space<vmem>>, vector<256x128xi32>
    tpu.vector_store %arg1[%swap3A, %swap3A_4196], %select_n3A_4195 {strides = array<i32>} : memref<256x128xi32, #tpu.memory_space<vmem>>, vector<256x128xi32>,
    return
  }
}

</mosaic_0001>

<sc_bundles>
// kernel: kernel.4.cloned.1.call-start
scs
__scs_entry_jumppad:
0x0: {  	(pc) =	sbr.rel $0x88, $3  }
0x1: {  	(tag) =	ssettag $0x0;
	lr =	simm.s32 $0x1  }
0x2: {  	[smem:$0x3F9E] =	sst lr;
	_ =	strace $0xD0000000  }
0x3: {  	_ = 	snop  }
0x4: {  	_ = 	snop  }
0x5: {  	_ = 	snop  }
0x6: {  	_ = 	snop  }
0x7: {  	_ = 	snop  }
__scs_overlays_trampoline_lowered:
0x8: {  	[smem:$0x3FAD] =	sst s0  }
0x9: {  	[smem:$0x3FAE] =	sst s1  }
0xa: {  	[smem:$0x3FAF] =	sst s2  }
0xb: {  	[smem:$0x3FB0] =	sst s3  }
0xc: {  	[smem:$0x3FB1] =	sst s4  }
0xd: {  	[smem:$0x3FB2] =	sst s5  }
0xe: {  	[smem:$0x3FB3] =	sst s6  }
0xf: {  	[smem:$0x3FB4] =	sst s7  }
0x10: {  	[smem:$0x3FB5] =	sst s8  }
0x11: {  	[smem:$0x3FB6] =	sst s9;
	s0 =	simm.s32 @!p0 $0x0  }
0x12: {  	s1 =	sld [smem:$0x3F9C];
	s0 =	simm.s32 @p0 $0x1  }
0x13: {  	[smem:$0x3FB7] =	sst s0;
	s0 =	simm.s32 @!p1 $0x0  }
0x14: {  	s2 =	sld [smem:$0x3F9B];
	s0 =	simm.s32 @p1 $0x1  }
0x15: {  	[smem:$0x3FB8] =	sst s0;
	s0 =	simm.s32 @!p2 $0x0  }
0x16: {  	s3 =	sld [smem:$0x3FDB];
	s0 =	simm.s32 @p2 $0x1  }
0x17: {  	s4 =	simm.s32 $0x1BF5;
	[smem:$0x3FBA] =	sst s0  }
0x18: {  	s0 =	sld [smem:$0x3F9D];
	_ =	swait.ge [sflag:s4], $0x0  }
0x19: {  	s7 =	sld [smem:$0x3F9E]  }
0x1a: {  	s8 =	sadd.s32 $0xFFFFE003, lr  }
0x1b: {  	s9 =	sadd.s32 $0xFFFFFEF7, lr;
	s5 =	simm.s32 $0xFFFFFFFF;
	p2 =	slt.u32 s8, $0xFFFFF086  }
0x1c: {  	p1 =	slt.u32 s9, $0xF7A;
	s5 =	simm.s32 @!p2 $0x0  }
0x1d: {  	s5 =	simm.s32 @p1 $0x1;
	p0 =	seq.s32 s7, s2  }
0x1e: {  	s7 =	smul.u32 @!p0 $0xF7A, s2;
	p2 =	seq.s32 @!p0 s5, $0x0  }
0x1f: {  	s9 =	smul.u32 $0xF7A, s1;
	s8 =	simm.s32 @!p0 $0x1BF5;
	p2 =	por !p2, p0  }
0x20: {  	[sflag:s8] =	ssyncset.s32 @!p0 $0xFFFFF086;
	s6 =	sadd.s32 @!p0 s3, s7;
	s7 =	simm.s32 @!p0 $0x108  }
0x21: {  	s3 =	sadd.s32 s3, s9;
	s6 =	sadd.s32 @!p0 $0x88, s6;
	s7 =	simm.s32 @p2 $0x1082  }
0x22: {  	[simem:s7], [sflag:s8] =	dma.local @!p0 [hbm:s6], $0xF7A  }
0x23: {  	s9 =	sor.u32 $0xD0000000, s2;
	s6 =	simm.s32 $0x108;
	_ =	swait.ge @!p0 [sflag:s8], $0x0  }
0x24: {  	s3 =	sadd.s32 $0x88, s3;
	s6 =	simm.s32 @!p1 $0x1082;
	[sflag:s4] =	ssyncset.s32 $0xFFFFF086  }
0x25: {  	[simem:s6], [sflag:s4] =	dma.local [hbm:s3], $0xF7A  }
0x26: {  	[smem:$0x3F9E] =	sst s1;
	(tag) =	ssettag s2;
	_ =	strace s9  }
0x27: {  	s1 =	sld [smem:$0x3FAE]  }
0x28: {  	s2 =	sld [smem:$0x3FAF]  }
0x29: {  	s4 =	sld [smem:$0x3FB1]  }
0x2a: {  	p0 =	seq.s32 s5, $0x0;
	s5 =	sld [smem:$0x3FB2]  }
0x2b: {  	s6 =	sld [smem:$0x3FB3]  }
0x2c: {  	s7 =	sld [smem:$0x3FB4]  }
0x2d: {  	s3 =	simm.s32 $0x108;
	s8 =	sld [smem:$0x3FB5]  }
0x2e: {  	s3 =	simm.s32 @!p0 $0x1082;
	s9 =	sld [smem:$0x3FB6]  }
0x2f: {  	lr =	sadd.s32 s0, s3;
	s0 =	sld [smem:$0x3FAD]  }
0x30: {  	s3 =	sld [smem:$0x3FB0]  }
0x31: {  	[smem:$0x3FB9] =	sst s10  }
0x32: {  	s10 =	sld [smem:$0x3FB7];
	_ =	sdelay $0x3  }
0x33: {  	p0 =	seq.s32 s10, $0x1;
	s10 =	sld [smem:$0x3FB9];
	_ =	sdelay $0x3  }
0x34: {  	[smem:$0x3FB9] =	sst s10  }
0x35: {  	s10 =	sld [smem:$0x3FB8];
	_ =	sdelay $0x3  }
0x36: {  	p1 =	seq.s32 s10, $0x1;
	s10 =	sld [smem:$0x3FB9];
	_ =	sdelay $0x3  }
0x37: {  	[smem:$0x3FB9] =	sst s10  }
0x38: {  	s10 =	sld [smem:$0x3FBA]  }
0x39: {  	_ = 	snop;
	(pc) =	sbr.ind lr, $3  }
0x3a: {  	_ = 	snop  }
0x3b: {  	_ = 	snop  }
0x3c: {  	p2 =	seq.s32 s10, $0x1;
	s10 =	sld [smem:$0x3FB9]  }
0x3d: {  	_ =	shalt  }
0x3e: {  	_ =	shalt  }
0x3f: {  	_ =	shalt  }
0x40: {  	_ =	shalt  }
0x41: {  	_ =	shalt  }
0x42: {  	_ =	shalt  }
0x43: {  	_ =	shalt  }
0x44: {  	_ =	shalt  }
0x45: {  	_ =	shalt  }
0x46: {  	_ =	shalt  }
0x47: {  	_ =	shalt  }
0x48: {  	_ =	shalt  }
0x49: {  	_ =	shalt  }
0x4a: {  	_ =	shalt  }
0x4b: {  	_ =	shalt  }
0x4c: {  	_ =	shalt  }
0x4d: {  	_ =	shalt  }
0x4e: {  	_ =	shalt  }
0x4f: {  	_ =	shalt  }
0x50: {  	_ =	shalt  }
0x51: {  	_ =	shalt  }
0x52: {  	_ =	shalt  }
0x53: {  	_ =	shalt  }
0x54: {  	_ =	shalt  }
0x55: {  	_ =	shalt  }
0x56: {  	_ =	shalt  }
0x57: {  	_ =	shalt  }
0x58: {  	_ =	shalt  }
0x59: {  	_ =	shalt  }
0x5a: {  	_ =	shalt  }
0x5b: {  	_ =	shalt  }
0x5c: {  	_ =	shalt  }
0x5d: {  	_ =	shalt  }
0x5e: {  	_ =	shalt  }
0x5f: {  	_ =	shalt  }
0x60: {  	_ =	shalt  }
0x61: {  	_ =	shalt  }
0x62: {  	_ =	shalt  }
0x63: {  	_ =	shalt  }
0x64: {  	_ =	shalt  }
0x65: {  	_ =	shalt  }
0x66: {  	_ =	shalt  }
0x67: {  	_ =	shalt  }
0x68: {  	_ =	shalt  }
0x69: {  	_ =	shalt  }
0x6a: {  	_ =	shalt  }
0x6b: {  	_ =	shalt  }
0x6c: {  	_ =	shalt  }
0x6d: {  	_ =	shalt  }
0x6e: {  	_ =	shalt  }
0x6f: {  	_ =	shalt  }
0x70: {  	_ =	shalt  }
0x71: {  	_ =	shalt  }
0x72: {  	_ =	shalt  }
0x73: {  	_ =	shalt  }
0x74: {  	_ =	shalt  }
0x75: {  	_ =	shalt  }
0x76: {  	_ =	shalt  }
0x77: {  	_ =	shalt  }
0x78: {  	_ =	shalt  }
0x79: {  	_ =	shalt  }
0x7a: {  	_ =	shalt  }
0x7b: {  	_ =	shalt  }
0x7c: {  	_ =	shalt  }
0x7d: {  	_ =	shalt  }
0x7e: {  	_ =	shalt  }
0x7f: {  	_ =	shalt  }
0x80: {  	_ =	shalt  }
0x81: {  	_ =	shalt  }
0x82: {  	_ =	shalt  }
0x83: {  	_ =	shalt  }
0x84: {  	_ =	shalt  }
0x85: {  	_ =	shalt  }
0x86: {  	_ =	shalt  }
0x87: {  	_ =	shalt  }
.Lfunc_end0:
.L_simem_size_0:
called_computation.1_lowered:
.L_overlay_start_0:
0x88: {  	s2 =	sld [smem:$0x3FD9]  }
0x89: {  	s3 =	sld [smem:$0x3FFE];
	_ =	sdelay $0x1  }
0x8a: {  	s1 =	srdreg.scid  }
0x8b: {  	s0 =	sand.u32 $0x1, s1  }
0x8c: {  	s17 =	sshll.u32 s0, $0xA;
	s2 =	sadd.s32 s3, s2  }
0x8d: {  	s2 =	sadd.s32 s2, s17  }
0x8e: {  	[smem:$0x3FC5] =	sst s2  }
0x8f: {  	_ = 	snop  }
0x90: {  	s2 =	sld [smem:$0x3FD0];
	(tm) =	ssettm $0x1  }
0x91: {  	s18 =	sld [smem:$0x3FFB];
	_ =	sdelay $0x3  }
0x92: {  	_ =	strace s18  }
0x93: {  	s3 =	sld [smem:$0x3FFC];
	_ =	sdelay $0x3  }
0x94: {  	_ =	strace s3  }
0x95: {  	s3 =	sld [smem:$0x3FFD];
	_ =	sdelay $0x3  }
0x96: {  	_ =	strace s3  }
0x97: {  	_ =	strace $0x8FFFFFFF  }
0x98: {  	s19 =	sld [smem:$0x3FDB];
	_ =	sdelay $0x1  }
0x99: {  	s4 =	simm.s32 $_scs_section_size  }
0x9a: {  	s5 =	simm.s32 $_size__tile_overlayer_lowered;
	s6 =	simm.s32 $_tile_overlayer_lowered  }
0x9b: {  	s22 =	simm.s32 $0x1BFF;
	s21 =	sshll.u32 s6, $0x1;
	s3 =	sadd.s32 s4, s19  }
0x9c: {  	s7 =	simm.s32 $0x0;
	s20 =	sshll.u32 s5, $0x1;
	s5 =	sadd.s32 s21, s3  }
0x9d: {  	[timem:s7], [sflag:s22] =	dma.local [hbm:s5], s20  }
0x9e: {  	_ =	swait.ge [sflag:s22], s20  }
0x9f: {  	s4 =	ssub.s32 $0x0, s20;
	[sflag:s22] =	ssyncset.done $0x0  }
0xa0: {  	[sflag:s22] =	ssyncadd.s32 s4;
	_ =	sdelay $0x1  }
0xa1: {  	s23 =	simm.s32 $0x1B8B  }
0xa2: {  	_ =	swait.ge [sflag:s23], $0x1  }
0xa3: {  	[sflag:s23] =	ssyncset.done $0x0  }
0xa4: {  	s25 =	simm.s32 $0x1B8E;
	s24 =	sld [smem:$0x3FFE];
	[sflag:s23] =	ssyncadd.s32 $0xFFFFFFFF  }
0xa5: {  	s26 =	simm.s32 $execute0_lowered;
	[smem:$0x3FD2] =	sst s25  }
0xa6: {  	s5 =	sshll.u32 s26, $0x1;
	_ =	strace $0x80000046;
	[dreg:$0x1] =	wrdreg $0xFFFFFFFF  }
0xa7: {  	s28 =	simm.s32 $_size_execute0_lowered;
	s3 =	sadd.s32 s3, s5;
	[dreg:$0x0] =	wrdreg $0x0  }
0xa8: {  	s5 =	sshll.u32 s28, $0x1;
	[dreg:$0x2] =	wrdreg s3  }
0xa9: {  	[dreg:$0x3] =	wrdreg s5  }
0xaa: {  	[dreg:$0x4] =	wrdreg $0xC0  }
0xab: {  	_ =	task [dreg:s7], $0x5FFFF  }
0xac: {  	[dreg:$0x1] =	wrdreg $0xFFFFFFFF  }
0xad: {  	[dreg:$0x0] =	wrdreg $0x60  }
0xae: {  	[dreg:$0x2] =	wrdreg s24  }
0xaf: {  	[dreg:$0x3] =	wrdreg s2  }
0xb0: {  	[dreg:$0x4] =	wrdreg $0x9  }
0xb1: {  	_ =	task.clear_ibuf [dreg:s7], $0x5FFFF;
	_ =	strace $0x90000046  }
0xb2: {  	s29 =	simm.s32 $0x9;
	_ =	strace $0x80000048  }
0xb3: {  	_ =	swait.ge [sflag:s29], $0x1  }
0xb4: {  	[sflag:s29] =	ssyncadd.s32 $0xFFFFFFFF  }
0xb5: {  	_ =	strace $0x90000048  }
0xb6: {  	_ =	sfence  }
0xb7: {  	s30 =	sld [smem:$0x0];
	_ =	sdelay $0x2  }
0xb8: {  	s31 =	sshll.u32 s1, $0xD;
	s1 =	sshrl.u32 s1, $0x2  }
0xb9: {  	s3 =	sand.u32 $0x4000, s31;
	s1 =	sadd.s32 s1, s30  }
0xba: {  	s0 =	sor.u32 s3, s0;
	s1 =	sshll.u32 s1, $0x11  }
0xbb: {  	s0 =	sor.u32 s1, s0  }
0xbc: {  	s0 =	sadd.s32 $0x8F2B, s0  }
0xbd: {  	[sflag:s0] =	ssyncadd.remote.s32 $0x1  }
0xbe: {  	_ =	sfence.sel $0xFFFF  }
0xbf: {  	[dreg:$0x0] =	wrdreg $0xFFFFFFFF;
	(pc) =	sbr.abs _section_cstart, $3  }
0xc0: {  	[dreg:$0x1] =	wrdreg $0xFFFFFFFF  }
0xc1: {  	_ =	task.clear_ibuf [dreg:s7], $0x2FFFF;
	_ =	strace $0x9FFFFFFF  }
0xc2: {  	(tm) =	ssettm $0x7FFFFFFF  }
0xc3: {  	_ =	shalt  }
tec
execute0_lowered:
.L_overlay_start_1:
0x0: {  	(tag) =	ssettag $0x1  }
0x1: {  	s14 =	stileid.u32  }
0x2: {  	s3 =	sshrl.u32 s14, $0x2  }
0x3: {  	s4 =	smul.u32 $0x3F800, s3  }
0x4: {  	s5 =	smul.u32 $0x19800, s3;
	s0 =	sor.u32 $0x4, s3  }
0x5: {  	s6 =	smul.u32 $0x3F800, s0  }
0x6: {  	s21 =	sor.u32 $0x8, s3;
	s8 =	smul.u32 $0x19800, s0  }
0x7: {  	s10 =	smul.u32 $0x3F800, s21  }
0x8: {  	s13 =	sor.u32 $0xC, s3;
	s12 =	smul.u32 $0x19800, s21  }
0x9: {  	s22 =	smul.u32 $0x3F800, s13  }
0xa: {  	s1 =	rddreg [dreg:$0x0];
	s25 =	sor.u32 $0x10, s3;
	s13 =	smul.u32 $0x19800, s13  }
0xb: {  	s2 =	srdreg.scid;
	s15 =	smul.u32 $0x3F800, s25  }
0xc: {  	s24 =	simm.s32 $0x0;
	s17 =	sor.u32 $0x18, s3;
	s26 =	smul.u32 $0x19800, s25  }
0xd: {  	s7 =	sand.u32 $0x1, s2;
	s23 =	sshll.u32 s14, $0x8;
	s18 =	smul.u32 $0x3F800, s17  }
0xe: {  	[smem:$0x7FF] =	sst s24;
	s19 =	sor.u32 $0x1C, s3;
	s17 =	smul.u32 $0x19800, s17  }
0xf: {  	s9 =	ssub.s32 $0x2, s7;
	s7 =	sshll.u32 s7, $0x7;
	s20 =	smul.u32 $0x3F800, s19  }
0x10: {  	s11 =	sshrl.u32 s9, $0x1;
	s21 =	sor.u32 $0x14, s3;
	s19 =	smul.u32 $0x19800, s19  }
0x11: {  	s2 =	ssub.s32 s9, s11;
	s11 =	sand.u32 $0x300, s23;
	s16 =	smul.u32 $0x3F800, s21  }
0x12: {  	s14 =	smul.u32 $0x19800, s21;
	s21 =	sor.u32 $0x20, s3;
	s3 =	sor.u32 $0x24, s3  }
0x13: {  	s0 =	rddreg [dreg:$0x1];
	s7 =	sor.u32 s7, s11;
	s23 =	smul.u32 $0x3F800, s3  }
0x14: {  	s3 =	smul.u32 $0x19800, s3;
	s2 =	smax.u32 s2, $0x1;
	s4 =	sor.u32 s4, s7  }
0x15: {  	s5 =	sor.u32 s5, s7;
	s6 =	sor.u32 s7, s6;
	s8 =	sor.u32 s7, s8  }
0x16: {  	s10 =	sor.u32 s7, s10;
	s12 =	sor.u32 s7, s12;
	s9 =	sor.u32 s7, s22  }
0x17: {  	s13 =	sor.u32 s7, s13;
	s15 =	sor.u32 s7, s15;
	s11 =	sor.u32 s7, s26  }
0x18: {  	s16 =	sor.u32 s7, s16;
	s22 =	smul.u32 $0x3F800, s21;
	s14 =	sor.u32 s7, s14  }
0x19: {  	s21 =	smul.u32 $0x19800, s21;
	s18 =	sor.u32 s7, s18;
	s17 =	sor.u32 s7, s17  }
0x1a: {  	s20 =	sor.u32 s7, s20;
	s19 =	sor.u32 s7, s19;
	s30 =	sor.u32 s7, s23  }
0x1b: {  	s3 =	sor.u32 s7, s3;
	s5 =	sshrl.u32 s5, $0x3;
	s4 =	sshrl.u32 s4, $0x3  }
0x1c: {  	s23 =	sshrl.u32 s12, $0x3;
	s24 =	sshrl.u32 s13, $0x3;
	s11 =	sshrl.u32 s11, $0x3  }
0x1d: {  	s12 =	sshrl.u32 s14, $0x3;
	s13 =	sshrl.u32 s17, $0x3;
	s26 =	sor.u32 s7, s22  }
0x1e: {  	s21 =	sor.u32 s7, s21;
	s7 =	sadd.s32 $0x1A00, s1;
	s22 =	sshrl.u32 s8, $0x3  }
0x1f: {  	s3 =	sshrl.u32 s3, $0x3;
	s5 =	sadd.s32 s7, s5;
	s25 =	sadd.s32 s7, s23  }
0x20: {  	s8 =	sadd.s32 s7, s24;
	s14 =	sadd.s32 s7, s12;
	[dreg:$0x3] =	wrdreg s5  }
0x21: {  	s17 =	sadd.s32 s7, s13;
	s23 =	sshrl.u32 s21, $0x3;
	[dreg:$0x5] =	wrdreg s25  }
0x22: {  	s3 =	sadd.s32 s7, s3;
	s13 =	sshrl.u32 s15, $0x3;
	[dreg:$0x6] =	wrdreg s8  }
0x23: {  	s15 =	sshrl.u32 s16, $0x3;
	s5 =	sadd.s32 s7, s22;
	[dreg:$0x8] =	wrdreg s14  }
0x24: {  	[dreg:$0x9] =	wrdreg s17;
	s22 =	sshrl.u32 s19, $0x3;
	s24 =	sadd.s32 s7, s23  }
0x25: {  	[dreg:$0xc] =	wrdreg s3;
	s3 =	sadd.s32 $0x81A00, s1;
	s25 =	sshrl.u32 s6, $0x3  }
0x26: {  	s8 =	sshrl.u32 s10, $0x3;
	s16 =	sadd.s32 s0, s13;
	s17 =	sshrl.u32 s18, $0x3  }
0x27: {  	s18 =	sshrl.u32 s20, $0x3;
	s19 =	sshrl.u32 s26, $0x3;
	s20 =	sshrl.u32 s30, $0x3  }
0x28: {  	s1 =	sadd.s32 $0x81200, s1;
	s6 =	simm.s32 $0x13100;
	[dreg:$0x4] =	wrdreg s5  }
0x29: {  	s5 =	sadd.s32 s7, s11;
	[dreg:$0xb] =	wrdreg s24;
	s10 =	sadd.s32 s0, s25  }
0x2a: {  	s11 =	sshrl.u32 s9, $0x3;
	s12 =	sadd.s32 s0, s8;
	[dreg:$0x15] =	wrdreg s16  }
0x2b: {  	s21 =	sadd.s32 s3, s13;
	s23 =	sadd.s32 s3, s15;
	s24 =	sadd.s32 s0, s17  }
0x2c: {  	s28 =	sadd.s32 s0, s18;
	s29 =	sadd.s32 s3, s18;
	s30 =	sadd.s32 s0, s19  }
0x2d: {  	s31 =	sadd.s32 s0, s20;
	s26 =	sadd.s32 s3, s19;
	s9 =	simm.s32 $0x7  }
0x2e: {  	s13 =	simm.s32 $0x2;
	s16 =	simm.s32 $0x0;
	[dreg:$0x7] =	wrdreg s5  }
0x2f: {  	s5 =	sadd.s32 s7, s22;
	s7 =	sadd.s32 s0, s4;
	[dreg:$0xf] =	wrdreg s10  }
0x30: {  	s4 =	sadd.s32 s3, s4;
	[dreg:$0x11] =	wrdreg s12;
	s14 =	sadd.s32 s0, s11  }
0x31: {  	s22 =	sadd.s32 s0, s15;
	s0 =	sadd.s32 s3, s20;
	[dreg:$0xa] =	wrdreg s5  }
0x32: {  	s10 =	simm.s32 $0x1;
	s12 =	simm.s32 $0x5;
	[dreg:$0xd] =	wrdreg s7  }
0x33: {  	s15 =	simm.s32 $0x6;
	[dreg:$0xe] =	wrdreg s4;
	s5 =	sadd.s32 s3, s25  }
0x34: {  	s4 =	sadd.s32 s3, s8;
	[dreg:$0x13] =	wrdreg s14;
	s25 =	sadd.s32 s3, s17  }
0x35: {  	s7 =	simm.s32 $0xB200;
	s8 =	simm.s32 $0x16400;
	[dreg:$0x10] =	wrdreg s5  }
0x36: {  	s14 =	simm.s32 $0x4;
	[dreg:$0x12] =	wrdreg s4;
	s5 =	sadd.s32 s3, s11  }
0x37: {  	s3 =	simm.s32 $0x80;
	s4 =	simm.s32 $0x400;
	[dreg:$0x14] =	wrdreg s5  }
0x38: {  	s11 =	simm.s32 $0x3;
	s5 =	simm.s32 $0x3300;
	_ =	strace $0x80000047  }
.LBB2_1:
0x39: {  	s17 =	simm.s32 $0x0  }
0x3a: {  	[tilespmem:s17], [sflag:$0x7] =	stream.linear.gather [hbm4b:s1+s17], $0x3300, $0x38;
	[tilespmem:$0x19700] =	vst v63  }
0x3b: {  	s20 =	rddreg [dreg:$0xd]  }
0x3c: {  	[tilespmem:s5], [sflag:$0x1] =	stream.strided.gather [hbm4b:s20+s3], $0x7F00, s4, s3, $0x38;
	[tilespmem:$0x19700] =	vst v63  }
0x3d: {  	s18 =	rddreg [dreg:$0x3]  }
0x3e: {  	[tilespmem:s6], [sflag:$0x3] =	stream.strided.gather [hbm4b:s18+s3], $0x3300, s4, s3, $0x38;
	[tilespmem:$0x19700] =	vst v63  }
0x3f: {  	s19 =	rddreg [dreg:$0xf]  }
0x40: {  	[tilespmem:s7], [sflag:$0x2] =	stream.strided.gather [hbm4b:s19+s3], $0x7F00, s4, s3, $0x38;
	[tilespmem:$0x19700] =	vst v63  }
0x41: {  	s20 =	rddreg [dreg:$0x4]  }
0x42: {  	[tilespmem:s8], [sflag:$0x4] =	stream.strided.gather [hbm4b:s20+s3], $0x3300, s4, s3, $0x38;
	[tilespmem:$0x19700] =	vst v63  }
0x43: {  	_ =	swait.ge [sflag:s9], $0x3300  }
0x44: {  	[sflag:s9] =	ssyncset.done $0x0  }
0x45: {  	[sflag:s9] =	ssyncadd.s32 $0xFFFFCD00  }
0x46: {  	_ =	swait.ge [sflag:s10], $0x7F00  }
0x47: {  	[sflag:s10] =	ssyncset.done $0x0  }
0x48: {  	[sflag:s10] =	ssyncadd.s32 $0xFFFF8100  }
0x49: {  	_ =	swait.ge [sflag:s11], $0x3300  }
0x4a: {  	[sflag:s11] =	ssyncset.done $0x0  }
0x4b: {  	s18 =	simm.s32 $0x40;
	[sflag:s11] =	ssyncadd.s32 $0xFFFFCD00  }
0x4c: {  	v0 =	vld [tilespmem:s18+$0x30]  }
0x4d: {  	v1 =	vld [tilespmem:s18+$0xFFFFFFD0]  }
0x4e: {  	s17 =	simm.s32 $0x13140;
	v2 =	vld [tilespmem:s18+$0xFFFFFFE0]  }
0x4f: {  	v3 =	vld [tilespmem:s17+$0x30]  }
0x50: {  	v4 =	vld [tilespmem:s18+$0xFFFFFFF0]  }
0x51: {  	v5 =	vld [tilespmem:s18+$0x0]  }
0x52: {  	v6 =	vld [tilespmem:s18+$0x10]  }
0x53: {  	v7 =	vld [tilespmem:s18+$0x20]  }
0x54: {  	v62 =	vld [tilespmem:s18+$0xFFFFFFC0]  }
0x55: {  	v63 =	vld [tilespmem:s17+$0xFFFFFFC0]  }
0x56: {  	v8 =	vld [tilespmem:s17+$0xFFFFFFD0]  }
0x57: {  	v9 =	vld [tilespmem:s17+$0xFFFFFFE0]  }
0x58: {  	v10 =	vld [tilespmem:s17+$0xFFFFFFF0]  }
0x59: {  	v11 =	vld [tilespmem:s17+$0x0]  }
0x5a: {  	v12 =	vld [tilespmem:s17+$0x10]  }
0x5b: {  	v13 =	vld [tilespmem:s17+$0x20]  }
0x5c: {  	[tilespmem:v0+s5+$0x0] =	vst.idx.add.f32.msk $0xffff, v3  }
0x5d: {  	[tilespmem:v62+s5+$0x0] =	vst.idx.add.f32.msk $0xffff, v63  }
0x5e: {  	[tilespmem:v1+s5+$0x0] =	vst.idx.add.f32.msk $0xffff, v8  }
0x5f: {  	[tilespmem:v2+s5+$0x0] =	vst.idx.add.f32.msk $0xffff, v9  }
0x60: {  	[tilespmem:v4+s5+$0x0] =	vst.idx.add.f32.msk $0xffff, v10  }
0x61: {  	[tilespmem:v5+s5+$0x0] =	vst.idx.add.f32.msk $0xffff, v11  }
0x62: {  	[tilespmem:v6+s5+$0x0] =	vst.idx.add.f32.msk $0xffff, v12  }
0x63: {  	s19 =	simm.s32 $0xC0;
	s18 =	simm.s32 $0x0;
	[tilespmem:v7+s5+$0x0] =	vst.idx.add.f32.msk $0xffff, v13  }
.LBB2_2:
0x64: {  	v0 =	vld [tilespmem:s19+$0x30];
	s18 =	sadd.s32 $0x8, s18  }
0x65: {  	v1 =	vld [tilespmem:s19+$0xFFFFFFD0];
	p0 =	slt.u32 s18, $0x320  }
0x66: {  	s17 =	sadd.s32 $0x80, s17;
	v2 =	vld [tilespmem:s19+$0xFFFFFFE0]  }
0x67: {  	v3 =	vld [tilespmem:s17+$0x30]  }
0x68: {  	v4 =	vld [tilespmem:s19+$0xFFFFFFF0]  }
0x69: {  	v5 =	vld [tilespmem:s19+$0x0]  }
0x6a: {  	v6 =	vld [tilespmem:s19+$0x10]  }
0x6b: {  	v7 =	vld [tilespmem:s19+$0x20]  }
0x6c: {  	s20 =	simm.s32 $0x0;
	[tilespmem:v0+s5+$0x0] =	vst.idx.add.f32.msk $0xffff, v3  }
0x6d: {  	v0 =	vld [tilespmem:s19+$0xFFFFFFC0]  }
0x6e: {  	v3 =	vld [tilespmem:s17+$0xFFFFFFC0]  }
0x6f: {  	v8 =	vld [tilespmem:s17+$0xFFFFFFD0]  }
0x70: {  	v9 =	vld [tilespmem:s17+$0xFFFFFFE0]  }
0x71: {  	v10 =	vld [tilespmem:s17+$0xFFFFFFF0]  }
0x72: {  	v11 =	vld [tilespmem:s17+$0x0]  }
0x73: {  	v12 =	vld [tilespmem:s17+$0x10]  }
0x74: {  	v13 =	vld [tilespmem:s17+$0x20]  }
0x75: {  	[tilespmem:v0+s5+$0x0] =	vst.idx.add.f32.msk $0xffff, v3  }
0x76: {  	[tilespmem:v1+s5+$0x0] =	vst.idx.add.f32.msk $0xffff, v8  }
.Ltmp0:
0x77: {  	[tilespmem:v2+s5+$0x0] =	vst.idx.add.f32.msk $0xffff, v9;
	(pc) =	sbr.rel @p0 .LBB2_2-.Ltmp0, $4  }
0x78: {  	[tilespmem:v4+s5+$0x0] =	vst.idx.add.f32.msk $0xffff, v10  }
0x79: {  	[tilespmem:v5+s5+$0x0] =	vst.idx.add.f32.msk $0xffff, v11  }
0x7a: {  	[tilespmem:v6+s5+$0x0] =	vst.idx.add.f32.msk $0xffff, v12  }
0x7b: {  	s19 =	sadd.s32 $0x80, s19;
	[tilespmem:v7+s5+$0x0] =	vst.idx.add.f32.msk $0xffff, v13  }
.LBB2_3:
0x7c: {  	s17 =	sshra.s32 s20, $0x2  }
0x7d: {  	v0 =	vld [tilespmem:s17+$0x3280];
	_ =	sdelay $0x2  }
0x7e: {  	p0 =	sne.s32 s20, $0x40;
	v1 =	vld [tilespmem:s17+$0x16380]  }
.Ltmp1:
0x7f: {  	_ = 	snop;
	(pc) =	sbr.rel @p0 .LBB2_3-.Ltmp1, $2  }
0x80: {  	_ =	sdelay $0x2  }
0x81: {  	s20 =	sadd.s32 $0x40, s20;
	[tilespmem:v0+s5+$0x0] =	vst.idx.add.f32.msk $0xffff, v1  }
0x82: {  	s17 =	rddreg [dreg:$0xe]  }
0x83: {  	[hbm4b:s17+s3] =	stream.strided.scatter [tilespmem:s5], [sflag:$0x5], $0x7F00, s4, s3, $0x38;
	[tilespmem:$0x19700] =	vst v63  }
0x84: {  	_ =	swait.ge [sflag:s12], $0x7F00  }
0x85: {  	[sflag:s12] =	ssyncset.done $0x0  }
0x86: {  	s19 =	rddreg [dreg:$0x11];
	[sflag:s12] =	ssyncadd.s32 $0xFFFF8100  }
0x87: {  	[tilespmem:s5], [sflag:$0x1] =	stream.strided.gather [hbm4b:s19+s3], $0x7F00, s4, s3, $0x38;
	[tilespmem:$0x19700] =	vst v63  }
0x88: {  	s20 =	rddreg [dreg:$0x5]  }
0x89: {  	[tilespmem:s6], [sflag:$0x3] =	stream.strided.gather [hbm4b:s20+s3], $0x3300, s4, s3, $0x38;
	[tilespmem:$0x19700] =	vst v63  }
0x8a: {  	_ =	swait.ge [sflag:s13], $0x7F00  }
0x8b: {  	[sflag:s13] =	ssyncset.done $0x0  }
0x8c: {  	[sflag:s13] =	ssyncadd.s32 $0xFFFF8100  }
0x8d: {  	_ =	swait.ge [sflag:s14], $0x3300  }
0x8e: {  	[sflag:s14] =	ssyncset.done $0x0  }
0x8f: {  	s18 =	simm.s32 $0x40;
	[sflag:s14] =	ssyncadd.s32 $0xFFFFCD00  }
0x90: {  	v0 =	vld [tilespmem:s18+$0x30]  }
0x91: {  	v1 =	vld [tilespmem:s18+$0xFFFFFFD0]  }
0x92: {  	s17 =	simm.s32 $0x16440;
	v2 =	vld [tilespmem:s18+$0xFFFFFFE0]  }
0x93: {  	v3 =	vld [tilespmem:s17+$0x30]  }
0x94: {  	v4 =	vld [tilespmem:s18+$0xFFFFFFF0]  }
0x95: {  	v5 =	vld [tilespmem:s18+$0x0]  }
0x96: {  	v6 =	vld [tilespmem:s18+$0x10]  }
0x97: {  	v7 =	vld [tilespmem:s18+$0x20]  }
0x98: {  	v62 =	vld [tilespmem:s18+$0xFFFFFFC0]  }
0x99: {  	v63 =	vld [tilespmem:s17+$0xFFFFFFC0]  }
0x9a: {  	v8 =	vld [tilespmem:s17+$0xFFFFFFD0]  }
0x9b: {  	v9 =	vld [tilespmem:s17+$0xFFFFFFE0]  }
0x9c: {  	v10 =	vld [tilespmem:s17+$0xFFFFFFF0]  }
0x9d: {  	v11 =	vld [tilespmem:s17+$0x0]  }
0x9e: {  	v12 =	vld [tilespmem:s17+$0x10]  }
0x9f: {  	v13 =	vld [tilespmem:s17+$0x20]  }
0xa0: {  	[tilespmem:v0+s7+$0x0] =	vst.idx.add.f32.msk $0xffff, v3  }
0xa1: {  	[tilespmem:v62+s7+$0x0] =	vst.idx.add.f32.msk $0xffff, v63  }
0xa2: {  	[tilespmem:v1+s7+$0x0] =	vst.idx.add.f32.msk $0xffff, v8  }
0xa3: {  	[tilespmem:v2+s7+$0x0] =	vst.idx.add.f32.msk $0xffff, v9  }
0xa4: {  	[tilespmem:v4+s7+$0x0] =	vst.idx.add.f32.msk $0xffff, v10  }
0xa5: {  	[tilespmem:v5+s7+$0x0] =	vst.idx.add.f32.msk $0xffff, v11  }
0xa6: {  	[tilespmem:v6+s7+$0x0] =	vst.idx.add.f32.msk $0xffff, v12  }
0xa7: {  	s19 =	simm.s32 $0xC0;
	s18 =	simm.s32 $0x0;
	[tilespmem:v7+s7+$0x0] =	vst.idx.add.f32.msk $0xffff, v13  }
.LBB2_5:
0xa8: {  	v0 =	vld [tilespmem:s19+$0x30];
	s18 =	sadd.s32 $0x8, s18  }
0xa9: {  	v1 =	vld [tilespmem:s19+$0xFFFFFFD0];
	p0 =	slt.u32 s18, $0x320  }
0xaa: {  	s17 =	sadd.s32 $0x80, s17;
	v2 =	vld [tilespmem:s19+$0xFFFFFFE0]  }
0xab: {  	v3 =	vld [tilespmem:s17+$0x30]  }
0xac: {  	v4 =	vld [tilespmem:s19+$0xFFFFFFF0]  }
0xad: {  	v5 =	vld [tilespmem:s19+$0x0]  }
0xae: {  	v6 =	vld [tilespmem:s19+$0x10]  }
0xaf: {  	v7 =	vld [tilespmem:s19+$0x20]  }
0xb0: {  	s20 =	simm.s32 $0x0;
	[tilespmem:v0+s7+$0x0] =	vst.idx.add.f32.msk $0xffff, v3  }
0xb1: {  	v0 =	vld [tilespmem:s19+$0xFFFFFFC0]  }
0xb2: {  	v3 =	vld [tilespmem:s17+$0xFFFFFFC0]  }
0xb3: {  	v8 =	vld [tilespmem:s17+$0xFFFFFFD0]  }
0xb4: {  	v9 =	vld [tilespmem:s17+$0xFFFFFFE0]  }
0xb5: {  	v10 =	vld [tilespmem:s17+$0xFFFFFFF0]  }
0xb6: {  	v11 =	vld [tilespmem:s17+$0x0]  }
0xb7: {  	v12 =	vld [tilespmem:s17+$0x10]  }
0xb8: {  	v13 =	vld [tilespmem:s17+$0x20]  }
0xb9: {  	[tilespmem:v0+s7+$0x0] =	vst.idx.add.f32.msk $0xffff, v3  }
0xba: {  	[tilespmem:v1+s7+$0x0] =	vst.idx.add.f32.msk $0xffff, v8  }
.Ltmp2:
0xbb: {  	[tilespmem:v2+s7+$0x0] =	vst.idx.add.f32.msk $0xffff, v9;
	(pc) =	sbr.rel @p0 .LBB2_5-.Ltmp2, $4  }
0xbc: {  	[tilespmem:v4+s7+$0x0] =	vst.idx.add.f32.msk $0xffff, v10  }
0xbd: {  	[tilespmem:v5+s7+$0x0] =	vst.idx.add.f32.msk $0xffff, v11  }
0xbe: {  	[tilespmem:v6+s7+$0x0] =	vst.idx.add.f32.msk $0xffff, v12  }
0xbf: {  	s19 =	sadd.s32 $0x80, s19;
	[tilespmem:v7+s7+$0x0] =	vst.idx.add.f32.msk $0xffff, v13  }
.LBB2_6:
0xc0: {  	s17 =	sshra.s32 s20, $0x2  }
0xc1: {  	v0 =	vld [tilespmem:s17+$0x3280];
	_ =	sdelay $0x2  }
0xc2: {  	p0 =	sne.s32 s20, $0x40;
	v1 =	vld [tilespmem:s17+$0x19680]  }
.Ltmp3:
0xc3: {  	_ = 	snop;
	(pc) =	sbr.rel @p0 .LBB2_6-.Ltmp3, $2  }
0xc4: {  	_ =	sdelay $0x2  }
0xc5: {  	s20 =	sadd.s32 $0x40, s20;
	[tilespmem:v0+s7+$0x0] =	vst.idx.add.f32.msk $0xffff, v1  }
0xc6: {  	s17 =	rddreg [dreg:$0x10]  }
0xc7: {  	[hbm4b:s17+s3] =	stream.strided.scatter [tilespmem:s7], [sflag:$0x6], $0x7F00, s4, s3, $0x38;
	[tilespmem:$0x19700] =	vst v63  }
0xc8: {  	_ =	swait.ge [sflag:s15], $0x7F00  }
0xc9: {  	[sflag:s15] =	ssyncset.done $0x0  }
0xca: {  	s19 =	rddreg [dreg:$0x13];
	[sflag:s15] =	ssyncadd.s32 $0xFFFF8100  }
0xcb: {  	[tilespmem:s7], [sflag:$0x2] =	stream.strided.gather [hbm4b:s19+s3], $0x7F00, s4, s3, $0x38;
	[tilespmem:$0x19700] =	vst v63  }
0xcc: {  	s20 =	rddreg [dreg:$0x6]  }
0xcd: {  	[tilespmem:s8], [sflag:$0x4] =	stream.strided.gather [hbm4b:s20+s3], $0x3300, s4, s3, $0x38;
	[tilespmem:$0x19700] =	vst v63  }
0xce: {  	_ =	swait.ge [sflag:s10], $0x7F00  }
0xcf: {  	[sflag:s10] =	ssyncset.done $0x0  }
0xd0: {  	[sflag:s10] =	ssyncadd.s32 $0xFFFF8100  }
0xd1: {  	_ =	swait.ge [sflag:s11], $0x3300  }
0xd2: {  	[sflag:s11] =	ssyncset.done $0x0  }
0xd3: {  	s18 =	simm.s32 $0x40;
	[sflag:s11] =	ssyncadd.s32 $0xFFFFCD00  }
0xd4: {  	v0 =	vld [tilespmem:s18+$0x30]  }
0xd5: {  	v1 =	vld [tilespmem:s18+$0xFFFFFFD0]  }
0xd6: {  	s17 =	simm.s32 $0x13140;
	v2 =	vld [tilespmem:s18+$0xFFFFFFE0]  }
0xd7: {  	v3 =	vld [tilespmem:s17+$0x30]  }
0xd8: {  	v4 =	vld [tilespmem:s18+$0xFFFFFFF0]  }
0xd9: {  	v5 =	vld [tilespmem:s18+$0x0]  }
0xda: {  	v6 =	vld [tilespmem:s18+$0x10]  }
0xdb: {  	v7 =	vld [tilespmem:s18+$0x20]  }
0xdc: {  	v62 =	vld [tilespmem:s18+$0xFFFFFFC0]  }
0xdd: {  	v63 =	vld [tilespmem:s17+$0xFFFFFFC0]  }
0xde: {  	v8 =	vld [tilespmem:s17+$0xFFFFFFD0]  }
0xdf: {  	v9 =	vld [tilespmem:s17+$0xFFFFFFE0]  }
0xe0: {  	v10 =	vld [tilespmem:s17+$0xFFFFFFF0]  }
0xe1: {  	v11 =	vld [tilespmem:s17+$0x0]  }
0xe2: {  	v12 =	vld [tilespmem:s17+$0x10]  }
0xe3: {  	v13 =	vld [tilespmem:s17+$0x20]  }
0xe4: {  	[tilespmem:v0+s5+$0x0] =	vst.idx.add.f32.msk $0xffff, v3  }
0xe5: {  	[tilespmem:v62+s5+$0x0] =	vst.idx.add.f32.msk $0xffff, v63  }
0xe6: {  	[tilespmem:v1+s5+$0x0] =	vst.idx.add.f32.msk $0xffff, v8  }
0xe7: {  	[tilespmem:v2+s5+$0x0] =	vst.idx.add.f32.msk $0xffff, v9  }
0xe8: {  	[tilespmem:v4+s5+$0x0] =	vst.idx.add.f32.msk $0xffff, v10  }
0xe9: {  	[tilespmem:v5+s5+$0x0] =	vst.idx.add.f32.msk $0xffff, v11  }
0xea: {  	[tilespmem:v6+s5+$0x0] =	vst.idx.add.f32.msk $0xffff, v12  }
0xeb: {  	s19 =	simm.s32 $0xC0;
	s18 =	simm.s32 $0x0;
	[tilespmem:v7+s5+$0x0] =	vst.idx.add.f32.msk $0xffff, v13  }
.LBB2_8:
0xec: {  	v0 =	vld [tilespmem:s19+$0x30];
	s18 =	sadd.s32 $0x8, s18  }
0xed: {  	v1 =	vld [tilespmem:s19+$0xFFFFFFD0];
	p0 =	slt.u32 s18, $0x320  }
0xee: {  	s17 =	sadd.s32 $0x80, s17;
	v2 =	vld [tilespmem:s19+$0xFFFFFFE0]  }
0xef: {  	v3 =	vld [tilespmem:s17+$0x30]  }
0xf0: {  	v4 =	vld [tilespmem:s19+$0xFFFFFFF0]  }
0xf1: {  	v5 =	vld [tilespmem:s19+$0x0]  }
0xf2: {  	v6 =	vld [tilespmem:s19+$0x10]  }
0xf3: {  	v7 =	vld [tilespmem:s19+$0x20]  }
0xf4: {  	s20 =	simm.s32 $0x0;
	[tilespmem:v0+s5+$0x0] =	vst.idx.add.f32.msk $0xffff, v3  }
0xf5: {  	v0 =	vld [tilespmem:s19+$0xFFFFFFC0]  }
0xf6: {  	v3 =	vld [tilespmem:s17+$0xFFFFFFC0]  }
0xf7: {  	v8 =	vld [tilespmem:s17+$0xFFFFFFD0]  }
0xf8: {  	v9 =	vld [tilespmem:s17+$0xFFFFFFE0]  }
0xf9: {  	v10 =	vld [tilespmem:s17+$0xFFFFFFF0]  }
0xfa: {  	v11 =	vld [tilespmem:s17+$0x0]  }
0xfb: {  	v12 =	vld [tilespmem:s17+$0x10]  }
0xfc: {  	v13 =	vld [tilespmem:s17+$0x20]  }
0xfd: {  	[tilespmem:v0+s5+$0x0] =	vst.idx.add.f32.msk $0xffff, v3  }
0xfe: {  	[tilespmem:v1+s5+$0x0] =	vst.idx.add.f32.msk $0xffff, v8  }
.Ltmp4:
0xff: {  	[tilespmem:v2+s5+$0x0] =	vst.idx.add.f32.msk $0xffff, v9;
	(pc) =	sbr.rel @p0 .LBB2_8-.Ltmp4, $4  }
0x100: {  	[tilespmem:v4+s5+$0x0] =	vst.idx.add.f32.msk $0xffff, v10  }
0x101: {  	[tilespmem:v5+s5+$0x0] =	vst.idx.add.f32.msk $0xffff, v11  }
0x102: {  	[tilespmem:v6+s5+$0x0] =	vst.idx.add.f32.msk $0xffff, v12  }
0x103: {  	s19 =	sadd.s32 $0x80, s19;
	[tilespmem:v7+s5+$0x0] =	vst.idx.add.f32.msk $0xffff, v13  }
.LBB2_9:
0x104: {  	s17 =	sshra.s32 s20, $0x2  }
0x105: {  	v0 =	vld [tilespmem:s17+$0x3280];
	_ =	sdelay $0x2  }
0x106: {  	p0 =	sne.s32 s20, $0x40;
	v1 =	vld [tilespmem:s17+$0x16380]  }
.Ltmp5:
0x107: {  	_ = 	snop;
	(pc) =	sbr.rel @p0 .LBB2_9-.Ltmp5, $2  }
0x108: {  	_ =	sdelay $0x2  }
0x109: {  	s20 =	sadd.s32 $0x40, s20;
	[tilespmem:v0+s5+$0x0] =	vst.idx.add.f32.msk $0xffff, v1  }
0x10a: {  	s17 =	rddreg [dreg:$0x12]  }
0x10b: {  	[hbm4b:s17+s3] =	stream.strided.scatter [tilespmem:s5], [sflag:$0x5], $0x7F00, s4, s3, $0x38;
	[tilespmem:$0x19700] =	vst v63  }
0x10c: {  	_ =	swait.ge [sflag:s12], $0x7F00  }
0x10d: {  	[sflag:s12] =	ssyncset.done $0x0  }
0x10e: {  	s19 =	rddreg [dreg:$0x15];
	[sflag:s12] =	ssyncadd.s32 $0xFFFF8100  }
0x10f: {  	[tilespmem:s5], [sflag:$0x1] =	stream.strided.gather [hbm4b:s19+s3], $0x7F00, s4, s3, $0x38;
	[tilespmem:$0x19700] =	vst v63  }
0x110: {  	s20 =	rddreg [dreg:$0x7]  }
0x111: {  	[tilespmem:s6], [sflag:$0x3] =	stream.strided.gather [hbm4b:s20+s3], $0x3300, s4, s3, $0x38;
	[tilespmem:$0x19700] =	vst v63  }
0x112: {  	_ =	swait.ge [sflag:s13], $0x7F00  }
0x113: {  	[sflag:s13] =	ssyncset.done $0x0  }
0x114: {  	[sflag:s13] =	ssyncadd.s32 $0xFFFF8100  }
0x115: {  	_ =	swait.ge [sflag:s14], $0x3300  }
0x116: {  	[sflag:s14] =	ssyncset.done $0x0  }
0x117: {  	s18 =	simm.s32 $0x40;
	[sflag:s14] =	ssyncadd.s32 $0xFFFFCD00  }
0x118: {  	v0 =	vld [tilespmem:s18+$0x30]  }
0x119: {  	v1 =	vld [tilespmem:s18+$0xFFFFFFD0]  }
0x11a: {  	s17 =	simm.s32 $0x16440;
	v2 =	vld [tilespmem:s18+$0xFFFFFFE0]  }
0x11b: {  	v3 =	vld [tilespmem:s17+$0x30]  }
0x11c: {  	v4 =	vld [tilespmem:s18+$0xFFFFFFF0]  }
0x11d: {  	v5 =	vld [tilespmem:s18+$0x0]  }
0x11e: {  	v6 =	vld [tilespmem:s18+$0x10]  }
0x11f: {  	v7 =	vld [tilespmem:s18+$0x20]  }
0x120: {  	v62 =	vld [tilespmem:s18+$0xFFFFFFC0]  }
0x121: {  	v63 =	vld [tilespmem:s17+$0xFFFFFFC0]  }
0x122: {  	v8 =	vld [tilespmem:s17+$0xFFFFFFD0]  }
0x123: {  	v9 =	vld [tilespmem:s17+$0xFFFFFFE0]  }
0x124: {  	v10 =	vld [tilespmem:s17+$0xFFFFFFF0]  }
0x125: {  	v11 =	vld [tilespmem:s17+$0x0]  }
0x126: {  	v12 =	vld [tilespmem:s17+$0x10]  }
0x127: {  	v13 =	vld [tilespmem:s17+$0x20]  }
0x128: {  	[tilespmem:v0+s7+$0x0] =	vst.idx.add.f32.msk $0xffff, v3  }
0x129: {  	[tilespmem:v62+s7+$0x0] =	vst.idx.add.f32.msk $0xffff, v63  }
0x12a: {  	[tilespmem:v1+s7+$0x0] =	vst.idx.add.f32.msk $0xffff, v8  }
0x12b: {  	[tilespmem:v2+s7+$0x0] =	vst.idx.add.f32.msk $0xffff, v9  }
0x12c: {  	[tilespmem:v4+s7+$0x0] =	vst.idx.add.f32.msk $0xffff, v10  }
0x12d: {  	[tilespmem:v5+s7+$0x0] =	vst.idx.add.f32.msk $0xffff, v11  }
0x12e: {  	[tilespmem:v6+s7+$0x0] =	vst.idx.add.f32.msk $0xffff, v12  }
0x12f: {  	s19 =	simm.s32 $0xC0;
	s18 =	simm.s32 $0x0;
	[tilespmem:v7+s7+$0x0] =	vst.idx.add.f32.msk $0xffff, v13  }
.LBB2_11:
0x130: {  	v0 =	vld [tilespmem:s19+$0x30];
	s18 =	sadd.s32 $0x8, s18  }
0x131: {  	v1 =	vld [tilespmem:s19+$0xFFFFFFD0];
	p0 =	slt.u32 s18, $0x320  }
0x132: {  	s17 =	sadd.s32 $0x80, s17;
	v2 =	vld [tilespmem:s19+$0xFFFFFFE0]  }
0x133: {  	v3 =	vld [tilespmem:s17+$0x30]  }
0x134: {  	v4 =	vld [tilespmem:s19+$0xFFFFFFF0]  }
0x135: {  	v5 =	vld [tilespmem:s19+$0x0]  }
0x136: {  	v6 =	vld [tilespmem:s19+$0x10]  }
0x137: {  	v7 =	vld [tilespmem:s19+$0x20]  }
0x138: {  	s20 =	simm.s32 $0x0;
	[tilespmem:v0+s7+$0x0] =	vst.idx.add.f32.msk $0xffff, v3  }
0x139: {  	v0 =	vld [tilespmem:s19+$0xFFFFFFC0]  }
0x13a: {  	v3 =	vld [tilespmem:s17+$0xFFFFFFC0]  }
0x13b: {  	v8 =	vld [tilespmem:s17+$0xFFFFFFD0]  }
0x13c: {  	v9 =	vld [tilespmem:s17+$0xFFFFFFE0]  }
0x13d: {  	v10 =	vld [tilespmem:s17+$0xFFFFFFF0]  }
0x13e: {  	v11 =	vld [tilespmem:s17+$0x0]  }
0x13f: {  	v12 =	vld [tilespmem:s17+$0x10]  }
0x140: {  	v13 =	vld [tilespmem:s17+$0x20]  }
0x141: {  	[tilespmem:v0+s7+$0x0] =	vst.idx.add.f32.msk $0xffff, v3  }
0x142: {  	[tilespmem:v1+s7+$0x0] =	vst.idx.add.f32.msk $0xffff, v8  }
.Ltmp6:
0x143: {  	[tilespmem:v2+s7+$0x0] =	vst.idx.add.f32.msk $0xffff, v9;
	(pc) =	sbr.rel @p0 .LBB2_11-.Ltmp6, $4  }
0x144: {  	[tilespmem:v4+s7+$0x0] =	vst.idx.add.f32.msk $0xffff, v10  }
0x145: {  	[tilespmem:v5+s7+$0x0] =	vst.idx.add.f32.msk $0xffff, v11  }
0x146: {  	[tilespmem:v6+s7+$0x0] =	vst.idx.add.f32.msk $0xffff, v12  }
0x147: {  	s19 =	sadd.s32 $0x80, s19;
	[tilespmem:v7+s7+$0x0] =	vst.idx.add.f32.msk $0xffff, v13  }
.LBB2_12:
0x148: {  	s17 =	sshra.s32 s20, $0x2  }
0x149: {  	v0 =	vld [tilespmem:s17+$0x3280];
	_ =	sdelay $0x2  }
0x14a: {  	p0 =	sne.s32 s20, $0x40;
	v1 =	vld [tilespmem:s17+$0x19680]  }
.Ltmp7:
0x14b: {  	_ = 	snop;
	(pc) =	sbr.rel @p0 .LBB2_12-.Ltmp7, $2  }
0x14c: {  	_ =	sdelay $0x2  }
0x14d: {  	s20 =	sadd.s32 $0x40, s20;
	[tilespmem:v0+s7+$0x0] =	vst.idx.add.f32.msk $0xffff, v1  }
0x14e: {  	s17 =	rddreg [dreg:$0x14]  }
0x14f: {  	[hbm4b:s17+s3] =	stream.strided.scatter [tilespmem:s7], [sflag:$0x6], $0x7F00, s4, s3, $0x38;
	[tilespmem:$0x19700] =	vst v63  }
0x150: {  	_ =	swait.ge [sflag:s15], $0x7F00  }
0x151: {  	[sflag:s15] =	ssyncset.done $0x0  }
0x152: {  	[sflag:s15] =	ssyncadd.s32 $0xFFFF8100  }
0x153: {  	[tilespmem:s7], [sflag:$0x2] =	stream.strided.gather [hbm4b:s22+s3], $0x7F00, s4, s3, $0x38;
	[tilespmem:$0x19700] =	vst v63  }
0x154: {  	s20 =	rddreg [dreg:$0x8]  }
0x155: {  	[tilespmem:s8], [sflag:$0x4] =	stream.strided.gather [hbm4b:s20+s3], $0x3300, s4, s3, $0x38;
	[tilespmem:$0x19700] =	vst v63  }
0x156: {  	_ =	swait.ge [sflag:s10], $0x7F00  }
0x157: {  	[sflag:s10] =	ssyncset.done $0x0  }
0x158: {  	[sflag:s10] =	ssyncadd.s32 $0xFFFF8100  }
0x159: {  	_ =	swait.ge [sflag:s11], $0x3300  }
0x15a: {  	[sflag:s11] =	ssyncset.done $0x0  }
0x15b: {  	s18 =	simm.s32 $0x40;
	[sflag:s11] =	ssyncadd.s32 $0xFFFFCD00  }
0x15c: {  	v0 =	vld [tilespmem:s18+$0x30]  }
0x15d: {  	v1 =	vld [tilespmem:s18+$0xFFFFFFD0]  }
0x15e: {  	s17 =	simm.s32 $0x13140;
	v2 =	vld [tilespmem:s18+$0xFFFFFFE0]  }
0x15f: {  	v3 =	vld [tilespmem:s17+$0x30]  }
0x160: {  	v4 =	vld [tilespmem:s18+$0xFFFFFFF0]  }
0x161: {  	v5 =	vld [tilespmem:s18+$0x0]  }
0x162: {  	v6 =	vld [tilespmem:s18+$0x10]  }
0x163: {  	v7 =	vld [tilespmem:s18+$0x20]  }
0x164: {  	v62 =	vld [tilespmem:s18+$0xFFFFFFC0]  }
0x165: {  	v63 =	vld [tilespmem:s17+$0xFFFFFFC0]  }
0x166: {  	v8 =	vld [tilespmem:s17+$0xFFFFFFD0]  }
0x167: {  	v9 =	vld [tilespmem:s17+$0xFFFFFFE0]  }
0x168: {  	v10 =	vld [tilespmem:s17+$0xFFFFFFF0]  }
0x169: {  	v11 =	vld [tilespmem:s17+$0x0]  }
0x16a: {  	v12 =	vld [tilespmem:s17+$0x10]  }
0x16b: {  	v13 =	vld [tilespmem:s17+$0x20]  }
0x16c: {  	[tilespmem:v0+s5+$0x0] =	vst.idx.add.f32.msk $0xffff, v3  }
0x16d: {  	[tilespmem:v62+s5+$0x0] =	vst.idx.add.f32.msk $0xffff, v63  }
0x16e: {  	[tilespmem:v1+s5+$0x0] =	vst.idx.add.f32.msk $0xffff, v8  }
0x16f: {  	[tilespmem:v2+s5+$0x0] =	vst.idx.add.f32.msk $0xffff, v9  }
0x170: {  	[tilespmem:v4+s5+$0x0] =	vst.idx.add.f32.msk $0xffff, v10  }
0x171: {  	[tilespmem:v5+s5+$0x0] =	vst.idx.add.f32.msk $0xffff, v11  }
0x172: {  	[tilespmem:v6+s5+$0x0] =	vst.idx.add.f32.msk $0xffff, v12  }
0x173: {  	s19 =	simm.s32 $0xC0;
	s18 =	simm.s32 $0x0;
	[tilespmem:v7+s5+$0x0] =	vst.idx.add.f32.msk $0xffff, v13  }
.LBB2_14:
0x174: {  	v0 =	vld [tilespmem:s19+$0x30];
	s18 =	sadd.s32 $0x8, s18  }
0x175: {  	v1 =	vld [tilespmem:s19+$0xFFFFFFD0];
	p0 =	slt.u32 s18, $0x320  }
0x176: {  	s17 =	sadd.s32 $0x80, s17;
	v2 =	vld [tilespmem:s19+$0xFFFFFFE0]  }
0x177: {  	v3 =	vld [tilespmem:s17+$0x30]  }
0x178: {  	v4 =	vld [tilespmem:s19+$0xFFFFFFF0]  }
0x179: {  	v5 =	vld [tilespmem:s19+$0x0]  }
0x17a: {  	v6 =	vld [tilespmem:s19+$0x10]  }
0x17b: {  	v7 =	vld [tilespmem:s19+$0x20]  }
0x17c: {  	s20 =	simm.s32 $0x0;
	[tilespmem:v0+s5+$0x0] =	vst.idx.add.f32.msk $0xffff, v3  }
0x17d: {  	v0 =	vld [tilespmem:s19+$0xFFFFFFC0]  }
0x17e: {  	v3 =	vld [tilespmem:s17+$0xFFFFFFC0]  }
0x17f: {  	v8 =	vld [tilespmem:s17+$0xFFFFFFD0]  }
0x180: {  	v9 =	vld [tilespmem:s17+$0xFFFFFFE0]  }
0x181: {  	v10 =	vld [tilespmem:s17+$0xFFFFFFF0]  }
0x182: {  	v11 =	vld [tilespmem:s17+$0x0]  }
0x183: {  	v12 =	vld [tilespmem:s17+$0x10]  }
0x184: {  	v13 =	vld [tilespmem:s17+$0x20]  }
0x185: {  	[tilespmem:v0+s5+$0x0] =	vst.idx.add.f32.msk $0xffff, v3  }
0x186: {  	[tilespmem:v1+s5+$0x0] =	vst.idx.add.f32.msk $0xffff, v8  }
.Ltmp8:
0x187: {  	[tilespmem:v2+s5+$0x0] =	vst.idx.add.f32.msk $0xffff, v9;
	(pc) =	sbr.rel @p0 .LBB2_14-.Ltmp8, $4  }
0x188: {  	[tilespmem:v4+s5+$0x0] =	vst.idx.add.f32.msk $0xffff, v10  }
0x189: {  	[tilespmem:v5+s5+$0x0] =	vst.idx.add.f32.msk $0xffff, v11  }
0x18a: {  	[tilespmem:v6+s5+$0x0] =	vst.idx.add.f32.msk $0xffff, v12  }
0x18b: {  	s19 =	sadd.s32 $0x80, s19;
	[tilespmem:v7+s5+$0x0] =	vst.idx.add.f32.msk $0xffff, v13  }
.LBB2_15:
0x18c: {  	s17 =	sshra.s32 s20, $0x2  }
0x18d: {  	v0 =	vld [tilespmem:s17+$0x3280];
	_ =	sdelay $0x2  }
0x18e: {  	p0 =	sne.s32 s20, $0x40;
	v1 =	vld [tilespmem:s17+$0x16380]  }
.Ltmp9:
0x18f: {  	_ = 	snop;
	(pc) =	sbr.rel @p0 .LBB2_15-.Ltmp9, $2  }
0x190: {  	_ =	sdelay $0x2  }
0x191: {  	s20 =	sadd.s32 $0x40, s20;
	[tilespmem:v0+s5+$0x0] =	vst.idx.add.f32.msk $0xffff, v1  }
0x192: {  	[hbm4b:s21+s3] =	stream.strided.scatter [tilespmem:s5], [sflag:$0x5], $0x7F00, s4, s3, $0x38;
	[tilespmem:$0x19700] =	vst v63  }
0x193: {  	_ =	swait.ge [sflag:s12], $0x7F00  }
0x194: {  	[sflag:s12] =	ssyncset.done $0x0  }
0x195: {  	[sflag:s12] =	ssyncadd.s32 $0xFFFF8100  }
0x196: {  	[tilespmem:s5], [sflag:$0x1] =	stream.strided.gather [hbm4b:s24+s3], $0x7F00, s4, s3, $0x38;
	[tilespmem:$0x19700] =	vst v63  }
0x197: {  	s17 =	rddreg [dreg:$0x9]  }
0x198: {  	[tilespmem:s6], [sflag:$0x3] =	stream.strided.gather [hbm4b:s17+s3], $0x3300, s4, s3, $0x38;
	[tilespmem:$0x19700] =	vst v63  }
0x199: {  	_ =	swait.ge [sflag:s13], $0x7F00  }
0x19a: {  	[sflag:s13] =	ssyncset.done $0x0  }
0x19b: {  	[sflag:s13] =	ssyncadd.s32 $0xFFFF8100  }
0x19c: {  	_ =	swait.ge [sflag:s14], $0x3300  }
0x19d: {  	[sflag:s14] =	ssyncset.done $0x0  }
0x19e: {  	s18 =	simm.s32 $0x40;
	[sflag:s14] =	ssyncadd.s32 $0xFFFFCD00  }
0x19f: {  	v0 =	vld [tilespmem:s18+$0x30]  }
0x1a0: {  	v1 =	vld [tilespmem:s18+$0xFFFFFFD0]  }
0x1a1: {  	s17 =	simm.s32 $0x16440;
	v2 =	vld [tilespmem:s18+$0xFFFFFFE0]  }
0x1a2: {  	v3 =	vld [tilespmem:s17+$0x30]  }
0x1a3: {  	v4 =	vld [tilespmem:s18+$0xFFFFFFF0]  }
0x1a4: {  	v5 =	vld [tilespmem:s18+$0x0]  }
0x1a5: {  	v6 =	vld [tilespmem:s18+$0x10]  }
0x1a6: {  	v7 =	vld [tilespmem:s18+$0x20]  }
0x1a7: {  	v62 =	vld [tilespmem:s18+$0xFFFFFFC0]  }
0x1a8: {  	v63 =	vld [tilespmem:s17+$0xFFFFFFC0]  }
0x1a9: {  	v8 =	vld [tilespmem:s17+$0xFFFFFFD0]  }
0x1aa: {  	v9 =	vld [tilespmem:s17+$0xFFFFFFE0]  }
0x1ab: {  	v10 =	vld [tilespmem:s17+$0xFFFFFFF0]  }
0x1ac: {  	v11 =	vld [tilespmem:s17+$0x0]  }
0x1ad: {  	v12 =	vld [tilespmem:s17+$0x10]  }
0x1ae: {  	v13 =	vld [tilespmem:s17+$0x20]  }
0x1af: {  	[tilespmem:v0+s7+$0x0] =	vst.idx.add.f32.msk $0xffff, v3  }
0x1b0: {  	[tilespmem:v62+s7+$0x0] =	vst.idx.add.f32.msk $0xffff, v63  }
0x1b1: {  	[tilespmem:v1+s7+$0x0] =	vst.idx.add.f32.msk $0xffff, v8  }
0x1b2: {  	[tilespmem:v2+s7+$0x0] =	vst.idx.add.f32.msk $0xffff, v9  }
0x1b3: {  	[tilespmem:v4+s7+$0x0] =	vst.idx.add.f32.msk $0xffff, v10  }
0x1b4: {  	[tilespmem:v5+s7+$0x0] =	vst.idx.add.f32.msk $0xffff, v11  }
0x1b5: {  	[tilespmem:v6+s7+$0x0] =	vst.idx.add.f32.msk $0xffff, v12  }
0x1b6: {  	s19 =	simm.s32 $0xC0;
	s18 =	simm.s32 $0x0;
	[tilespmem:v7+s7+$0x0] =	vst.idx.add.f32.msk $0xffff, v13  }
.LBB2_17:
0x1b7: {  	v0 =	vld [tilespmem:s19+$0x30];
	s18 =	sadd.s32 $0x8, s18  }
0x1b8: {  	v1 =	vld [tilespmem:s19+$0xFFFFFFD0];
	p0 =	slt.u32 s18, $0x320  }
0x1b9: {  	s17 =	sadd.s32 $0x80, s17;
	v2 =	vld [tilespmem:s19+$0xFFFFFFE0]  }
0x1ba: {  	v3 =	vld [tilespmem:s17+$0x30]  }
0x1bb: {  	v4 =	vld [tilespmem:s19+$0xFFFFFFF0]  }
0x1bc: {  	v5 =	vld [tilespmem:s19+$0x0]  }
0x1bd: {  	v6 =	vld [tilespmem:s19+$0x10]  }
0x1be: {  	v7 =	vld [tilespmem:s19+$0x20]  }
0x1bf: {  	s20 =	simm.s32 $0x0;
	[tilespmem:v0+s7+$0x0] =	vst.idx.add.f32.msk $0xffff, v3  }
0x1c0: {  	v0 =	vld [tilespmem:s19+$0xFFFFFFC0]  }
0x1c1: {  	v3 =	vld [tilespmem:s17+$0xFFFFFFC0]  }
0x1c2: {  	v8 =	vld [tilespmem:s17+$0xFFFFFFD0]  }
0x1c3: {  	v9 =	vld [tilespmem:s17+$0xFFFFFFE0]  }
0x1c4: {  	v10 =	vld [tilespmem:s17+$0xFFFFFFF0]  }
0x1c5: {  	v11 =	vld [tilespmem:s17+$0x0]  }
0x1c6: {  	v12 =	vld [tilespmem:s17+$0x10]  }
0x1c7: {  	v13 =	vld [tilespmem:s17+$0x20]  }
0x1c8: {  	[tilespmem:v0+s7+$0x0] =	vst.idx.add.f32.msk $0xffff, v3  }
0x1c9: {  	[tilespmem:v1+s7+$0x0] =	vst.idx.add.f32.msk $0xffff, v8  }
.Ltmp10:
0x1ca: {  	[tilespmem:v2+s7+$0x0] =	vst.idx.add.f32.msk $0xffff, v9;
	(pc) =	sbr.rel @p0 .LBB2_17-.Ltmp10, $4  }
0x1cb: {  	[tilespmem:v4+s7+$0x0] =	vst.idx.add.f32.msk $0xffff, v10  }
0x1cc: {  	[tilespmem:v5+s7+$0x0] =	vst.idx.add.f32.msk $0xffff, v11  }
0x1cd: {  	[tilespmem:v6+s7+$0x0] =	vst.idx.add.f32.msk $0xffff, v12  }
0x1ce: {  	s19 =	sadd.s32 $0x80, s19;
	[tilespmem:v7+s7+$0x0] =	vst.idx.add.f32.msk $0xffff, v13  }
.LBB2_18:
0x1cf: {  	s17 =	sshra.s32 s20, $0x2  }
0x1d0: {  	v0 =	vld [tilespmem:s17+$0x3280];
	_ =	sdelay $0x2  }
0x1d1: {  	p0 =	sne.s32 s20, $0x40;
	v1 =	vld [tilespmem:s17+$0x19680]  }
.Ltmp11:
0x1d2: {  	_ = 	snop;
	(pc) =	sbr.rel @p0 .LBB2_18-.Ltmp11, $2  }
0x1d3: {  	_ =	sdelay $0x2  }
0x1d4: {  	s20 =	sadd.s32 $0x40, s20;
	[tilespmem:v0+s7+$0x0] =	vst.idx.add.f32.msk $0xffff, v1  }
0x1d5: {  	[hbm4b:s23+s3] =	stream.strided.scatter [tilespmem:s7], [sflag:$0x6], $0x7F00, s4, s3, $0x38;
	[tilespmem:$0x19700] =	vst v63  }
0x1d6: {  	_ =	swait.ge [sflag:s15], $0x7F00  }
0x1d7: {  	[sflag:s15] =	ssyncset.done $0x0  }
0x1d8: {  	[sflag:s15] =	ssyncadd.s32 $0xFFFF8100  }
0x1d9: {  	[tilespmem:s7], [sflag:$0x2] =	stream.strided.gather [hbm4b:s28+s3], $0x7F00, s4, s3, $0x38;
	[tilespmem:$0x19700] =	vst v63  }
0x1da: {  	s17 =	rddreg [dreg:$0xa]  }
0x1db: {  	[tilespmem:s8], [sflag:$0x4] =	stream.strided.gather [hbm4b:s17+s3], $0x3300, s4, s3, $0x38;
	[tilespmem:$0x19700] =	vst v63  }
0x1dc: {  	_ =	swait.ge [sflag:s10], $0x7F00  }
0x1dd: {  	[sflag:s10] =	ssyncset.done $0x0  }
0x1de: {  	[sflag:s10] =	ssyncadd.s32 $0xFFFF8100  }
0x1df: {  	_ =	swait.ge [sflag:s11], $0x3300  }
0x1e0: {  	[sflag:s11] =	ssyncset.done $0x0  }
0x1e1: {  	s18 =	simm.s32 $0x40;
	[sflag:s11] =	ssyncadd.s32 $0xFFFFCD00  }
0x1e2: {  	v0 =	vld [tilespmem:s18+$0x30]  }
0x1e3: {  	v1 =	vld [tilespmem:s18+$0xFFFFFFD0]  }
0x1e4: {  	s17 =	simm.s32 $0x13140;
	v2 =	vld [tilespmem:s18+$0xFFFFFFE0]  }
0x1e5: {  	v3 =	vld [tilespmem:s17+$0x30]  }
0x1e6: {  	v4 =	vld [tilespmem:s18+$0xFFFFFFF0]  }
0x1e7: {  	v5 =	vld [tilespmem:s18+$0x0]  }
0x1e8: {  	v6 =	vld [tilespmem:s18+$0x10]  }
0x1e9: {  	v7 =	vld [tilespmem:s18+$0x20]  }
0x1ea: {  	v62 =	vld [tilespmem:s18+$0xFFFFFFC0]  }
0x1eb: {  	v63 =	vld [tilespmem:s17+$0xFFFFFFC0]  }
0x1ec: {  	v8 =	vld [tilespmem:s17+$0xFFFFFFD0]  }
0x1ed: {  	v9 =	vld [tilespmem:s17+$0xFFFFFFE0]  }
0x1ee: {  	v10 =	vld [tilespmem:s17+$0xFFFFFFF0]  }
0x1ef: {  	v11 =	vld [tilespmem:s17+$0x0]  }
0x1f0: {  	v12 =	vld [tilespmem:s17+$0x10]  }
0x1f1: {  	v13 =	vld [tilespmem:s17+$0x20]  }
0x1f2: {  	[tilespmem:v0+s5+$0x0] =	vst.idx.add.f32.msk $0xffff, v3  }
0x1f3: {  	[tilespmem:v62+s5+$0x0] =	vst.idx.add.f32.msk $0xffff, v63  }
0x1f4: {  	[tilespmem:v1+s5+$0x0] =	vst.idx.add.f32.msk $0xffff, v8  }
0x1f5: {  	[tilespmem:v2+s5+$0x0] =	vst.idx.add.f32.msk $0xffff, v9  }
0x1f6: {  	[tilespmem:v4+s5+$0x0] =	vst.idx.add.f32.msk $0xffff, v10  }
0x1f7: {  	[tilespmem:v5+s5+$0x0] =	vst.idx.add.f32.msk $0xffff, v11  }
0x1f8: {  	[tilespmem:v6+s5+$0x0] =	vst.idx.add.f32.msk $0xffff, v12  }
0x1f9: {  	s19 =	simm.s32 $0xC0;
	s18 =	simm.s32 $0x0;
	[tilespmem:v7+s5+$0x0] =	vst.idx.add.f32.msk $0xffff, v13  }
.LBB2_20:
0x1fa: {  	v0 =	vld [tilespmem:s19+$0x30];
	s18 =	sadd.s32 $0x8, s18  }
0x1fb: {  	v1 =	vld [tilespmem:s19+$0xFFFFFFD0];
	p0 =	slt.u32 s18, $0x320  }
0x1fc: {  	s17 =	sadd.s32 $0x80, s17;
	v2 =	vld [tilespmem:s19+$0xFFFFFFE0]  }
0x1fd: {  	v3 =	vld [tilespmem:s17+$0x30]  }
0x1fe: {  	v4 =	vld [tilespmem:s19+$0xFFFFFFF0]  }
0x1ff: {  	v5 =	vld [tilespmem:s19+$0x0]  }
0x200: {  	v6 =	vld [tilespmem:s19+$0x10]  }
0x201: {  	v7 =	vld [tilespmem:s19+$0x20]  }
0x202: {  	s20 =	simm.s32 $0x0;
	[tilespmem:v0+s5+$0x0] =	vst.idx.add.f32.msk $0xffff, v3  }
0x203: {  	v0 =	vld [tilespmem:s19+$0xFFFFFFC0]  }
0x204: {  	v3 =	vld [tilespmem:s17+$0xFFFFFFC0]  }
0x205: {  	v8 =	vld [tilespmem:s17+$0xFFFFFFD0]  }
0x206: {  	v9 =	vld [tilespmem:s17+$0xFFFFFFE0]  }
0x207: {  	v10 =	vld [tilespmem:s17+$0xFFFFFFF0]  }
0x208: {  	v11 =	vld [tilespmem:s17+$0x0]  }
0x209: {  	v12 =	vld [tilespmem:s17+$0x10]  }
0x20a: {  	v13 =	vld [tilespmem:s17+$0x20]  }
0x20b: {  	[tilespmem:v0+s5+$0x0] =	vst.idx.add.f32.msk $0xffff, v3  }
0x20c: {  	[tilespmem:v1+s5+$0x0] =	vst.idx.add.f32.msk $0xffff, v8  }
.Ltmp12:
0x20d: {  	[tilespmem:v2+s5+$0x0] =	vst.idx.add.f32.msk $0xffff, v9;
	(pc) =	sbr.rel @p0 .LBB2_20-.Ltmp12, $4  }
0x20e: {  	[tilespmem:v4+s5+$0x0] =	vst.idx.add.f32.msk $0xffff, v10  }
0x20f: {  	[tilespmem:v5+s5+$0x0] =	vst.idx.add.f32.msk $0xffff, v11  }
0x210: {  	[tilespmem:v6+s5+$0x0] =	vst.idx.add.f32.msk $0xffff, v12  }
0x211: {  	s19 =	sadd.s32 $0x80, s19;
	[tilespmem:v7+s5+$0x0] =	vst.idx.add.f32.msk $0xffff, v13  }
.LBB2_21:
0x212: {  	s17 =	sshra.s32 s20, $0x2  }
0x213: {  	v0 =	vld [tilespmem:s17+$0x3280];
	_ =	sdelay $0x2  }
0x214: {  	p0 =	sne.s32 s20, $0x40;
	v1 =	vld [tilespmem:s17+$0x16380]  }
.Ltmp13:
0x215: {  	_ = 	snop;
	(pc) =	sbr.rel @p0 .LBB2_21-.Ltmp13, $2  }
0x216: {  	_ =	sdelay $0x2  }
0x217: {  	s20 =	sadd.s32 $0x40, s20;
	[tilespmem:v0+s5+$0x0] =	vst.idx.add.f32.msk $0xffff, v1  }
0x218: {  	[hbm4b:s25+s3] =	stream.strided.scatter [tilespmem:s5], [sflag:$0x5], $0x7F00, s4, s3, $0x38;
	[tilespmem:$0x19700] =	vst v63  }
0x219: {  	_ =	swait.ge [sflag:s12], $0x7F00  }
0x21a: {  	[sflag:s12] =	ssyncset.done $0x0  }
0x21b: {  	[sflag:s12] =	ssyncadd.s32 $0xFFFF8100  }
0x21c: {  	[tilespmem:s5], [sflag:$0x1] =	stream.strided.gather [hbm4b:s30+s3], $0x7F00, s4, s3, $0x38;
	[tilespmem:$0x19700] =	vst v63  }
0x21d: {  	s17 =	rddreg [dreg:$0xb]  }
0x21e: {  	[tilespmem:s6], [sflag:$0x3] =	stream.strided.gather [hbm4b:s17+s3], $0x3300, s4, s3, $0x38;
	[tilespmem:$0x19700] =	vst v63  }
0x21f: {  	_ =	swait.ge [sflag:s13], $0x7F00  }
0x220: {  	[sflag:s13] =	ssyncset.done $0x0  }
0x221: {  	[sflag:s13] =	ssyncadd.s32 $0xFFFF8100  }
0x222: {  	_ =	swait.ge [sflag:s14], $0x3300  }
0x223: {  	[sflag:s14] =	ssyncset.done $0x0  }
0x224: {  	s18 =	simm.s32 $0x40;
	[sflag:s14] =	ssyncadd.s32 $0xFFFFCD00  }
0x225: {  	v0 =	vld [tilespmem:s18+$0x30]  }
0x226: {  	v1 =	vld [tilespmem:s18+$0xFFFFFFD0]  }
0x227: {  	s17 =	simm.s32 $0x16440;
	v2 =	vld [tilespmem:s18+$0xFFFFFFE0]  }
0x228: {  	v3 =	vld [tilespmem:s17+$0x30]  }
0x229: {  	v4 =	vld [tilespmem:s18+$0xFFFFFFF0]  }
0x22a: {  	v5 =	vld [tilespmem:s18+$0x0]  }
0x22b: {  	v6 =	vld [tilespmem:s18+$0x10]  }
0x22c: {  	v7 =	vld [tilespmem:s18+$0x20]  }
0x22d: {  	v62 =	vld [tilespmem:s18+$0xFFFFFFC0]  }
0x22e: {  	v63 =	vld [tilespmem:s17+$0xFFFFFFC0]  }
0x22f: {  	v8 =	vld [tilespmem:s17+$0xFFFFFFD0]  }
0x230: {  	v9 =	vld [tilespmem:s17+$0xFFFFFFE0]  }
0x231: {  	v10 =	vld [tilespmem:s17+$0xFFFFFFF0]  }
0x232: {  	v11 =	vld [tilespmem:s17+$0x0]  }
0x233: {  	v12 =	vld [tilespmem:s17+$0x10]  }
0x234: {  	v13 =	vld [tilespmem:s17+$0x20]  }
0x235: {  	[tilespmem:v0+s7+$0x0] =	vst.idx.add.f32.msk $0xffff, v3  }
0x236: {  	[tilespmem:v62+s7+$0x0] =	vst.idx.add.f32.msk $0xffff, v63  }
0x237: {  	[tilespmem:v1+s7+$0x0] =	vst.idx.add.f32.msk $0xffff, v8  }
0x238: {  	[tilespmem:v2+s7+$0x0] =	vst.idx.add.f32.msk $0xffff, v9  }
0x239: {  	[tilespmem:v4+s7+$0x0] =	vst.idx.add.f32.msk $0xffff, v10  }
0x23a: {  	[tilespmem:v5+s7+$0x0] =	vst.idx.add.f32.msk $0xffff, v11  }
0x23b: {  	[tilespmem:v6+s7+$0x0] =	vst.idx.add.f32.msk $0xffff, v12  }
0x23c: {  	s19 =	simm.s32 $0xC0;
	s18 =	simm.s32 $0x0;
	[tilespmem:v7+s7+$0x0] =	vst.idx.add.f32.msk $0xffff, v13  }
.LBB2_23:
0x23d: {  	v0 =	vld [tilespmem:s19+$0x30];
	s18 =	sadd.s32 $0x8, s18  }
0x23e: {  	v1 =	vld [tilespmem:s19+$0xFFFFFFD0];
	p0 =	slt.u32 s18, $0x320  }
0x23f: {  	s17 =	sadd.s32 $0x80, s17;
	v2 =	vld [tilespmem:s19+$0xFFFFFFE0]  }
0x240: {  	v3 =	vld [tilespmem:s17+$0x30]  }
0x241: {  	v4 =	vld [tilespmem:s19+$0xFFFFFFF0]  }
0x242: {  	v5 =	vld [tilespmem:s19+$0x0]  }
0x243: {  	v6 =	vld [tilespmem:s19+$0x10]  }
0x244: {  	v7 =	vld [tilespmem:s19+$0x20]  }
0x245: {  	s20 =	simm.s32 $0x0;
	[tilespmem:v0+s7+$0x0] =	vst.idx.add.f32.msk $0xffff, v3  }
0x246: {  	v0 =	vld [tilespmem:s19+$0xFFFFFFC0]  }
0x247: {  	v3 =	vld [tilespmem:s17+$0xFFFFFFC0]  }
0x248: {  	v8 =	vld [tilespmem:s17+$0xFFFFFFD0]  }
0x249: {  	v9 =	vld [tilespmem:s17+$0xFFFFFFE0]  }
0x24a: {  	v10 =	vld [tilespmem:s17+$0xFFFFFFF0]  }
0x24b: {  	v11 =	vld [tilespmem:s17+$0x0]  }
0x24c: {  	v12 =	vld [tilespmem:s17+$0x10]  }
0x24d: {  	v13 =	vld [tilespmem:s17+$0x20]  }
0x24e: {  	[tilespmem:v0+s7+$0x0] =	vst.idx.add.f32.msk $0xffff, v3  }
0x24f: {  	[tilespmem:v1+s7+$0x0] =	vst.idx.add.f32.msk $0xffff, v8  }
.Ltmp14:
0x250: {  	[tilespmem:v2+s7+$0x0] =	vst.idx.add.f32.msk $0xffff, v9;
	(pc) =	sbr.rel @p0 .LBB2_23-.Ltmp14, $4  }
0x251: {  	[tilespmem:v4+s7+$0x0] =	vst.idx.add.f32.msk $0xffff, v10  }
0x252: {  	[tilespmem:v5+s7+$0x0] =	vst.idx.add.f32.msk $0xffff, v11  }
0x253: {  	[tilespmem:v6+s7+$0x0] =	vst.idx.add.f32.msk $0xffff, v12  }
0x254: {  	s19 =	sadd.s32 $0x80, s19;
	[tilespmem:v7+s7+$0x0] =	vst.idx.add.f32.msk $0xffff, v13  }
.LBB2_24:
0x255: {  	s17 =	sshra.s32 s20, $0x2  }
0x256: {  	v0 =	vld [tilespmem:s17+$0x3280];
	_ =	sdelay $0x2  }
0x257: {  	p0 =	sne.s32 s20, $0x40;
	v1 =	vld [tilespmem:s17+$0x19680]  }
.Ltmp15:
0x258: {  	_ = 	snop;
	(pc) =	sbr.rel @p0 .LBB2_24-.Ltmp15, $2  }
0x259: {  	_ =	sdelay $0x2  }
0x25a: {  	s20 =	sadd.s32 $0x40, s20;
	[tilespmem:v0+s7+$0x0] =	vst.idx.add.f32.msk $0xffff, v1  }
0x25b: {  	[hbm4b:s29+s3] =	stream.strided.scatter [tilespmem:s7], [sflag:$0x6], $0x7F00, s4, s3, $0x38;
	[tilespmem:$0x19700] =	vst v63  }
0x25c: {  	_ =	swait.ge [sflag:s15], $0x7F00  }
0x25d: {  	[sflag:s15] =	ssyncset.done $0x0  }
0x25e: {  	[sflag:s15] =	ssyncadd.s32 $0xFFFF8100  }
0x25f: {  	[tilespmem:s7], [sflag:$0x2] =	stream.strided.gather [hbm4b:s31+s3], $0x7F00, s4, s3, $0x38;
	[tilespmem:$0x19700] =	vst v63  }
0x260: {  	s17 =	rddreg [dreg:$0xc]  }
0x261: {  	[tilespmem:s8], [sflag:$0x4] =	stream.strided.gather [hbm4b:s17+s3], $0x3300, s4, s3, $0x38;
	[tilespmem:$0x19700] =	vst v63  }
0x262: {  	_ =	swait.ge [sflag:s10], $0x7F00  }
0x263: {  	[sflag:s10] =	ssyncset.done $0x0  }
0x264: {  	[sflag:s10] =	ssyncadd.s32 $0xFFFF8100  }
0x265: {  	_ =	swait.ge [sflag:s11], $0x3300  }
0x266: {  	[sflag:s11] =	ssyncset.done $0x0  }
0x267: {  	s18 =	simm.s32 $0x40;
	[sflag:s11] =	ssyncadd.s32 $0xFFFFCD00  }
0x268: {  	v0 =	vld [tilespmem:s18+$0x30]  }
0x269: {  	v1 =	vld [tilespmem:s18+$0xFFFFFFD0]  }
0x26a: {  	s17 =	simm.s32 $0x13140;
	v2 =	vld [tilespmem:s18+$0xFFFFFFE0]  }
0x26b: {  	v3 =	vld [tilespmem:s17+$0x30]  }
0x26c: {  	v4 =	vld [tilespmem:s18+$0xFFFFFFF0]  }
0x26d: {  	v5 =	vld [tilespmem:s18+$0x0]  }
0x26e: {  	v6 =	vld [tilespmem:s18+$0x10]  }
0x26f: {  	v7 =	vld [tilespmem:s18+$0x20]  }
0x270: {  	v62 =	vld [tilespmem:s18+$0xFFFFFFC0]  }
0x271: {  	v63 =	vld [tilespmem:s17+$0xFFFFFFC0]  }
0x272: {  	v8 =	vld [tilespmem:s17+$0xFFFFFFD0]  }
0x273: {  	v9 =	vld [tilespmem:s17+$0xFFFFFFE0]  }
0x274: {  	v10 =	vld [tilespmem:s17+$0xFFFFFFF0]  }
0x275: {  	v11 =	vld [tilespmem:s17+$0x0]  }
0x276: {  	v12 =	vld [tilespmem:s17+$0x10]  }
0x277: {  	v13 =	vld [tilespmem:s17+$0x20]  }
0x278: {  	[tilespmem:v0+s5+$0x0] =	vst.idx.add.f32.msk $0xffff, v3  }
0x279: {  	[tilespmem:v62+s5+$0x0] =	vst.idx.add.f32.msk $0xffff, v63  }
0x27a: {  	[tilespmem:v1+s5+$0x0] =	vst.idx.add.f32.msk $0xffff, v8  }
0x27b: {  	[tilespmem:v2+s5+$0x0] =	vst.idx.add.f32.msk $0xffff, v9  }
0x27c: {  	[tilespmem:v4+s5+$0x0] =	vst.idx.add.f32.msk $0xffff, v10  }
0x27d: {  	[tilespmem:v5+s5+$0x0] =	vst.idx.add.f32.msk $0xffff, v11  }
0x27e: {  	[tilespmem:v6+s5+$0x0] =	vst.idx.add.f32.msk $0xffff, v12  }
0x27f: {  	s19 =	simm.s32 $0xC0;
	s18 =	simm.s32 $0x0;
	[tilespmem:v7+s5+$0x0] =	vst.idx.add.f32.msk $0xffff, v13  }
.LBB2_26:
0x280: {  	v0 =	vld [tilespmem:s19+$0x30];
	s18 =	sadd.s32 $0x8, s18  }
0x281: {  	v1 =	vld [tilespmem:s19+$0xFFFFFFD0];
	p0 =	slt.u32 s18, $0x320  }
0x282: {  	s17 =	sadd.s32 $0x80, s17;
	v2 =	vld [tilespmem:s19+$0xFFFFFFE0]  }
0x283: {  	v3 =	vld [tilespmem:s17+$0x30]  }
0x284: {  	v4 =	vld [tilespmem:s19+$0xFFFFFFF0]  }
0x285: {  	v5 =	vld [tilespmem:s19+$0x0]  }
0x286: {  	v6 =	vld [tilespmem:s19+$0x10]  }
0x287: {  	v7 =	vld [tilespmem:s19+$0x20]  }
0x288: {  	s20 =	simm.s32 $0x0;
	[tilespmem:v0+s5+$0x0] =	vst.idx.add.f32.msk $0xffff, v3  }
0x289: {  	v0 =	vld [tilespmem:s19+$0xFFFFFFC0]  }
0x28a: {  	v3 =	vld [tilespmem:s17+$0xFFFFFFC0]  }
0x28b: {  	v8 =	vld [tilespmem:s17+$0xFFFFFFD0]  }
0x28c: {  	v9 =	vld [tilespmem:s17+$0xFFFFFFE0]  }
0x28d: {  	v10 =	vld [tilespmem:s17+$0xFFFFFFF0]  }
0x28e: {  	v11 =	vld [tilespmem:s17+$0x0]  }
0x28f: {  	v12 =	vld [tilespmem:s17+$0x10]  }
0x290: {  	v13 =	vld [tilespmem:s17+$0x20]  }
0x291: {  	[tilespmem:v0+s5+$0x0] =	vst.idx.add.f32.msk $0xffff, v3  }
0x292: {  	[tilespmem:v1+s5+$0x0] =	vst.idx.add.f32.msk $0xffff, v8  }
.Ltmp16:
0x293: {  	[tilespmem:v2+s5+$0x0] =	vst.idx.add.f32.msk $0xffff, v9;
	(pc) =	sbr.rel @p0 .LBB2_26-.Ltmp16, $4  }
0x294: {  	[tilespmem:v4+s5+$0x0] =	vst.idx.add.f32.msk $0xffff, v10  }
0x295: {  	[tilespmem:v5+s5+$0x0] =	vst.idx.add.f32.msk $0xffff, v11  }
0x296: {  	[tilespmem:v6+s5+$0x0] =	vst.idx.add.f32.msk $0xffff, v12  }
0x297: {  	s19 =	sadd.s32 $0x80, s19;
	[tilespmem:v7+s5+$0x0] =	vst.idx.add.f32.msk $0xffff, v13  }
.LBB2_27:
0x298: {  	s17 =	sshra.s32 s20, $0x2  }
0x299: {  	v0 =	vld [tilespmem:s17+$0x3280];
	_ =	sdelay $0x2  }
0x29a: {  	p0 =	sne.s32 s20, $0x40;
	v1 =	vld [tilespmem:s17+$0x16380]  }
.Ltmp17:
0x29b: {  	_ = 	snop;
	(pc) =	sbr.rel @p0 .LBB2_27-.Ltmp17, $2  }
0x29c: {  	_ =	sdelay $0x2  }
0x29d: {  	s20 =	sadd.s32 $0x40, s20;
	[tilespmem:v0+s5+$0x0] =	vst.idx.add.f32.msk $0xffff, v1  }
0x29e: {  	[hbm4b:s26+s3] =	stream.strided.scatter [tilespmem:s5], [sflag:$0x5], $0x7F00, s4, s3, $0x38;
	[tilespmem:$0x19700] =	vst v63  }
0x29f: {  	_ =	swait.ge [sflag:s13], $0x7F00  }
0x2a0: {  	[sflag:s13] =	ssyncset.done $0x0  }
0x2a1: {  	[sflag:s13] =	ssyncadd.s32 $0xFFFF8100  }
0x2a2: {  	_ =	swait.ge [sflag:s14], $0x3300  }
0x2a3: {  	[sflag:s14] =	ssyncset.done $0x0  }
0x2a4: {  	s18 =	simm.s32 $0x40;
	[sflag:s14] =	ssyncadd.s32 $0xFFFFCD00  }
0x2a5: {  	v0 =	vld [tilespmem:s18+$0x30]  }
0x2a6: {  	v1 =	vld [tilespmem:s18+$0xFFFFFFD0]  }
0x2a7: {  	s17 =	simm.s32 $0x16440;
	v2 =	vld [tilespmem:s18+$0xFFFFFFE0]  }
0x2a8: {  	v3 =	vld [tilespmem:s17+$0x30]  }
0x2a9: {  	v4 =	vld [tilespmem:s18+$0xFFFFFFF0]  }
0x2aa: {  	v5 =	vld [tilespmem:s18+$0x0]  }
0x2ab: {  	v6 =	vld [tilespmem:s18+$0x10]  }
0x2ac: {  	v7 =	vld [tilespmem:s18+$0x20]  }
0x2ad: {  	v62 =	vld [tilespmem:s18+$0xFFFFFFC0]  }
0x2ae: {  	v63 =	vld [tilespmem:s17+$0xFFFFFFC0]  }
0x2af: {  	v8 =	vld [tilespmem:s17+$0xFFFFFFD0]  }
0x2b0: {  	v9 =	vld [tilespmem:s17+$0xFFFFFFE0]  }
0x2b1: {  	v10 =	vld [tilespmem:s17+$0xFFFFFFF0]  }
0x2b2: {  	v11 =	vld [tilespmem:s17+$0x0]  }
0x2b3: {  	v12 =	vld [tilespmem:s17+$0x10]  }
0x2b4: {  	v13 =	vld [tilespmem:s17+$0x20]  }
0x2b5: {  	[tilespmem:v0+s7+$0x0] =	vst.idx.add.f32.msk $0xffff, v3  }
0x2b6: {  	[tilespmem:v62+s7+$0x0] =	vst.idx.add.f32.msk $0xffff, v63  }
0x2b7: {  	[tilespmem:v1+s7+$0x0] =	vst.idx.add.f32.msk $0xffff, v8  }
0x2b8: {  	[tilespmem:v2+s7+$0x0] =	vst.idx.add.f32.msk $0xffff, v9  }
0x2b9: {  	[tilespmem:v4+s7+$0x0] =	vst.idx.add.f32.msk $0xffff, v10  }
0x2ba: {  	[tilespmem:v5+s7+$0x0] =	vst.idx.add.f32.msk $0xffff, v11  }
0x2bb: {  	[tilespmem:v6+s7+$0x0] =	vst.idx.add.f32.msk $0xffff, v12  }
0x2bc: {  	s19 =	simm.s32 $0xC0;
	s18 =	simm.s32 $0x0;
	[tilespmem:v7+s7+$0x0] =	vst.idx.add.f32.msk $0xffff, v13  }
.LBB2_29:
0x2bd: {  	v0 =	vld [tilespmem:s19+$0x30];
	s18 =	sadd.s32 $0x8, s18  }
0x2be: {  	v1 =	vld [tilespmem:s19+$0xFFFFFFD0];
	p0 =	slt.u32 s18, $0x320  }
0x2bf: {  	s17 =	sadd.s32 $0x80, s17;
	v2 =	vld [tilespmem:s19+$0xFFFFFFE0]  }
0x2c0: {  	v3 =	vld [tilespmem:s17+$0x30]  }
0x2c1: {  	v4 =	vld [tilespmem:s19+$0xFFFFFFF0]  }
0x2c2: {  	v5 =	vld [tilespmem:s19+$0x0]  }
0x2c3: {  	v6 =	vld [tilespmem:s19+$0x10]  }
0x2c4: {  	v7 =	vld [tilespmem:s19+$0x20]  }
0x2c5: {  	s20 =	simm.s32 $0x0;
	[tilespmem:v0+s7+$0x0] =	vst.idx.add.f32.msk $0xffff, v3  }
0x2c6: {  	v0 =	vld [tilespmem:s19+$0xFFFFFFC0]  }
0x2c7: {  	v3 =	vld [tilespmem:s17+$0xFFFFFFC0]  }
0x2c8: {  	v8 =	vld [tilespmem:s17+$0xFFFFFFD0]  }
0x2c9: {  	v9 =	vld [tilespmem:s17+$0xFFFFFFE0]  }
0x2ca: {  	v10 =	vld [tilespmem:s17+$0xFFFFFFF0]  }
0x2cb: {  	v11 =	vld [tilespmem:s17+$0x0]  }
0x2cc: {  	v12 =	vld [tilespmem:s17+$0x10]  }
0x2cd: {  	v13 =	vld [tilespmem:s17+$0x20]  }
0x2ce: {  	[tilespmem:v0+s7+$0x0] =	vst.idx.add.f32.msk $0xffff, v3  }
0x2cf: {  	[tilespmem:v1+s7+$0x0] =	vst.idx.add.f32.msk $0xffff, v8  }
.Ltmp18:
0x2d0: {  	[tilespmem:v2+s7+$0x0] =	vst.idx.add.f32.msk $0xffff, v9;
	(pc) =	sbr.rel @p0 .LBB2_29-.Ltmp18, $4  }
0x2d1: {  	[tilespmem:v4+s7+$0x0] =	vst.idx.add.f32.msk $0xffff, v10  }
0x2d2: {  	[tilespmem:v5+s7+$0x0] =	vst.idx.add.f32.msk $0xffff, v11  }
0x2d3: {  	[tilespmem:v6+s7+$0x0] =	vst.idx.add.f32.msk $0xffff, v12  }
0x2d4: {  	s19 =	sadd.s32 $0x80, s19;
	[tilespmem:v7+s7+$0x0] =	vst.idx.add.f32.msk $0xffff, v13  }
.LBB2_30:
0x2d5: {  	s17 =	sshra.s32 s20, $0x2  }
0x2d6: {  	v0 =	vld [tilespmem:s17+$0x3280];
	_ =	sdelay $0x2  }
0x2d7: {  	p0 =	sne.s32 s20, $0x40;
	v1 =	vld [tilespmem:s17+$0x19680]  }
.Ltmp19:
0x2d8: {  	_ = 	snop;
	(pc) =	sbr.rel @p0 .LBB2_30-.Ltmp19, $2  }
0x2d9: {  	_ =	sdelay $0x2  }
0x2da: {  	s20 =	sadd.s32 $0x40, s20;
	[tilespmem:v0+s7+$0x0] =	vst.idx.add.f32.msk $0xffff, v1  }
0x2db: {  	[hbm4b:s0+s3] =	stream.strided.scatter [tilespmem:s7], [sflag:$0x6], $0x7F00, s4, s3, $0x38;
	[tilespmem:$0x19700] =	vst v63  }
0x2dc: {  	s16 =	sadd.s32 $0x1, s16  }
0x2dd: {  	_ =	swait.ge [sflag:s12], $0x7F00;
	p0 =	sne.s32 s16, s2  }
.Ltmp20:
0x2de: {  	[sflag:s12] =	ssyncset.done $0x0;
	(pc) =	sbr.rel @p0 .LBB2_1-.Ltmp20, $4  }
0x2df: {  	[sflag:s12] =	ssyncadd.s32 $0xFFFF8100  }
0x2e0: {  	_ =	swait.ge [sflag:s15], $0x7F00  }
0x2e1: {  	[sflag:s15] =	ssyncset.done $0x0  }
0x2e2: {  	[sflag:s15] =	ssyncadd.s32 $0xFFFF8100  }
0x2e3: {  	_ =	sfence.sel $0x180000  }
0x2e4: {  	[bflag:$0x0] =	sbarrier.arrive $0xFFFF  }
0x2e5: {  	_ =	strace $0x90000047  }
0x2e6: {  	s0 =	stileid.u32;
	[bflag:$0x2] =	sbarrier.arrive $0xFFFF  }
0x2e7: {  	p0 =	sne.s32 s0, $0x0;
	s0 =	rddreg [dreg:$0x2]  }
0x2e8: {  	s0 =	sadd.s32 @!p0 $0x100000, s0  }
0x2e9: {  	[sflag:s0] =	ssyncadd.tile.s32 @!p0 $0x1;
	_ =	shalt  }
.Lfunc_end2:
_tile_overlayer_lowered:
.L_overlay_start_2:
0x2ea: {  	(tag) =	ssettag $0x2  }
0x2eb: {  	s0 =	rddreg [dreg:$0x0];
	s2 =	stileid.u32  }
0x2ec: {  	s1 =	rddreg [dreg:$0x1];
	p0 =	sne.s32 s2, $0x0  }
0x2ed: {  	s3 =	rddreg [dreg:$0x2];
	[bflag:$0x3] =	sbarrier.arrive $0xFFFF;
	s2 =	simm.s32 @!p0 $0x1C08  }
0x2ee: {  	[timem:s3], [sflag:s2] =	dma.local @!p0 [hbm:s0], s1  }
0x2ef: {  	s0 =	simm.s32 @!p0 $0x8  }
0x2f0: {  	_ =	swait.ge @!p0 [sflag:s0], s1  }
0x2f1: {  	s1 =	ssub.s32 @!p0 $0x0, s1;
	[sflag:s0] =	ssyncset.done @!p0 $0x0  }
0x2f2: {  	[sflag:s0] =	ssyncadd.s32 @!p0 s1  }
0x2f3: {  	[bflag:$0x3] =	sbarrier.arrive $0xFFFF  }
0x2f4: {  	_ =	shalt  }

// kernel: sparse-core-data-format-call.cloned.1.call-start
scs
called_computation_lowered:
.L_overlay_start_0:
0x0: {  	s2 =	sld [smem:$0x3FD9]  }
0x1: {  	s3 =	sld [smem:$0x3FFE];
	_ =	sdelay $0x1  }
0x2: {  	s1 =	srdreg.scid  }
0x3: {  	s0 =	sand.u32 $0x1, s1  }
0x4: {  	s18 =	sshll.u32 s0, $0xA;
	s2 =	sadd.s32 s3, s2  }
0x5: {  	s2 =	sadd.s32 s2, s18  }
0x6: {  	[smem:$0x3FC5] =	sst s2  }
0x7: {  	_ = 	snop  }
0x8: {  	s2 =	sld [smem:$0x3FD0];
	(tm) =	ssettm $0x1  }
0x9: {  	s19 =	sld [smem:$0x3FFB];
	_ =	sdelay $0x3  }
0xa: {  	_ =	strace s19  }
0xb: {  	s3 =	sld [smem:$0x3FFC];
	_ =	sdelay $0x3  }
0xc: {  	_ =	strace s3  }
0xd: {  	s3 =	sld [smem:$0x3FFD];
	_ =	sdelay $0x3  }
0xe: {  	_ =	strace s3  }
0xf: {  	_ =	strace $0x8FFFFFFF  }
0x10: {  	s20 =	sld [smem:$0x3FDB];
	_ =	sdelay $0x1  }
0x11: {  	s4 =	simm.s32 $_scs_section_size  }
0x12: {  	s5 =	simm.s32 $_size__tile_overlayer_lowered;
	s6 =	simm.s32 $_tile_overlayer_lowered  }
0x13: {  	s23 =	simm.s32 $0x1BFF;
	s22 =	sshll.u32 s6, $0x1;
	s3 =	sadd.s32 s4, s20  }
0x14: {  	s7 =	simm.s32 $0x0;
	s21 =	sshll.u32 s5, $0x1;
	s5 =	sadd.s32 s22, s3  }
0x15: {  	[timem:s7], [sflag:s23] =	dma.local [hbm:s5], s21  }
0x16: {  	_ =	swait.ge [sflag:s23], s21  }
0x17: {  	s4 =	ssub.s32 $0x0, s21;
	[sflag:s23] =	ssyncset.done $0x0  }
0x18: {  	[sflag:s23] =	ssyncadd.s32 s4;
	_ =	sdelay $0x1  }
0x19: {  	s24 =	simm.s32 $0x1B8B  }
0x1a: {  	_ =	swait.ge [sflag:s24], $0x1  }
0x1b: {  	[sflag:s24] =	ssyncset.done $0x0  }
0x1c: {  	s26 =	simm.s32 $0x1B8E;
	s25 =	sld [smem:$0x3FFE];
	[sflag:s24] =	ssyncadd.s32 $0xFFFFFFFF  }
0x1d: {  	s27 =	simm.s32 $execute0_lowered;
	[smem:$0x3FD2] =	sst s26  }
0x1e: {  	s5 =	sshll.u32 s27, $0x1;
	_ =	strace $0x80000049;
	[dreg:$0x1] =	wrdreg $0xFFFFFFFF  }
0x1f: {  	s28 =	simm.s32 $_size_execute0_lowered;
	s3 =	sadd.s32 s3, s5;
	[dreg:$0x0] =	wrdreg $0x0  }
0x20: {  	s5 =	sshll.u32 s28, $0x1;
	[dreg:$0x2] =	wrdreg s3  }
0x21: {  	[dreg:$0x3] =	wrdreg s5  }
0x22: {  	[dreg:$0x4] =	wrdreg $0xC0  }
0x23: {  	_ =	task [dreg:s7], $0x5FFFF  }
0x24: {  	[dreg:$0x1] =	wrdreg $0xFFFFFFFF  }
0x25: {  	[dreg:$0x0] =	wrdreg $0x60  }
0x26: {  	[dreg:$0x2] =	wrdreg s25  }
0x27: {  	[dreg:$0x3] =	wrdreg s2  }
0x28: {  	[dreg:$0x4] =	wrdreg $0x9  }
0x29: {  	_ =	task.clear_ibuf [dreg:s7], $0x5FFFF;
	_ =	strace $0x90000049  }
0x2a: {  	s29 =	simm.s32 $0x9;
	_ =	strace $0x8000004B  }
0x2b: {  	_ =	swait.ge [sflag:s29], $0x1  }
0x2c: {  	[sflag:s29] =	ssyncadd.s32 $0xFFFFFFFF  }
0x2d: {  	_ =	strace $0x9000004B  }
0x2e: {  	_ =	sfence  }
0x2f: {  	s30 =	sld [smem:$0x0];
	_ =	sdelay $0x2  }
0x30: {  	s31 =	sshll.u32 s1, $0xD;
	s1 =	sshrl.u32 s1, $0x2  }
0x31: {  	s3 =	sand.u32 $0x4000, s31;
	s1 =	sadd.s32 s1, s30  }
0x32: {  	s0 =	sor.u32 s3, s0;
	s1 =	sshll.u32 s1, $0x11  }
0x33: {  	s0 =	sor.u32 s1, s0  }
0x34: {  	s0 =	sadd.s32 $0x8F2B, s0  }
0x35: {  	[sflag:s0] =	ssyncadd.remote.s32 $0x1  }
0x36: {  	_ =	sfence.sel $0xFFFF  }
0x37: {  	[dreg:$0x0] =	wrdreg $0xFFFFFFFF;
	(pc) =	sbr.abs _section_cstart, $3  }
0x38: {  	[dreg:$0x1] =	wrdreg $0xFFFFFFFF  }
0x39: {  	_ =	task.clear_ibuf [dreg:s7], $0x2FFFF;
	_ =	strace $0x9FFFFFFF  }
0x3a: {  	(tm) =	ssettm $0x7FFFFFFF  }
0x3b: {  	_ =	shalt  }
tec
execute0_lowered:
.L_overlay_start_1:
0x0: {  	(tag) =	ssettag $0x1  }
0x1: {  	s0 =	srdreg.scid  }
0x2: {  	s1 =	sshll.u32 s0, $0x4  }
0x3: {  	s6 =	rddreg [dreg:$0x0];
	s0 =	stileid.u32;
	s1 =	sand.u32 $0x10, s1  }
0x4: {  	s4 =	simm.s32 $0x1;
	s7 =	simm.s32 $0x2;
	s1 =	sor.u32 s0, s1  }
0x5: {  	s17 =	simm.s32 $0x0;
	s8 =	simm.s32 $0x800;
	s2 =	sshll.u32 s1, $0x3  }
0x6: {  	s9 =	simm.s32 $0x14000;
	s10 =	simm.s32 $0x0;
	s1 =	ssub.s32 $0x140, s2  }
0x7: {  	s16 =	simm.s32 $0x0;
	s11 =	simm.s32 $0x0;
	s3 =	sand.u32 $0xF8, s1  }
0x8: {  	s12 =	simm.s32 $0x0;
	s5 =	sshrl.u32 s1, $0x8;
	p0 =	sne.s32 s3, $0x0  }
.Ltmp0:
0x9: {  	s1 =	rddreg [dreg:$0x2];
	s4 =	simm.s32 @!p0 $0x0;
	(pc) =	sbr.rel .LBB1_1-.Ltmp0, $4  }
0xa: {  	s13 =	simm.s32 $0x0;
	s3 =	rddreg [dreg:$0x1];
	s5 =	sadd.s32 s4, s5  }
0xb: {  	_ =	strace $0x8000004A;
	s4 =	simm.s32 $0x1;
	s5 =	smul.u32 $0x11, s5  }
0xc: {  	s15 =	simm.s32 $0x0;
	s6 =	sadd.s32 $0x1BF200, s6;
	[sflag:s4] =	ssyncpa.u1 $0x0  }
0xd: {  	s14 =	smov.u32 s2;
	[sflag:s7] =	ssyncpa.u1 $0x0;
	s7 =	sadd.s32 $0x1, s5  }
.LBB1_7:
0xe: {  	p0 =	slt.u32 s15, $0x2  }
0xf: {  	p1 =	sgt.s32 @!p0 s17, $0x7F  }
0x10: {  	s18 =	smov.u32 s17;
	s19 =	sshra.s32 @!p0 s17, $0x1F;
	p1 =	por !p1, p0  }
0x11: {  	s20 =	sshra.s32 @!p0 s16, $0x1F;
	s18 =	simm.s32 @p1 $0x7F;
	p1 =	sgt.s32 @!p0 s16, $0x138  }
0x12: {  	s17 =	sand.u32 @!p0 s19, s17;
	s19 =	smov.u32 s16;
	p1 =	por !p1, p0  }
0x13: {  	s16 =	sand.u32 @!p0 s20, s16;
	s19 =	simm.s32 @p1 $0x138  }
0x14: {  	s20 =	smov.u32 s14;
	s17 =	ssub.s32 @!p0 s18, s17;
	s16 =	ssub.s32 @!p0 s19, s16  }
0x15: {  	s18 =	sadd.s32 @!p0 $0xFFFFFF81, s17;
	s17 =	ssub.s32 @!p0 $0x87, s17;
	s16 =	sadd.s32 @!p0 $0xFFFFFEC8, s16  }
0x16: {  	p1 =	sgt.s32 @!p0 s18, $0x7;
	p2 =	sgt.s32 @!p0 s16, $0x7;
	s16 =	sshll.u32 @!p0 s16, $0x8  }
0x17: {  	p1 =	por !p1, p0;
	s16 =	ssub.s32 @!p0 $0x800, s16;
	p2 =	por !p2, p0  }
0x18: {  	s18 =	sadd.s32 $0x8, s13;
	s17 =	simm.s32 @!p1 $0x0;
	s16 =	simm.s32 @!p2 $0x0  }
0x19: {  	p1 =	sgt.s32 s18, $0x86;
	s16 =	smul.u32 @!p0 s17, s16;
	s17 =	sadd.s32 $0x100, s14  }
0x1a: {  	s20 =	smov.u32 @p1 s17  }
0x1b: {  	s18 =	simm.s32 @p1 $0x0;
	p1 =	sgt.s32 s20, $0x13F  }
0x1c: {  	s20 =	smov.u32 @p1 s2;
	p1 =	sne.s32 s15, s7  }
.Ltmp1:
0x1d: {  	s10 =	sadd.s32 $0x4000, s10;
	s19 =	simm.s32 @!p0 $0x2;
	(pc) =	sbr.rel @!p1 .LBB1_8-.Ltmp1, $4  }
0x1e: {  	s17 =	smov.u32 s11;
	s11 =	smov.u32 s13;
	s16 =	sand.u32 @!p0 $0x3FFFFF00, s16  }
0x1f: {  	s13 =	smov.u32 s18;
	_ =	swait.ge @!p0 [sflag:s19], s16;
	s21 =	ssub.s32 @!p0 $0x0, s16  }
0x20: {  	s16 =	smov.u32 s12;
	s15 =	sadd.s32 $0x1, s15;
	[sflag:s19] =	ssyncset.done @!p0 $0x0  }
0x21: {  	s12 =	smov.u32 s14;
	s14 =	smov.u32 s20;
	[sflag:s19] =	ssyncadd.s32 @!p0 s21  }
.LBB1_1:
0x22: {  	p0 =	sge.u32 s15, s5  }
0x23: {  	s18 =	sshll.u32 @!p0 s13, $0x8;
	s19 =	sshll.u32 @!p0 s13, $0x7  }
0x24: {  	s18 =	sand.u32 @!p0 $0xFFFFF800, s18;
	s19 =	sand.u32 @!p0 $0x300, s19  }
0x25: {  	s18 =	sor.u32 @!p0 s19, s18  }
0x26: {  	s18 =	sshrl.u32 @!p0 s18, $0x8  }
0x27: {  	s19 =	smulhi.u32 @!p0 $0x1E1E1E2, s18;
	_ =	sdelay $0x1  }
0x28: {  	s19 =	smul.u32 @!p0 $0x88, s19  }
0x29: {  	s31 =	sadd.s32 $0xFFFFFFFF, s15;
	s20 =	smul.u32 @!p0 $0x1100, s14  }
0x2a: {  	s21 =	sxor.u32 @!p0 $0xFFFFFFFF, s15;
	s18 =	ssub.s32 @!p0 s18, s19;
	s19 =	sshll.u32 @!p0 s13, $0x4  }
0x2b: {  	s21 =	sshll.u32 @!p0 s21, $0xE;
	s20 =	sadd.s32 @!p0 s6, s20;
	s19 =	sand.u32 @!p0 $0x10, s19  }
0x2c: {  	s21 =	sand.u32 @!p0 $0x4000, s21;
	s18 =	sshll.u32 @!p0 s18, $0x5;
	s19 =	sadd.s32 @!p0 s19, s20  }
0x2d: {  	s20 =	simm.s32 @!p0 $0x8800;
	s18 =	sadd.s32 @!p0 s18, s19;
	s19 =	simm.s32 @!p0 $0x800  }
0x2e: {  	[tilespmem:s21], [sflag:$0x1] =	stream.strided.gather @!p0 [hbm4b:s18+s19], $0x4000, s20, s19, $0x38;
	[tilespmem:$0x10000] =	vst v63  }
0x2f: {  	p0 =	sge.u32 s31, s5  }
.Ltmp2:
0x30: {  	_ = 	snop;
	(pc) =	sbr.rel @p0 .LBB1_7-.Ltmp2, $1  }
0x31: {  	_ =	sdelay $0x3  }
0x32: {  	s18 =	sshll.u32 s10, $0x2  }
0x33: {  	_ =	swait.ge [sflag:s4], $0x4000;
	s31 =	sshll.u32 s15, $0xE;
	s23 =	simm.s32 $0x0  }
0x34: {  	p0 =	por $0x0, $0x0;
	s24 =	simm.s32 $0x0;
	s25 =	simm.s32 $0x0  }
0x35: {  	s18 =	sand.u32 $0x10000, s18;
	[sflag:s4] =	ssyncset.done $0x0;
	s21 =	sand.u32 $0x4000, s31  }
0x36: {  	s22 =	sshrl.u32 s18, $0x2;
	[sflag:s4] =	ssyncadd.s32 $0xFFFFC000;
	s18 =	sor.u32 $0x8000, s21  }
0x37: {  	s19 =	sor.u32 $0x40, s22;
	s20 =	sor.u32 $0x8410, s22;
	s22 =	sadd.s32 $0x8400, s22  }
.LBB1_3:
0x38: {  	v1 =	vld [tilespmem:s19+$0xFFFFFFD0]  }
0x39: {  	v2 =	vld [tilespmem:s19+$0x430]  }
0x3a: {  	s26 =	sshll.u32 s25, $0xB;
	v4 =	vld [tilespmem:s19+$0xFFFFFFE0]  }
0x3b: {  	v7 =	vld [tilespmem:s19+$0xFFFFFFF0];
	v0 =	vmov s26  }
0x3c: {  	v8 =	vld [tilespmem:s19+$0x0]  }
0x3d: {  	v9 =	vld [tilespmem:s19+$0x10];
	s26 =	sand.u32 $0x300, s23  }
0x3e: {  	s27 =	sand.u32 $0x80, s23;
	v10 =	vld [tilespmem:s19+$0x20];
	s26 =	sadd.s32 s26, s21  }
0x3f: {  	v11 =	vld [tilespmem:s19+$0x30];
	s26 =	sadd.s32 s27, s26;
	s27 =	simm.s32 $0x1;
	[tilespmem:s20+$0x60] =	vst v2  }
0x40: {  	s27 =	simm.s32 @!p0 $0x0;
	[tilespmem:s20+$0xFFFFFC00] =	vst v1;
	v3 =	vld.idx.msk [tilespmem:v0+s26+$0x400 ss:$0x1], $0xffff;
	s26 =	sshll.u32 s24, $0x2  }
0x41: {  	v6 =	vld [tilespmem:s19+$0x3D0];
	s27 =	sshll.u32 s27, $0x9;
	[tilespmem:s20+$0xFFFFFC10] =	vst v4;
	s26 =	sand.u32 $0xFFFFFC00, s26  }
0x42: {  	v5 =	vld [tilespmem:s19+$0x3E0];
	[tilespmem:s20+$0xFFFFFC20] =	vst v7;
	s26 =	sor.u32 s27, s26  }
0x43: {  	[tilespmem:s20+$0xFFFFFC30] =	vst v8;
	v4 =	vld [tilespmem:s19+$0x400];
	s26 =	sshrl.u32 s26, $0x2  }
0x44: {  	[tilespmem:s20+$0xFFFFFC40] =	vst v9;
	v1 =	vld [tilespmem:s19+$0x410];
	s26 =	sadd.s32 s26, s22  }
0x45: {  	[tilespmem:s26+$0x0] =	vst v3;
	v3 =	vld [tilespmem:s19+$0x3F0]  }
0x46: {  	s30 =	simm.s32 $0x80;
	s29 =	simm.s32 $0x100;
	[tilespmem:s20+$0xFFFFFC50] =	vst v10;
	v2 =	vld [tilespmem:s19+$0x420]  }
0x47: {  	s28 =	smov.u32 s20;
	s31 =	sand.u32 $0x300, s30;
	v7 =	vld [tilespmem:s19+$0xFFFFFFC0];
	[tilespmem:s20+$0xFFFFFC60] =	vst v11;
	s27 =	sadd.s32 $0x80, s19  }
.LBB1_4:
0x48: {  	p1 =	sne.s32 s29, $0x380;
	v8 =	vld [tilespmem:s27+$0xFFFFFFD0];
	s30 =	sand.u32 $0x80, s30;
	s31 =	sadd.s32 s31, s21;
	[tilespmem:s28+$0x0] =	vst v6  }
0x49: {  	s31 =	sadd.s32 s30, s31;
	v6 =	vld [tilespmem:s27+$0x430];
	[tilespmem:s28+$0x10] =	vst v5;
	s30 =	smov.u32 s29  }
0x4a: {  	v5 =	vld.idx.msk [tilespmem:v0+s31+$0x400 ss:$0x1], $0xffff;
	[tilespmem:s28+$0x20] =	vst v3  }
0x4b: {  	v3 =	vld [tilespmem:s27+$0xFFFFFFE0];
	[tilespmem:s28+$0x30] =	vst v4  }
0x4c: {  	v4 =	vld [tilespmem:s27+$0xFFFFFFF0];
	[tilespmem:s28+$0xFFFFFBF0] =	vst v7  }
0x4d: {  	v7 =	vld [tilespmem:s27+$0x0];
	[tilespmem:s28+$0x40] =	vst v1  }
0x4e: {  	v1 =	vld [tilespmem:s27+$0x10];
	[tilespmem:s28+$0x50] =	vst v2;
	s28 =	sadd.s32 $0x800, s28  }
0x4f: {  	s26 =	sadd.s32 $0x800, s26;
	v2 =	vld [tilespmem:s27+$0x20];
	[tilespmem:s28+$0x60] =	vst v6  }
0x50: {  	v9 =	vld [tilespmem:s27+$0x30];
	[tilespmem:s26+$0x0] =	vst v5  }
0x51: {  	[tilespmem:s28+$0xFFFFFC00] =	vst v8;
	v6 =	vld [tilespmem:s27+$0x3D0]  }
0x52: {  	[tilespmem:s28+$0xFFFFFC10] =	vst v3;
	v5 =	vld [tilespmem:s27+$0x3E0]  }
.Ltmp3:
0x53: {  	[tilespmem:s28+$0xFFFFFC20] =	vst v4;
	v3 =	vld [tilespmem:s27+$0x3F0];
	(pc) =	sbr.rel @p1 .LBB1_4-.Ltmp3, $4  }
0x54: {  	[tilespmem:s28+$0xFFFFFC30] =	vst v7;
	v4 =	vld [tilespmem:s27+$0x400]  }
0x55: {  	[tilespmem:s28+$0xFFFFFC40] =	vst v1;
	v1 =	vld [tilespmem:s27+$0x410]  }
0x56: {  	[tilespmem:s28+$0xFFFFFC50] =	vst v2;
	v2 =	vld [tilespmem:s27+$0x420]  }
0x57: {  	s29 =	sadd.s32 $0x80, s29;
	s31 =	sand.u32 $0x300, s30;
	v7 =	vld [tilespmem:s27+$0xFFFFFFC0];
	[tilespmem:s28+$0xFFFFFC60] =	vst v9;
	s27 =	sadd.s32 $0x80, s27  }
0x58: {  	[tilespmem:s28+$0x0] =	vst v6  }
0x59: {  	[tilespmem:s28+$0x10] =	vst v5  }
0x5a: {  	v49 =	vld [tilespmem:s27+$0x430];
	[tilespmem:s28+$0x20] =	vst v3  }
0x5b: {  	v50 =	vld [tilespmem:s27+$0xFFFFFFD0];
	[tilespmem:s28+$0x30] =	vst v4  }
0x5c: {  	v51 =	vld [tilespmem:s27+$0xFFFFFFE0];
	[tilespmem:s28+$0x40] =	vst v1  }
0x5d: {  	s29 =	sand.u32 $0x80, s30;
	s31 =	sadd.s32 s31, s21;
	v52 =	vld [tilespmem:s27+$0xFFFFFFF0];
	[tilespmem:s28+$0x50] =	vst v2  }
0x5e: {  	v53 =	vld [tilespmem:s27+$0x0];
	s29 =	sadd.s32 s29, s31;
	s31 =	sadd.s32 $0x800, s28;
	[tilespmem:s28+$0xFFFFFBF0] =	vst v7  }
0x5f: {  	v54 =	vld [tilespmem:s27+$0x10];
	[tilespmem:s31+$0x60] =	vst v49  }
0x60: {  	v55 =	vld [tilespmem:s27+$0x20];
	[tilespmem:s31+$0xFFFFFC00] =	vst v50  }
0x61: {  	v56 =	vld [tilespmem:s27+$0x30];
	[tilespmem:s31+$0xFFFFFC10] =	vst v51  }
0x62: {  	v57 =	vld [tilespmem:s27+$0x3D0];
	[tilespmem:s31+$0xFFFFFC20] =	vst v52  }
0x63: {  	v58 =	vld [tilespmem:s27+$0x3E0];
	[tilespmem:s31+$0xFFFFFC30] =	vst v53  }
0x64: {  	v59 =	vld [tilespmem:s27+$0x3F0];
	[tilespmem:s31+$0xFFFFFC40] =	vst v54  }
0x65: {  	v60 =	vld [tilespmem:s27+$0x400];
	[tilespmem:s31+$0xFFFFFC50] =	vst v55  }
0x66: {  	v61 =	vld [tilespmem:s27+$0xFFFFFFC0];
	[tilespmem:s31+$0xFFFFFC60] =	vst v56  }
0x67: {  	v62 =	vld [tilespmem:s27+$0x410];
	[tilespmem:s31+$0x0] =	vst v57  }
0x68: {  	v63 =	vld [tilespmem:s27+$0x420];
	s25 =	sadd.s32 $0x1, s25;
	[tilespmem:s31+$0x10] =	vst v58  }
0x69: {  	p1 =	sne.s32 s25, $0x8;
	v0 =	vld.idx.msk [tilespmem:v0+s29+$0x400 ss:$0x1], $0xffff;
	[tilespmem:s31+$0x20] =	vst v59  }
.Ltmp4:
0x6a: {  	[tilespmem:s31+$0x30] =	vst v60;
	(pc) =	sbr.rel @p1 .LBB1_3-.Ltmp4, $4  }
0x6b: {  	[tilespmem:s31+$0xFFFFFBF0] =	vst v61  }
0x6c: {  	[tilespmem:s31+$0x40] =	vst v62  }
0x6d: {  	s26 =	sadd.s32 $0x800, s26;
	s19 =	sadd.s32 $0x800, s19;
	[tilespmem:s31+$0x50] =	vst v63  }
0x6e: {  	s24 =	sadd.s32 $0x80, s24;
	p0 =	por !p0, !p0;
	s20 =	sadd.s32 $0x80, s20;
	[tilespmem:s26+$0x0] =	vst v0  }
0x6f: {  	s19 =	sshll.u32 s12, $0x8;
	s20 =	sshll.u32 s12, $0x7;
	p0 =	sgt.s32 s11, $0x7F  }
0x70: {  	s21 =	sshra.s32 s11, $0x1F;
	s22 =	smov.u32 s12;
	s23 =	sshra.s32 s12, $0x1F  }
0x71: {  	s28 =	smul.u32 $0x2800, s11;
	s19 =	sand.u32 $0xFFFFF800, s19;
	s20 =	sand.u32 $0x300, s20  }
0x72: {  	s29 =	sshll.u32 s12, $0x4;
	s19 =	sor.u32 s20, s19;
	s20 =	smov.u32 s11  }
0x73: {  	s21 =	sand.u32 s21, s11;
	s20 =	simm.s32 @!p0 $0x7F;
	p0 =	sgt.s32 s12, $0x138  }
0x74: {  	s23 =	sand.u32 s23, s12;
	s19 =	sshrl.u32 s19, $0x8;
	s22 =	simm.s32 @!p0 $0x138  }
0x75: {  	s20 =	ssub.s32 s20, s21;
	s24 =	smulhi.u32 $0xCCCCCD, s19;
	s21 =	ssub.s32 s22, s23  }
0x76: {  	s25 =	sadd.s32 $0xFFFFFF81, s20;
	s20 =	ssub.s32 $0x87, s20;
	s21 =	sadd.s32 $0xFFFFFEC8, s21  }
0x77: {  	p0 =	sgt.s32 s25, $0x7;
	s26 =	smul.u32 $0x140, s24;
	s27 =	sshll.u32 s21, $0x8  }
0x78: {  	s20 =	simm.s32 @p0 $0x0;
	p0 =	sgt.s32 s21, $0x7;
	s21 =	ssub.s32 $0x800, s27  }
.Ltmp5:
0x79: {  	s30 =	sand.u32 $0x10, s29;
	s21 =	simm.s32 @p0 $0x0;
	(pc) =	sbr.rel .LBB1_7-.Ltmp5, $4  }
0x7a: {  	s31 =	sadd.s32 s3, s28;
	s19 =	ssub.s32 s19, s26;
	s20 =	smul.u32 s20, s21  }
0x7b: {  	s19 =	sshll.u32 s19, $0x5;
	s21 =	sadd.s32 s30, s31  }
0x7c: {  	s19 =	sadd.s32 s19, s21;
	s20 =	sand.u32 $0x3FFFFF00, s20  }
0x7d: {  	[hbm4b:s19+s8] =	stream.strided.scatter [tilespmem:s18], [sflag:$0x2], s20, s9, s8, $0x38;
	[tilespmem:$0x10000] =	vst v63  }
.LBB1_8:
0x7e: {  	_ =	sfence.sel $0x180000  }
0x7f: {  	s2 =	simm.s32 $0x1;
	[bflag:$0x0] =	sbarrier.arrive $0xFFFF  }
0x80: {  	s31 =	simm.s32 $0x2;
	[sflag:s2] =	ssyncpa.u1 $0x1  }
0x81: {  	[sflag:s31] =	ssyncpa.u1 $0x1  }
0x82: {  	p0 =	sne.s32 s0, $0x0;
	_ =	strace $0x9000004A  }
0x83: {  	s0 =	sadd.s32 @!p0 $0x100000, s1;
	[bflag:$0x2] =	sbarrier.arrive $0xFFFF  }
0x84: {  	[sflag:s0] =	ssyncadd.tile.s32 @!p0 $0x1;
	_ =	shalt  }
.Lfunc_end1:
_tile_overlayer_lowered:
.L_overlay_start_2:
0x85: {  	(tag) =	ssettag $0x2  }
0x86: {  	s0 =	rddreg [dreg:$0x0];
	s2 =	stileid.u32  }
0x87: {  	s1 =	rddreg [dreg:$0x1];
	p0 =	sne.s32 s2, $0x0  }
0x88: {  	s3 =	rddreg [dreg:$0x2];
	[bflag:$0x3] =	sbarrier.arrive $0xFFFF;
	s2 =	simm.s32 @!p0 $0x1C01  }
0x89: {  	[timem:s3], [sflag:s2] =	dma.local @!p0 [hbm:s0], s1  }
0x8a: {  	s0 =	simm.s32 @!p0 $0x1  }
0x8b: {  	_ =	swait.ge @!p0 [sflag:s0], s1  }
0x8c: {  	s1 =	ssub.s32 @!p0 $0x0, s1;
	[sflag:s0] =	ssyncset.done @!p0 $0x0  }
0x8d: {  	[sflag:s0] =	ssyncadd.s32 @!p0 s1  }
0x8e: {  	[bflag:$0x3] =	sbarrier.arrive $0xFFFF  }
0x8f: {  	_ =	shalt  }

</sc_bundles>
